<compile_context>
chip_gen: v7x
topology: tpu7x:2x2x1
jax: 0.10.2.dev20260603
libtpu: 0.0.44.dev20260713+nightly
codegen_flags: <defaults>
</compile_context>

<pallas_src>
import dataclasses

import jax
import jax.numpy as jnp
from jax import lax
from jax.experimental import pallas as pl
from jax.experimental.pallas import tpu as pltpu
from jax.experimental.pallas import tpu_sc as plsc

EMBED_DIM = 128
GAZ_DIM = 64
OUT_DIM = EMBED_DIM + GAZ_DIM
WINDOW = 128
LANES = 16
NWORK = 32


def _embed_concat(sentence_data, gazetteers_data, word_table):
    num_tokens = sentence_data.shape[0]
    nw = num_tokens // WINDOW
    pw = nw // NWORK
    idx3d = sentence_data.reshape(NWORK, pw, WINDOW)
    gaz_t4 = gazetteers_data.T.reshape(GAZ_DIM // 8, 1, 8, num_tokens)
    mesh = plsc.VectorSubcoreMesh(core_axis_name="core",
                                  subcore_axis_name="subcore")

    cp = pltpu.CompilerParams()
    if "needs_layout_passes" in pltpu.CompilerParams.__dataclass_fields__:
        cp = dataclasses.replace(cp, needs_layout_passes=False)

    @pl.kernel(
        out_type=jax.ShapeDtypeStruct((OUT_DIM // 8, nw, 8, WINDOW),
                                      jnp.float32),
        mesh=mesh,
        compiler_params=cp,
        scratch_types=[
            pltpu.VMEM((pw, WINDOW), jnp.int32),
            pltpu.VMEM((WINDOW, EMBED_DIM), jnp.float32),
            pltpu.VMEM((WINDOW, EMBED_DIM), jnp.float32),
            pltpu.VMEM((WINDOW, EMBED_DIM), jnp.float32),
            pltpu.VMEM((WINDOW, EMBED_DIM), jnp.float32),
            pltpu.VMEM((OUT_DIM // 8, 1, 8, WINDOW), jnp.float32),
            pltpu.VMEM((OUT_DIM // 8, 1, 8, WINDOW), jnp.float32),
            pltpu.SemaphoreType.DMA,
            pltpu.SemaphoreType.DMA,
            pltpu.SemaphoreType.DMA,
            pltpu.SemaphoreType.DMA,
            pltpu.SemaphoreType.DMA,
            pltpu.SemaphoreType.DMA,
            pltpu.SemaphoreType.DMA,
            pltpu.SemaphoreType.DMA,
            pltpu.SemaphoreType.DMA,
        ],
    )
    def kern(idx_hbm, gazt_hbm, table_hbm, out_hbm,
             idx_all, scr_a, scr_b, scr_c, scr_d, ob_a, ob_b,
             isem, gsem_a, gsem_b, gsem_c, gsem_d,
             zsem_a, zsem_b, osem_a, osem_b):
        wid = lax.axis_index("subcore") * 2 + lax.axis_index("core")
        base = wid * pw

        pltpu.async_copy(idx_hbm.at[wid], idx_all, isem).wait()
        pltpu.async_copy(table_hbm.at[idx_all.at[0]], scr_a, gsem_a)
        pltpu.async_copy(table_hbm.at[idx_all.at[1]], scr_b, gsem_b)
        pltpu.async_copy(table_hbm.at[idx_all.at[2]], scr_c, gsem_c)
        pltpu.async_copy(table_hbm.at[idx_all.at[3]], scr_d, gsem_d)

        tok = lax.iota(jnp.int32, LANES)
        zero = jnp.zeros((LANES,), jnp.int32)
        rpat = [tok * EMBED_DIM + ((tok + d) & (LANES - 1))
                for d in range(LANES)]
        wpat = [((tok + d) & (LANES - 1)) * WINDOW + tok
                for d in range(LANES)]

        def out_dst(j):
            return out_hbm.at[pl.ds(0, OUT_DIM // 8), pl.ds(base + j, 1)]

        def stage(j, scr, ob, gsem, zsem, osem):
            @pl.when(j >= 2)
            def _():
                pltpu.make_async_copy(ob, out_dst(0), osem).wait()

            pltpu.async_copy(
                gazt_hbm.at[:, :, :, pl.ds((base + j) * WINDOW, WINDOW)],
                ob.at[pl.ds(EMBED_DIM // 8, GAZ_DIM // 8)], zsem)

            pltpu.make_async_copy(table_hbm.at[pl.ds(0, WINDOW)], scr,
                                  gsem).wait()

            nsub = (WINDOW // LANES) * (EMBED_DIM // LANES)

            @plsc.parallel_loop(0, nsub, unroll=2)
            def _(m):
                t0 = (m >> 3) * LANES
                f0 = (m & 7) * LANES
                for d in range(LANES):
                    vals = plsc.load_gather(
                        scr, [zero, rpat[d] + (t0 * EMBED_DIM + f0)])
                    plsc.store_scatter(
                        ob, [zero, zero, zero,
                             wpat[d] + (f0 * WINDOW + t0)], vals)

            @pl.when(j + 4 < pw)
            def _():
                pltpu.async_copy(table_hbm.at[idx_all.at[j + 4]], scr, gsem)

            pltpu.make_async_copy(
                gazt_hbm.at[:, :, :, pl.ds(0, WINDOW)],
                ob.at[pl.ds(EMBED_DIM // 8, GAZ_DIM // 8)], zsem).wait()
            pltpu.async_copy(ob, out_dst(j), osem)

        @pl.loop(0, pw - 2, step=4)
        def _(j):
            stage(j, scr_a, ob_a, gsem_a, zsem_a, osem_a)
            stage(j + 1, scr_b, ob_b, gsem_b, zsem_b, osem_b)
            stage(j + 2, scr_c, ob_a, gsem_c, zsem_a, osem_a)
            stage(j + 3, scr_d, ob_b, gsem_d, zsem_b, osem_b)

        stage(jnp.int32(pw - 2), scr_a, ob_a, gsem_a, zsem_a, osem_a)
        stage(jnp.int32(pw - 1), scr_b, ob_b, gsem_b, zsem_b, osem_b)

        pltpu.make_async_copy(ob_a, out_dst(0), osem_a).wait()
        pltpu.make_async_copy(ob_b, out_dst(0), osem_b).wait()

    out_tiled = kern(idx3d, gaz_t4, word_table)
    return out_tiled.transpose(1, 3, 0, 2).reshape(num_tokens, OUT_DIM)


def kernel(sentence_data, batch_sizes, gazetteers_data, word_table):
    out = _embed_concat(sentence_data, gazetteers_data, word_table)
    return out, batch_sizes

# --- scband reference (transcript-rebuilt; emitter-appended) ---
"""Pipeline reference for scband-embedding-14370960573036 (READ-ONLY COPY).

The authoritative reference and input builder live on the scoring server;
editing this copy changes nothing except your own understanding.
"""

import jax, jax.numpy as jnp
import numpy as np

NUM_EMBEDDINGS = 100000
EMBEDDING_DIM = 128
GAZ_DIM = 64
TOTAL_TOKENS = 204800
MAX_SEQLEN = 50


def setup_inputs(seed: int = 0) -> dict:
    key = jax.random.key(seed)
    k1, k2, k3, k4 = jax.random.split(key, 4)
    sentence_data = jax.random.randint(k1, (TOTAL_TOKENS,), 0, NUM_EMBEDDINGS, dtype=jnp.int64 if jax.config.jax_enable_x64 else jnp.int32).astype(jnp.int32)
    # PackedSequence batch_sizes: number of active sequences at each timestep (non-increasing)
    bs = jax.random.randint(k2, (MAX_SEQLEN,), 1, 4096)
    batch_sizes = jnp.sort(bs)[::-1]
    gazetteers_data = jax.random.normal(k3, (TOTAL_TOKENS, GAZ_DIM), dtype=jnp.float32)
    # learned parameter: word embedding table
    word_table = jax.random.normal(k4, (NUM_EMBEDDINGS, EMBEDDING_DIM), dtype=jnp.float32) * 0.02
    return {
        "sentence_data": sentence_data,
        "batch_sizes": batch_sizes,
        "gazetteers_data": gazetteers_data,
        "word_table": word_table,
    }


def reference(sentence_data, batch_sizes, gazetteers_data, word_table):
    # word_emb = self.word_embedding(sentence)  -> gather rows from embedding table
    word_emb = jnp.take(word_table, sentence_data, axis=0)
    # output = torch.cat([word_emb, gazetteers], -1)
    output = jnp.concatenate([word_emb, gazetteers_data], axis=-1)
    # PackedSequence(output, batch_sizes) -> return both components
    return output, batch_sizes

if __name__ == "__main__":
    import jax
    _d = setup_inputs()
    print(jax.jit(kernel)(*tuple(_d.values())))

</pallas_src>

<mosaic_0001>
#map = affine_map<(d0, d1) -> (0, 0, 0)>
#map1 = affine_map<(d0, d1) -> (0, 0, 0, 0)>
#map2 = affine_map<(d0, d1) -> (0, 0)>
module attributes {stable_mosaic.version = 14 : i64} {
  func.func @kern(%arg0: i32, %arg1: i32, %arg2: memref<32x50x128xi32, #tpu.memory_space<hbm>>, %arg3: memref<8x1x8x204800xf32, #tpu.memory_space<hbm>>, %arg4: memref<100000x128xf32, #tpu.memory_space<hbm>>, %arg5: memref<24x1600x8x128xf32, #tpu.memory_space<hbm>>, %arg6: memref<50x128xi32, #tpu.memory_space<vmem>>, %arg7: memref<128x128xf32, #tpu.memory_space<vmem>>, %arg8: memref<128x128xf32, #tpu.memory_space<vmem>>, %arg9: memref<128x128xf32, #tpu.memory_space<vmem>>, %arg10: memref<128x128xf32, #tpu.memory_space<vmem>>, %arg11: memref<24x1x8x128xf32, #tpu.memory_space<vmem>>, %arg12: memref<24x1x8x128xf32, #tpu.memory_space<vmem>>, %arg13: memref<!tpu.dma_semaphore, #tpu.memory_space<semaphore_mem>>, %arg14: memref<!tpu.dma_semaphore, #tpu.memory_space<semaphore_mem>>, %arg15: memref<!tpu.dma_semaphore, #tpu.memory_space<semaphore_mem>>, %arg16: memref<!tpu.dma_semaphore, #tpu.memory_space<semaphore_mem>>, %arg17: memref<!tpu.dma_semaphore, #tpu.memory_space<semaphore_mem>>, %arg18: memref<!tpu.dma_semaphore, #tpu.memory_space<semaphore_mem>>, %arg19: memref<!tpu.dma_semaphore, #tpu.memory_space<semaphore_mem>>, %arg20: memref<!tpu.dma_semaphore, #tpu.memory_space<semaphore_mem>>, %arg21: memref<!tpu.dma_semaphore, #tpu.memory_space<semaphore_mem>>) attributes {dimension_semantics = [#tpu.dimension_semantics<core_parallel>, #tpu.dimension_semantics<subcore_parallel>], iteration_bounds = array<i64: 2, 16>, scalar_prefetch = 0 : i64, scratch_operands = 16 : i64, tpu.core_type = #tpu.core_type<sc_vector_subcore>, window_params = [{transform_indices = #map}, {transform_indices = #map1}, {transform_indices = #map2}, {transform_indices = #map1}]} {
    %mul3A = arith.constant 2 : i32
    %mul3A_0 = arith.muli %arg1, %mul3A : i32
    %add3A = arith.addi %mul3A_0, %arg0 : i32
    %mul3A_1 = arith.constant 50 : i32
    %mul3A_2 = arith.muli %add3A, %mul3A_1 : i32
    %dma_start3A = arith.constant 0 : i32
    %dma_start3A_3 = arith.constant 0 : i32
    %dma_start3A_4 = tpu.memref_slice %arg2[%add3A, %dma_start3A, %dma_start3A_3] : memref<32x50x128xi32, #tpu.memory_space<hbm>> -> memref<1x50x128xi32, #tpu.memory_space<hbm>>
    %dma_start3A_5 = tpu.memref_squeeze %dma_start3A_4 : memref<1x50x128xi32, #tpu.memory_space<hbm>> -> memref<50x128xi32, #tpu.memory_space<hbm>>
    %dma_start3A_6 = arith.constant 0 : i32
    %dma_start3A_7 = arith.constant 0 : i32
    %dma_start3A_8 = tpu.memref_slice %arg2[%add3A, %dma_start3A_6, %dma_start3A_7] : memref<32x50x128xi32, #tpu.memory_space<hbm>> -> memref<1x50x128xi32, #tpu.memory_space<hbm>>
    %dma_start3A_9 = tpu.memref_squeeze %dma_start3A_8 : memref<1x50x128xi32, #tpu.memory_space<hbm>> -> memref<50x128xi32, #tpu.memory_space<hbm>>
    tpu.enqueue_dma source(%dma_start3A_9 : memref<50x128xi32, #tpu.memory_space<hbm>>) target(%arg6 : memref<50x128xi32, #tpu.memory_space<vmem>>) target_semaphore(%arg13 : memref<!tpu.dma_semaphore, #tpu.memory_space<semaphore_mem>>)
    %dma_wait3A = arith.constant 0 : i32
    %dma_wait3A_10 = arith.constant 0 : i32
    %dma_wait3A_11 = tpu.memref_slice %arg2[%add3A, %dma_wait3A, %dma_wait3A_10] : memref<32x50x128xi32, #tpu.memory_space<hbm>> -> memref<1x50x128xi32, #tpu.memory_space<hbm>>
    %dma_wait3A_12 = tpu.memref_squeeze %dma_wait3A_11 : memref<1x50x128xi32, #tpu.memory_space<hbm>> -> memref<50x128xi32, #tpu.memory_space<hbm>>
    %dma_wait3A_13 = arith.constant 0 : i32
    %dma_wait3A_14 = arith.constant 0 : i32
    %dma_wait3A_15 = tpu.memref_slice %arg2[%add3A, %dma_wait3A_13, %dma_wait3A_14] : memref<32x50x128xi32, #tpu.memory_space<hbm>> -> memref<1x50x128xi32, #tpu.memory_space<hbm>>
    %dma_wait3A_16 = tpu.memref_squeeze %dma_wait3A_15 : memref<1x50x128xi32, #tpu.memory_space<hbm>> -> memref<50x128xi32, #tpu.memory_space<hbm>>
    tpu.wait_dma2 semaphore(%arg13 : memref<!tpu.dma_semaphore, #tpu.memory_space<semaphore_mem>>) src(%dma_wait3A_16 : memref<50x128xi32, #tpu.memory_space<hbm>>) dst(%arg6 : memref<50x128xi32, #tpu.memory_space<vmem>>)
    %dma_start3A_17 = arith.constant 0 : i32
    %dma_start3A_18 = arith.constant 0 : i32
    %dma_start3A_19 = tpu.memref_slice %arg6[%dma_start3A_17, %dma_start3A_18] : memref<50x128xi32, #tpu.memory_space<vmem>> -> memref<1x128xi32, #tpu.memory_space<vmem>>
    %dma_start3A_20 = tpu.memref_squeeze %dma_start3A_19 : memref<1x128xi32, #tpu.memory_space<vmem>> -> memref<128xi32, #tpu.memory_space<vmem>>
    %dma_start3A_21 = arith.constant 0 : i32
    %dma_start3A_22 = arith.constant 0 : i32
    %dma_start3A_23 = tpu.memref_slice %arg4[%dma_start3A_21, %dma_start3A_22] : memref<100000x128xf32, #tpu.memory_space<hbm>> -> memref<100000x128xf32, #tpu.memory_space<hbm>>
    tpu.enqueue_indirect_dma source(%dma_start3A_23 : memref<100000x128xf32, #tpu.memory_space<hbm>>) target(%arg7 : memref<128x128xf32, #tpu.memory_space<vmem>>) offsets(%dma_start3A_20 : memref<128xi32, #tpu.memory_space<vmem>>) semaphore(%arg14 : memref<!tpu.dma_semaphore, #tpu.memory_space<semaphore_mem>>)
    %dma_start3A_24 = arith.constant 1 : i32
    %dma_start3A_25 = arith.constant 0 : i32
    %dma_start3A_26 = tpu.memref_slice %arg6[%dma_start3A_24, %dma_start3A_25] : memref<50x128xi32, #tpu.memory_space<vmem>> -> memref<1x128xi32, #tpu.memory_space<vmem>>
    %dma_start3A_27 = tpu.memref_squeeze %dma_start3A_26 : memref<1x128xi32, #tpu.memory_space<vmem>> -> memref<128xi32, #tpu.memory_space<vmem>>
    %dma_start3A_28 = arith.constant 0 : i32
    %dma_start3A_29 = arith.constant 0 : i32
    %dma_start3A_30 = tpu.memref_slice %arg4[%dma_start3A_28, %dma_start3A_29] : memref<100000x128xf32, #tpu.memory_space<hbm>> -> memref<100000x128xf32, #tpu.memory_space<hbm>>
    tpu.enqueue_indirect_dma source(%dma_start3A_30 : memref<100000x128xf32, #tpu.memory_space<hbm>>) target(%arg8 : memref<128x128xf32, #tpu.memory_space<vmem>>) offsets(%dma_start3A_27 : memref<128xi32, #tpu.memory_space<vmem>>) semaphore(%arg15 : memref<!tpu.dma_semaphore, #tpu.memory_space<semaphore_mem>>)
    %dma_start3A_31 = arith.constant 2 : i32
    %dma_start3A_32 = arith.constant 0 : i32
    %dma_start3A_33 = tpu.memref_slice %arg6[%dma_start3A_31, %dma_start3A_32] : memref<50x128xi32, #tpu.memory_space<vmem>> -> memref<1x128xi32, #tpu.memory_space<vmem>>
    %dma_start3A_34 = tpu.memref_squeeze %dma_start3A_33 : memref<1x128xi32, #tpu.memory_space<vmem>> -> memref<128xi32, #tpu.memory_space<vmem>>
    %dma_start3A_35 = arith.constant 0 : i32
    %dma_start3A_36 = arith.constant 0 : i32
    %dma_start3A_37 = tpu.memref_slice %arg4[%dma_start3A_35, %dma_start3A_36] : memref<100000x128xf32, #tpu.memory_space<hbm>> -> memref<100000x128xf32, #tpu.memory_space<hbm>>
    tpu.enqueue_indirect_dma source(%dma_start3A_37 : memref<100000x128xf32, #tpu.memory_space<hbm>>) target(%arg9 : memref<128x128xf32, #tpu.memory_space<vmem>>) offsets(%dma_start3A_34 : memref<128xi32, #tpu.memory_space<vmem>>) semaphore(%arg16 : memref<!tpu.dma_semaphore, #tpu.memory_space<semaphore_mem>>)
    %dma_start3A_38 = arith.constant 3 : i32
    %dma_start3A_39 = arith.constant 0 : i32
    %dma_start3A_40 = tpu.memref_slice %arg6[%dma_start3A_38, %dma_start3A_39] : memref<50x128xi32, #tpu.memory_space<vmem>> -> memref<1x128xi32, #tpu.memory_space<vmem>>
    %dma_start3A_41 = tpu.memref_squeeze %dma_start3A_40 : memref<1x128xi32, #tpu.memory_space<vmem>> -> memref<128xi32, #tpu.memory_space<vmem>>
    %dma_start3A_42 = arith.constant 0 : i32
    %dma_start3A_43 = arith.constant 0 : i32
    %dma_start3A_44 = tpu.memref_slice %arg4[%dma_start3A_42, %dma_start3A_43] : memref<100000x128xf32, #tpu.memory_space<hbm>> -> memref<100000x128xf32, #tpu.memory_space<hbm>>
    tpu.enqueue_indirect_dma source(%dma_start3A_44 : memref<100000x128xf32, #tpu.memory_space<hbm>>) target(%arg10 : memref<128x128xf32, #tpu.memory_space<vmem>>) offsets(%dma_start3A_41 : memref<128xi32, #tpu.memory_space<vmem>>) semaphore(%arg17 : memref<!tpu.dma_semaphore, #tpu.memory_space<semaphore_mem>>)
    %iota3A = tpu.iota {dimensions = array<i32: 0>} : vector<16xi32>
    %broadcast_in_dim3A = arith.constant 0 : i32
    %broadcast_in_dim3A_45 = vector.broadcast %broadcast_in_dim3A : i32 to vector<16xi32>
    %mul3A_46 = arith.constant 128 : i32
    %mul3A_47 = vector.broadcast %mul3A_46 : i32 to vector<16xi32>
    %mul3A_48 = arith.muli %iota3A, %mul3A_47 : vector<16xi32>
    %add3A_49 = arith.constant 0 : i32
    %add3A_50 = vector.broadcast %add3A_49 : i32 to vector<16xi32>
    %add3A_51 = arith.addi %iota3A, %add3A_50 : vector<16xi32>
    %and3A = arith.constant 15 : i32
    %and3A_52 = vector.broadcast %and3A : i32 to vector<16xi32>
    %and3A_53 = arith.andi %add3A_51, %and3A_52 : vector<16xi32>
    %add3A_54 = arith.addi %mul3A_48, %and3A_53 : vector<16xi32>
    %mul3A_55 = arith.constant 128 : i32
    %mul3A_56 = vector.broadcast %mul3A_55 : i32 to vector<16xi32>
    %mul3A_57 = arith.muli %iota3A, %mul3A_56 : vector<16xi32>
    %add3A_58 = arith.constant 1 : i32
    %add3A_59 = vector.broadcast %add3A_58 : i32 to vector<16xi32>
    %add3A_60 = arith.addi %iota3A, %add3A_59 : vector<16xi32>
    %and3A_61 = arith.constant 15 : i32
    %and3A_62 = vector.broadcast %and3A_61 : i32 to vector<16xi32>
    %and3A_63 = arith.andi %add3A_60, %and3A_62 : vector<16xi32>
    %add3A_64 = arith.addi %mul3A_57, %and3A_63 : vector<16xi32>
    %mul3A_65 = arith.constant 128 : i32
    %mul3A_66 = vector.broadcast %mul3A_65 : i32 to vector<16xi32>
    %mul3A_67 = arith.muli %iota3A, %mul3A_66 : vector<16xi32>
    %add3A_68 = arith.constant 2 : i32
    %add3A_69 = vector.broadcast %add3A_68 : i32 to vector<16xi32>
    %add3A_70 = arith.addi %iota3A, %add3A_69 : vector<16xi32>
    %and3A_71 = arith.constant 15 : i32
    %and3A_72 = vector.broadcast %and3A_71 : i32 to vector<16xi32>
    %and3A_73 = arith.andi %add3A_70, %and3A_72 : vector<16xi32>
    %add3A_74 = arith.addi %mul3A_67, %and3A_73 : vector<16xi32>
    %mul3A_75 = arith.constant 128 : i32
    %mul3A_76 = vector.broadcast %mul3A_75 : i32 to vector<16xi32>
    %mul3A_77 = arith.muli %iota3A, %mul3A_76 : vector<16xi32>
    %add3A_78 = arith.constant 3 : i32
    %add3A_79 = vector.broadcast %add3A_78 : i32 to vector<16xi32>
    %add3A_80 = arith.addi %iota3A, %add3A_79 : vector<16xi32>
    %and3A_81 = arith.constant 15 : i32
    %and3A_82 = vector.broadcast %and3A_81 : i32 to vector<16xi32>
    %and3A_83 = arith.andi %add3A_80, %and3A_82 : vector<16xi32>
    %add3A_84 = arith.addi %mul3A_77, %and3A_83 : vector<16xi32>
    %mul3A_85 = arith.constant 128 : i32
    %mul3A_86 = vector.broadcast %mul3A_85 : i32 to vector<16xi32>
    %mul3A_87 = arith.muli %iota3A, %mul3A_86 : vector<16xi32>
    %add3A_88 = arith.constant 4 : i32
    %add3A_89 = vector.broadcast %add3A_88 : i32 to vector<16xi32>
    %add3A_90 = arith.addi %iota3A, %add3A_89 : vector<16xi32>
    %and3A_91 = arith.constant 15 : i32
    %and3A_92 = vector.broadcast %and3A_91 : i32 to vector<16xi32>
    %and3A_93 = arith.andi %add3A_90, %and3A_92 : vector<16xi32>
    %add3A_94 = arith.addi %mul3A_87, %and3A_93 : vector<16xi32>
    %mul3A_95 = arith.constant 128 : i32
    %mul3A_96 = vector.broadcast %mul3A_95 : i32 to vector<16xi32>
    %mul3A_97 = arith.muli %iota3A, %mul3A_96 : vector<16xi32>
    %add3A_98 = arith.constant 5 : i32
    %add3A_99 = vector.broadcast %add3A_98 : i32 to vector<16xi32>
    %add3A_100 = arith.addi %iota3A, %add3A_99 : vector<16xi32>
    %and3A_101 = arith.constant 15 : i32
    %and3A_102 = vector.broadcast %and3A_101 : i32 to vector<16xi32>
    %and3A_103 = arith.andi %add3A_100, %and3A_102 : vector<16xi32>
    %add3A_104 = arith.addi %mul3A_97, %and3A_103 : vector<16xi32>
    %mul3A_105 = arith.constant 128 : i32
    %mul3A_106 = vector.broadcast %mul3A_105 : i32 to vector<16xi32>
    %mul3A_107 = arith.muli %iota3A, %mul3A_106 : vector<16xi32>
    %add3A_108 = arith.constant 6 : i32
    %add3A_109 = vector.broadcast %add3A_108 : i32 to vector<16xi32>
    %add3A_110 = arith.addi %iota3A, %add3A_109 : vector<16xi32>
    %and3A_111 = arith.constant 15 : i32
    %and3A_112 = vector.broadcast %and3A_111 : i32 to vector<16xi32>
    %and3A_113 = arith.andi %add3A_110, %and3A_112 : vector<16xi32>
    %add3A_114 = arith.addi %mul3A_107, %and3A_113 : vector<16xi32>
    %mul3A_115 = arith.constant 128 : i32
    %mul3A_116 = vector.broadcast %mul3A_115 : i32 to vector<16xi32>
    %mul3A_117 = arith.muli %iota3A, %mul3A_116 : vector<16xi32>
    %add3A_118 = arith.constant 7 : i32
    %add3A_119 = vector.broadcast %add3A_118 : i32 to vector<16xi32>
    %add3A_120 = arith.addi %iota3A, %add3A_119 : vector<16xi32>
    %and3A_121 = arith.constant 15 : i32
    %and3A_122 = vector.broadcast %and3A_121 : i32 to vector<16xi32>
    %and3A_123 = arith.andi %add3A_120, %and3A_122 : vector<16xi32>
    %add3A_124 = arith.addi %mul3A_117, %and3A_123 : vector<16xi32>
    %mul3A_125 = arith.constant 128 : i32
    %mul3A_126 = vector.broadcast %mul3A_125 : i32 to vector<16xi32>
    %mul3A_127 = arith.muli %iota3A, %mul3A_126 : vector<16xi32>
    %add3A_128 = arith.constant 8 : i32
    %add3A_129 = vector.broadcast %add3A_128 : i32 to vector<16xi32>
    %add3A_130 = arith.addi %iota3A, %add3A_129 : vector<16xi32>
    %and3A_131 = arith.constant 15 : i32
    %and3A_132 = vector.broadcast %and3A_131 : i32 to vector<16xi32>
    %and3A_133 = arith.andi %add3A_130, %and3A_132 : vector<16xi32>
    %add3A_134 = arith.addi %mul3A_127, %and3A_133 : vector<16xi32>
    %mul3A_135 = arith.constant 128 : i32
    %mul3A_136 = vector.broadcast %mul3A_135 : i32 to vector<16xi32>
    %mul3A_137 = arith.muli %iota3A, %mul3A_136 : vector<16xi32>
    %add3A_138 = arith.constant 9 : i32
    %add3A_139 = vector.broadcast %add3A_138 : i32 to vector<16xi32>
    %add3A_140 = arith.addi %iota3A, %add3A_139 : vector<16xi32>
    %and3A_141 = arith.constant 15 : i32
    %and3A_142 = vector.broadcast %and3A_141 : i32 to vector<16xi32>
    %and3A_143 = arith.andi %add3A_140, %and3A_142 : vector<16xi32>
    %add3A_144 = arith.addi %mul3A_137, %and3A_143 : vector<16xi32>
    %mul3A_145 = arith.constant 128 : i32
    %mul3A_146 = vector.broadcast %mul3A_145 : i32 to vector<16xi32>
    %mul3A_147 = arith.muli %iota3A, %mul3A_146 : vector<16xi32>
    %add3A_148 = arith.constant 10 : i32
    %add3A_149 = vector.broadcast %add3A_148 : i32 to vector<16xi32>
    %add3A_150 = arith.addi %iota3A, %add3A_149 : vector<16xi32>
    %and3A_151 = arith.constant 15 : i32
    %and3A_152 = vector.broadcast %and3A_151 : i32 to vector<16xi32>
    %and3A_153 = arith.andi %add3A_150, %and3A_152 : vector<16xi32>
    %add3A_154 = arith.addi %mul3A_147, %and3A_153 : vector<16xi32>
    %mul3A_155 = arith.constant 128 : i32
    %mul3A_156 = vector.broadcast %mul3A_155 : i32 to vector<16xi32>
    %mul3A_157 = arith.muli %iota3A, %mul3A_156 : vector<16xi32>
    %add3A_158 = arith.constant 11 : i32
    %add3A_159 = vector.broadcast %add3A_158 : i32 to vector<16xi32>
    %add3A_160 = arith.addi %iota3A, %add3A_159 : vector<16xi32>
    %and3A_161 = arith.constant 15 : i32
    %and3A_162 = vector.broadcast %and3A_161 : i32 to vector<16xi32>
    %and3A_163 = arith.andi %add3A_160, %and3A_162 : vector<16xi32>
    %add3A_164 = arith.addi %mul3A_157, %and3A_163 : vector<16xi32>
    %mul3A_165 = arith.constant 128 : i32
    %mul3A_166 = vector.broadcast %mul3A_165 : i32 to vector<16xi32>
    %mul3A_167 = arith.muli %iota3A, %mul3A_166 : vector<16xi32>
    %add3A_168 = arith.constant 12 : i32
    %add3A_169 = vector.broadcast %add3A_168 : i32 to vector<16xi32>
    %add3A_170 = arith.addi %iota3A, %add3A_169 : vector<16xi32>
    %and3A_171 = arith.constant 15 : i32
    %and3A_172 = vector.broadcast %and3A_171 : i32 to vector<16xi32>
    %and3A_173 = arith.andi %add3A_170, %and3A_172 : vector<16xi32>
    %add3A_174 = arith.addi %mul3A_167, %and3A_173 : vector<16xi32>
    %mul3A_175 = arith.constant 128 : i32
    %mul3A_176 = vector.broadcast %mul3A_175 : i32 to vector<16xi32>
    %mul3A_177 = arith.muli %iota3A, %mul3A_176 : vector<16xi32>
    %add3A_178 = arith.constant 13 : i32
    %add3A_179 = vector.broadcast %add3A_178 : i32 to vector<16xi32>
    %add3A_180 = arith.addi %iota3A, %add3A_179 : vector<16xi32>
    %and3A_181 = arith.constant 15 : i32
    %and3A_182 = vector.broadcast %and3A_181 : i32 to vector<16xi32>
    %and3A_183 = arith.andi %add3A_180, %and3A_182 : vector<16xi32>
    %add3A_184 = arith.addi %mul3A_177, %and3A_183 : vector<16xi32>
    %mul3A_185 = arith.constant 128 : i32
    %mul3A_186 = vector.broadcast %mul3A_185 : i32 to vector<16xi32>
    %mul3A_187 = arith.muli %iota3A, %mul3A_186 : vector<16xi32>
    %add3A_188 = arith.constant 14 : i32
    %add3A_189 = vector.broadcast %add3A_188 : i32 to vector<16xi32>
    %add3A_190 = arith.addi %iota3A, %add3A_189 : vector<16xi32>
    %and3A_191 = arith.constant 15 : i32
    %and3A_192 = vector.broadcast %and3A_191 : i32 to vector<16xi32>
    %and3A_193 = arith.andi %add3A_190, %and3A_192 : vector<16xi32>
    %add3A_194 = arith.addi %mul3A_187, %and3A_193 : vector<16xi32>
    %mul3A_195 = arith.constant 128 : i32
    %mul3A_196 = vector.broadcast %mul3A_195 : i32 to vector<16xi32>
    %mul3A_197 = arith.muli %iota3A, %mul3A_196 : vector<16xi32>
    %add3A_198 = arith.constant 15 : i32
    %add3A_199 = vector.broadcast %add3A_198 : i32 to vector<16xi32>
    %add3A_200 = arith.addi %iota3A, %add3A_199 : vector<16xi32>
    %and3A_201 = arith.constant 15 : i32
    %and3A_202 = vector.broadcast %and3A_201 : i32 to vector<16xi32>
    %and3A_203 = arith.andi %add3A_200, %and3A_202 : vector<16xi32>
    %add3A_204 = arith.addi %mul3A_197, %and3A_203 : vector<16xi32>
    %add3A_205 = arith.constant 0 : i32
    %add3A_206 = vector.broadcast %add3A_205 : i32 to vector<16xi32>
    %add3A_207 = arith.addi %iota3A, %add3A_206 : vector<16xi32>
    %and3A_208 = arith.constant 15 : i32
    %and3A_209 = vector.broadcast %and3A_208 : i32 to vector<16xi32>
    %and3A_210 = arith.andi %add3A_207, %and3A_209 : vector<16xi32>
    %mul3A_211 = arith.constant 128 : i32
    %mul3A_212 = vector.broadcast %mul3A_211 : i32 to vector<16xi32>
    %mul3A_213 = arith.muli %and3A_210, %mul3A_212 : vector<16xi32>
    %add3A_214 = arith.addi %mul3A_213, %iota3A : vector<16xi32>
    %add3A_215 = arith.constant 1 : i32
    %add3A_216 = vector.broadcast %add3A_215 : i32 to vector<16xi32>
    %add3A_217 = arith.addi %iota3A, %add3A_216 : vector<16xi32>
    %and3A_218 = arith.constant 15 : i32
    %and3A_219 = vector.broadcast %and3A_218 : i32 to vector<16xi32>
    %and3A_220 = arith.andi %add3A_217, %and3A_219 : vector<16xi32>
    %mul3A_221 = arith.constant 128 : i32
    %mul3A_222 = vector.broadcast %mul3A_221 : i32 to vector<16xi32>
    %mul3A_223 = arith.muli %and3A_220, %mul3A_222 : vector<16xi32>
    %add3A_224 = arith.addi %mul3A_223, %iota3A : vector<16xi32>
    %add3A_225 = arith.constant 2 : i32
    %add3A_226 = vector.broadcast %add3A_225 : i32 to vector<16xi32>
    %add3A_227 = arith.addi %iota3A, %add3A_226 : vector<16xi32>
    %and3A_228 = arith.constant 15 : i32
    %and3A_229 = vector.broadcast %and3A_228 : i32 to vector<16xi32>
    %and3A_230 = arith.andi %add3A_227, %and3A_229 : vector<16xi32>
    %mul3A_231 = arith.constant 128 : i32
    %mul3A_232 = vector.broadcast %mul3A_231 : i32 to vector<16xi32>
    %mul3A_233 = arith.muli %and3A_230, %mul3A_232 : vector<16xi32>
    %add3A_234 = arith.addi %mul3A_233, %iota3A : vector<16xi32>
    %add3A_235 = arith.constant 3 : i32
    %add3A_236 = vector.broadcast %add3A_235 : i32 to vector<16xi32>
    %add3A_237 = arith.addi %iota3A, %add3A_236 : vector<16xi32>
    %and3A_238 = arith.constant 15 : i32
    %and3A_239 = vector.broadcast %and3A_238 : i32 to vector<16xi32>
    %and3A_240 = arith.andi %add3A_237, %and3A_239 : vector<16xi32>
    %mul3A_241 = arith.constant 128 : i32
    %mul3A_242 = vector.broadcast %mul3A_241 : i32 to vector<16xi32>
    %mul3A_243 = arith.muli %and3A_240, %mul3A_242 : vector<16xi32>
    %add3A_244 = arith.addi %mul3A_243, %iota3A : vector<16xi32>
    %add3A_245 = arith.constant 4 : i32
    %add3A_246 = vector.broadcast %add3A_245 : i32 to vector<16xi32>
    %add3A_247 = arith.addi %iota3A, %add3A_246 : vector<16xi32>
    %and3A_248 = arith.constant 15 : i32
    %and3A_249 = vector.broadcast %and3A_248 : i32 to vector<16xi32>
    %and3A_250 = arith.andi %add3A_247, %and3A_249 : vector<16xi32>
    %mul3A_251 = arith.constant 128 : i32
    %mul3A_252 = vector.broadcast %mul3A_251 : i32 to vector<16xi32>
    %mul3A_253 = arith.muli %and3A_250, %mul3A_252 : vector<16xi32>
    %add3A_254 = arith.addi %mul3A_253, %iota3A : vector<16xi32>
    %add3A_255 = arith.constant 5 : i32
    %add3A_256 = vector.broadcast %add3A_255 : i32 to vector<16xi32>
    %add3A_257 = arith.addi %iota3A, %add3A_256 : vector<16xi32>
    %and3A_258 = arith.constant 15 : i32
    %and3A_259 = vector.broadcast %and3A_258 : i32 to vector<16xi32>
    %and3A_260 = arith.andi %add3A_257, %and3A_259 : vector<16xi32>
    %mul3A_261 = arith.constant 128 : i32
    %mul3A_262 = vector.broadcast %mul3A_261 : i32 to vector<16xi32>
    %mul3A_263 = arith.muli %and3A_260, %mul3A_262 : vector<16xi32>
    %add3A_264 = arith.addi %mul3A_263, %iota3A : vector<16xi32>
    %add3A_265 = arith.constant 6 : i32
    %add3A_266 = vector.broadcast %add3A_265 : i32 to vector<16xi32>
    %add3A_267 = arith.addi %iota3A, %add3A_266 : vector<16xi32>
    %and3A_268 = arith.constant 15 : i32
    %and3A_269 = vector.broadcast %and3A_268 : i32 to vector<16xi32>
    %and3A_270 = arith.andi %add3A_267, %and3A_269 : vector<16xi32>
    %mul3A_271 = arith.constant 128 : i32
    %mul3A_272 = vector.broadcast %mul3A_271 : i32 to vector<16xi32>
    %mul3A_273 = arith.muli %and3A_270, %mul3A_272 : vector<16xi32>
    %add3A_274 = arith.addi %mul3A_273, %iota3A : vector<16xi32>
    %add3A_275 = arith.constant 7 : i32
    %add3A_276 = vector.broadcast %add3A_275 : i32 to vector<16xi32>
    %add3A_277 = arith.addi %iota3A, %add3A_276 : vector<16xi32>
    %and3A_278 = arith.constant 15 : i32
    %and3A_279 = vector.broadcast %and3A_278 : i32 to vector<16xi32>
    %and3A_280 = arith.andi %add3A_277, %and3A_279 : vector<16xi32>
    %mul3A_281 = arith.constant 128 : i32
    %mul3A_282 = vector.broadcast %mul3A_281 : i32 to vector<16xi32>
    %mul3A_283 = arith.muli %and3A_280, %mul3A_282 : vector<16xi32>
    %add3A_284 = arith.addi %mul3A_283, %iota3A : vector<16xi32>
    %add3A_285 = arith.constant 8 : i32
    %add3A_286 = vector.broadcast %add3A_285 : i32 to vector<16xi32>
    %add3A_287 = arith.addi %iota3A, %add3A_286 : vector<16xi32>
    %and3A_288 = arith.constant 15 : i32
    %and3A_289 = vector.broadcast %and3A_288 : i32 to vector<16xi32>
    %and3A_290 = arith.andi %add3A_287, %and3A_289 : vector<16xi32>
    %mul3A_291 = arith.constant 128 : i32
    %mul3A_292 = vector.broadcast %mul3A_291 : i32 to vector<16xi32>
    %mul3A_293 = arith.muli %and3A_290, %mul3A_292 : vector<16xi32>
    %add3A_294 = arith.addi %mul3A_293, %iota3A : vector<16xi32>
    %add3A_295 = arith.constant 9 : i32
    %add3A_296 = vector.broadcast %add3A_295 : i32 to vector<16xi32>
    %add3A_297 = arith.addi %iota3A, %add3A_296 : vector<16xi32>
    %and3A_298 = arith.constant 15 : i32
    %and3A_299 = vector.broadcast %and3A_298 : i32 to vector<16xi32>
    %and3A_300 = arith.andi %add3A_297, %and3A_299 : vector<16xi32>
    %mul3A_301 = arith.constant 128 : i32
    %mul3A_302 = vector.broadcast %mul3A_301 : i32 to vector<16xi32>
    %mul3A_303 = arith.muli %and3A_300, %mul3A_302 : vector<16xi32>
    %add3A_304 = arith.addi %mul3A_303, %iota3A : vector<16xi32>
    %add3A_305 = arith.constant 10 : i32
    %add3A_306 = vector.broadcast %add3A_305 : i32 to vector<16xi32>
    %add3A_307 = arith.addi %iota3A, %add3A_306 : vector<16xi32>
    %and3A_308 = arith.constant 15 : i32
    %and3A_309 = vector.broadcast %and3A_308 : i32 to vector<16xi32>
    %and3A_310 = arith.andi %add3A_307, %and3A_309 : vector<16xi32>
    %mul3A_311 = arith.constant 128 : i32
    %mul3A_312 = vector.broadcast %mul3A_311 : i32 to vector<16xi32>
    %mul3A_313 = arith.muli %and3A_310, %mul3A_312 : vector<16xi32>
    %add3A_314 = arith.addi %mul3A_313, %iota3A : vector<16xi32>
    %add3A_315 = arith.constant 11 : i32
    %add3A_316 = vector.broadcast %add3A_315 : i32 to vector<16xi32>
    %add3A_317 = arith.addi %iota3A, %add3A_316 : vector<16xi32>
    %and3A_318 = arith.constant 15 : i32
    %and3A_319 = vector.broadcast %and3A_318 : i32 to vector<16xi32>
    %and3A_320 = arith.andi %add3A_317, %and3A_319 : vector<16xi32>
    %mul3A_321 = arith.constant 128 : i32
    %mul3A_322 = vector.broadcast %mul3A_321 : i32 to vector<16xi32>
    %mul3A_323 = arith.muli %and3A_320, %mul3A_322 : vector<16xi32>
    %add3A_324 = arith.addi %mul3A_323, %iota3A : vector<16xi32>
    %add3A_325 = arith.constant 12 : i32
    %add3A_326 = vector.broadcast %add3A_325 : i32 to vector<16xi32>
    %add3A_327 = arith.addi %iota3A, %add3A_326 : vector<16xi32>
    %and3A_328 = arith.constant 15 : i32
    %and3A_329 = vector.broadcast %and3A_328 : i32 to vector<16xi32>
    %and3A_330 = arith.andi %add3A_327, %and3A_329 : vector<16xi32>
    %mul3A_331 = arith.constant 128 : i32
    %mul3A_332 = vector.broadcast %mul3A_331 : i32 to vector<16xi32>
    %mul3A_333 = arith.muli %and3A_330, %mul3A_332 : vector<16xi32>
    %add3A_334 = arith.addi %mul3A_333, %iota3A : vector<16xi32>
    %add3A_335 = arith.constant 13 : i32
    %add3A_336 = vector.broadcast %add3A_335 : i32 to vector<16xi32>
    %add3A_337 = arith.addi %iota3A, %add3A_336 : vector<16xi32>
    %and3A_338 = arith.constant 15 : i32
    %and3A_339 = vector.broadcast %and3A_338 : i32 to vector<16xi32>
    %and3A_340 = arith.andi %add3A_337, %and3A_339 : vector<16xi32>
    %mul3A_341 = arith.constant 128 : i32
    %mul3A_342 = vector.broadcast %mul3A_341 : i32 to vector<16xi32>
    %mul3A_343 = arith.muli %and3A_340, %mul3A_342 : vector<16xi32>
    %add3A_344 = arith.addi %mul3A_343, %iota3A : vector<16xi32>
    %add3A_345 = arith.constant 14 : i32
    %add3A_346 = vector.broadcast %add3A_345 : i32 to vector<16xi32>
    %add3A_347 = arith.addi %iota3A, %add3A_346 : vector<16xi32>
    %and3A_348 = arith.constant 15 : i32
    %and3A_349 = vector.broadcast %and3A_348 : i32 to vector<16xi32>
    %and3A_350 = arith.andi %add3A_347, %and3A_349 : vector<16xi32>
    %mul3A_351 = arith.constant 128 : i32
    %mul3A_352 = vector.broadcast %mul3A_351 : i32 to vector<16xi32>
    %mul3A_353 = arith.muli %and3A_350, %mul3A_352 : vector<16xi32>
    %add3A_354 = arith.addi %mul3A_353, %iota3A : vector<16xi32>
    %add3A_355 = arith.constant 15 : i32
    %add3A_356 = vector.broadcast %add3A_355 : i32 to vector<16xi32>
    %add3A_357 = arith.addi %iota3A, %add3A_356 : vector<16xi32>
    %and3A_358 = arith.constant 15 : i32
    %and3A_359 = vector.broadcast %and3A_358 : i32 to vector<16xi32>
    %and3A_360 = arith.andi %add3A_357, %and3A_359 : vector<16xi32>
    %mul3A_361 = arith.constant 128 : i32
    %mul3A_362 = vector.broadcast %mul3A_361 : i32 to vector<16xi32>
    %mul3A_363 = arith.muli %and3A_360, %mul3A_362 : vector<16xi32>
    %add3A_364 = arith.addi %mul3A_363, %iota3A : vector<16xi32>
    %scan3A = arith.constant 0 : i32
    %scan3A_365 = arith.constant 12 : i32
    %scan3A_366 = arith.addi %scan3A, %scan3A_365 : i32
    %scan3A_367 = arith.constant 1 : i32
    scf.for %scan3A_536 = %scan3A to %scan3A_366 step %scan3A_367  : i32 {
      %mul3A_537 = arith.constant 4 : i32
      %mul3A_538 = arith.muli %scan3A_536, %mul3A_537 : i32
      %add3A_539 = arith.constant 0 : i32
      %add3A_540 = arith.addi %add3A_539, %mul3A_538 : i32
      %ge3A_541 = arith.constant 2 : i32
      %ge3A_542 = arith.cmpi sge, %add3A_540, %ge3A_541 : i32
      %convert_element_type3A_543 = arith.extui %ge3A_542 : i1 to i32
      %cond3A_544 = arith.constant 0 : i32
      %cond3A_545 = arith.cmpi ne, %convert_element_type3A_543, %cond3A_544 : i32
      scf.if %cond3A_545 {
        %add3A_831 = arith.constant 0 : i32
        %add3A_832 = arith.addi %mul3A_2, %add3A_831 : i32
        %dma_wait3A_833 = arith.constant 0 : i32
        %dma_wait3A_834 = arith.constant 0 : i32
        %dma_wait3A_835 = arith.constant 0 : i32
        %dma_wait3A_836 = tpu.memref_slice %arg5[%dma_wait3A_833, %add3A_832, %dma_wait3A_834, %dma_wait3A_835] : memref<24x1600x8x128xf32, #tpu.memory_space<hbm>> -> memref<24x1x8x128xf32, #tpu.memory_space<hbm>>
        %dma_wait3A_837 = arith.constant 0 : i32
        %dma_wait3A_838 = arith.constant 0 : i32
        %dma_wait3A_839 = arith.constant 0 : i32
        %dma_wait3A_840 = tpu.memref_slice %arg5[%dma_wait3A_837, %add3A_832, %dma_wait3A_838, %dma_wait3A_839] : memref<24x1600x8x128xf32, #tpu.memory_space<hbm>> -> memref<24x1x8x128xf32, #tpu.memory_space<hbm>>
        tpu.wait_dma2 semaphore(%arg20 : memref<!tpu.dma_semaphore, #tpu.memory_space<semaphore_mem>>) src(%arg11 : memref<24x1x8x128xf32, #tpu.memory_space<vmem>>) dst(%dma_wait3A_840 : memref<24x1x8x128xf32, #tpu.memory_space<hbm>>)
      } else {
      }
      %add3A_546 = arith.addi %mul3A_2, %add3A_540 : i32
      %mul3A_547 = arith.constant 128 : i32
      %mul3A_548 = arith.muli %add3A_546, %mul3A_547 : i32
      %dma_start3A_549 = arith.constant 16 : i32
      %dma_start3A_550 = arith.constant 0 : i32
      %dma_start3A_551 = arith.constant 0 : i32
      %dma_start3A_552 = arith.constant 0 : i32
      %dma_start3A_553 = tpu.memref_slice %arg11[%dma_start3A_549, %dma_start3A_550, %dma_start3A_551, %dma_start3A_552] : memref<24x1x8x128xf32, #tpu.memory_space<vmem>> -> memref<8x1x8x128xf32, #tpu.memory_space<vmem>>
      %dma_start3A_554 = arith.constant 0 : i32
      %dma_start3A_555 = arith.constant 0 : i32
      %dma_start3A_556 = arith.constant 0 : i32
      %dma_start3A_557 = tpu.memref_slice %arg3[%dma_start3A_554, %dma_start3A_555, %dma_start3A_556, %mul3A_548] : memref<8x1x8x204800xf32, #tpu.memory_space<hbm>> -> memref<8x1x8x128xf32, #tpu.memory_space<hbm>>
      %dma_start3A_558 = arith.constant 16 : i32
      %dma_start3A_559 = arith.constant 0 : i32
      %dma_start3A_560 = arith.constant 0 : i32
      %dma_start3A_561 = arith.constant 0 : i32
      %dma_start3A_562 = tpu.memref_slice %arg11[%dma_start3A_558, %dma_start3A_559, %dma_start3A_560, %dma_start3A_561] : memref<24x1x8x128xf32, #tpu.memory_space<vmem>> -> memref<8x1x8x128xf32, #tpu.memory_space<vmem>>
      %dma_start3A_563 = arith.constant 0 : i32
      %dma_start3A_564 = arith.constant 0 : i32
      %dma_start3A_565 = arith.constant 0 : i32
      %dma_start3A_566 = tpu.memref_slice %arg3[%dma_start3A_563, %dma_start3A_564, %dma_start3A_565, %mul3A_548] : memref<8x1x8x204800xf32, #tpu.memory_space<hbm>> -> memref<8x1x8x128xf32, #tpu.memory_space<hbm>>
      tpu.enqueue_dma source(%dma_start3A_566 : memref<8x1x8x128xf32, #tpu.memory_space<hbm>>) target(%dma_start3A_562 : memref<8x1x8x128xf32, #tpu.memory_space<vmem>>) target_semaphore(%arg18 : memref<!tpu.dma_semaphore, #tpu.memory_space<semaphore_mem>>)
      %dma_wait3A_567 = arith.constant 0 : i32
      %dma_wait3A_568 = arith.constant 0 : i32
      %dma_wait3A_569 = tpu.memref_slice %arg4[%dma_wait3A_567, %dma_wait3A_568] : memref<100000x128xf32, #tpu.memory_space<hbm>> -> memref<128x128xf32, #tpu.memory_space<hbm>>
      %dma_wait3A_570 = arith.constant 0 : i32
      %dma_wait3A_571 = arith.constant 0 : i32
      %dma_wait3A_572 = tpu.memref_slice %arg4[%dma_wait3A_570, %dma_wait3A_571] : memref<100000x128xf32, #tpu.memory_space<hbm>> -> memref<128x128xf32, #tpu.memory_space<hbm>>
      tpu.wait_dma2 semaphore(%arg14 : memref<!tpu.dma_semaphore, #tpu.memory_space<semaphore_mem>>) src(%dma_wait3A_572 : memref<128x128xf32, #tpu.memory_space<hbm>>) dst(%arg7 : memref<128x128xf32, #tpu.memory_space<vmem>>)
      %parallel_loop3A_573 = arith.constant 0 : i32
      %parallel_loop3A_574 = arith.constant 64 : i32
      %parallel_loop3A_575 = arith.constant 1 : i32
      scf.for %parallel_loop3A_831 = %parallel_loop3A_573 to %parallel_loop3A_574 step %parallel_loop3A_575  : i32 {
        %parallel_loop3A_832 = arith.constant 3 : i32
        %parallel_loop3A_833 = arith.shrsi %parallel_loop3A_831, %parallel_loop3A_832 : i32
        %parallel_loop3A_834 = arith.constant 16 : i32
        %parallel_loop3A_835 = arith.muli %parallel_loop3A_833, %parallel_loop3A_834 : i32
        %parallel_loop3A_836 = arith.constant 7 : i32
        %parallel_loop3A_837 = arith.andi %parallel_loop3A_831, %parallel_loop3A_836 : i32
        %parallel_loop3A_838 = arith.constant 16 : i32
        %parallel_loop3A_839 = arith.muli %parallel_loop3A_837, %parallel_loop3A_838 : i32
        %parallel_loop3A_840 = arith.constant 128 : i32
        %parallel_loop3A_841 = arith.muli %parallel_loop3A_835, %parallel_loop3A_840 : i32
        %parallel_loop3A_842 = arith.addi %parallel_loop3A_841, %parallel_loop3A_839 : i32
        %parallel_loop3A_843 = vector.broadcast %parallel_loop3A_842 : i32 to vector<16xi32>
        %parallel_loop3A_844 = arith.addi %add3A_54, %parallel_loop3A_843 : vector<16xi32>
        %parallel_loop3A_845 = tpu.vector_load_idx %arg7[%broadcast_in_dim3A_45, %parallel_loop3A_844] : memref<128x128xf32, #tpu.memory_space<vmem>>[vector<16xi32>, vector<16xi32>], vector<16xf32>,
        %parallel_loop3A_846 = arith.constant 128 : i32
        %parallel_loop3A_847 = arith.muli %parallel_loop3A_839, %parallel_loop3A_846 : i32
        %parallel_loop3A_848 = arith.addi %parallel_loop3A_847, %parallel_loop3A_835 : i32
        %parallel_loop3A_849 = vector.broadcast %parallel_loop3A_848 : i32 to vector<16xi32>
        %parallel_loop3A_850 = arith.addi %add3A_214, %parallel_loop3A_849 : vector<16xi32>
        tpu.vector_store_idx %arg11[%broadcast_in_dim3A_45, %broadcast_in_dim3A_45, %broadcast_in_dim3A_45, %parallel_loop3A_850], %parallel_loop3A_845 : memref<24x1x8x128xf32, #tpu.memory_space<vmem>>[vector<16xi32>, vector<16xi32>, vector<16xi32>, vector<16xi32>], vector<16xf32>,
        %parallel_loop3A_851 = arith.constant 128 : i32
        %parallel_loop3A_852 = arith.muli %parallel_loop3A_835, %parallel_loop3A_851 : i32
        %parallel_loop3A_853 = arith.addi %parallel_loop3A_852, %parallel_loop3A_839 : i32
        %parallel_loop3A_854 = vector.broadcast %parallel_loop3A_853 : i32 to vector<16xi32>
        %parallel_loop3A_855 = arith.addi %add3A_64, %parallel_loop3A_854 : vector<16xi32>
        %parallel_loop3A_856 = tpu.vector_load_idx %arg7[%broadcast_in_dim3A_45, %parallel_loop3A_855] : memref<128x128xf32, #tpu.memory_space<vmem>>[vector<16xi32>, vector<16xi32>], vector<16xf32>,
        %parallel_loop3A_857 = arith.constant 128 : i32
        %parallel_loop3A_858 = arith.muli %parallel_loop3A_839, %parallel_loop3A_857 : i32
        %parallel_loop3A_859 = arith.addi %parallel_loop3A_858, %parallel_loop3A_835 : i32
        %parallel_loop3A_860 = vector.broadcast %parallel_loop3A_859 : i32 to vector<16xi32>
        %parallel_loop3A_861 = arith.addi %add3A_224, %parallel_loop3A_860 : vector<16xi32>
        tpu.vector_store_idx %arg11[%broadcast_in_dim3A_45, %broadcast_in_dim3A_45, %broadcast_in_dim3A_45, %parallel_loop3A_861], %parallel_loop3A_856 : memref<24x1x8x128xf32, #tpu.memory_space<vmem>>[vector<16xi32>, vector<16xi32>, vector<16xi32>, vector<16xi32>], vector<16xf32>,
        %parallel_loop3A_862 = arith.constant 128 : i32
        %parallel_loop3A_863 = arith.muli %parallel_loop3A_835, %parallel_loop3A_862 : i32
        %parallel_loop3A_864 = arith.addi %parallel_loop3A_863, %parallel_loop3A_839 : i32
        %parallel_loop3A_865 = vector.broadcast %parallel_loop3A_864 : i32 to vector<16xi32>
        %parallel_loop3A_866 = arith.addi %add3A_74, %parallel_loop3A_865 : vector<16xi32>
        %parallel_loop3A_867 = tpu.vector_load_idx %arg7[%broadcast_in_dim3A_45, %parallel_loop3A_866] : memref<128x128xf32, #tpu.memory_space<vmem>>[vector<16xi32>, vector<16xi32>], vector<16xf32>,
        %parallel_loop3A_868 = arith.constant 128 : i32
        %parallel_loop3A_869 = arith.muli %parallel_loop3A_839, %parallel_loop3A_868 : i32
        %parallel_loop3A_870 = arith.addi %parallel_loop3A_869, %parallel_loop3A_835 : i32
        %parallel_loop3A_871 = vector.broadcast %parallel_loop3A_870 : i32 to vector<16xi32>
        %parallel_loop3A_872 = arith.addi %add3A_234, %parallel_loop3A_871 : vector<16xi32>
        tpu.vector_store_idx %arg11[%broadcast_in_dim3A_45, %broadcast_in_dim3A_45, %broadcast_in_dim3A_45, %parallel_loop3A_872], %parallel_loop3A_867 : memref<24x1x8x128xf32, #tpu.memory_space<vmem>>[vector<16xi32>, vector<16xi32>, vector<16xi32>, vector<16xi32>], vector<16xf32>,
        %parallel_loop3A_873 = arith.constant 128 : i32
        %parallel_loop3A_874 = arith.muli %parallel_loop3A_835, %parallel_loop3A_873 : i32
        %parallel_loop3A_875 = arith.addi %parallel_loop3A_874, %parallel_loop3A_839 : i32
        %parallel_loop3A_876 = vector.broadcast %parallel_loop3A_875 : i32 to vector<16xi32>
        %parallel_loop3A_877 = arith.addi %add3A_84, %parallel_loop3A_876 : vector<16xi32>
        %parallel_loop3A_878 = tpu.vector_load_idx %arg7[%broadcast_in_dim3A_45, %parallel_loop3A_877] : memref<128x128xf32, #tpu.memory_space<vmem>>[vector<16xi32>, vector<16xi32>], vector<16xf32>,
        %parallel_loop3A_879 = arith.constant 128 : i32
        %parallel_loop3A_880 = arith.muli %parallel_loop3A_839, %parallel_loop3A_879 : i32
        %parallel_loop3A_881 = arith.addi %parallel_loop3A_880, %parallel_loop3A_835 : i32
        %parallel_loop3A_882 = vector.broadcast %parallel_loop3A_881 : i32 to vector<16xi32>
        %parallel_loop3A_883 = arith.addi %add3A_244, %parallel_loop3A_882 : vector<16xi32>
        tpu.vector_store_idx %arg11[%broadcast_in_dim3A_45, %broadcast_in_dim3A_45, %broadcast_in_dim3A_45, %parallel_loop3A_883], %parallel_loop3A_878 : memref<24x1x8x128xf32, #tpu.memory_space<vmem>>[vector<16xi32>, vector<16xi32>, vector<16xi32>, vector<16xi32>], vector<16xf32>,
        %parallel_loop3A_884 = arith.constant 128 : i32
        %parallel_loop3A_885 = arith.muli %parallel_loop3A_835, %parallel_loop3A_884 : i32
        %parallel_loop3A_886 = arith.addi %parallel_loop3A_885, %parallel_loop3A_839 : i32
        %parallel_loop3A_887 = vector.broadcast %parallel_loop3A_886 : i32 to vector<16xi32>
        %parallel_loop3A_888 = arith.addi %add3A_94, %parallel_loop3A_887 : vector<16xi32>
        %parallel_loop3A_889 = tpu.vector_load_idx %arg7[%broadcast_in_dim3A_45, %parallel_loop3A_888] : memref<128x128xf32, #tpu.memory_space<vmem>>[vector<16xi32>, vector<16xi32>], vector<16xf32>,
        %parallel_loop3A_890 = arith.constant 128 : i32
        %parallel_loop3A_891 = arith.muli %parallel_loop3A_839, %parallel_loop3A_890 : i32
        %parallel_loop3A_892 = arith.addi %parallel_loop3A_891, %parallel_loop3A_835 : i32
        %parallel_loop3A_893 = vector.broadcast %parallel_loop3A_892 : i32 to vector<16xi32>
        %parallel_loop3A_894 = arith.addi %add3A_254, %parallel_loop3A_893 : vector<16xi32>
        tpu.vector_store_idx %arg11[%broadcast_in_dim3A_45, %broadcast_in_dim3A_45, %broadcast_in_dim3A_45, %parallel_loop3A_894], %parallel_loop3A_889 : memref<24x1x8x128xf32, #tpu.memory_space<vmem>>[vector<16xi32>, vector<16xi32>, vector<16xi32>, vector<16xi32>], vector<16xf32>,
        %parallel_loop3A_895 = arith.constant 128 : i32
        %parallel_loop3A_896 = arith.muli %parallel_loop3A_835, %parallel_loop3A_895 : i32
        %parallel_loop3A_897 = arith.addi %parallel_loop3A_896, %parallel_loop3A_839 : i32
        %parallel_loop3A_898 = vector.broadcast %parallel_loop3A_897 : i32 to vector<16xi32>
        %parallel_loop3A_899 = arith.addi %add3A_104, %parallel_loop3A_898 : vector<16xi32>
        %parallel_loop3A_900 = tpu.vector_load_idx %arg7[%broadcast_in_dim3A_45, %parallel_loop3A_899] : memref<128x128xf32, #tpu.memory_space<vmem>>[vector<16xi32>, vector<16xi32>], vector<16xf32>,
        %parallel_loop3A_901 = arith.constant 128 : i32
        %parallel_loop3A_902 = arith.muli %parallel_loop3A_839, %parallel_loop3A_901 : i32
        %parallel_loop3A_903 = arith.addi %parallel_loop3A_902, %parallel_loop3A_835 : i32
        %parallel_loop3A_904 = vector.broadcast %parallel_loop3A_903 : i32 to vector<16xi32>
        %parallel_loop3A_905 = arith.addi %add3A_264, %parallel_loop3A_904 : vector<16xi32>
        tpu.vector_store_idx %arg11[%broadcast_in_dim3A_45, %broadcast_in_dim3A_45, %broadcast_in_dim3A_45, %parallel_loop3A_905], %parallel_loop3A_900 : memref<24x1x8x128xf32, #tpu.memory_space<vmem>>[vector<16xi32>, vector<16xi32>, vector<16xi32>, vector<16xi32>], vector<16xf32>,
        %parallel_loop3A_906 = arith.constant 128 : i32
        %parallel_loop3A_907 = arith.muli %parallel_loop3A_835, %parallel_loop3A_906 : i32
        %parallel_loop3A_908 = arith.addi %parallel_loop3A_907, %parallel_loop3A_839 : i32
        %parallel_loop3A_909 = vector.broadcast %parallel_loop3A_908 : i32 to vector<16xi32>
        %parallel_loop3A_910 = arith.addi %add3A_114, %parallel_loop3A_909 : vector<16xi32>
        %parallel_loop3A_911 = tpu.vector_load_idx %arg7[%broadcast_in_dim3A_45, %parallel_loop3A_910] : memref<128x128xf32, #tpu.memory_space<vmem>>[vector<16xi32>, vector<16xi32>], vector<16xf32>,
        %parallel_loop3A_912 = arith.constant 128 : i32
        %parallel_loop3A_913 = arith.muli %parallel_loop3A_839, %parallel_loop3A_912 : i32
        %parallel_loop3A_914 = arith.addi %parallel_loop3A_913, %parallel_loop3A_835 : i32
        %parallel_loop3A_915 = vector.broadcast %parallel_loop3A_914 : i32 to vector<16xi32>
        %parallel_loop3A_916 = arith.addi %add3A_274, %parallel_loop3A_915 : vector<16xi32>
        tpu.vector_store_idx %arg11[%broadcast_in_dim3A_45, %broadcast_in_dim3A_45, %broadcast_in_dim3A_45, %parallel_loop3A_916], %parallel_loop3A_911 : memref<24x1x8x128xf32, #tpu.memory_space<vmem>>[vector<16xi32>, vector<16xi32>, vector<16xi32>, vector<16xi32>], vector<16xf32>,
        %parallel_loop3A_917 = arith.constant 128 : i32
        %parallel_loop3A_918 = arith.muli %parallel_loop3A_835, %parallel_loop3A_917 : i32
        %parallel_loop3A_919 = arith.addi %parallel_loop3A_918, %parallel_loop3A_839 : i32
        %parallel_loop3A_920 = vector.broadcast %parallel_loop3A_919 : i32 to vector<16xi32>
        %parallel_loop3A_921 = arith.addi %add3A_124, %parallel_loop3A_920 : vector<16xi32>
        %parallel_loop3A_922 = tpu.vector_load_idx %arg7[%broadcast_in_dim3A_45, %parallel_loop3A_921] : memref<128x128xf32, #tpu.memory_space<vmem>>[vector<16xi32>, vector<16xi32>], vector<16xf32>,
        %parallel_loop3A_923 = arith.constant 128 : i32
        %parallel_loop3A_924 = arith.muli %parallel_loop3A_839, %parallel_loop3A_923 : i32
        %parallel_loop3A_925 = arith.addi %parallel_loop3A_924, %parallel_loop3A_835 : i32
        %parallel_loop3A_926 = vector.broadcast %parallel_loop3A_925 : i32 to vector<16xi32>
        %parallel_loop3A_927 = arith.addi %add3A_284, %parallel_loop3A_926 : vector<16xi32>
        tpu.vector_store_idx %arg11[%broadcast_in_dim3A_45, %broadcast_in_dim3A_45, %broadcast_in_dim3A_45, %parallel_loop3A_927], %parallel_loop3A_922 : memref<24x1x8x128xf32, #tpu.memory_space<vmem>>[vector<16xi32>, vector<16xi32>, vector<16xi32>, vector<16xi32>], vector<16xf32>,
        %parallel_loop3A_928 = arith.constant 128 : i32
        %parallel_loop3A_929 = arith.muli %parallel_loop3A_835, %parallel_loop3A_928 : i32
        %parallel_loop3A_930 = arith.addi %parallel_loop3A_929, %parallel_loop3A_839 : i32
        %parallel_loop3A_931 = vector.broadcast %parallel_loop3A_930 : i32 to vector<16xi32>
        %parallel_loop3A_932 = arith.addi %add3A_134, %parallel_loop3A_931 : vector<16xi32>
        %parallel_loop3A_933 = tpu.vector_load_idx %arg7[%broadcast_in_dim3A_45, %parallel_loop3A_932] : memref<128x128xf32, #tpu.memory_space<vmem>>[vector<16xi32>, vector<16xi32>], vector<16xf32>,
        %parallel_loop3A_934 = arith.constant 128 : i32
        %parallel_loop3A_935 = arith.muli %parallel_loop3A_839, %parallel_loop3A_934 : i32
        %parallel_loop3A_936 = arith.addi %parallel_loop3A_935, %parallel_loop3A_835 : i32
        %parallel_loop3A_937 = vector.broadcast %parallel_loop3A_936 : i32 to vector<16xi32>
        %parallel_loop3A_938 = arith.addi %add3A_294, %parallel_loop3A_937 : vector<16xi32>
        tpu.vector_store_idx %arg11[%broadcast_in_dim3A_45, %broadcast_in_dim3A_45, %broadcast_in_dim3A_45, %parallel_loop3A_938], %parallel_loop3A_933 : memref<24x1x8x128xf32, #tpu.memory_space<vmem>>[vector<16xi32>, vector<16xi32>, vector<16xi32>, vector<16xi32>], vector<16xf32>,
        %parallel_loop3A_939 = arith.constant 128 : i32
        %parallel_loop3A_940 = arith.muli %parallel_loop3A_835, %parallel_loop3A_939 : i32
        %parallel_loop3A_941 = arith.addi %parallel_loop3A_940, %parallel_loop3A_839 : i32
        %parallel_loop3A_942 = vector.broadcast %parallel_loop3A_941 : i32 to vector<16xi32>
        %parallel_loop3A_943 = arith.addi %add3A_144, %parallel_loop3A_942 : vector<16xi32>
        %parallel_loop3A_944 = tpu.vector_load_idx %arg7[%broadcast_in_dim3A_45, %parallel_loop3A_943] : memref<128x128xf32, #tpu.memory_space<vmem>>[vector<16xi32>, vector<16xi32>], vector<16xf32>,
        %parallel_loop3A_945 = arith.constant 128 : i32
        %parallel_loop3A_946 = arith.muli %parallel_loop3A_839, %parallel_loop3A_945 : i32
        %parallel_loop3A_947 = arith.addi %parallel_loop3A_946, %parallel_loop3A_835 : i32
        %parallel_loop3A_948 = vector.broadcast %parallel_loop3A_947 : i32 to vector<16xi32>
        %parallel_loop3A_949 = arith.addi %add3A_304, %parallel_loop3A_948 : vector<16xi32>
        tpu.vector_store_idx %arg11[%broadcast_in_dim3A_45, %broadcast_in_dim3A_45, %broadcast_in_dim3A_45, %parallel_loop3A_949], %parallel_loop3A_944 : memref<24x1x8x128xf32, #tpu.memory_space<vmem>>[vector<16xi32>, vector<16xi32>, vector<16xi32>, vector<16xi32>], vector<16xf32>,
        %parallel_loop3A_950 = arith.constant 128 : i32
        %parallel_loop3A_951 = arith.muli %parallel_loop3A_835, %parallel_loop3A_950 : i32
        %parallel_loop3A_952 = arith.addi %parallel_loop3A_951, %parallel_loop3A_839 : i32
        %parallel_loop3A_953 = vector.broadcast %parallel_loop3A_952 : i32 to vector<16xi32>
        %parallel_loop3A_954 = arith.addi %add3A_154, %parallel_loop3A_953 : vector<16xi32>
        %parallel_loop3A_955 = tpu.vector_load_idx %arg7[%broadcast_in_dim3A_45, %parallel_loop3A_954] : memref<128x128xf32, #tpu.memory_space<vmem>>[vector<16xi32>, vector<16xi32>], vector<16xf32>,
        %parallel_loop3A_956 = arith.constant 128 : i32
        %parallel_loop3A_957 = arith.muli %parallel_loop3A_839, %parallel_loop3A_956 : i32
        %parallel_loop3A_958 = arith.addi %parallel_loop3A_957, %parallel_loop3A_835 : i32
        %parallel_loop3A_959 = vector.broadcast %parallel_loop3A_958 : i32 to vector<16xi32>
        %parallel_loop3A_960 = arith.addi %add3A_314, %parallel_loop3A_959 : vector<16xi32>
        tpu.vector_store_idx %arg11[%broadcast_in_dim3A_45, %broadcast_in_dim3A_45, %broadcast_in_dim3A_45, %parallel_loop3A_960], %parallel_loop3A_955 : memref<24x1x8x128xf32, #tpu.memory_space<vmem>>[vector<16xi32>, vector<16xi32>, vector<16xi32>, vector<16xi32>], vector<16xf32>,
        %parallel_loop3A_961 = arith.constant 128 : i32
        %parallel_loop3A_962 = arith.muli %parallel_loop3A_835, %parallel_loop3A_961 : i32
        %parallel_loop3A_963 = arith.addi %parallel_loop3A_962, %parallel_loop3A_839 : i32
        %parallel_loop3A_964 = vector.broadcast %parallel_loop3A_963 : i32 to vector<16xi32>
        %parallel_loop3A_965 = arith.addi %add3A_164, %parallel_loop3A_964 : vector<16xi32>
        %parallel_loop3A_966 = tpu.vector_load_idx %arg7[%broadcast_in_dim3A_45, %parallel_loop3A_965] : memref<128x128xf32, #tpu.memory_space<vmem>>[vector<16xi32>, vector<16xi32>], vector<16xf32>,
        %parallel_loop3A_967 = arith.constant 128 : i32
        %parallel_loop3A_968 = arith.muli %parallel_loop3A_839, %parallel_loop3A_967 : i32
        %parallel_loop3A_969 = arith.addi %parallel_loop3A_968, %parallel_loop3A_835 : i32
        %parallel_loop3A_970 = vector.broadcast %parallel_loop3A_969 : i32 to vector<16xi32>
        %parallel_loop3A_971 = arith.addi %add3A_324, %parallel_loop3A_970 : vector<16xi32>
        tpu.vector_store_idx %arg11[%broadcast_in_dim3A_45, %broadcast_in_dim3A_45, %broadcast_in_dim3A_45, %parallel_loop3A_971], %parallel_loop3A_966 : memref<24x1x8x128xf32, #tpu.memory_space<vmem>>[vector<16xi32>, vector<16xi32>, vector<16xi32>, vector<16xi32>], vector<16xf32>,
        %parallel_loop3A_972 = arith.constant 128 : i32
        %parallel_loop3A_973 = arith.muli %parallel_loop3A_835, %parallel_loop3A_972 : i32
        %parallel_loop3A_974 = arith.addi %parallel_loop3A_973, %parallel_loop3A_839 : i32
        %parallel_loop3A_975 = vector.broadcast %parallel_loop3A_974 : i32 to vector<16xi32>
        %parallel_loop3A_976 = arith.addi %add3A_174, %parallel_loop3A_975 : vector<16xi32>
        %parallel_loop3A_977 = tpu.vector_load_idx %arg7[%broadcast_in_dim3A_45, %parallel_loop3A_976] : memref<128x128xf32, #tpu.memory_space<vmem>>[vector<16xi32>, vector<16xi32>], vector<16xf32>,
        %parallel_loop3A_978 = arith.constant 128 : i32
        %parallel_loop3A_979 = arith.muli %parallel_loop3A_839, %parallel_loop3A_978 : i32
        %parallel_loop3A_980 = arith.addi %parallel_loop3A_979, %parallel_loop3A_835 : i32
        %parallel_loop3A_981 = vector.broadcast %parallel_loop3A_980 : i32 to vector<16xi32>
        %parallel_loop3A_982 = arith.addi %add3A_334, %parallel_loop3A_981 : vector<16xi32>
        tpu.vector_store_idx %arg11[%broadcast_in_dim3A_45, %broadcast_in_dim3A_45, %broadcast_in_dim3A_45, %parallel_loop3A_982], %parallel_loop3A_977 : memref<24x1x8x128xf32, #tpu.memory_space<vmem>>[vector<16xi32>, vector<16xi32>, vector<16xi32>, vector<16xi32>], vector<16xf32>,
        %parallel_loop3A_983 = arith.constant 128 : i32
        %parallel_loop3A_984 = arith.muli %parallel_loop3A_835, %parallel_loop3A_983 : i32
        %parallel_loop3A_985 = arith.addi %parallel_loop3A_984, %parallel_loop3A_839 : i32
        %parallel_loop3A_986 = vector.broadcast %parallel_loop3A_985 : i32 to vector<16xi32>
        %parallel_loop3A_987 = arith.addi %add3A_184, %parallel_loop3A_986 : vector<16xi32>
        %parallel_loop3A_988 = tpu.vector_load_idx %arg7[%broadcast_in_dim3A_45, %parallel_loop3A_987] : memref<128x128xf32, #tpu.memory_space<vmem>>[vector<16xi32>, vector<16xi32>], vector<16xf32>,
        %parallel_loop3A_989 = arith.constant 128 : i32
        %parallel_loop3A_990 = arith.muli %parallel_loop3A_839, %parallel_loop3A_989 : i32
        %parallel_loop3A_991 = arith.addi %parallel_loop3A_990, %parallel_loop3A_835 : i32
        %parallel_loop3A_992 = vector.broadcast %parallel_loop3A_991 : i32 to vector<16xi32>
        %parallel_loop3A_993 = arith.addi %add3A_344, %parallel_loop3A_992 : vector<16xi32>
        tpu.vector_store_idx %arg11[%broadcast_in_dim3A_45, %broadcast_in_dim3A_45, %broadcast_in_dim3A_45, %parallel_loop3A_993], %parallel_loop3A_988 : memref<24x1x8x128xf32, #tpu.memory_space<vmem>>[vector<16xi32>, vector<16xi32>, vector<16xi32>, vector<16xi32>], vector<16xf32>,
        %parallel_loop3A_994 = arith.constant 128 : i32
        %parallel_loop3A_995 = arith.muli %parallel_loop3A_835, %parallel_loop3A_994 : i32
        %parallel_loop3A_996 = arith.addi %parallel_loop3A_995, %parallel_loop3A_839 : i32
        %parallel_loop3A_997 = vector.broadcast %parallel_loop3A_996 : i32 to vector<16xi32>
        %parallel_loop3A_998 = arith.addi %add3A_194, %parallel_loop3A_997 : vector<16xi32>
        %parallel_loop3A_999 = tpu.vector_load_idx %arg7[%broadcast_in_dim3A_45, %parallel_loop3A_998] : memref<128x128xf32, #tpu.memory_space<vmem>>[vector<16xi32>, vector<16xi32>], vector<16xf32>,
        %parallel_loop3A_1000 = arith.constant 128 : i32
        %parallel_loop3A_1001 = arith.muli %parallel_loop3A_839, %parallel_loop3A_1000 : i32
        %parallel_loop3A_1002 = arith.addi %parallel_loop3A_1001, %parallel_loop3A_835 : i32
        %parallel_loop3A_1003 = vector.broadcast %parallel_loop3A_1002 : i32 to vector<16xi32>
        %parallel_loop3A_1004 = arith.addi %add3A_354, %parallel_loop3A_1003 : vector<16xi32>
        tpu.vector_store_idx %arg11[%broadcast_in_dim3A_45, %broadcast_in_dim3A_45, %broadcast_in_dim3A_45, %parallel_loop3A_1004], %parallel_loop3A_999 : memref<24x1x8x128xf32, #tpu.memory_space<vmem>>[vector<16xi32>, vector<16xi32>, vector<16xi32>, vector<16xi32>], vector<16xf32>,
        %parallel_loop3A_1005 = arith.constant 128 : i32
        %parallel_loop3A_1006 = arith.muli %parallel_loop3A_835, %parallel_loop3A_1005 : i32
        %parallel_loop3A_1007 = arith.addi %parallel_loop3A_1006, %parallel_loop3A_839 : i32
        %parallel_loop3A_1008 = vector.broadcast %parallel_loop3A_1007 : i32 to vector<16xi32>
        %parallel_loop3A_1009 = arith.addi %add3A_204, %parallel_loop3A_1008 : vector<16xi32>
        %parallel_loop3A_1010 = tpu.vector_load_idx %arg7[%broadcast_in_dim3A_45, %parallel_loop3A_1009] : memref<128x128xf32, #tpu.memory_space<vmem>>[vector<16xi32>, vector<16xi32>], vector<16xf32>,
        %parallel_loop3A_1011 = arith.constant 128 : i32
        %parallel_loop3A_1012 = arith.muli %parallel_loop3A_839, %parallel_loop3A_1011 : i32
        %parallel_loop3A_1013 = arith.addi %parallel_loop3A_1012, %parallel_loop3A_835 : i32
        %parallel_loop3A_1014 = vector.broadcast %parallel_loop3A_1013 : i32 to vector<16xi32>
        %parallel_loop3A_1015 = arith.addi %add3A_364, %parallel_loop3A_1014 : vector<16xi32>
        tpu.vector_store_idx %arg11[%broadcast_in_dim3A_45, %broadcast_in_dim3A_45, %broadcast_in_dim3A_45, %parallel_loop3A_1015], %parallel_loop3A_1010 : memref<24x1x8x128xf32, #tpu.memory_space<vmem>>[vector<16xi32>, vector<16xi32>, vector<16xi32>, vector<16xi32>], vector<16xf32>,
      } {sc.loop_unroll_factor = 2 : i64, sc.parallel_access}
      %add3A_576 = arith.constant 4 : i32
      %add3A_577 = arith.addi %add3A_540, %add3A_576 : i32
      %lt3A_578 = arith.constant 50 : i32
      %lt3A_579 = arith.cmpi slt, %add3A_577, %lt3A_578 : i32
      %convert_element_type3A_580 = arith.extui %lt3A_579 : i1 to i32
      %cond3A_581 = arith.constant 0 : i32
      %cond3A_582 = arith.cmpi ne, %convert_element_type3A_580, %cond3A_581 : i32
      scf.if %cond3A_582 {
        %add3A_831 = arith.constant 4 : i32
        %add3A_832 = arith.addi %add3A_540, %add3A_831 : i32
        %dma_start3A_833 = arith.constant 0 : i32
        %dma_start3A_834 = tpu.memref_slice %arg6[%add3A_832, %dma_start3A_833] : memref<50x128xi32, #tpu.memory_space<vmem>> -> memref<1x128xi32, #tpu.memory_space<vmem>>
        %dma_start3A_835 = tpu.memref_squeeze %dma_start3A_834 : memref<1x128xi32, #tpu.memory_space<vmem>> -> memref<128xi32, #tpu.memory_space<vmem>>
        %dma_start3A_836 = arith.constant 0 : i32
        %dma_start3A_837 = arith.constant 0 : i32
        %dma_start3A_838 = tpu.memref_slice %arg4[%dma_start3A_836, %dma_start3A_837] : memref<100000x128xf32, #tpu.memory_space<hbm>> -> memref<100000x128xf32, #tpu.memory_space<hbm>>
        tpu.enqueue_indirect_dma source(%dma_start3A_838 : memref<100000x128xf32, #tpu.memory_space<hbm>>) target(%arg7 : memref<128x128xf32, #tpu.memory_space<vmem>>) offsets(%dma_start3A_835 : memref<128xi32, #tpu.memory_space<vmem>>) semaphore(%arg14 : memref<!tpu.dma_semaphore, #tpu.memory_space<semaphore_mem>>)
      } else {
      }
      %dma_wait3A_583 = arith.constant 16 : i32
      %dma_wait3A_584 = arith.constant 0 : i32
      %dma_wait3A_585 = arith.constant 0 : i32
      %dma_wait3A_586 = arith.constant 0 : i32
      %dma_wait3A_587 = tpu.memref_slice %arg11[%dma_wait3A_583, %dma_wait3A_584, %dma_wait3A_585, %dma_wait3A_586] : memref<24x1x8x128xf32, #tpu.memory_space<vmem>> -> memref<8x1x8x128xf32, #tpu.memory_space<vmem>>
      %dma_wait3A_588 = arith.constant 0 : i32
      %dma_wait3A_589 = arith.constant 0 : i32
      %dma_wait3A_590 = arith.constant 0 : i32
      %dma_wait3A_591 = arith.constant 0 : i32
      %dma_wait3A_592 = tpu.memref_slice %arg3[%dma_wait3A_588, %dma_wait3A_589, %dma_wait3A_590, %dma_wait3A_591] : memref<8x1x8x204800xf32, #tpu.memory_space<hbm>> -> memref<8x1x8x128xf32, #tpu.memory_space<hbm>>
      %dma_wait3A_593 = arith.constant 16 : i32
      %dma_wait3A_594 = arith.constant 0 : i32
      %dma_wait3A_595 = arith.constant 0 : i32
      %dma_wait3A_596 = arith.constant 0 : i32
      %dma_wait3A_597 = tpu.memref_slice %arg11[%dma_wait3A_593, %dma_wait3A_594, %dma_wait3A_595, %dma_wait3A_596] : memref<24x1x8x128xf32, #tpu.memory_space<vmem>> -> memref<8x1x8x128xf32, #tpu.memory_space<vmem>>
      %dma_wait3A_598 = arith.constant 0 : i32
      %dma_wait3A_599 = arith.constant 0 : i32
      %dma_wait3A_600 = arith.constant 0 : i32
      %dma_wait3A_601 = arith.constant 0 : i32
      %dma_wait3A_602 = tpu.memref_slice %arg3[%dma_wait3A_598, %dma_wait3A_599, %dma_wait3A_600, %dma_wait3A_601] : memref<8x1x8x204800xf32, #tpu.memory_space<hbm>> -> memref<8x1x8x128xf32, #tpu.memory_space<hbm>>
      tpu.wait_dma2 semaphore(%arg18 : memref<!tpu.dma_semaphore, #tpu.memory_space<semaphore_mem>>) src(%dma_wait3A_602 : memref<8x1x8x128xf32, #tpu.memory_space<hbm>>) dst(%dma_wait3A_597 : memref<8x1x8x128xf32, #tpu.memory_space<vmem>>)
      %add3A_603 = arith.addi %mul3A_2, %add3A_540 : i32
      %dma_start3A_604 = arith.constant 0 : i32
      %dma_start3A_605 = arith.constant 0 : i32
      %dma_start3A_606 = arith.constant 0 : i32
      %dma_start3A_607 = tpu.memref_slice %arg5[%dma_start3A_604, %add3A_603, %dma_start3A_605, %dma_start3A_606] : memref<24x1600x8x128xf32, #tpu.memory_space<hbm>> -> memref<24x1x8x128xf32, #tpu.memory_space<hbm>>
      %dma_start3A_608 = arith.constant 0 : i32
      %dma_start3A_609 = arith.constant 0 : i32
      %dma_start3A_610 = arith.constant 0 : i32
      %dma_start3A_611 = tpu.memref_slice %arg5[%dma_start3A_608, %add3A_603, %dma_start3A_609, %dma_start3A_610] : memref<24x1600x8x128xf32, #tpu.memory_space<hbm>> -> memref<24x1x8x128xf32, #tpu.memory_space<hbm>>
      tpu.enqueue_dma source(%arg11 : memref<24x1x8x128xf32, #tpu.memory_space<vmem>>) target(%dma_start3A_611 : memref<24x1x8x128xf32, #tpu.memory_space<hbm>>) target_semaphore(%arg20 : memref<!tpu.dma_semaphore, #tpu.memory_space<semaphore_mem>>)
      %add3A_612 = arith.constant 1 : i32
      %add3A_613 = arith.addi %add3A_540, %add3A_612 : i32
      %ge3A_614 = arith.constant 2 : i32
      %ge3A_615 = arith.cmpi sge, %add3A_613, %ge3A_614 : i32
      %convert_element_type3A_616 = arith.extui %ge3A_615 : i1 to i32
      %cond3A_617 = arith.constant 0 : i32
      %cond3A_618 = arith.cmpi ne, %convert_element_type3A_616, %cond3A_617 : i32
      scf.if %cond3A_618 {
        %add3A_831 = arith.constant 0 : i32
        %add3A_832 = arith.addi %mul3A_2, %add3A_831 : i32
        %dma_wait3A_833 = arith.constant 0 : i32
        %dma_wait3A_834 = arith.constant 0 : i32
        %dma_wait3A_835 = arith.constant 0 : i32
        %dma_wait3A_836 = tpu.memref_slice %arg5[%dma_wait3A_833, %add3A_832, %dma_wait3A_834, %dma_wait3A_835] : memref<24x1600x8x128xf32, #tpu.memory_space<hbm>> -> memref<24x1x8x128xf32, #tpu.memory_space<hbm>>
        %dma_wait3A_837 = arith.constant 0 : i32
        %dma_wait3A_838 = arith.constant 0 : i32
        %dma_wait3A_839 = arith.constant 0 : i32
        %dma_wait3A_840 = tpu.memref_slice %arg5[%dma_wait3A_837, %add3A_832, %dma_wait3A_838, %dma_wait3A_839] : memref<24x1600x8x128xf32, #tpu.memory_space<hbm>> -> memref<24x1x8x128xf32, #tpu.memory_space<hbm>>
        tpu.wait_dma2 semaphore(%arg21 : memref<!tpu.dma_semaphore, #tpu.memory_space<semaphore_mem>>) src(%arg12 : memref<24x1x8x128xf32, #tpu.memory_space<vmem>>) dst(%dma_wait3A_840 : memref<24x1x8x128xf32, #tpu.memory_space<hbm>>)
      } else {
      }
      %add3A_619 = arith.addi %mul3A_2, %add3A_613 : i32
      %mul3A_620 = arith.constant 128 : i32
      %mul3A_621 = arith.muli %add3A_619, %mul3A_620 : i32
      %dma_start3A_622 = arith.constant 16 : i32
      %dma_start3A_623 = arith.constant 0 : i32
      %dma_start3A_624 = arith.constant 0 : i32
      %dma_start3A_625 = arith.constant 0 : i32
      %dma_start3A_626 = tpu.memref_slice %arg12[%dma_start3A_622, %dma_start3A_623, %dma_start3A_624, %dma_start3A_625] : memref<24x1x8x128xf32, #tpu.memory_space<vmem>> -> memref<8x1x8x128xf32, #tpu.memory_space<vmem>>
      %dma_start3A_627 = arith.constant 0 : i32
      %dma_start3A_628 = arith.constant 0 : i32
      %dma_start3A_629 = arith.constant 0 : i32
      %dma_start3A_630 = tpu.memref_slice %arg3[%dma_start3A_627, %dma_start3A_628, %dma_start3A_629, %mul3A_621] : memref<8x1x8x204800xf32, #tpu.memory_space<hbm>> -> memref<8x1x8x128xf32, #tpu.memory_space<hbm>>
      %dma_start3A_631 = arith.constant 16 : i32
      %dma_start3A_632 = arith.constant 0 : i32
      %dma_start3A_633 = arith.constant 0 : i32
      %dma_start3A_634 = arith.constant 0 : i32
      %dma_start3A_635 = tpu.memref_slice %arg12[%dma_start3A_631, %dma_start3A_632, %dma_start3A_633, %dma_start3A_634] : memref<24x1x8x128xf32, #tpu.memory_space<vmem>> -> memref<8x1x8x128xf32, #tpu.memory_space<vmem>>
      %dma_start3A_636 = arith.constant 0 : i32
      %dma_start3A_637 = arith.constant 0 : i32
      %dma_start3A_638 = arith.constant 0 : i32
      %dma_start3A_639 = tpu.memref_slice %arg3[%dma_start3A_636, %dma_start3A_637, %dma_start3A_638, %mul3A_621] : memref<8x1x8x204800xf32, #tpu.memory_space<hbm>> -> memref<8x1x8x128xf32, #tpu.memory_space<hbm>>
      tpu.enqueue_dma source(%dma_start3A_639 : memref<8x1x8x128xf32, #tpu.memory_space<hbm>>) target(%dma_start3A_635 : memref<8x1x8x128xf32, #tpu.memory_space<vmem>>) target_semaphore(%arg19 : memref<!tpu.dma_semaphore, #tpu.memory_space<semaphore_mem>>)
      %dma_wait3A_640 = arith.constant 0 : i32
      %dma_wait3A_641 = arith.constant 0 : i32
      %dma_wait3A_642 = tpu.memref_slice %arg4[%dma_wait3A_640, %dma_wait3A_641] : memref<100000x128xf32, #tpu.memory_space<hbm>> -> memref<128x128xf32, #tpu.memory_space<hbm>>
      %dma_wait3A_643 = arith.constant 0 : i32
      %dma_wait3A_644 = arith.constant 0 : i32
      %dma_wait3A_645 = tpu.memref_slice %arg4[%dma_wait3A_643, %dma_wait3A_644] : memref<100000x128xf32, #tpu.memory_space<hbm>> -> memref<128x128xf32, #tpu.memory_space<hbm>>
      tpu.wait_dma2 semaphore(%arg15 : memref<!tpu.dma_semaphore, #tpu.memory_space<semaphore_mem>>) src(%dma_wait3A_645 : memref<128x128xf32, #tpu.memory_space<hbm>>) dst(%arg8 : memref<128x128xf32, #tpu.memory_space<vmem>>)
      %parallel_loop3A_646 = arith.constant 0 : i32
      %parallel_loop3A_647 = arith.constant 64 : i32
      %parallel_loop3A_648 = arith.constant 1 : i32
      scf.for %parallel_loop3A_831 = %parallel_loop3A_646 to %parallel_loop3A_647 step %parallel_loop3A_648  : i32 {
        %parallel_loop3A_832 = arith.constant 3 : i32
        %parallel_loop3A_833 = arith.shrsi %parallel_loop3A_831, %parallel_loop3A_832 : i32
        %parallel_loop3A_834 = arith.constant 16 : i32
        %parallel_loop3A_835 = arith.muli %parallel_loop3A_833, %parallel_loop3A_834 : i32
        %parallel_loop3A_836 = arith.constant 7 : i32
        %parallel_loop3A_837 = arith.andi %parallel_loop3A_831, %parallel_loop3A_836 : i32
        %parallel_loop3A_838 = arith.constant 16 : i32
        %parallel_loop3A_839 = arith.muli %parallel_loop3A_837, %parallel_loop3A_838 : i32
        %parallel_loop3A_840 = arith.constant 128 : i32
        %parallel_loop3A_841 = arith.muli %parallel_loop3A_835, %parallel_loop3A_840 : i32
        %parallel_loop3A_842 = arith.addi %parallel_loop3A_841, %parallel_loop3A_839 : i32
        %parallel_loop3A_843 = vector.broadcast %parallel_loop3A_842 : i32 to vector<16xi32>
        %parallel_loop3A_844 = arith.addi %add3A_54, %parallel_loop3A_843 : vector<16xi32>
        %parallel_loop3A_845 = tpu.vector_load_idx %arg8[%broadcast_in_dim3A_45, %parallel_loop3A_844] : memref<128x128xf32, #tpu.memory_space<vmem>>[vector<16xi32>, vector<16xi32>], vector<16xf32>,
        %parallel_loop3A_846 = arith.constant 128 : i32
        %parallel_loop3A_847 = arith.muli %parallel_loop3A_839, %parallel_loop3A_846 : i32
        %parallel_loop3A_848 = arith.addi %parallel_loop3A_847, %parallel_loop3A_835 : i32
        %parallel_loop3A_849 = vector.broadcast %parallel_loop3A_848 : i32 to vector<16xi32>
        %parallel_loop3A_850 = arith.addi %add3A_214, %parallel_loop3A_849 : vector<16xi32>
        tpu.vector_store_idx %arg12[%broadcast_in_dim3A_45, %broadcast_in_dim3A_45, %broadcast_in_dim3A_45, %parallel_loop3A_850], %parallel_loop3A_845 : memref<24x1x8x128xf32, #tpu.memory_space<vmem>>[vector<16xi32>, vector<16xi32>, vector<16xi32>, vector<16xi32>], vector<16xf32>,
        %parallel_loop3A_851 = arith.constant 128 : i32
        %parallel_loop3A_852 = arith.muli %parallel_loop3A_835, %parallel_loop3A_851 : i32
        %parallel_loop3A_853 = arith.addi %parallel_loop3A_852, %parallel_loop3A_839 : i32
        %parallel_loop3A_854 = vector.broadcast %parallel_loop3A_853 : i32 to vector<16xi32>
        %parallel_loop3A_855 = arith.addi %add3A_64, %parallel_loop3A_854 : vector<16xi32>
        %parallel_loop3A_856 = tpu.vector_load_idx %arg8[%broadcast_in_dim3A_45, %parallel_loop3A_855] : memref<128x128xf32, #tpu.memory_space<vmem>>[vector<16xi32>, vector<16xi32>], vector<16xf32>,
        %parallel_loop3A_857 = arith.constant 128 : i32
        %parallel_loop3A_858 = arith.muli %parallel_loop3A_839, %parallel_loop3A_857 : i32
        %parallel_loop3A_859 = arith.addi %parallel_loop3A_858, %parallel_loop3A_835 : i32
        %parallel_loop3A_860 = vector.broadcast %parallel_loop3A_859 : i32 to vector<16xi32>
        %parallel_loop3A_861 = arith.addi %add3A_224, %parallel_loop3A_860 : vector<16xi32>
        tpu.vector_store_idx %arg12[%broadcast_in_dim3A_45, %broadcast_in_dim3A_45, %broadcast_in_dim3A_45, %parallel_loop3A_861], %parallel_loop3A_856 : memref<24x1x8x128xf32, #tpu.memory_space<vmem>>[vector<16xi32>, vector<16xi32>, vector<16xi32>, vector<16xi32>], vector<16xf32>,
        %parallel_loop3A_862 = arith.constant 128 : i32
        %parallel_loop3A_863 = arith.muli %parallel_loop3A_835, %parallel_loop3A_862 : i32
        %parallel_loop3A_864 = arith.addi %parallel_loop3A_863, %parallel_loop3A_839 : i32
        %parallel_loop3A_865 = vector.broadcast %parallel_loop3A_864 : i32 to vector<16xi32>
        %parallel_loop3A_866 = arith.addi %add3A_74, %parallel_loop3A_865 : vector<16xi32>
        %parallel_loop3A_867 = tpu.vector_load_idx %arg8[%broadcast_in_dim3A_45, %parallel_loop3A_866] : memref<128x128xf32, #tpu.memory_space<vmem>>[vector<16xi32>, vector<16xi32>], vector<16xf32>,
        %parallel_loop3A_868 = arith.constant 128 : i32
        %parallel_loop3A_869 = arith.muli %parallel_loop3A_839, %parallel_loop3A_868 : i32
        %parallel_loop3A_870 = arith.addi %parallel_loop3A_869, %parallel_loop3A_835 : i32
        %parallel_loop3A_871 = vector.broadcast %parallel_loop3A_870 : i32 to vector<16xi32>
        %parallel_loop3A_872 = arith.addi %add3A_234, %parallel_loop3A_871 : vector<16xi32>
        tpu.vector_store_idx %arg12[%broadcast_in_dim3A_45, %broadcast_in_dim3A_45, %broadcast_in_dim3A_45, %parallel_loop3A_872], %parallel_loop3A_867 : memref<24x1x8x128xf32, #tpu.memory_space<vmem>>[vector<16xi32>, vector<16xi32>, vector<16xi32>, vector<16xi32>], vector<16xf32>,
        %parallel_loop3A_873 = arith.constant 128 : i32
        %parallel_loop3A_874 = arith.muli %parallel_loop3A_835, %parallel_loop3A_873 : i32
        %parallel_loop3A_875 = arith.addi %parallel_loop3A_874, %parallel_loop3A_839 : i32
        %parallel_loop3A_876 = vector.broadcast %parallel_loop3A_875 : i32 to vector<16xi32>
        %parallel_loop3A_877 = arith.addi %add3A_84, %parallel_loop3A_876 : vector<16xi32>
        %parallel_loop3A_878 = tpu.vector_load_idx %arg8[%broadcast_in_dim3A_45, %parallel_loop3A_877] : memref<128x128xf32, #tpu.memory_space<vmem>>[vector<16xi32>, vector<16xi32>], vector<16xf32>,
        %parallel_loop3A_879 = arith.constant 128 : i32
        %parallel_loop3A_880 = arith.muli %parallel_loop3A_839, %parallel_loop3A_879 : i32
        %parallel_loop3A_881 = arith.addi %parallel_loop3A_880, %parallel_loop3A_835 : i32
        %parallel_loop3A_882 = vector.broadcast %parallel_loop3A_881 : i32 to vector<16xi32>
        %parallel_loop3A_883 = arith.addi %add3A_244, %parallel_loop3A_882 : vector<16xi32>
        tpu.vector_store_idx %arg12[%broadcast_in_dim3A_45, %broadcast_in_dim3A_45, %broadcast_in_dim3A_45, %parallel_loop3A_883], %parallel_loop3A_878 : memref<24x1x8x128xf32, #tpu.memory_space<vmem>>[vector<16xi32>, vector<16xi32>, vector<16xi32>, vector<16xi32>], vector<16xf32>,
        %parallel_loop3A_884 = arith.constant 128 : i32
        %parallel_loop3A_885 = arith.muli %parallel_loop3A_835, %parallel_loop3A_884 : i32
        %parallel_loop3A_886 = arith.addi %parallel_loop3A_885, %parallel_loop3A_839 : i32
        %parallel_loop3A_887 = vector.broadcast %parallel_loop3A_886 : i32 to vector<16xi32>
        %parallel_loop3A_888 = arith.addi %add3A_94, %parallel_loop3A_887 : vector<16xi32>
        %parallel_loop3A_889 = tpu.vector_load_idx %arg8[%broadcast_in_dim3A_45, %parallel_loop3A_888] : memref<128x128xf32, #tpu.memory_space<vmem>>[vector<16xi32>, vector<16xi32>], vector<16xf32>,
        %parallel_loop3A_890 = arith.constant 128 : i32
        %parallel_loop3A_891 = arith.muli %parallel_loop3A_839, %parallel_loop3A_890 : i32
        %parallel_loop3A_892 = arith.addi %parallel_loop3A_891, %parallel_loop3A_835 : i32
        %parallel_loop3A_893 = vector.broadcast %parallel_loop3A_892 : i32 to vector<16xi32>
        %parallel_loop3A_894 = arith.addi %add3A_254, %parallel_loop3A_893 : vector<16xi32>
        tpu.vector_store_idx %arg12[%broadcast_in_dim3A_45, %broadcast_in_dim3A_45, %broadcast_in_dim3A_45, %parallel_loop3A_894], %parallel_loop3A_889 : memref<24x1x8x128xf32, #tpu.memory_space<vmem>>[vector<16xi32>, vector<16xi32>, vector<16xi32>, vector<16xi32>], vector<16xf32>,
        %parallel_loop3A_895 = arith.constant 128 : i32
        %parallel_loop3A_896 = arith.muli %parallel_loop3A_835, %parallel_loop3A_895 : i32
        %parallel_loop3A_897 = arith.addi %parallel_loop3A_896, %parallel_loop3A_839 : i32
        %parallel_loop3A_898 = vector.broadcast %parallel_loop3A_897 : i32 to vector<16xi32>
        %parallel_loop3A_899 = arith.addi %add3A_104, %parallel_loop3A_898 : vector<16xi32>
        %parallel_loop3A_900 = tpu.vector_load_idx %arg8[%broadcast_in_dim3A_45, %parallel_loop3A_899] : memref<128x128xf32, #tpu.memory_space<vmem>>[vector<16xi32>, vector<16xi32>], vector<16xf32>,
        %parallel_loop3A_901 = arith.constant 128 : i32
        %parallel_loop3A_902 = arith.muli %parallel_loop3A_839, %parallel_loop3A_901 : i32
        %parallel_loop3A_903 = arith.addi %parallel_loop3A_902, %parallel_loop3A_835 : i32
        %parallel_loop3A_904 = vector.broadcast %parallel_loop3A_903 : i32 to vector<16xi32>
        %parallel_loop3A_905 = arith.addi %add3A_264, %parallel_loop3A_904 : vector<16xi32>
        tpu.vector_store_idx %arg12[%broadcast_in_dim3A_45, %broadcast_in_dim3A_45, %broadcast_in_dim3A_45, %parallel_loop3A_905], %parallel_loop3A_900 : memref<24x1x8x128xf32, #tpu.memory_space<vmem>>[vector<16xi32>, vector<16xi32>, vector<16xi32>, vector<16xi32>], vector<16xf32>,
        %parallel_loop3A_906 = arith.constant 128 : i32
        %parallel_loop3A_907 = arith.muli %parallel_loop3A_835, %parallel_loop3A_906 : i32
        %parallel_loop3A_908 = arith.addi %parallel_loop3A_907, %parallel_loop3A_839 : i32
        %parallel_loop3A_909 = vector.broadcast %parallel_loop3A_908 : i32 to vector<16xi32>
        %parallel_loop3A_910 = arith.addi %add3A_114, %parallel_loop3A_909 : vector<16xi32>
        %parallel_loop3A_911 = tpu.vector_load_idx %arg8[%broadcast_in_dim3A_45, %parallel_loop3A_910] : memref<128x128xf32, #tpu.memory_space<vmem>>[vector<16xi32>, vector<16xi32>], vector<16xf32>,
        %parallel_loop3A_912 = arith.constant 128 : i32
        %parallel_loop3A_913 = arith.muli %parallel_loop3A_839, %parallel_loop3A_912 : i32
        %parallel_loop3A_914 = arith.addi %parallel_loop3A_913, %parallel_loop3A_835 : i32
        %parallel_loop3A_915 = vector.broadcast %parallel_loop3A_914 : i32 to vector<16xi32>
        %parallel_loop3A_916 = arith.addi %add3A_274, %parallel_loop3A_915 : vector<16xi32>
        tpu.vector_store_idx %arg12[%broadcast_in_dim3A_45, %broadcast_in_dim3A_45, %broadcast_in_dim3A_45, %parallel_loop3A_916], %parallel_loop3A_911 : memref<24x1x8x128xf32, #tpu.memory_space<vmem>>[vector<16xi32>, vector<16xi32>, vector<16xi32>, vector<16xi32>], vector<16xf32>,
        %parallel_loop3A_917 = arith.constant 128 : i32
        %parallel_loop3A_918 = arith.muli %parallel_loop3A_835, %parallel_loop3A_917 : i32
        %parallel_loop3A_919 = arith.addi %parallel_loop3A_918, %parallel_loop3A_839 : i32
        %parallel_loop3A_920 = vector.broadcast %parallel_loop3A_919 : i32 to vector<16xi32>
        %parallel_loop3A_921 = arith.addi %add3A_124, %parallel_loop3A_920 : vector<16xi32>
        %parallel_loop3A_922 = tpu.vector_load_idx %arg8[%broadcast_in_dim3A_45, %parallel_loop3A_921] : memref<128x128xf32, #tpu.memory_space<vmem>>[vector<16xi32>, vector<16xi32>], vector<16xf32>,
        %parallel_loop3A_923 = arith.constant 128 : i32
        %parallel_loop3A_924 = arith.muli %parallel_loop3A_839, %parallel_loop3A_923 : i32
        %parallel_loop3A_925 = arith.addi %parallel_loop3A_924, %parallel_loop3A_835 : i32
        %parallel_loop3A_926 = vector.broadcast %parallel_loop3A_925 : i32 to vector<16xi32>
        %parallel_loop3A_927 = arith.addi %add3A_284, %parallel_loop3A_926 : vector<16xi32>
        tpu.vector_store_idx %arg12[%broadcast_in_dim3A_45, %broadcast_in_dim3A_45, %broadcast_in_dim3A_45, %parallel_loop3A_927], %parallel_loop3A_922 : memref<24x1x8x128xf32, #tpu.memory_space<vmem>>[vector<16xi32>, vector<16xi32>, vector<16xi32>, vector<16xi32>], vector<16xf32>,
        %parallel_loop3A_928 = arith.constant 128 : i32
        %parallel_loop3A_929 = arith.muli %parallel_loop3A_835, %parallel_loop3A_928 : i32
        %parallel_loop3A_930 = arith.addi %parallel_loop3A_929, %parallel_loop3A_839 : i32
        %parallel_loop3A_931 = vector.broadcast %parallel_loop3A_930 : i32 to vector<16xi32>
        %parallel_loop3A_932 = arith.addi %add3A_134, %parallel_loop3A_931 : vector<16xi32>
        %parallel_loop3A_933 = tpu.vector_load_idx %arg8[%broadcast_in_dim3A_45, %parallel_loop3A_932] : memref<128x128xf32, #tpu.memory_space<vmem>>[vector<16xi32>, vector<16xi32>], vector<16xf32>,
        %parallel_loop3A_934 = arith.constant 128 : i32
        %parallel_loop3A_935 = arith.muli %parallel_loop3A_839, %parallel_loop3A_934 : i32
        %parallel_loop3A_936 = arith.addi %parallel_loop3A_935, %parallel_loop3A_835 : i32
        %parallel_loop3A_937 = vector.broadcast %parallel_loop3A_936 : i32 to vector<16xi32>
        %parallel_loop3A_938 = arith.addi %add3A_294, %parallel_loop3A_937 : vector<16xi32>
        tpu.vector_store_idx %arg12[%broadcast_in_dim3A_45, %broadcast_in_dim3A_45, %broadcast_in_dim3A_45, %parallel_loop3A_938], %parallel_loop3A_933 : memref<24x1x8x128xf32, #tpu.memory_space<vmem>>[vector<16xi32>, vector<16xi32>, vector<16xi32>, vector<16xi32>], vector<16xf32>,
        %parallel_loop3A_939 = arith.constant 128 : i32
        %parallel_loop3A_940 = arith.muli %parallel_loop3A_835, %parallel_loop3A_939 : i32
        %parallel_loop3A_941 = arith.addi %parallel_loop3A_940, %parallel_loop3A_839 : i32
        %parallel_loop3A_942 = vector.broadcast %parallel_loop3A_941 : i32 to vector<16xi32>
        %parallel_loop3A_943 = arith.addi %add3A_144, %parallel_loop3A_942 : vector<16xi32>
        %parallel_loop3A_944 = tpu.vector_load_idx %arg8[%broadcast_in_dim3A_45, %parallel_loop3A_943] : memref<128x128xf32, #tpu.memory_space<vmem>>[vector<16xi32>, vector<16xi32>], vector<16xf32>,
        %parallel_loop3A_945 = arith.constant 128 : i32
        %parallel_loop3A_946 = arith.muli %parallel_loop3A_839, %parallel_loop3A_945 : i32
        %parallel_loop3A_947 = arith.addi %parallel_loop3A_946, %parallel_loop3A_835 : i32
        %parallel_loop3A_948 = vector.broadcast %parallel_loop3A_947 : i32 to vector<16xi32>
        %parallel_loop3A_949 = arith.addi %add3A_304, %parallel_loop3A_948 : vector<16xi32>
        tpu.vector_store_idx %arg12[%broadcast_in_dim3A_45, %broadcast_in_dim3A_45, %broadcast_in_dim3A_45, %parallel_loop3A_949], %parallel_loop3A_944 : memref<24x1x8x128xf32, #tpu.memory_space<vmem>>[vector<16xi32>, vector<16xi32>, vector<16xi32>, vector<16xi32>], vector<16xf32>,
        %parallel_loop3A_950 = arith.constant 128 : i32
        %parallel_loop3A_951 = arith.muli %parallel_loop3A_835, %parallel_loop3A_950 : i32
        %parallel_loop3A_952 = arith.addi %parallel_loop3A_951, %parallel_loop3A_839 : i32
        %parallel_loop3A_953 = vector.broadcast %parallel_loop3A_952 : i32 to vector<16xi32>
        %parallel_loop3A_954 = arith.addi %add3A_154, %parallel_loop3A_953 : vector<16xi32>
        %parallel_loop3A_955 = tpu.vector_load_idx %arg8[%broadcast_in_dim3A_45, %parallel_loop3A_954] : memref<128x128xf32, #tpu.memory_space<vmem>>[vector<16xi32>, vector<16xi32>], vector<16xf32>,
        %parallel_loop3A_956 = arith.constant 128 : i32
        %parallel_loop3A_957 = arith.muli %parallel_loop3A_839, %parallel_loop3A_956 : i32
        %parallel_loop3A_958 = arith.addi %parallel_loop3A_957, %parallel_loop3A_835 : i32
        %parallel_loop3A_959 = vector.broadcast %parallel_loop3A_958 : i32 to vector<16xi32>
        %parallel_loop3A_960 = arith.addi %add3A_314, %parallel_loop3A_959 : vector<16xi32>
        tpu.vector_store_idx %arg12[%broadcast_in_dim3A_45, %broadcast_in_dim3A_45, %broadcast_in_dim3A_45, %parallel_loop3A_960], %parallel_loop3A_955 : memref<24x1x8x128xf32, #tpu.memory_space<vmem>>[vector<16xi32>, vector<16xi32>, vector<16xi32>, vector<16xi32>], vector<16xf32>,
        %parallel_loop3A_961 = arith.constant 128 : i32
        %parallel_loop3A_962 = arith.muli %parallel_loop3A_835, %parallel_loop3A_961 : i32
        %parallel_loop3A_963 = arith.addi %parallel_loop3A_962, %parallel_loop3A_839 : i32
        %parallel_loop3A_964 = vector.broadcast %parallel_loop3A_963 : i32 to vector<16xi32>
        %parallel_loop3A_965 = arith.addi %add3A_164, %parallel_loop3A_964 : vector<16xi32>
        %parallel_loop3A_966 = tpu.vector_load_idx %arg8[%broadcast_in_dim3A_45, %parallel_loop3A_965] : memref<128x128xf32, #tpu.memory_space<vmem>>[vector<16xi32>, vector<16xi32>], vector<16xf32>,
        %parallel_loop3A_967 = arith.constant 128 : i32
        %parallel_loop3A_968 = arith.muli %parallel_loop3A_839, %parallel_loop3A_967 : i32
        %parallel_loop3A_969 = arith.addi %parallel_loop3A_968, %parallel_loop3A_835 : i32
        %parallel_loop3A_970 = vector.broadcast %parallel_loop3A_969 : i32 to vector<16xi32>
        %parallel_loop3A_971 = arith.addi %add3A_324, %parallel_loop3A_970 : vector<16xi32>
        tpu.vector_store_idx %arg12[%broadcast_in_dim3A_45, %broadcast_in_dim3A_45, %broadcast_in_dim3A_45, %parallel_loop3A_971], %parallel_loop3A_966 : memref<24x1x8x128xf32, #tpu.memory_space<vmem>>[vector<16xi32>, vector<16xi32>, vector<16xi32>, vector<16xi32>], vector<16xf32>,
        %parallel_loop3A_972 = arith.constant 128 : i32
        %parallel_loop3A_973 = arith.muli %parallel_loop3A_835, %parallel_loop3A_972 : i32
        %parallel_loop3A_974 = arith.addi %parallel_loop3A_973, %parallel_loop3A_839 : i32
        %parallel_loop3A_975 = vector.broadcast %parallel_loop3A_974 : i32 to vector<16xi32>
        %parallel_loop3A_976 = arith.addi %add3A_174, %parallel_loop3A_975 : vector<16xi32>
        %parallel_loop3A_977 = tpu.vector_load_idx %arg8[%broadcast_in_dim3A_45, %parallel_loop3A_976] : memref<128x128xf32, #tpu.memory_space<vmem>>[vector<16xi32>, vector<16xi32>], vector<16xf32>,
        %parallel_loop3A_978 = arith.constant 128 : i32
        %parallel_loop3A_979 = arith.muli %parallel_loop3A_839, %parallel_loop3A_978 : i32
        %parallel_loop3A_980 = arith.addi %parallel_loop3A_979, %parallel_loop3A_835 : i32
        %parallel_loop3A_981 = vector.broadcast %parallel_loop3A_980 : i32 to vector<16xi32>
        %parallel_loop3A_982 = arith.addi %add3A_334, %parallel_loop3A_981 : vector<16xi32>
        tpu.vector_store_idx %arg12[%broadcast_in_dim3A_45, %broadcast_in_dim3A_45, %broadcast_in_dim3A_45, %parallel_loop3A_982], %parallel_loop3A_977 : memref<24x1x8x128xf32, #tpu.memory_space<vmem>>[vector<16xi32>, vector<16xi32>, vector<16xi32>, vector<16xi32>], vector<16xf32>,
        %parallel_loop3A_983 = arith.constant 128 : i32
        %parallel_loop3A_984 = arith.muli %parallel_loop3A_835, %parallel_loop3A_983 : i32
        %parallel_loop3A_985 = arith.addi %parallel_loop3A_984, %parallel_loop3A_839 : i32
        %parallel_loop3A_986 = vector.broadcast %parallel_loop3A_985 : i32 to vector<16xi32>
        %parallel_loop3A_987 = arith.addi %add3A_184, %parallel_loop3A_986 : vector<16xi32>
        %parallel_loop3A_988 = tpu.vector_load_idx %arg8[%broadcast_in_dim3A_45, %parallel_loop3A_987] : memref<128x128xf32, #tpu.memory_space<vmem>>[vector<16xi32>, vector<16xi32>], vector<16xf32>,
        %parallel_loop3A_989 = arith.constant 128 : i32
        %parallel_loop3A_990 = arith.muli %parallel_loop3A_839, %parallel_loop3A_989 : i32
        %parallel_loop3A_991 = arith.addi %parallel_loop3A_990, %parallel_loop3A_835 : i32
        %parallel_loop3A_992 = vector.broadcast %parallel_loop3A_991 : i32 to vector<16xi32>
        %parallel_loop3A_993 = arith.addi %add3A_344, %parallel_loop3A_992 : vector<16xi32>
        tpu.vector_store_idx %arg12[%broadcast_in_dim3A_45, %broadcast_in_dim3A_45, %broadcast_in_dim3A_45, %parallel_loop3A_993], %parallel_loop3A_988 : memref<24x1x8x128xf32, #tpu.memory_space<vmem>>[vector<16xi32>, vector<16xi32>, vector<16xi32>, vector<16xi32>], vector<16xf32>,
        %parallel_loop3A_994 = arith.constant 128 : i32
        %parallel_loop3A_995 = arith.muli %parallel_loop3A_835, %parallel_loop3A_994 : i32
        %parallel_loop3A_996 = arith.addi %parallel_loop3A_995, %parallel_loop3A_839 : i32
        %parallel_loop3A_997 = vector.broadcast %parallel_loop3A_996 : i32 to vector<16xi32>
        %parallel_loop3A_998 = arith.addi %add3A_194, %parallel_loop3A_997 : vector<16xi32>
        %parallel_loop3A_999 = tpu.vector_load_idx %arg8[%broadcast_in_dim3A_45, %parallel_loop3A_998] : memref<128x128xf32, #tpu.memory_space<vmem>>[vector<16xi32>, vector<16xi32>], vector<16xf32>,
        %parallel_loop3A_1000 = arith.constant 128 : i32
        %parallel_loop3A_1001 = arith.muli %parallel_loop3A_839, %parallel_loop3A_1000 : i32
        %parallel_loop3A_1002 = arith.addi %parallel_loop3A_1001, %parallel_loop3A_835 : i32
        %parallel_loop3A_1003 = vector.broadcast %parallel_loop3A_1002 : i32 to vector<16xi32>
        %parallel_loop3A_1004 = arith.addi %add3A_354, %parallel_loop3A_1003 : vector<16xi32>
        tpu.vector_store_idx %arg12[%broadcast_in_dim3A_45, %broadcast_in_dim3A_45, %broadcast_in_dim3A_45, %parallel_loop3A_1004], %parallel_loop3A_999 : memref<24x1x8x128xf32, #tpu.memory_space<vmem>>[vector<16xi32>, vector<16xi32>, vector<16xi32>, vector<16xi32>], vector<16xf32>,
        %parallel_loop3A_1005 = arith.constant 128 : i32
        %parallel_loop3A_1006 = arith.muli %parallel_loop3A_835, %parallel_loop3A_1005 : i32
        %parallel_loop3A_1007 = arith.addi %parallel_loop3A_1006, %parallel_loop3A_839 : i32
        %parallel_loop3A_1008 = vector.broadcast %parallel_loop3A_1007 : i32 to vector<16xi32>
        %parallel_loop3A_1009 = arith.addi %add3A_204, %parallel_loop3A_1008 : vector<16xi32>
        %parallel_loop3A_1010 = tpu.vector_load_idx %arg8[%broadcast_in_dim3A_45, %parallel_loop3A_1009] : memref<128x128xf32, #tpu.memory_space<vmem>>[vector<16xi32>, vector<16xi32>], vector<16xf32>,
        %parallel_loop3A_1011 = arith.constant 128 : i32
        %parallel_loop3A_1012 = arith.muli %parallel_loop3A_839, %parallel_loop3A_1011 : i32
        %parallel_loop3A_1013 = arith.addi %parallel_loop3A_1012, %parallel_loop3A_835 : i32
        %parallel_loop3A_1014 = vector.broadcast %parallel_loop3A_1013 : i32 to vector<16xi32>
        %parallel_loop3A_1015 = arith.addi %add3A_364, %parallel_loop3A_1014 : vector<16xi32>
        tpu.vector_store_idx %arg12[%broadcast_in_dim3A_45, %broadcast_in_dim3A_45, %broadcast_in_dim3A_45, %parallel_loop3A_1015], %parallel_loop3A_1010 : memref<24x1x8x128xf32, #tpu.memory_space<vmem>>[vector<16xi32>, vector<16xi32>, vector<16xi32>, vector<16xi32>], vector<16xf32>,
      } {sc.loop_unroll_factor = 2 : i64, sc.parallel_access}
      %add3A_649 = arith.constant 4 : i32
      %add3A_650 = arith.addi %add3A_613, %add3A_649 : i32
      %lt3A_651 = arith.constant 50 : i32
      %lt3A_652 = arith.cmpi slt, %add3A_650, %lt3A_651 : i32
      %convert_element_type3A_653 = arith.extui %lt3A_652 : i1 to i32
      %cond3A_654 = arith.constant 0 : i32
      %cond3A_655 = arith.cmpi ne, %convert_element_type3A_653, %cond3A_654 : i32
      scf.if %cond3A_655 {
        %add3A_831 = arith.constant 4 : i32
        %add3A_832 = arith.addi %add3A_613, %add3A_831 : i32
        %dma_start3A_833 = arith.constant 0 : i32
        %dma_start3A_834 = tpu.memref_slice %arg6[%add3A_832, %dma_start3A_833] : memref<50x128xi32, #tpu.memory_space<vmem>> -> memref<1x128xi32, #tpu.memory_space<vmem>>
        %dma_start3A_835 = tpu.memref_squeeze %dma_start3A_834 : memref<1x128xi32, #tpu.memory_space<vmem>> -> memref<128xi32, #tpu.memory_space<vmem>>
        %dma_start3A_836 = arith.constant 0 : i32
        %dma_start3A_837 = arith.constant 0 : i32
        %dma_start3A_838 = tpu.memref_slice %arg4[%dma_start3A_836, %dma_start3A_837] : memref<100000x128xf32, #tpu.memory_space<hbm>> -> memref<100000x128xf32, #tpu.memory_space<hbm>>
        tpu.enqueue_indirect_dma source(%dma_start3A_838 : memref<100000x128xf32, #tpu.memory_space<hbm>>) target(%arg8 : memref<128x128xf32, #tpu.memory_space<vmem>>) offsets(%dma_start3A_835 : memref<128xi32, #tpu.memory_space<vmem>>) semaphore(%arg15 : memref<!tpu.dma_semaphore, #tpu.memory_space<semaphore_mem>>)
      } else {
      }
      %dma_wait3A_656 = arith.constant 16 : i32
      %dma_wait3A_657 = arith.constant 0 : i32
      %dma_wait3A_658 = arith.constant 0 : i32
      %dma_wait3A_659 = arith.constant 0 : i32
      %dma_wait3A_660 = tpu.memref_slice %arg12[%dma_wait3A_656, %dma_wait3A_657, %dma_wait3A_658, %dma_wait3A_659] : memref<24x1x8x128xf32, #tpu.memory_space<vmem>> -> memref<8x1x8x128xf32, #tpu.memory_space<vmem>>
      %dma_wait3A_661 = arith.constant 0 : i32
      %dma_wait3A_662 = arith.constant 0 : i32
      %dma_wait3A_663 = arith.constant 0 : i32
      %dma_wait3A_664 = arith.constant 0 : i32
      %dma_wait3A_665 = tpu.memref_slice %arg3[%dma_wait3A_661, %dma_wait3A_662, %dma_wait3A_663, %dma_wait3A_664] : memref<8x1x8x204800xf32, #tpu.memory_space<hbm>> -> memref<8x1x8x128xf32, #tpu.memory_space<hbm>>
      %dma_wait3A_666 = arith.constant 16 : i32
      %dma_wait3A_667 = arith.constant 0 : i32
      %dma_wait3A_668 = arith.constant 0 : i32
      %dma_wait3A_669 = arith.constant 0 : i32
      %dma_wait3A_670 = tpu.memref_slice %arg12[%dma_wait3A_666, %dma_wait3A_667, %dma_wait3A_668, %dma_wait3A_669] : memref<24x1x8x128xf32, #tpu.memory_space<vmem>> -> memref<8x1x8x128xf32, #tpu.memory_space<vmem>>
      %dma_wait3A_671 = arith.constant 0 : i32
      %dma_wait3A_672 = arith.constant 0 : i32
      %dma_wait3A_673 = arith.constant 0 : i32
      %dma_wait3A_674 = arith.constant 0 : i32
      %dma_wait3A_675 = tpu.memref_slice %arg3[%dma_wait3A_671, %dma_wait3A_672, %dma_wait3A_673, %dma_wait3A_674] : memref<8x1x8x204800xf32, #tpu.memory_space<hbm>> -> memref<8x1x8x128xf32, #tpu.memory_space<hbm>>
      tpu.wait_dma2 semaphore(%arg19 : memref<!tpu.dma_semaphore, #tpu.memory_space<semaphore_mem>>) src(%dma_wait3A_675 : memref<8x1x8x128xf32, #tpu.memory_space<hbm>>) dst(%dma_wait3A_670 : memref<8x1x8x128xf32, #tpu.memory_space<vmem>>)
      %add3A_676 = arith.addi %mul3A_2, %add3A_613 : i32
      %dma_start3A_677 = arith.constant 0 : i32
      %dma_start3A_678 = arith.constant 0 : i32
      %dma_start3A_679 = arith.constant 0 : i32
      %dma_start3A_680 = tpu.memref_slice %arg5[%dma_start3A_677, %add3A_676, %dma_start3A_678, %dma_start3A_679] : memref<24x1600x8x128xf32, #tpu.memory_space<hbm>> -> memref<24x1x8x128xf32, #tpu.memory_space<hbm>>
      %dma_start3A_681 = arith.constant 0 : i32
      %dma_start3A_682 = arith.constant 0 : i32
      %dma_start3A_683 = arith.constant 0 : i32
      %dma_start3A_684 = tpu.memref_slice %arg5[%dma_start3A_681, %add3A_676, %dma_start3A_682, %dma_start3A_683] : memref<24x1600x8x128xf32, #tpu.memory_space<hbm>> -> memref<24x1x8x128xf32, #tpu.memory_space<hbm>>
      tpu.enqueue_dma source(%arg12 : memref<24x1x8x128xf32, #tpu.memory_space<vmem>>) target(%dma_start3A_684 : memref<24x1x8x128xf32, #tpu.memory_space<hbm>>) target_semaphore(%arg21 : memref<!tpu.dma_semaphore, #tpu.memory_space<semaphore_mem>>)
      %add3A_685 = arith.constant 2 : i32
      %add3A_686 = arith.addi %add3A_540, %add3A_685 : i32
      %ge3A_687 = arith.constant 2 : i32
      %ge3A_688 = arith.cmpi sge, %add3A_686, %ge3A_687 : i32
      %convert_element_type3A_689 = arith.extui %ge3A_688 : i1 to i32
      %cond3A_690 = arith.constant 0 : i32
      %cond3A_691 = arith.cmpi ne, %convert_element_type3A_689, %cond3A_690 : i32
      scf.if %cond3A_691 {
        %add3A_831 = arith.constant 0 : i32
        %add3A_832 = arith.addi %mul3A_2, %add3A_831 : i32
        %dma_wait3A_833 = arith.constant 0 : i32
        %dma_wait3A_834 = arith.constant 0 : i32
        %dma_wait3A_835 = arith.constant 0 : i32
        %dma_wait3A_836 = tpu.memref_slice %arg5[%dma_wait3A_833, %add3A_832, %dma_wait3A_834, %dma_wait3A_835] : memref<24x1600x8x128xf32, #tpu.memory_space<hbm>> -> memref<24x1x8x128xf32, #tpu.memory_space<hbm>>
        %dma_wait3A_837 = arith.constant 0 : i32
        %dma_wait3A_838 = arith.constant 0 : i32
        %dma_wait3A_839 = arith.constant 0 : i32
        %dma_wait3A_840 = tpu.memref_slice %arg5[%dma_wait3A_837, %add3A_832, %dma_wait3A_838, %dma_wait3A_839] : memref<24x1600x8x128xf32, #tpu.memory_space<hbm>> -> memref<24x1x8x128xf32, #tpu.memory_space<hbm>>
        tpu.wait_dma2 semaphore(%arg20 : memref<!tpu.dma_semaphore, #tpu.memory_space<semaphore_mem>>) src(%arg11 : memref<24x1x8x128xf32, #tpu.memory_space<vmem>>) dst(%dma_wait3A_840 : memref<24x1x8x128xf32, #tpu.memory_space<hbm>>)
      } else {
      }
      %add3A_692 = arith.addi %mul3A_2, %add3A_686 : i32
      %mul3A_693 = arith.constant 128 : i32
      %mul3A_694 = arith.muli %add3A_692, %mul3A_693 : i32
      %dma_start3A_695 = arith.constant 16 : i32
      %dma_start3A_696 = arith.constant 0 : i32
      %dma_start3A_697 = arith.constant 0 : i32
      %dma_start3A_698 = arith.constant 0 : i32
      %dma_start3A_699 = tpu.memref_slice %arg11[%dma_start3A_695, %dma_start3A_696, %dma_start3A_697, %dma_start3A_698] : memref<24x1x8x128xf32, #tpu.memory_space<vmem>> -> memref<8x1x8x128xf32, #tpu.memory_space<vmem>>
      %dma_start3A_700 = arith.constant 0 : i32
      %dma_start3A_701 = arith.constant 0 : i32
      %dma_start3A_702 = arith.constant 0 : i32
      %dma_start3A_703 = tpu.memref_slice %arg3[%dma_start3A_700, %dma_start3A_701, %dma_start3A_702, %mul3A_694] : memref<8x1x8x204800xf32, #tpu.memory_space<hbm>> -> memref<8x1x8x128xf32, #tpu.memory_space<hbm>>
      %dma_start3A_704 = arith.constant 16 : i32
      %dma_start3A_705 = arith.constant 0 : i32
      %dma_start3A_706 = arith.constant 0 : i32
      %dma_start3A_707 = arith.constant 0 : i32
      %dma_start3A_708 = tpu.memref_slice %arg11[%dma_start3A_704, %dma_start3A_705, %dma_start3A_706, %dma_start3A_707] : memref<24x1x8x128xf32, #tpu.memory_space<vmem>> -> memref<8x1x8x128xf32, #tpu.memory_space<vmem>>
      %dma_start3A_709 = arith.constant 0 : i32
      %dma_start3A_710 = arith.constant 0 : i32
      %dma_start3A_711 = arith.constant 0 : i32
      %dma_start3A_712 = tpu.memref_slice %arg3[%dma_start3A_709, %dma_start3A_710, %dma_start3A_711, %mul3A_694] : memref<8x1x8x204800xf32, #tpu.memory_space<hbm>> -> memref<8x1x8x128xf32, #tpu.memory_space<hbm>>
      tpu.enqueue_dma source(%dma_start3A_712 : memref<8x1x8x128xf32, #tpu.memory_space<hbm>>) target(%dma_start3A_708 : memref<8x1x8x128xf32, #tpu.memory_space<vmem>>) target_semaphore(%arg18 : memref<!tpu.dma_semaphore, #tpu.memory_space<semaphore_mem>>)
      %dma_wait3A_713 = arith.constant 0 : i32
      %dma_wait3A_714 = arith.constant 0 : i32
      %dma_wait3A_715 = tpu.memref_slice %arg4[%dma_wait3A_713, %dma_wait3A_714] : memref<100000x128xf32, #tpu.memory_space<hbm>> -> memref<128x128xf32, #tpu.memory_space<hbm>>
      %dma_wait3A_716 = arith.constant 0 : i32
      %dma_wait3A_717 = arith.constant 0 : i32
      %dma_wait3A_718 = tpu.memref_slice %arg4[%dma_wait3A_716, %dma_wait3A_717] : memref<100000x128xf32, #tpu.memory_space<hbm>> -> memref<128x128xf32, #tpu.memory_space<hbm>>
      tpu.wait_dma2 semaphore(%arg16 : memref<!tpu.dma_semaphore, #tpu.memory_space<semaphore_mem>>) src(%dma_wait3A_718 : memref<128x128xf32, #tpu.memory_space<hbm>>) dst(%arg9 : memref<128x128xf32, #tpu.memory_space<vmem>>)
      %parallel_loop3A_719 = arith.constant 0 : i32
      %parallel_loop3A_720 = arith.constant 64 : i32
      %parallel_loop3A_721 = arith.constant 1 : i32
      scf.for %parallel_loop3A_831 = %parallel_loop3A_719 to %parallel_loop3A_720 step %parallel_loop3A_721  : i32 {
        %parallel_loop3A_832 = arith.constant 3 : i32
        %parallel_loop3A_833 = arith.shrsi %parallel_loop3A_831, %parallel_loop3A_832 : i32
        %parallel_loop3A_834 = arith.constant 16 : i32
        %parallel_loop3A_835 = arith.muli %parallel_loop3A_833, %parallel_loop3A_834 : i32
        %parallel_loop3A_836 = arith.constant 7 : i32
        %parallel_loop3A_837 = arith.andi %parallel_loop3A_831, %parallel_loop3A_836 : i32
        %parallel_loop3A_838 = arith.constant 16 : i32
        %parallel_loop3A_839 = arith.muli %parallel_loop3A_837, %parallel_loop3A_838 : i32
        %parallel_loop3A_840 = arith.constant 128 : i32
        %parallel_loop3A_841 = arith.muli %parallel_loop3A_835, %parallel_loop3A_840 : i32
        %parallel_loop3A_842 = arith.addi %parallel_loop3A_841, %parallel_loop3A_839 : i32
        %parallel_loop3A_843 = vector.broadcast %parallel_loop3A_842 : i32 to vector<16xi32>
        %parallel_loop3A_844 = arith.addi %add3A_54, %parallel_loop3A_843 : vector<16xi32>
        %parallel_loop3A_845 = tpu.vector_load_idx %arg9[%broadcast_in_dim3A_45, %parallel_loop3A_844] : memref<128x128xf32, #tpu.memory_space<vmem>>[vector<16xi32>, vector<16xi32>], vector<16xf32>,
        %parallel_loop3A_846 = arith.constant 128 : i32
        %parallel_loop3A_847 = arith.muli %parallel_loop3A_839, %parallel_loop3A_846 : i32
        %parallel_loop3A_848 = arith.addi %parallel_loop3A_847, %parallel_loop3A_835 : i32
        %parallel_loop3A_849 = vector.broadcast %parallel_loop3A_848 : i32 to vector<16xi32>
        %parallel_loop3A_850 = arith.addi %add3A_214, %parallel_loop3A_849 : vector<16xi32>
        tpu.vector_store_idx %arg11[%broadcast_in_dim3A_45, %broadcast_in_dim3A_45, %broadcast_in_dim3A_45, %parallel_loop3A_850], %parallel_loop3A_845 : memref<24x1x8x128xf32, #tpu.memory_space<vmem>>[vector<16xi32>, vector<16xi32>, vector<16xi32>, vector<16xi32>], vector<16xf32>,
        %parallel_loop3A_851 = arith.constant 128 : i32
        %parallel_loop3A_852 = arith.muli %parallel_loop3A_835, %parallel_loop3A_851 : i32
        %parallel_loop3A_853 = arith.addi %parallel_loop3A_852, %parallel_loop3A_839 : i32
        %parallel_loop3A_854 = vector.broadcast %parallel_loop3A_853 : i32 to vector<16xi32>
        %parallel_loop3A_855 = arith.addi %add3A_64, %parallel_loop3A_854 : vector<16xi32>
        %parallel_loop3A_856 = tpu.vector_load_idx %arg9[%broadcast_in_dim3A_45, %parallel_loop3A_855] : memref<128x128xf32, #tpu.memory_space<vmem>>[vector<16xi32>, vector<16xi32>], vector<16xf32>,
        %parallel_loop3A_857 = arith.constant 128 : i32
        %parallel_loop3A_858 = arith.muli %parallel_loop3A_839, %parallel_loop3A_857 : i32
        %parallel_loop3A_859 = arith.addi %parallel_loop3A_858, %parallel_loop3A_835 : i32
        %parallel_loop3A_860 = vector.broadcast %parallel_loop3A_859 : i32 to vector<16xi32>
        %parallel_loop3A_861 = arith.addi %add3A_224, %parallel_loop3A_860 : vector<16xi32>
        tpu.vector_store_idx %arg11[%broadcast_in_dim3A_45, %broadcast_in_dim3A_45, %broadcast_in_dim3A_45, %parallel_loop3A_861], %parallel_loop3A_856 : memref<24x1x8x128xf32, #tpu.memory_space<vmem>>[vector<16xi32>, vector<16xi32>, vector<16xi32>, vector<16xi32>], vector<16xf32>,
        %parallel_loop3A_862 = arith.constant 128 : i32
        %parallel_loop3A_863 = arith.muli %parallel_loop3A_835, %parallel_loop3A_862 : i32
        %parallel_loop3A_864 = arith.addi %parallel_loop3A_863, %parallel_loop3A_839 : i32
        %parallel_loop3A_865 = vector.broadcast %parallel_loop3A_864 : i32 to vector<16xi32>
        %parallel_loop3A_866 = arith.addi %add3A_74, %parallel_loop3A_865 : vector<16xi32>
        %parallel_loop3A_867 = tpu.vector_load_idx %arg9[%broadcast_in_dim3A_45, %parallel_loop3A_866] : memref<128x128xf32, #tpu.memory_space<vmem>>[vector<16xi32>, vector<16xi32>], vector<16xf32>,
        %parallel_loop3A_868 = arith.constant 128 : i32
        %parallel_loop3A_869 = arith.muli %parallel_loop3A_839, %parallel_loop3A_868 : i32
        %parallel_loop3A_870 = arith.addi %parallel_loop3A_869, %parallel_loop3A_835 : i32
        %parallel_loop3A_871 = vector.broadcast %parallel_loop3A_870 : i32 to vector<16xi32>
        %parallel_loop3A_872 = arith.addi %add3A_234, %parallel_loop3A_871 : vector<16xi32>
        tpu.vector_store_idx %arg11[%broadcast_in_dim3A_45, %broadcast_in_dim3A_45, %broadcast_in_dim3A_45, %parallel_loop3A_872], %parallel_loop3A_867 : memref<24x1x8x128xf32, #tpu.memory_space<vmem>>[vector<16xi32>, vector<16xi32>, vector<16xi32>, vector<16xi32>], vector<16xf32>,
        %parallel_loop3A_873 = arith.constant 128 : i32
        %parallel_loop3A_874 = arith.muli %parallel_loop3A_835, %parallel_loop3A_873 : i32
        %parallel_loop3A_875 = arith.addi %parallel_loop3A_874, %parallel_loop3A_839 : i32
        %parallel_loop3A_876 = vector.broadcast %parallel_loop3A_875 : i32 to vector<16xi32>
        %parallel_loop3A_877 = arith.addi %add3A_84, %parallel_loop3A_876 : vector<16xi32>
        %parallel_loop3A_878 = tpu.vector_load_idx %arg9[%broadcast_in_dim3A_45, %parallel_loop3A_877] : memref<128x128xf32, #tpu.memory_space<vmem>>[vector<16xi32>, vector<16xi32>], vector<16xf32>,
        %parallel_loop3A_879 = arith.constant 128 : i32
        %parallel_loop3A_880 = arith.muli %parallel_loop3A_839, %parallel_loop3A_879 : i32
        %parallel_loop3A_881 = arith.addi %parallel_loop3A_880, %parallel_loop3A_835 : i32
        %parallel_loop3A_882 = vector.broadcast %parallel_loop3A_881 : i32 to vector<16xi32>
        %parallel_loop3A_883 = arith.addi %add3A_244, %parallel_loop3A_882 : vector<16xi32>
        tpu.vector_store_idx %arg11[%broadcast_in_dim3A_45, %broadcast_in_dim3A_45, %broadcast_in_dim3A_45, %parallel_loop3A_883], %parallel_loop3A_878 : memref<24x1x8x128xf32, #tpu.memory_space<vmem>>[vector<16xi32>, vector<16xi32>, vector<16xi32>, vector<16xi32>], vector<16xf32>,
        %parallel_loop3A_884 = arith.constant 128 : i32
        %parallel_loop3A_885 = arith.muli %parallel_loop3A_835, %parallel_loop3A_884 : i32
        %parallel_loop3A_886 = arith.addi %parallel_loop3A_885, %parallel_loop3A_839 : i32
        %parallel_loop3A_887 = vector.broadcast %parallel_loop3A_886 : i32 to vector<16xi32>
        %parallel_loop3A_888 = arith.addi %add3A_94, %parallel_loop3A_887 : vector<16xi32>
        %parallel_loop3A_889 = tpu.vector_load_idx %arg9[%broadcast_in_dim3A_45, %parallel_loop3A_888] : memref<128x128xf32, #tpu.memory_space<vmem>>[vector<16xi32>, vector<16xi32>], vector<16xf32>,
        %parallel_loop3A_890 = arith.constant 128 : i32
        %parallel_loop3A_891 = arith.muli %parallel_loop3A_839, %parallel_loop3A_890 : i32
        %parallel_loop3A_892 = arith.addi %parallel_loop3A_891, %parallel_loop3A_835 : i32
        %parallel_loop3A_893 = vector.broadcast %parallel_loop3A_892 : i32 to vector<16xi32>
        %parallel_loop3A_894 = arith.addi %add3A_254, %parallel_loop3A_893 : vector<16xi32>
        tpu.vector_store_idx %arg11[%broadcast_in_dim3A_45, %broadcast_in_dim3A_45, %broadcast_in_dim3A_45, %parallel_loop3A_894], %parallel_loop3A_889 : memref<24x1x8x128xf32, #tpu.memory_space<vmem>>[vector<16xi32>, vector<16xi32>, vector<16xi32>, vector<16xi32>], vector<16xf32>,
        %parallel_loop3A_895 = arith.constant 128 : i32
        %parallel_loop3A_896 = arith.muli %parallel_loop3A_835, %parallel_loop3A_895 : i32
        %parallel_loop3A_897 = arith.addi %parallel_loop3A_896, %parallel_loop3A_839 : i32
        %parallel_loop3A_898 = vector.broadcast %parallel_loop3A_897 : i32 to vector<16xi32>
        %parallel_loop3A_899 = arith.addi %add3A_104, %parallel_loop3A_898 : vector<16xi32>
        %parallel_loop3A_900 = tpu.vector_load_idx %arg9[%broadcast_in_dim3A_45, %parallel_loop3A_899] : memref<128x128xf32, #tpu.memory_space<vmem>>[vector<16xi32>, vector<16xi32>], vector<16xf32>,
        %parallel_loop3A_901 = arith.constant 128 : i32
        %parallel_loop3A_902 = arith.muli %parallel_loop3A_839, %parallel_loop3A_901 : i32
        %parallel_loop3A_903 = arith.addi %parallel_loop3A_902, %parallel_loop3A_835 : i32
        %parallel_loop3A_904 = vector.broadcast %parallel_loop3A_903 : i32 to vector<16xi32>
        %parallel_loop3A_905 = arith.addi %add3A_264, %parallel_loop3A_904 : vector<16xi32>
        tpu.vector_store_idx %arg11[%broadcast_in_dim3A_45, %broadcast_in_dim3A_45, %broadcast_in_dim3A_45, %parallel_loop3A_905], %parallel_loop3A_900 : memref<24x1x8x128xf32, #tpu.memory_space<vmem>>[vector<16xi32>, vector<16xi32>, vector<16xi32>, vector<16xi32>], vector<16xf32>,
        %parallel_loop3A_906 = arith.constant 128 : i32
        %parallel_loop3A_907 = arith.muli %parallel_loop3A_835, %parallel_loop3A_906 : i32
        %parallel_loop3A_908 = arith.addi %parallel_loop3A_907, %parallel_loop3A_839 : i32
        %parallel_loop3A_909 = vector.broadcast %parallel_loop3A_908 : i32 to vector<16xi32>
        %parallel_loop3A_910 = arith.addi %add3A_114, %parallel_loop3A_909 : vector<16xi32>
        %parallel_loop3A_911 = tpu.vector_load_idx %arg9[%broadcast_in_dim3A_45, %parallel_loop3A_910] : memref<128x128xf32, #tpu.memory_space<vmem>>[vector<16xi32>, vector<16xi32>], vector<16xf32>,
        %parallel_loop3A_912 = arith.constant 128 : i32
        %parallel_loop3A_913 = arith.muli %parallel_loop3A_839, %parallel_loop3A_912 : i32
        %parallel_loop3A_914 = arith.addi %parallel_loop3A_913, %parallel_loop3A_835 : i32
        %parallel_loop3A_915 = vector.broadcast %parallel_loop3A_914 : i32 to vector<16xi32>
        %parallel_loop3A_916 = arith.addi %add3A_274, %parallel_loop3A_915 : vector<16xi32>
        tpu.vector_store_idx %arg11[%broadcast_in_dim3A_45, %broadcast_in_dim3A_45, %broadcast_in_dim3A_45, %parallel_loop3A_916], %parallel_loop3A_911 : memref<24x1x8x128xf32, #tpu.memory_space<vmem>>[vector<16xi32>, vector<16xi32>, vector<16xi32>, vector<16xi32>], vector<16xf32>,
        %parallel_loop3A_917 = arith.constant 128 : i32
        %parallel_loop3A_918 = arith.muli %parallel_loop3A_835, %parallel_loop3A_917 : i32
        %parallel_loop3A_919 = arith.addi %parallel_loop3A_918, %parallel_loop3A_839 : i32
        %parallel_loop3A_920 = vector.broadcast %parallel_loop3A_919 : i32 to vector<16xi32>
        %parallel_loop3A_921 = arith.addi %add3A_124, %parallel_loop3A_920 : vector<16xi32>
        %parallel_loop3A_922 = tpu.vector_load_idx %arg9[%broadcast_in_dim3A_45, %parallel_loop3A_921] : memref<128x128xf32, #tpu.memory_space<vmem>>[vector<16xi32>, vector<16xi32>], vector<16xf32>,
        %parallel_loop3A_923 = arith.constant 128 : i32
        %parallel_loop3A_924 = arith.muli %parallel_loop3A_839, %parallel_loop3A_923 : i32
        %parallel_loop3A_925 = arith.addi %parallel_loop3A_924, %parallel_loop3A_835 : i32
        %parallel_loop3A_926 = vector.broadcast %parallel_loop3A_925 : i32 to vector<16xi32>
        %parallel_loop3A_927 = arith.addi %add3A_284, %parallel_loop3A_926 : vector<16xi32>
        tpu.vector_store_idx %arg11[%broadcast_in_dim3A_45, %broadcast_in_dim3A_45, %broadcast_in_dim3A_45, %parallel_loop3A_927], %parallel_loop3A_922 : memref<24x1x8x128xf32, #tpu.memory_space<vmem>>[vector<16xi32>, vector<16xi32>, vector<16xi32>, vector<16xi32>], vector<16xf32>,
        %parallel_loop3A_928 = arith.constant 128 : i32
        %parallel_loop3A_929 = arith.muli %parallel_loop3A_835, %parallel_loop3A_928 : i32
        %parallel_loop3A_930 = arith.addi %parallel_loop3A_929, %parallel_loop3A_839 : i32
        %parallel_loop3A_931 = vector.broadcast %parallel_loop3A_930 : i32 to vector<16xi32>
        %parallel_loop3A_932 = arith.addi %add3A_134, %parallel_loop3A_931 : vector<16xi32>
        %parallel_loop3A_933 = tpu.vector_load_idx %arg9[%broadcast_in_dim3A_45, %parallel_loop3A_932] : memref<128x128xf32, #tpu.memory_space<vmem>>[vector<16xi32>, vector<16xi32>], vector<16xf32>,
        %parallel_loop3A_934 = arith.constant 128 : i32
        %parallel_loop3A_935 = arith.muli %parallel_loop3A_839, %parallel_loop3A_934 : i32
        %parallel_loop3A_936 = arith.addi %parallel_loop3A_935, %parallel_loop3A_835 : i32
        %parallel_loop3A_937 = vector.broadcast %parallel_loop3A_936 : i32 to vector<16xi32>
        %parallel_loop3A_938 = arith.addi %add3A_294, %parallel_loop3A_937 : vector<16xi32>
        tpu.vector_store_idx %arg11[%broadcast_in_dim3A_45, %broadcast_in_dim3A_45, %broadcast_in_dim3A_45, %parallel_loop3A_938], %parallel_loop3A_933 : memref<24x1x8x128xf32, #tpu.memory_space<vmem>>[vector<16xi32>, vector<16xi32>, vector<16xi32>, vector<16xi32>], vector<16xf32>,
        %parallel_loop3A_939 = arith.constant 128 : i32
        %parallel_loop3A_940 = arith.muli %parallel_loop3A_835, %parallel_loop3A_939 : i32
        %parallel_loop3A_941 = arith.addi %parallel_loop3A_940, %parallel_loop3A_839 : i32
        %parallel_loop3A_942 = vector.broadcast %parallel_loop3A_941 : i32 to vector<16xi32>
        %parallel_loop3A_943 = arith.addi %add3A_144, %parallel_loop3A_942 : vector<16xi32>
        %parallel_loop3A_944 = tpu.vector_load_idx %arg9[%broadcast_in_dim3A_45, %parallel_loop3A_943] : memref<128x128xf32, #tpu.memory_space<vmem>>[vector<16xi32>, vector<16xi32>], vector<16xf32>,
        %parallel_loop3A_945 = arith.constant 128 : i32
        %parallel_loop3A_946 = arith.muli %parallel_loop3A_839, %parallel_loop3A_945 : i32
        %parallel_loop3A_947 = arith.addi %parallel_loop3A_946, %parallel_loop3A_835 : i32
        %parallel_loop3A_948 = vector.broadcast %parallel_loop3A_947 : i32 to vector<16xi32>
        %parallel_loop3A_949 = arith.addi %add3A_304, %parallel_loop3A_948 : vector<16xi32>
        tpu.vector_store_idx %arg11[%broadcast_in_dim3A_45, %broadcast_in_dim3A_45, %broadcast_in_dim3A_45, %parallel_loop3A_949], %parallel_loop3A_944 : memref<24x1x8x128xf32, #tpu.memory_space<vmem>>[vector<16xi32>, vector<16xi32>, vector<16xi32>, vector<16xi32>], vector<16xf32>,
        %parallel_loop3A_950 = arith.constant 128 : i32
        %parallel_loop3A_951 = arith.muli %parallel_loop3A_835, %parallel_loop3A_950 : i32
        %parallel_loop3A_952 = arith.addi %parallel_loop3A_951, %parallel_loop3A_839 : i32
        %parallel_loop3A_953 = vector.broadcast %parallel_loop3A_952 : i32 to vector<16xi32>
        %parallel_loop3A_954 = arith.addi %add3A_154, %parallel_loop3A_953 : vector<16xi32>
        %parallel_loop3A_955 = tpu.vector_load_idx %arg9[%broadcast_in_dim3A_45, %parallel_loop3A_954] : memref<128x128xf32, #tpu.memory_space<vmem>>[vector<16xi32>, vector<16xi32>], vector<16xf32>,
        %parallel_loop3A_956 = arith.constant 128 : i32
        %parallel_loop3A_957 = arith.muli %parallel_loop3A_839, %parallel_loop3A_956 : i32
        %parallel_loop3A_958 = arith.addi %parallel_loop3A_957, %parallel_loop3A_835 : i32
        %parallel_loop3A_959 = vector.broadcast %parallel_loop3A_958 : i32 to vector<16xi32>
        %parallel_loop3A_960 = arith.addi %add3A_314, %parallel_loop3A_959 : vector<16xi32>
        tpu.vector_store_idx %arg11[%broadcast_in_dim3A_45, %broadcast_in_dim3A_45, %broadcast_in_dim3A_45, %parallel_loop3A_960], %parallel_loop3A_955 : memref<24x1x8x128xf32, #tpu.memory_space<vmem>>[vector<16xi32>, vector<16xi32>, vector<16xi32>, vector<16xi32>], vector<16xf32>,
        %parallel_loop3A_961 = arith.constant 128 : i32
        %parallel_loop3A_962 = arith.muli %parallel_loop3A_835, %parallel_loop3A_961 : i32
        %parallel_loop3A_963 = arith.addi %parallel_loop3A_962, %parallel_loop3A_839 : i32
        %parallel_loop3A_964 = vector.broadcast %parallel_loop3A_963 : i32 to vector<16xi32>
        %parallel_loop3A_965 = arith.addi %add3A_164, %parallel_loop3A_964 : vector<16xi32>
        %parallel_loop3A_966 = tpu.vector_load_idx %arg9[%broadcast_in_dim3A_45, %parallel_loop3A_965] : memref<128x128xf32, #tpu.memory_space<vmem>>[vector<16xi32>, vector<16xi32>], vector<16xf32>,
        %parallel_loop3A_967 = arith.constant 128 : i32
        %parallel_loop3A_968 = arith.muli %parallel_loop3A_839, %parallel_loop3A_967 : i32
        %parallel_loop3A_969 = arith.addi %parallel_loop3A_968, %parallel_loop3A_835 : i32
        %parallel_loop3A_970 = vector.broadcast %parallel_loop3A_969 : i32 to vector<16xi32>
        %parallel_loop3A_971 = arith.addi %add3A_324, %parallel_loop3A_970 : vector<16xi32>
        tpu.vector_store_idx %arg11[%broadcast_in_dim3A_45, %broadcast_in_dim3A_45, %broadcast_in_dim3A_45, %parallel_loop3A_971], %parallel_loop3A_966 : memref<24x1x8x128xf32, #tpu.memory_space<vmem>>[vector<16xi32>, vector<16xi32>, vector<16xi32>, vector<16xi32>], vector<16xf32>,
        %parallel_loop3A_972 = arith.constant 128 : i32
        %parallel_loop3A_973 = arith.muli %parallel_loop3A_835, %parallel_loop3A_972 : i32
        %parallel_loop3A_974 = arith.addi %parallel_loop3A_973, %parallel_loop3A_839 : i32
        %parallel_loop3A_975 = vector.broadcast %parallel_loop3A_974 : i32 to vector<16xi32>
        %parallel_loop3A_976 = arith.addi %add3A_174, %parallel_loop3A_975 : vector<16xi32>
        %parallel_loop3A_977 = tpu.vector_load_idx %arg9[%broadcast_in_dim3A_45, %parallel_loop3A_976] : memref<128x128xf32, #tpu.memory_space<vmem>>[vector<16xi32>, vector<16xi32>], vector<16xf32>,
        %parallel_loop3A_978 = arith.constant 128 : i32
        %parallel_loop3A_979 = arith.muli %parallel_loop3A_839, %parallel_loop3A_978 : i32
        %parallel_loop3A_980 = arith.addi %parallel_loop3A_979, %parallel_loop3A_835 : i32
        %parallel_loop3A_981 = vector.broadcast %parallel_loop3A_980 : i32 to vector<16xi32>
        %parallel_loop3A_982 = arith.addi %add3A_334, %parallel_loop3A_981 : vector<16xi32>
        tpu.vector_store_idx %arg11[%broadcast_in_dim3A_45, %broadcast_in_dim3A_45, %broadcast_in_dim3A_45, %parallel_loop3A_982], %parallel_loop3A_977 : memref<24x1x8x128xf32, #tpu.memory_space<vmem>>[vector<16xi32>, vector<16xi32>, vector<16xi32>, vector<16xi32>], vector<16xf32>,
        %parallel_loop3A_983 = arith.constant 128 : i32
        %parallel_loop3A_984 = arith.muli %parallel_loop3A_835, %parallel_loop3A_983 : i32
        %parallel_loop3A_985 = arith.addi %parallel_loop3A_984, %parallel_loop3A_839 : i32
        %parallel_loop3A_986 = vector.broadcast %parallel_loop3A_985 : i32 to vector<16xi32>
        %parallel_loop3A_987 = arith.addi %add3A_184, %parallel_loop3A_986 : vector<16xi32>
        %parallel_loop3A_988 = tpu.vector_load_idx %arg9[%broadcast_in_dim3A_45, %parallel_loop3A_987] : memref<128x128xf32, #tpu.memory_space<vmem>>[vector<16xi32>, vector<16xi32>], vector<16xf32>,
        %parallel_loop3A_989 = arith.constant 128 : i32
        %parallel_loop3A_990 = arith.muli %parallel_loop3A_839, %parallel_loop3A_989 : i32
        %parallel_loop3A_991 = arith.addi %parallel_loop3A_990, %parallel_loop3A_835 : i32
        %parallel_loop3A_992 = vector.broadcast %parallel_loop3A_991 : i32 to vector<16xi32>
        %parallel_loop3A_993 = arith.addi %add3A_344, %parallel_loop3A_992 : vector<16xi32>
        tpu.vector_store_idx %arg11[%broadcast_in_dim3A_45, %broadcast_in_dim3A_45, %broadcast_in_dim3A_45, %parallel_loop3A_993], %parallel_loop3A_988 : memref<24x1x8x128xf32, #tpu.memory_space<vmem>>[vector<16xi32>, vector<16xi32>, vector<16xi32>, vector<16xi32>], vector<16xf32>,
        %parallel_loop3A_994 = arith.constant 128 : i32
        %parallel_loop3A_995 = arith.muli %parallel_loop3A_835, %parallel_loop3A_994 : i32
        %parallel_loop3A_996 = arith.addi %parallel_loop3A_995, %parallel_loop3A_839 : i32
        %parallel_loop3A_997 = vector.broadcast %parallel_loop3A_996 : i32 to vector<16xi32>
        %parallel_loop3A_998 = arith.addi %add3A_194, %parallel_loop3A_997 : vector<16xi32>
        %parallel_loop3A_999 = tpu.vector_load_idx %arg9[%broadcast_in_dim3A_45, %parallel_loop3A_998] : memref<128x128xf32, #tpu.memory_space<vmem>>[vector<16xi32>, vector<16xi32>], vector<16xf32>,
        %parallel_loop3A_1000 = arith.constant 128 : i32
        %parallel_loop3A_1001 = arith.muli %parallel_loop3A_839, %parallel_loop3A_1000 : i32
        %parallel_loop3A_1002 = arith.addi %parallel_loop3A_1001, %parallel_loop3A_835 : i32
        %parallel_loop3A_1003 = vector.broadcast %parallel_loop3A_1002 : i32 to vector<16xi32>
        %parallel_loop3A_1004 = arith.addi %add3A_354, %parallel_loop3A_1003 : vector<16xi32>
        tpu.vector_store_idx %arg11[%broadcast_in_dim3A_45, %broadcast_in_dim3A_45, %broadcast_in_dim3A_45, %parallel_loop3A_1004], %parallel_loop3A_999 : memref<24x1x8x128xf32, #tpu.memory_space<vmem>>[vector<16xi32>, vector<16xi32>, vector<16xi32>, vector<16xi32>], vector<16xf32>,
        %parallel_loop3A_1005 = arith.constant 128 : i32
        %parallel_loop3A_1006 = arith.muli %parallel_loop3A_835, %parallel_loop3A_1005 : i32
        %parallel_loop3A_1007 = arith.addi %parallel_loop3A_1006, %parallel_loop3A_839 : i32
        %parallel_loop3A_1008 = vector.broadcast %parallel_loop3A_1007 : i32 to vector<16xi32>
        %parallel_loop3A_1009 = arith.addi %add3A_204, %parallel_loop3A_1008 : vector<16xi32>
        %parallel_loop3A_1010 = tpu.vector_load_idx %arg9[%broadcast_in_dim3A_45, %parallel_loop3A_1009] : memref<128x128xf32, #tpu.memory_space<vmem>>[vector<16xi32>, vector<16xi32>], vector<16xf32>,
        %parallel_loop3A_1011 = arith.constant 128 : i32
        %parallel_loop3A_1012 = arith.muli %parallel_loop3A_839, %parallel_loop3A_1011 : i32
        %parallel_loop3A_1013 = arith.addi %parallel_loop3A_1012, %parallel_loop3A_835 : i32
        %parallel_loop3A_1014 = vector.broadcast %parallel_loop3A_1013 : i32 to vector<16xi32>
        %parallel_loop3A_1015 = arith.addi %add3A_364, %parallel_loop3A_1014 : vector<16xi32>
        tpu.vector_store_idx %arg11[%broadcast_in_dim3A_45, %broadcast_in_dim3A_45, %broadcast_in_dim3A_45, %parallel_loop3A_1015], %parallel_loop3A_1010 : memref<24x1x8x128xf32, #tpu.memory_space<vmem>>[vector<16xi32>, vector<16xi32>, vector<16xi32>, vector<16xi32>], vector<16xf32>,
      } {sc.loop_unroll_factor = 2 : i64, sc.parallel_access}
      %add3A_722 = arith.constant 4 : i32
      %add3A_723 = arith.addi %add3A_686, %add3A_722 : i32
      %lt3A_724 = arith.constant 50 : i32
      %lt3A_725 = arith.cmpi slt, %add3A_723, %lt3A_724 : i32
      %convert_element_type3A_726 = arith.extui %lt3A_725 : i1 to i32
      %cond3A_727 = arith.constant 0 : i32
      %cond3A_728 = arith.cmpi ne, %convert_element_type3A_726, %cond3A_727 : i32
      scf.if %cond3A_728 {
        %add3A_831 = arith.constant 4 : i32
        %add3A_832 = arith.addi %add3A_686, %add3A_831 : i32
        %dma_start3A_833 = arith.constant 0 : i32
        %dma_start3A_834 = tpu.memref_slice %arg6[%add3A_832, %dma_start3A_833] : memref<50x128xi32, #tpu.memory_space<vmem>> -> memref<1x128xi32, #tpu.memory_space<vmem>>
        %dma_start3A_835 = tpu.memref_squeeze %dma_start3A_834 : memref<1x128xi32, #tpu.memory_space<vmem>> -> memref<128xi32, #tpu.memory_space<vmem>>
        %dma_start3A_836 = arith.constant 0 : i32
        %dma_start3A_837 = arith.constant 0 : i32
        %dma_start3A_838 = tpu.memref_slice %arg4[%dma_start3A_836, %dma_start3A_837] : memref<100000x128xf32, #tpu.memory_space<hbm>> -> memref<100000x128xf32, #tpu.memory_space<hbm>>
        tpu.enqueue_indirect_dma source(%dma_start3A_838 : memref<100000x128xf32, #tpu.memory_space<hbm>>) target(%arg9 : memref<128x128xf32, #tpu.memory_space<vmem>>) offsets(%dma_start3A_835 : memref<128xi32, #tpu.memory_space<vmem>>) semaphore(%arg16 : memref<!tpu.dma_semaphore, #tpu.memory_space<semaphore_mem>>)
      } else {
      }
      %dma_wait3A_729 = arith.constant 16 : i32
      %dma_wait3A_730 = arith.constant 0 : i32
      %dma_wait3A_731 = arith.constant 0 : i32
      %dma_wait3A_732 = arith.constant 0 : i32
      %dma_wait3A_733 = tpu.memref_slice %arg11[%dma_wait3A_729, %dma_wait3A_730, %dma_wait3A_731, %dma_wait3A_732] : memref<24x1x8x128xf32, #tpu.memory_space<vmem>> -> memref<8x1x8x128xf32, #tpu.memory_space<vmem>>
      %dma_wait3A_734 = arith.constant 0 : i32
      %dma_wait3A_735 = arith.constant 0 : i32
      %dma_wait3A_736 = arith.constant 0 : i32
      %dma_wait3A_737 = arith.constant 0 : i32
      %dma_wait3A_738 = tpu.memref_slice %arg3[%dma_wait3A_734, %dma_wait3A_735, %dma_wait3A_736, %dma_wait3A_737] : memref<8x1x8x204800xf32, #tpu.memory_space<hbm>> -> memref<8x1x8x128xf32, #tpu.memory_space<hbm>>
      %dma_wait3A_739 = arith.constant 16 : i32
      %dma_wait3A_740 = arith.constant 0 : i32
      %dma_wait3A_741 = arith.constant 0 : i32
      %dma_wait3A_742 = arith.constant 0 : i32
      %dma_wait3A_743 = tpu.memref_slice %arg11[%dma_wait3A_739, %dma_wait3A_740, %dma_wait3A_741, %dma_wait3A_742] : memref<24x1x8x128xf32, #tpu.memory_space<vmem>> -> memref<8x1x8x128xf32, #tpu.memory_space<vmem>>
      %dma_wait3A_744 = arith.constant 0 : i32
      %dma_wait3A_745 = arith.constant 0 : i32
      %dma_wait3A_746 = arith.constant 0 : i32
      %dma_wait3A_747 = arith.constant 0 : i32
      %dma_wait3A_748 = tpu.memref_slice %arg3[%dma_wait3A_744, %dma_wait3A_745, %dma_wait3A_746, %dma_wait3A_747] : memref<8x1x8x204800xf32, #tpu.memory_space<hbm>> -> memref<8x1x8x128xf32, #tpu.memory_space<hbm>>
      tpu.wait_dma2 semaphore(%arg18 : memref<!tpu.dma_semaphore, #tpu.memory_space<semaphore_mem>>) src(%dma_wait3A_748 : memref<8x1x8x128xf32, #tpu.memory_space<hbm>>) dst(%dma_wait3A_743 : memref<8x1x8x128xf32, #tpu.memory_space<vmem>>)
      %add3A_749 = arith.addi %mul3A_2, %add3A_686 : i32
      %dma_start3A_750 = arith.constant 0 : i32
      %dma_start3A_751 = arith.constant 0 : i32
      %dma_start3A_752 = arith.constant 0 : i32
      %dma_start3A_753 = tpu.memref_slice %arg5[%dma_start3A_750, %add3A_749, %dma_start3A_751, %dma_start3A_752] : memref<24x1600x8x128xf32, #tpu.memory_space<hbm>> -> memref<24x1x8x128xf32, #tpu.memory_space<hbm>>
      %dma_start3A_754 = arith.constant 0 : i32
      %dma_start3A_755 = arith.constant 0 : i32
      %dma_start3A_756 = arith.constant 0 : i32
      %dma_start3A_757 = tpu.memref_slice %arg5[%dma_start3A_754, %add3A_749, %dma_start3A_755, %dma_start3A_756] : memref<24x1600x8x128xf32, #tpu.memory_space<hbm>> -> memref<24x1x8x128xf32, #tpu.memory_space<hbm>>
      tpu.enqueue_dma source(%arg11 : memref<24x1x8x128xf32, #tpu.memory_space<vmem>>) target(%dma_start3A_757 : memref<24x1x8x128xf32, #tpu.memory_space<hbm>>) target_semaphore(%arg20 : memref<!tpu.dma_semaphore, #tpu.memory_space<semaphore_mem>>)
      %add3A_758 = arith.constant 3 : i32
      %add3A_759 = arith.addi %add3A_540, %add3A_758 : i32
      %ge3A_760 = arith.constant 2 : i32
      %ge3A_761 = arith.cmpi sge, %add3A_759, %ge3A_760 : i32
      %convert_element_type3A_762 = arith.extui %ge3A_761 : i1 to i32
      %cond3A_763 = arith.constant 0 : i32
      %cond3A_764 = arith.cmpi ne, %convert_element_type3A_762, %cond3A_763 : i32
      scf.if %cond3A_764 {
        %add3A_831 = arith.constant 0 : i32
        %add3A_832 = arith.addi %mul3A_2, %add3A_831 : i32
        %dma_wait3A_833 = arith.constant 0 : i32
        %dma_wait3A_834 = arith.constant 0 : i32
        %dma_wait3A_835 = arith.constant 0 : i32
        %dma_wait3A_836 = tpu.memref_slice %arg5[%dma_wait3A_833, %add3A_832, %dma_wait3A_834, %dma_wait3A_835] : memref<24x1600x8x128xf32, #tpu.memory_space<hbm>> -> memref<24x1x8x128xf32, #tpu.memory_space<hbm>>
        %dma_wait3A_837 = arith.constant 0 : i32
        %dma_wait3A_838 = arith.constant 0 : i32
        %dma_wait3A_839 = arith.constant 0 : i32
        %dma_wait3A_840 = tpu.memref_slice %arg5[%dma_wait3A_837, %add3A_832, %dma_wait3A_838, %dma_wait3A_839] : memref<24x1600x8x128xf32, #tpu.memory_space<hbm>> -> memref<24x1x8x128xf32, #tpu.memory_space<hbm>>
        tpu.wait_dma2 semaphore(%arg21 : memref<!tpu.dma_semaphore, #tpu.memory_space<semaphore_mem>>) src(%arg12 : memref<24x1x8x128xf32, #tpu.memory_space<vmem>>) dst(%dma_wait3A_840 : memref<24x1x8x128xf32, #tpu.memory_space<hbm>>)
      } else {
      }
      %add3A_765 = arith.addi %mul3A_2, %add3A_759 : i32
      %mul3A_766 = arith.constant 128 : i32
      %mul3A_767 = arith.muli %add3A_765, %mul3A_766 : i32
      %dma_start3A_768 = arith.constant 16 : i32
      %dma_start3A_769 = arith.constant 0 : i32
      %dma_start3A_770 = arith.constant 0 : i32
      %dma_start3A_771 = arith.constant 0 : i32
      %dma_start3A_772 = tpu.memref_slice %arg12[%dma_start3A_768, %dma_start3A_769, %dma_start3A_770, %dma_start3A_771] : memref<24x1x8x128xf32, #tpu.memory_space<vmem>> -> memref<8x1x8x128xf32, #tpu.memory_space<vmem>>
      %dma_start3A_773 = arith.constant 0 : i32
      %dma_start3A_774 = arith.constant 0 : i32
      %dma_start3A_775 = arith.constant 0 : i32
      %dma_start3A_776 = tpu.memref_slice %arg3[%dma_start3A_773, %dma_start3A_774, %dma_start3A_775, %mul3A_767] : memref<8x1x8x204800xf32, #tpu.memory_space<hbm>> -> memref<8x1x8x128xf32, #tpu.memory_space<hbm>>
      %dma_start3A_777 = arith.constant 16 : i32
      %dma_start3A_778 = arith.constant 0 : i32
      %dma_start3A_779 = arith.constant 0 : i32
      %dma_start3A_780 = arith.constant 0 : i32
      %dma_start3A_781 = tpu.memref_slice %arg12[%dma_start3A_777, %dma_start3A_778, %dma_start3A_779, %dma_start3A_780] : memref<24x1x8x128xf32, #tpu.memory_space<vmem>> -> memref<8x1x8x128xf32, #tpu.memory_space<vmem>>
      %dma_start3A_782 = arith.constant 0 : i32
      %dma_start3A_783 = arith.constant 0 : i32
      %dma_start3A_784 = arith.constant 0 : i32
      %dma_start3A_785 = tpu.memref_slice %arg3[%dma_start3A_782, %dma_start3A_783, %dma_start3A_784, %mul3A_767] : memref<8x1x8x204800xf32, #tpu.memory_space<hbm>> -> memref<8x1x8x128xf32, #tpu.memory_space<hbm>>
      tpu.enqueue_dma source(%dma_start3A_785 : memref<8x1x8x128xf32, #tpu.memory_space<hbm>>) target(%dma_start3A_781 : memref<8x1x8x128xf32, #tpu.memory_space<vmem>>) target_semaphore(%arg19 : memref<!tpu.dma_semaphore, #tpu.memory_space<semaphore_mem>>)
      %dma_wait3A_786 = arith.constant 0 : i32
      %dma_wait3A_787 = arith.constant 0 : i32
      %dma_wait3A_788 = tpu.memref_slice %arg4[%dma_wait3A_786, %dma_wait3A_787] : memref<100000x128xf32, #tpu.memory_space<hbm>> -> memref<128x128xf32, #tpu.memory_space<hbm>>
      %dma_wait3A_789 = arith.constant 0 : i32
      %dma_wait3A_790 = arith.constant 0 : i32
      %dma_wait3A_791 = tpu.memref_slice %arg4[%dma_wait3A_789, %dma_wait3A_790] : memref<100000x128xf32, #tpu.memory_space<hbm>> -> memref<128x128xf32, #tpu.memory_space<hbm>>
      tpu.wait_dma2 semaphore(%arg17 : memref<!tpu.dma_semaphore, #tpu.memory_space<semaphore_mem>>) src(%dma_wait3A_791 : memref<128x128xf32, #tpu.memory_space<hbm>>) dst(%arg10 : memref<128x128xf32, #tpu.memory_space<vmem>>)
      %parallel_loop3A_792 = arith.constant 0 : i32
      %parallel_loop3A_793 = arith.constant 64 : i32
      %parallel_loop3A_794 = arith.constant 1 : i32
      scf.for %parallel_loop3A_831 = %parallel_loop3A_792 to %parallel_loop3A_793 step %parallel_loop3A_794  : i32 {
        %parallel_loop3A_832 = arith.constant 3 : i32
        %parallel_loop3A_833 = arith.shrsi %parallel_loop3A_831, %parallel_loop3A_832 : i32
        %parallel_loop3A_834 = arith.constant 16 : i32
        %parallel_loop3A_835 = arith.muli %parallel_loop3A_833, %parallel_loop3A_834 : i32
        %parallel_loop3A_836 = arith.constant 7 : i32
        %parallel_loop3A_837 = arith.andi %parallel_loop3A_831, %parallel_loop3A_836 : i32
        %parallel_loop3A_838 = arith.constant 16 : i32
        %parallel_loop3A_839 = arith.muli %parallel_loop3A_837, %parallel_loop3A_838 : i32
        %parallel_loop3A_840 = arith.constant 128 : i32
        %parallel_loop3A_841 = arith.muli %parallel_loop3A_835, %parallel_loop3A_840 : i32
        %parallel_loop3A_842 = arith.addi %parallel_loop3A_841, %parallel_loop3A_839 : i32
        %parallel_loop3A_843 = vector.broadcast %parallel_loop3A_842 : i32 to vector<16xi32>
        %parallel_loop3A_844 = arith.addi %add3A_54, %parallel_loop3A_843 : vector<16xi32>
        %parallel_loop3A_845 = tpu.vector_load_idx %arg10[%broadcast_in_dim3A_45, %parallel_loop3A_844] : memref<128x128xf32, #tpu.memory_space<vmem>>[vector<16xi32>, vector<16xi32>], vector<16xf32>,
        %parallel_loop3A_846 = arith.constant 128 : i32
        %parallel_loop3A_847 = arith.muli %parallel_loop3A_839, %parallel_loop3A_846 : i32
        %parallel_loop3A_848 = arith.addi %parallel_loop3A_847, %parallel_loop3A_835 : i32
        %parallel_loop3A_849 = vector.broadcast %parallel_loop3A_848 : i32 to vector<16xi32>
        %parallel_loop3A_850 = arith.addi %add3A_214, %parallel_loop3A_849 : vector<16xi32>
        tpu.vector_store_idx %arg12[%broadcast_in_dim3A_45, %broadcast_in_dim3A_45, %broadcast_in_dim3A_45, %parallel_loop3A_850], %parallel_loop3A_845 : memref<24x1x8x128xf32, #tpu.memory_space<vmem>>[vector<16xi32>, vector<16xi32>, vector<16xi32>, vector<16xi32>], vector<16xf32>,
        %parallel_loop3A_851 = arith.constant 128 : i32
        %parallel_loop3A_852 = arith.muli %parallel_loop3A_835, %parallel_loop3A_851 : i32
        %parallel_loop3A_853 = arith.addi %parallel_loop3A_852, %parallel_loop3A_839 : i32
        %parallel_loop3A_854 = vector.broadcast %parallel_loop3A_853 : i32 to vector<16xi32>
        %parallel_loop3A_855 = arith.addi %add3A_64, %parallel_loop3A_854 : vector<16xi32>
        %parallel_loop3A_856 = tpu.vector_load_idx %arg10[%broadcast_in_dim3A_45, %parallel_loop3A_855] : memref<128x128xf32, #tpu.memory_space<vmem>>[vector<16xi32>, vector<16xi32>], vector<16xf32>,
        %parallel_loop3A_857 = arith.constant 128 : i32
        %parallel_loop3A_858 = arith.muli %parallel_loop3A_839, %parallel_loop3A_857 : i32
        %parallel_loop3A_859 = arith.addi %parallel_loop3A_858, %parallel_loop3A_835 : i32
        %parallel_loop3A_860 = vector.broadcast %parallel_loop3A_859 : i32 to vector<16xi32>
        %parallel_loop3A_861 = arith.addi %add3A_224, %parallel_loop3A_860 : vector<16xi32>
        tpu.vector_store_idx %arg12[%broadcast_in_dim3A_45, %broadcast_in_dim3A_45, %broadcast_in_dim3A_45, %parallel_loop3A_861], %parallel_loop3A_856 : memref<24x1x8x128xf32, #tpu.memory_space<vmem>>[vector<16xi32>, vector<16xi32>, vector<16xi32>, vector<16xi32>], vector<16xf32>,
        %parallel_loop3A_862 = arith.constant 128 : i32
        %parallel_loop3A_863 = arith.muli %parallel_loop3A_835, %parallel_loop3A_862 : i32
        %parallel_loop3A_864 = arith.addi %parallel_loop3A_863, %parallel_loop3A_839 : i32
        %parallel_loop3A_865 = vector.broadcast %parallel_loop3A_864 : i32 to vector<16xi32>
        %parallel_loop3A_866 = arith.addi %add3A_74, %parallel_loop3A_865 : vector<16xi32>
        %parallel_loop3A_867 = tpu.vector_load_idx %arg10[%broadcast_in_dim3A_45, %parallel_loop3A_866] : memref<128x128xf32, #tpu.memory_space<vmem>>[vector<16xi32>, vector<16xi32>], vector<16xf32>,
        %parallel_loop3A_868 = arith.constant 128 : i32
        %parallel_loop3A_869 = arith.muli %parallel_loop3A_839, %parallel_loop3A_868 : i32
        %parallel_loop3A_870 = arith.addi %parallel_loop3A_869, %parallel_loop3A_835 : i32
        %parallel_loop3A_871 = vector.broadcast %parallel_loop3A_870 : i32 to vector<16xi32>
        %parallel_loop3A_872 = arith.addi %add3A_234, %parallel_loop3A_871 : vector<16xi32>
        tpu.vector_store_idx %arg12[%broadcast_in_dim3A_45, %broadcast_in_dim3A_45, %broadcast_in_dim3A_45, %parallel_loop3A_872], %parallel_loop3A_867 : memref<24x1x8x128xf32, #tpu.memory_space<vmem>>[vector<16xi32>, vector<16xi32>, vector<16xi32>, vector<16xi32>], vector<16xf32>,
        %parallel_loop3A_873 = arith.constant 128 : i32
        %parallel_loop3A_874 = arith.muli %parallel_loop3A_835, %parallel_loop3A_873 : i32
        %parallel_loop3A_875 = arith.addi %parallel_loop3A_874, %parallel_loop3A_839 : i32
        %parallel_loop3A_876 = vector.broadcast %parallel_loop3A_875 : i32 to vector<16xi32>
        %parallel_loop3A_877 = arith.addi %add3A_84, %parallel_loop3A_876 : vector<16xi32>
        %parallel_loop3A_878 = tpu.vector_load_idx %arg10[%broadcast_in_dim3A_45, %parallel_loop3A_877] : memref<128x128xf32, #tpu.memory_space<vmem>>[vector<16xi32>, vector<16xi32>], vector<16xf32>,
        %parallel_loop3A_879 = arith.constant 128 : i32
        %parallel_loop3A_880 = arith.muli %parallel_loop3A_839, %parallel_loop3A_879 : i32
        %parallel_loop3A_881 = arith.addi %parallel_loop3A_880, %parallel_loop3A_835 : i32
        %parallel_loop3A_882 = vector.broadcast %parallel_loop3A_881 : i32 to vector<16xi32>
        %parallel_loop3A_883 = arith.addi %add3A_244, %parallel_loop3A_882 : vector<16xi32>
        tpu.vector_store_idx %arg12[%broadcast_in_dim3A_45, %broadcast_in_dim3A_45, %broadcast_in_dim3A_45, %parallel_loop3A_883], %parallel_loop3A_878 : memref<24x1x8x128xf32, #tpu.memory_space<vmem>>[vector<16xi32>, vector<16xi32>, vector<16xi32>, vector<16xi32>], vector<16xf32>,
        %parallel_loop3A_884 = arith.constant 128 : i32
        %parallel_loop3A_885 = arith.muli %parallel_loop3A_835, %parallel_loop3A_884 : i32
        %parallel_loop3A_886 = arith.addi %parallel_loop3A_885, %parallel_loop3A_839 : i32
        %parallel_loop3A_887 = vector.broadcast %parallel_loop3A_886 : i32 to vector<16xi32>
        %parallel_loop3A_888 = arith.addi %add3A_94, %parallel_loop3A_887 : vector<16xi32>
        %parallel_loop3A_889 = tpu.vector_load_idx %arg10[%broadcast_in_dim3A_45, %parallel_loop3A_888] : memref<128x128xf32, #tpu.memory_space<vmem>>[vector<16xi32>, vector<16xi32>], vector<16xf32>,
        %parallel_loop3A_890 = arith.constant 128 : i32
        %parallel_loop3A_891 = arith.muli %parallel_loop3A_839, %parallel_loop3A_890 : i32
        %parallel_loop3A_892 = arith.addi %parallel_loop3A_891, %parallel_loop3A_835 : i32
        %parallel_loop3A_893 = vector.broadcast %parallel_loop3A_892 : i32 to vector<16xi32>
        %parallel_loop3A_894 = arith.addi %add3A_254, %parallel_loop3A_893 : vector<16xi32>
        tpu.vector_store_idx %arg12[%broadcast_in_dim3A_45, %broadcast_in_dim3A_45, %broadcast_in_dim3A_45, %parallel_loop3A_894], %parallel_loop3A_889 : memref<24x1x8x128xf32, #tpu.memory_space<vmem>>[vector<16xi32>, vector<16xi32>, vector<16xi32>, vector<16xi32>], vector<16xf32>,
        %parallel_loop3A_895 = arith.constant 128 : i32
        %parallel_loop3A_896 = arith.muli %parallel_loop3A_835, %parallel_loop3A_895 : i32
        %parallel_loop3A_897 = arith.addi %parallel_loop3A_896, %parallel_loop3A_839 : i32
        %parallel_loop3A_898 = vector.broadcast %parallel_loop3A_897 : i32 to vector<16xi32>
        %parallel_loop3A_899 = arith.addi %add3A_104, %parallel_loop3A_898 : vector<16xi32>
        %parallel_loop3A_900 = tpu.vector_load_idx %arg10[%broadcast_in_dim3A_45, %parallel_loop3A_899] : memref<128x128xf32, #tpu.memory_space<vmem>>[vector<16xi32>, vector<16xi32>], vector<16xf32>,
        %parallel_loop3A_901 = arith.constant 128 : i32
        %parallel_loop3A_902 = arith.muli %parallel_loop3A_839, %parallel_loop3A_901 : i32
        %parallel_loop3A_903 = arith.addi %parallel_loop3A_902, %parallel_loop3A_835 : i32
        %parallel_loop3A_904 = vector.broadcast %parallel_loop3A_903 : i32 to vector<16xi32>
        %parallel_loop3A_905 = arith.addi %add3A_264, %parallel_loop3A_904 : vector<16xi32>
        tpu.vector_store_idx %arg12[%broadcast_in_dim3A_45, %broadcast_in_dim3A_45, %broadcast_in_dim3A_45, %parallel_loop3A_905], %parallel_loop3A_900 : memref<24x1x8x128xf32, #tpu.memory_space<vmem>>[vector<16xi32>, vector<16xi32>, vector<16xi32>, vector<16xi32>], vector<16xf32>,
        %parallel_loop3A_906 = arith.constant 128 : i32
        %parallel_loop3A_907 = arith.muli %parallel_loop3A_835, %parallel_loop3A_906 : i32
        %parallel_loop3A_908 = arith.addi %parallel_loop3A_907, %parallel_loop3A_839 : i32
        %parallel_loop3A_909 = vector.broadcast %parallel_loop3A_908 : i32 to vector<16xi32>
        %parallel_loop3A_910 = arith.addi %add3A_114, %parallel_loop3A_909 : vector<16xi32>
        %parallel_loop3A_911 = tpu.vector_load_idx %arg10[%broadcast_in_dim3A_45, %parallel_loop3A_910] : memref<128x128xf32, #tpu.memory_space<vmem>>[vector<16xi32>, vector<16xi32>], vector<16xf32>,
        %parallel_loop3A_912 = arith.constant 128 : i32
        %parallel_loop3A_913 = arith.muli %parallel_loop3A_839, %parallel_loop3A_912 : i32
        %parallel_loop3A_914 = arith.addi %parallel_loop3A_913, %parallel_loop3A_835 : i32
        %parallel_loop3A_915 = vector.broadcast %parallel_loop3A_914 : i32 to vector<16xi32>
        %parallel_loop3A_916 = arith.addi %add3A_274, %parallel_loop3A_915 : vector<16xi32>
        tpu.vector_store_idx %arg12[%broadcast_in_dim3A_45, %broadcast_in_dim3A_45, %broadcast_in_dim3A_45, %parallel_loop3A_916], %parallel_loop3A_911 : memref<24x1x8x128xf32, #tpu.memory_space<vmem>>[vector<16xi32>, vector<16xi32>, vector<16xi32>, vector<16xi32>], vector<16xf32>,
        %parallel_loop3A_917 = arith.constant 128 : i32
        %parallel_loop3A_918 = arith.muli %parallel_loop3A_835, %parallel_loop3A_917 : i32
        %parallel_loop3A_919 = arith.addi %parallel_loop3A_918, %parallel_loop3A_839 : i32
        %parallel_loop3A_920 = vector.broadcast %parallel_loop3A_919 : i32 to vector<16xi32>
        %parallel_loop3A_921 = arith.addi %add3A_124, %parallel_loop3A_920 : vector<16xi32>
        %parallel_loop3A_922 = tpu.vector_load_idx %arg10[%broadcast_in_dim3A_45, %parallel_loop3A_921] : memref<128x128xf32, #tpu.memory_space<vmem>>[vector<16xi32>, vector<16xi32>], vector<16xf32>,
        %parallel_loop3A_923 = arith.constant 128 : i32
        %parallel_loop3A_924 = arith.muli %parallel_loop3A_839, %parallel_loop3A_923 : i32
        %parallel_loop3A_925 = arith.addi %parallel_loop3A_924, %parallel_loop3A_835 : i32
        %parallel_loop3A_926 = vector.broadcast %parallel_loop3A_925 : i32 to vector<16xi32>
        %parallel_loop3A_927 = arith.addi %add3A_284, %parallel_loop3A_926 : vector<16xi32>
        tpu.vector_store_idx %arg12[%broadcast_in_dim3A_45, %broadcast_in_dim3A_45, %broadcast_in_dim3A_45, %parallel_loop3A_927], %parallel_loop3A_922 : memref<24x1x8x128xf32, #tpu.memory_space<vmem>>[vector<16xi32>, vector<16xi32>, vector<16xi32>, vector<16xi32>], vector<16xf32>,
        %parallel_loop3A_928 = arith.constant 128 : i32
        %parallel_loop3A_929 = arith.muli %parallel_loop3A_835, %parallel_loop3A_928 : i32
        %parallel_loop3A_930 = arith.addi %parallel_loop3A_929, %parallel_loop3A_839 : i32
        %parallel_loop3A_931 = vector.broadcast %parallel_loop3A_930 : i32 to vector<16xi32>
        %parallel_loop3A_932 = arith.addi %add3A_134, %parallel_loop3A_931 : vector<16xi32>
        %parallel_loop3A_933 = tpu.vector_load_idx %arg10[%broadcast_in_dim3A_45, %parallel_loop3A_932] : memref<128x128xf32, #tpu.memory_space<vmem>>[vector<16xi32>, vector<16xi32>], vector<16xf32>,
        %parallel_loop3A_934 = arith.constant 128 : i32
        %parallel_loop3A_935 = arith.muli %parallel_loop3A_839, %parallel_loop3A_934 : i32
        %parallel_loop3A_936 = arith.addi %parallel_loop3A_935, %parallel_loop3A_835 : i32
        %parallel_loop3A_937 = vector.broadcast %parallel_loop3A_936 : i32 to vector<16xi32>
        %parallel_loop3A_938 = arith.addi %add3A_294, %parallel_loop3A_937 : vector<16xi32>
        tpu.vector_store_idx %arg12[%broadcast_in_dim3A_45, %broadcast_in_dim3A_45, %broadcast_in_dim3A_45, %parallel_loop3A_938], %parallel_loop3A_933 : memref<24x1x8x128xf32, #tpu.memory_space<vmem>>[vector<16xi32>, vector<16xi32>, vector<16xi32>, vector<16xi32>], vector<16xf32>,
        %parallel_loop3A_939 = arith.constant 128 : i32
        %parallel_loop3A_940 = arith.muli %parallel_loop3A_835, %parallel_loop3A_939 : i32
        %parallel_loop3A_941 = arith.addi %parallel_loop3A_940, %parallel_loop3A_839 : i32
        %parallel_loop3A_942 = vector.broadcast %parallel_loop3A_941 : i32 to vector<16xi32>
        %parallel_loop3A_943 = arith.addi %add3A_144, %parallel_loop3A_942 : vector<16xi32>
        %parallel_loop3A_944 = tpu.vector_load_idx %arg10[%broadcast_in_dim3A_45, %parallel_loop3A_943] : memref<128x128xf32, #tpu.memory_space<vmem>>[vector<16xi32>, vector<16xi32>], vector<16xf32>,
        %parallel_loop3A_945 = arith.constant 128 : i32
        %parallel_loop3A_946 = arith.muli %parallel_loop3A_839, %parallel_loop3A_945 : i32
        %parallel_loop3A_947 = arith.addi %parallel_loop3A_946, %parallel_loop3A_835 : i32
        %parallel_loop3A_948 = vector.broadcast %parallel_loop3A_947 : i32 to vector<16xi32>
        %parallel_loop3A_949 = arith.addi %add3A_304, %parallel_loop3A_948 : vector<16xi32>
        tpu.vector_store_idx %arg12[%broadcast_in_dim3A_45, %broadcast_in_dim3A_45, %broadcast_in_dim3A_45, %parallel_loop3A_949], %parallel_loop3A_944 : memref<24x1x8x128xf32, #tpu.memory_space<vmem>>[vector<16xi32>, vector<16xi32>, vector<16xi32>, vector<16xi32>], vector<16xf32>,
        %parallel_loop3A_950 = arith.constant 128 : i32
        %parallel_loop3A_951 = arith.muli %parallel_loop3A_835, %parallel_loop3A_950 : i32
        %parallel_loop3A_952 = arith.addi %parallel_loop3A_951, %parallel_loop3A_839 : i32
        %parallel_loop3A_953 = vector.broadcast %parallel_loop3A_952 : i32 to vector<16xi32>
        %parallel_loop3A_954 = arith.addi %add3A_154, %parallel_loop3A_953 : vector<16xi32>
        %parallel_loop3A_955 = tpu.vector_load_idx %arg10[%broadcast_in_dim3A_45, %parallel_loop3A_954] : memref<128x128xf32, #tpu.memory_space<vmem>>[vector<16xi32>, vector<16xi32>], vector<16xf32>,
        %parallel_loop3A_956 = arith.constant 128 : i32
        %parallel_loop3A_957 = arith.muli %parallel_loop3A_839, %parallel_loop3A_956 : i32
        %parallel_loop3A_958 = arith.addi %parallel_loop3A_957, %parallel_loop3A_835 : i32
        %parallel_loop3A_959 = vector.broadcast %parallel_loop3A_958 : i32 to vector<16xi32>
        %parallel_loop3A_960 = arith.addi %add3A_314, %parallel_loop3A_959 : vector<16xi32>
        tpu.vector_store_idx %arg12[%broadcast_in_dim3A_45, %broadcast_in_dim3A_45, %broadcast_in_dim3A_45, %parallel_loop3A_960], %parallel_loop3A_955 : memref<24x1x8x128xf32, #tpu.memory_space<vmem>>[vector<16xi32>, vector<16xi32>, vector<16xi32>, vector<16xi32>], vector<16xf32>,
        %parallel_loop3A_961 = arith.constant 128 : i32
        %parallel_loop3A_962 = arith.muli %parallel_loop3A_835, %parallel_loop3A_961 : i32
        %parallel_loop3A_963 = arith.addi %parallel_loop3A_962, %parallel_loop3A_839 : i32
        %parallel_loop3A_964 = vector.broadcast %parallel_loop3A_963 : i32 to vector<16xi32>
        %parallel_loop3A_965 = arith.addi %add3A_164, %parallel_loop3A_964 : vector<16xi32>
        %parallel_loop3A_966 = tpu.vector_load_idx %arg10[%broadcast_in_dim3A_45, %parallel_loop3A_965] : memref<128x128xf32, #tpu.memory_space<vmem>>[vector<16xi32>, vector<16xi32>], vector<16xf32>,
        %parallel_loop3A_967 = arith.constant 128 : i32
        %parallel_loop3A_968 = arith.muli %parallel_loop3A_839, %parallel_loop3A_967 : i32
        %parallel_loop3A_969 = arith.addi %parallel_loop3A_968, %parallel_loop3A_835 : i32
        %parallel_loop3A_970 = vector.broadcast %parallel_loop3A_969 : i32 to vector<16xi32>
        %parallel_loop3A_971 = arith.addi %add3A_324, %parallel_loop3A_970 : vector<16xi32>
        tpu.vector_store_idx %arg12[%broadcast_in_dim3A_45, %broadcast_in_dim3A_45, %broadcast_in_dim3A_45, %parallel_loop3A_971], %parallel_loop3A_966 : memref<24x1x8x128xf32, #tpu.memory_space<vmem>>[vector<16xi32>, vector<16xi32>, vector<16xi32>, vector<16xi32>], vector<16xf32>,
        %parallel_loop3A_972 = arith.constant 128 : i32
        %parallel_loop3A_973 = arith.muli %parallel_loop3A_835, %parallel_loop3A_972 : i32
        %parallel_loop3A_974 = arith.addi %parallel_loop3A_973, %parallel_loop3A_839 : i32
        %parallel_loop3A_975 = vector.broadcast %parallel_loop3A_974 : i32 to vector<16xi32>
        %parallel_loop3A_976 = arith.addi %add3A_174, %parallel_loop3A_975 : vector<16xi32>
        %parallel_loop3A_977 = tpu.vector_load_idx %arg10[%broadcast_in_dim3A_45, %parallel_loop3A_976] : memref<128x128xf32, #tpu.memory_space<vmem>>[vector<16xi32>, vector<16xi32>], vector<16xf32>,
        %parallel_loop3A_978 = arith.constant 128 : i32
        %parallel_loop3A_979 = arith.muli %parallel_loop3A_839, %parallel_loop3A_978 : i32
        %parallel_loop3A_980 = arith.addi %parallel_loop3A_979, %parallel_loop3A_835 : i32
        %parallel_loop3A_981 = vector.broadcast %parallel_loop3A_980 : i32 to vector<16xi32>
        %parallel_loop3A_982 = arith.addi %add3A_334, %parallel_loop3A_981 : vector<16xi32>
        tpu.vector_store_idx %arg12[%broadcast_in_dim3A_45, %broadcast_in_dim3A_45, %broadcast_in_dim3A_45, %parallel_loop3A_982], %parallel_loop3A_977 : memref<24x1x8x128xf32, #tpu.memory_space<vmem>>[vector<16xi32>, vector<16xi32>, vector<16xi32>, vector<16xi32>], vector<16xf32>,
        %parallel_loop3A_983 = arith.constant 128 : i32
        %parallel_loop3A_984 = arith.muli %parallel_loop3A_835, %parallel_loop3A_983 : i32
        %parallel_loop3A_985 = arith.addi %parallel_loop3A_984, %parallel_loop3A_839 : i32
        %parallel_loop3A_986 = vector.broadcast %parallel_loop3A_985 : i32 to vector<16xi32>
        %parallel_loop3A_987 = arith.addi %add3A_184, %parallel_loop3A_986 : vector<16xi32>
        %parallel_loop3A_988 = tpu.vector_load_idx %arg10[%broadcast_in_dim3A_45, %parallel_loop3A_987] : memref<128x128xf32, #tpu.memory_space<vmem>>[vector<16xi32>, vector<16xi32>], vector<16xf32>,
        %parallel_loop3A_989 = arith.constant 128 : i32
        %parallel_loop3A_990 = arith.muli %parallel_loop3A_839, %parallel_loop3A_989 : i32
        %parallel_loop3A_991 = arith.addi %parallel_loop3A_990, %parallel_loop3A_835 : i32
        %parallel_loop3A_992 = vector.broadcast %parallel_loop3A_991 : i32 to vector<16xi32>
        %parallel_loop3A_993 = arith.addi %add3A_344, %parallel_loop3A_992 : vector<16xi32>
        tpu.vector_store_idx %arg12[%broadcast_in_dim3A_45, %broadcast_in_dim3A_45, %broadcast_in_dim3A_45, %parallel_loop3A_993], %parallel_loop3A_988 : memref<24x1x8x128xf32, #tpu.memory_space<vmem>>[vector<16xi32>, vector<16xi32>, vector<16xi32>, vector<16xi32>], vector<16xf32>,
        %parallel_loop3A_994 = arith.constant 128 : i32
        %parallel_loop3A_995 = arith.muli %parallel_loop3A_835, %parallel_loop3A_994 : i32
        %parallel_loop3A_996 = arith.addi %parallel_loop3A_995, %parallel_loop3A_839 : i32
        %parallel_loop3A_997 = vector.broadcast %parallel_loop3A_996 : i32 to vector<16xi32>
        %parallel_loop3A_998 = arith.addi %add3A_194, %parallel_loop3A_997 : vector<16xi32>
        %parallel_loop3A_999 = tpu.vector_load_idx %arg10[%broadcast_in_dim3A_45, %parallel_loop3A_998] : memref<128x128xf32, #tpu.memory_space<vmem>>[vector<16xi32>, vector<16xi32>], vector<16xf32>,
        %parallel_loop3A_1000 = arith.constant 128 : i32
        %parallel_loop3A_1001 = arith.muli %parallel_loop3A_839, %parallel_loop3A_1000 : i32
        %parallel_loop3A_1002 = arith.addi %parallel_loop3A_1001, %parallel_loop3A_835 : i32
        %parallel_loop3A_1003 = vector.broadcast %parallel_loop3A_1002 : i32 to vector<16xi32>
        %parallel_loop3A_1004 = arith.addi %add3A_354, %parallel_loop3A_1003 : vector<16xi32>
        tpu.vector_store_idx %arg12[%broadcast_in_dim3A_45, %broadcast_in_dim3A_45, %broadcast_in_dim3A_45, %parallel_loop3A_1004], %parallel_loop3A_999 : memref<24x1x8x128xf32, #tpu.memory_space<vmem>>[vector<16xi32>, vector<16xi32>, vector<16xi32>, vector<16xi32>], vector<16xf32>,
        %parallel_loop3A_1005 = arith.constant 128 : i32
        %parallel_loop3A_1006 = arith.muli %parallel_loop3A_835, %parallel_loop3A_1005 : i32
        %parallel_loop3A_1007 = arith.addi %parallel_loop3A_1006, %parallel_loop3A_839 : i32
        %parallel_loop3A_1008 = vector.broadcast %parallel_loop3A_1007 : i32 to vector<16xi32>
        %parallel_loop3A_1009 = arith.addi %add3A_204, %parallel_loop3A_1008 : vector<16xi32>
        %parallel_loop3A_1010 = tpu.vector_load_idx %arg10[%broadcast_in_dim3A_45, %parallel_loop3A_1009] : memref<128x128xf32, #tpu.memory_space<vmem>>[vector<16xi32>, vector<16xi32>], vector<16xf32>,
        %parallel_loop3A_1011 = arith.constant 128 : i32
        %parallel_loop3A_1012 = arith.muli %parallel_loop3A_839, %parallel_loop3A_1011 : i32
        %parallel_loop3A_1013 = arith.addi %parallel_loop3A_1012, %parallel_loop3A_835 : i32
        %parallel_loop3A_1014 = vector.broadcast %parallel_loop3A_1013 : i32 to vector<16xi32>
        %parallel_loop3A_1015 = arith.addi %add3A_364, %parallel_loop3A_1014 : vector<16xi32>
        tpu.vector_store_idx %arg12[%broadcast_in_dim3A_45, %broadcast_in_dim3A_45, %broadcast_in_dim3A_45, %parallel_loop3A_1015], %parallel_loop3A_1010 : memref<24x1x8x128xf32, #tpu.memory_space<vmem>>[vector<16xi32>, vector<16xi32>, vector<16xi32>, vector<16xi32>], vector<16xf32>,
      } {sc.loop_unroll_factor = 2 : i64, sc.parallel_access}
      %add3A_795 = arith.constant 4 : i32
      %add3A_796 = arith.addi %add3A_759, %add3A_795 : i32
      %lt3A_797 = arith.constant 50 : i32
      %lt3A_798 = arith.cmpi slt, %add3A_796, %lt3A_797 : i32
      %convert_element_type3A_799 = arith.extui %lt3A_798 : i1 to i32
      %cond3A_800 = arith.constant 0 : i32
      %cond3A_801 = arith.cmpi ne, %convert_element_type3A_799, %cond3A_800 : i32
      scf.if %cond3A_801 {
        %add3A_831 = arith.constant 4 : i32
        %add3A_832 = arith.addi %add3A_759, %add3A_831 : i32
        %dma_start3A_833 = arith.constant 0 : i32
        %dma_start3A_834 = tpu.memref_slice %arg6[%add3A_832, %dma_start3A_833] : memref<50x128xi32, #tpu.memory_space<vmem>> -> memref<1x128xi32, #tpu.memory_space<vmem>>
        %dma_start3A_835 = tpu.memref_squeeze %dma_start3A_834 : memref<1x128xi32, #tpu.memory_space<vmem>> -> memref<128xi32, #tpu.memory_space<vmem>>
        %dma_start3A_836 = arith.constant 0 : i32
        %dma_start3A_837 = arith.constant 0 : i32
        %dma_start3A_838 = tpu.memref_slice %arg4[%dma_start3A_836, %dma_start3A_837] : memref<100000x128xf32, #tpu.memory_space<hbm>> -> memref<100000x128xf32, #tpu.memory_space<hbm>>
        tpu.enqueue_indirect_dma source(%dma_start3A_838 : memref<100000x128xf32, #tpu.memory_space<hbm>>) target(%arg10 : memref<128x128xf32, #tpu.memory_space<vmem>>) offsets(%dma_start3A_835 : memref<128xi32, #tpu.memory_space<vmem>>) semaphore(%arg17 : memref<!tpu.dma_semaphore, #tpu.memory_space<semaphore_mem>>)
      } else {
      }
      %dma_wait3A_802 = arith.constant 16 : i32
      %dma_wait3A_803 = arith.constant 0 : i32
      %dma_wait3A_804 = arith.constant 0 : i32
      %dma_wait3A_805 = arith.constant 0 : i32
      %dma_wait3A_806 = tpu.memref_slice %arg12[%dma_wait3A_802, %dma_wait3A_803, %dma_wait3A_804, %dma_wait3A_805] : memref<24x1x8x128xf32, #tpu.memory_space<vmem>> -> memref<8x1x8x128xf32, #tpu.memory_space<vmem>>
      %dma_wait3A_807 = arith.constant 0 : i32
      %dma_wait3A_808 = arith.constant 0 : i32
      %dma_wait3A_809 = arith.constant 0 : i32
      %dma_wait3A_810 = arith.constant 0 : i32
      %dma_wait3A_811 = tpu.memref_slice %arg3[%dma_wait3A_807, %dma_wait3A_808, %dma_wait3A_809, %dma_wait3A_810] : memref<8x1x8x204800xf32, #tpu.memory_space<hbm>> -> memref<8x1x8x128xf32, #tpu.memory_space<hbm>>
      %dma_wait3A_812 = arith.constant 16 : i32
      %dma_wait3A_813 = arith.constant 0 : i32
      %dma_wait3A_814 = arith.constant 0 : i32
      %dma_wait3A_815 = arith.constant 0 : i32
      %dma_wait3A_816 = tpu.memref_slice %arg12[%dma_wait3A_812, %dma_wait3A_813, %dma_wait3A_814, %dma_wait3A_815] : memref<24x1x8x128xf32, #tpu.memory_space<vmem>> -> memref<8x1x8x128xf32, #tpu.memory_space<vmem>>
      %dma_wait3A_817 = arith.constant 0 : i32
      %dma_wait3A_818 = arith.constant 0 : i32
      %dma_wait3A_819 = arith.constant 0 : i32
      %dma_wait3A_820 = arith.constant 0 : i32
      %dma_wait3A_821 = tpu.memref_slice %arg3[%dma_wait3A_817, %dma_wait3A_818, %dma_wait3A_819, %dma_wait3A_820] : memref<8x1x8x204800xf32, #tpu.memory_space<hbm>> -> memref<8x1x8x128xf32, #tpu.memory_space<hbm>>
      tpu.wait_dma2 semaphore(%arg19 : memref<!tpu.dma_semaphore, #tpu.memory_space<semaphore_mem>>) src(%dma_wait3A_821 : memref<8x1x8x128xf32, #tpu.memory_space<hbm>>) dst(%dma_wait3A_816 : memref<8x1x8x128xf32, #tpu.memory_space<vmem>>)
      %add3A_822 = arith.addi %mul3A_2, %add3A_759 : i32
      %dma_start3A_823 = arith.constant 0 : i32
      %dma_start3A_824 = arith.constant 0 : i32
      %dma_start3A_825 = arith.constant 0 : i32
      %dma_start3A_826 = tpu.memref_slice %arg5[%dma_start3A_823, %add3A_822, %dma_start3A_824, %dma_start3A_825] : memref<24x1600x8x128xf32, #tpu.memory_space<hbm>> -> memref<24x1x8x128xf32, #tpu.memory_space<hbm>>
      %dma_start3A_827 = arith.constant 0 : i32
      %dma_start3A_828 = arith.constant 0 : i32
      %dma_start3A_829 = arith.constant 0 : i32
      %dma_start3A_830 = tpu.memref_slice %arg5[%dma_start3A_827, %add3A_822, %dma_start3A_828, %dma_start3A_829] : memref<24x1600x8x128xf32, #tpu.memory_space<hbm>> -> memref<24x1x8x128xf32, #tpu.memory_space<hbm>>
      tpu.enqueue_dma source(%arg12 : memref<24x1x8x128xf32, #tpu.memory_space<vmem>>) target(%dma_start3A_830 : memref<24x1x8x128xf32, #tpu.memory_space<hbm>>) target_semaphore(%arg21 : memref<!tpu.dma_semaphore, #tpu.memory_space<semaphore_mem>>)
    }
    %scan3A_368 = arith.constant 12 : i32
    %ge3A = arith.constant 48 : i32
    %ge3A_369 = arith.constant 2 : i32
    %ge3A_370 = arith.cmpi sge, %ge3A, %ge3A_369 : i32
    %convert_element_type3A = arith.extui %ge3A_370 : i1 to i32
    %cond3A = arith.constant 0 : i32
    %cond3A_371 = arith.cmpi ne, %convert_element_type3A, %cond3A : i32
    scf.if %cond3A_371 {
      %add3A_536 = arith.constant 0 : i32
      %add3A_537 = arith.addi %mul3A_2, %add3A_536 : i32
      %dma_wait3A_538 = arith.constant 0 : i32
      %dma_wait3A_539 = arith.constant 0 : i32
      %dma_wait3A_540 = arith.constant 0 : i32
      %dma_wait3A_541 = tpu.memref_slice %arg5[%dma_wait3A_538, %add3A_537, %dma_wait3A_539, %dma_wait3A_540] : memref<24x1600x8x128xf32, #tpu.memory_space<hbm>> -> memref<24x1x8x128xf32, #tpu.memory_space<hbm>>
      %dma_wait3A_542 = arith.constant 0 : i32
      %dma_wait3A_543 = arith.constant 0 : i32
      %dma_wait3A_544 = arith.constant 0 : i32
      %dma_wait3A_545 = tpu.memref_slice %arg5[%dma_wait3A_542, %add3A_537, %dma_wait3A_543, %dma_wait3A_544] : memref<24x1600x8x128xf32, #tpu.memory_space<hbm>> -> memref<24x1x8x128xf32, #tpu.memory_space<hbm>>
      tpu.wait_dma2 semaphore(%arg20 : memref<!tpu.dma_semaphore, #tpu.memory_space<semaphore_mem>>) src(%arg11 : memref<24x1x8x128xf32, #tpu.memory_space<vmem>>) dst(%dma_wait3A_545 : memref<24x1x8x128xf32, #tpu.memory_space<hbm>>)
    } else {
    }
    %add3A_372 = arith.constant 48 : i32
    %add3A_373 = arith.addi %mul3A_2, %add3A_372 : i32
    %mul3A_374 = arith.constant 128 : i32
    %mul3A_375 = arith.muli %add3A_373, %mul3A_374 : i32
    %dma_start3A_376 = arith.constant 16 : i32
    %dma_start3A_377 = arith.constant 0 : i32
    %dma_start3A_378 = arith.constant 0 : i32
    %dma_start3A_379 = arith.constant 0 : i32
    %dma_start3A_380 = tpu.memref_slice %arg11[%dma_start3A_376, %dma_start3A_377, %dma_start3A_378, %dma_start3A_379] : memref<24x1x8x128xf32, #tpu.memory_space<vmem>> -> memref<8x1x8x128xf32, #tpu.memory_space<vmem>>
    %dma_start3A_381 = arith.constant 0 : i32
    %dma_start3A_382 = arith.constant 0 : i32
    %dma_start3A_383 = arith.constant 0 : i32
    %dma_start3A_384 = tpu.memref_slice %arg3[%dma_start3A_381, %dma_start3A_382, %dma_start3A_383, %mul3A_375] : memref<8x1x8x204800xf32, #tpu.memory_space<hbm>> -> memref<8x1x8x128xf32, #tpu.memory_space<hbm>>
    %dma_start3A_385 = arith.constant 16 : i32
    %dma_start3A_386 = arith.constant 0 : i32
    %dma_start3A_387 = arith.constant 0 : i32
    %dma_start3A_388 = arith.constant 0 : i32
    %dma_start3A_389 = tpu.memref_slice %arg11[%dma_start3A_385, %dma_start3A_386, %dma_start3A_387, %dma_start3A_388] : memref<24x1x8x128xf32, #tpu.memory_space<vmem>> -> memref<8x1x8x128xf32, #tpu.memory_space<vmem>>
    %dma_start3A_390 = arith.constant 0 : i32
    %dma_start3A_391 = arith.constant 0 : i32
    %dma_start3A_392 = arith.constant 0 : i32
    %dma_start3A_393 = tpu.memref_slice %arg3[%dma_start3A_390, %dma_start3A_391, %dma_start3A_392, %mul3A_375] : memref<8x1x8x204800xf32, #tpu.memory_space<hbm>> -> memref<8x1x8x128xf32, #tpu.memory_space<hbm>>
    tpu.enqueue_dma source(%dma_start3A_393 : memref<8x1x8x128xf32, #tpu.memory_space<hbm>>) target(%dma_start3A_389 : memref<8x1x8x128xf32, #tpu.memory_space<vmem>>) target_semaphore(%arg18 : memref<!tpu.dma_semaphore, #tpu.memory_space<semaphore_mem>>)
    %dma_wait3A_394 = arith.constant 0 : i32
    %dma_wait3A_395 = arith.constant 0 : i32
    %dma_wait3A_396 = tpu.memref_slice %arg4[%dma_wait3A_394, %dma_wait3A_395] : memref<100000x128xf32, #tpu.memory_space<hbm>> -> memref<128x128xf32, #tpu.memory_space<hbm>>
    %dma_wait3A_397 = arith.constant 0 : i32
    %dma_wait3A_398 = arith.constant 0 : i32
    %dma_wait3A_399 = tpu.memref_slice %arg4[%dma_wait3A_397, %dma_wait3A_398] : memref<100000x128xf32, #tpu.memory_space<hbm>> -> memref<128x128xf32, #tpu.memory_space<hbm>>
    tpu.wait_dma2 semaphore(%arg14 : memref<!tpu.dma_semaphore, #tpu.memory_space<semaphore_mem>>) src(%dma_wait3A_399 : memref<128x128xf32, #tpu.memory_space<hbm>>) dst(%arg7 : memref<128x128xf32, #tpu.memory_space<vmem>>)
    %parallel_loop3A = arith.constant 0 : i32
    %parallel_loop3A_400 = arith.constant 64 : i32
    %parallel_loop3A_401 = arith.constant 1 : i32
    scf.for %parallel_loop3A_536 = %parallel_loop3A to %parallel_loop3A_400 step %parallel_loop3A_401  : i32 {
      %parallel_loop3A_537 = arith.constant 3 : i32
      %parallel_loop3A_538 = arith.shrsi %parallel_loop3A_536, %parallel_loop3A_537 : i32
      %parallel_loop3A_539 = arith.constant 16 : i32
      %parallel_loop3A_540 = arith.muli %parallel_loop3A_538, %parallel_loop3A_539 : i32
      %parallel_loop3A_541 = arith.constant 7 : i32
      %parallel_loop3A_542 = arith.andi %parallel_loop3A_536, %parallel_loop3A_541 : i32
      %parallel_loop3A_543 = arith.constant 16 : i32
      %parallel_loop3A_544 = arith.muli %parallel_loop3A_542, %parallel_loop3A_543 : i32
      %parallel_loop3A_545 = arith.constant 128 : i32
      %parallel_loop3A_546 = arith.muli %parallel_loop3A_540, %parallel_loop3A_545 : i32
      %parallel_loop3A_547 = arith.addi %parallel_loop3A_546, %parallel_loop3A_544 : i32
      %parallel_loop3A_548 = vector.broadcast %parallel_loop3A_547 : i32 to vector<16xi32>
      %parallel_loop3A_549 = arith.addi %add3A_54, %parallel_loop3A_548 : vector<16xi32>
      %parallel_loop3A_550 = tpu.vector_load_idx %arg7[%broadcast_in_dim3A_45, %parallel_loop3A_549] : memref<128x128xf32, #tpu.memory_space<vmem>>[vector<16xi32>, vector<16xi32>], vector<16xf32>,
      %parallel_loop3A_551 = arith.constant 128 : i32
      %parallel_loop3A_552 = arith.muli %parallel_loop3A_544, %parallel_loop3A_551 : i32
      %parallel_loop3A_553 = arith.addi %parallel_loop3A_552, %parallel_loop3A_540 : i32
      %parallel_loop3A_554 = vector.broadcast %parallel_loop3A_553 : i32 to vector<16xi32>
      %parallel_loop3A_555 = arith.addi %add3A_214, %parallel_loop3A_554 : vector<16xi32>
      tpu.vector_store_idx %arg11[%broadcast_in_dim3A_45, %broadcast_in_dim3A_45, %broadcast_in_dim3A_45, %parallel_loop3A_555], %parallel_loop3A_550 : memref<24x1x8x128xf32, #tpu.memory_space<vmem>>[vector<16xi32>, vector<16xi32>, vector<16xi32>, vector<16xi32>], vector<16xf32>,
      %parallel_loop3A_556 = arith.constant 128 : i32
      %parallel_loop3A_557 = arith.muli %parallel_loop3A_540, %parallel_loop3A_556 : i32
      %parallel_loop3A_558 = arith.addi %parallel_loop3A_557, %parallel_loop3A_544 : i32
      %parallel_loop3A_559 = vector.broadcast %parallel_loop3A_558 : i32 to vector<16xi32>
      %parallel_loop3A_560 = arith.addi %add3A_64, %parallel_loop3A_559 : vector<16xi32>
      %parallel_loop3A_561 = tpu.vector_load_idx %arg7[%broadcast_in_dim3A_45, %parallel_loop3A_560] : memref<128x128xf32, #tpu.memory_space<vmem>>[vector<16xi32>, vector<16xi32>], vector<16xf32>,
      %parallel_loop3A_562 = arith.constant 128 : i32
      %parallel_loop3A_563 = arith.muli %parallel_loop3A_544, %parallel_loop3A_562 : i32
      %parallel_loop3A_564 = arith.addi %parallel_loop3A_563, %parallel_loop3A_540 : i32
      %parallel_loop3A_565 = vector.broadcast %parallel_loop3A_564 : i32 to vector<16xi32>
      %parallel_loop3A_566 = arith.addi %add3A_224, %parallel_loop3A_565 : vector<16xi32>
      tpu.vector_store_idx %arg11[%broadcast_in_dim3A_45, %broadcast_in_dim3A_45, %broadcast_in_dim3A_45, %parallel_loop3A_566], %parallel_loop3A_561 : memref<24x1x8x128xf32, #tpu.memory_space<vmem>>[vector<16xi32>, vector<16xi32>, vector<16xi32>, vector<16xi32>], vector<16xf32>,
      %parallel_loop3A_567 = arith.constant 128 : i32
      %parallel_loop3A_568 = arith.muli %parallel_loop3A_540, %parallel_loop3A_567 : i32
      %parallel_loop3A_569 = arith.addi %parallel_loop3A_568, %parallel_loop3A_544 : i32
      %parallel_loop3A_570 = vector.broadcast %parallel_loop3A_569 : i32 to vector<16xi32>
      %parallel_loop3A_571 = arith.addi %add3A_74, %parallel_loop3A_570 : vector<16xi32>
      %parallel_loop3A_572 = tpu.vector_load_idx %arg7[%broadcast_in_dim3A_45, %parallel_loop3A_571] : memref<128x128xf32, #tpu.memory_space<vmem>>[vector<16xi32>, vector<16xi32>], vector<16xf32>,
      %parallel_loop3A_573 = arith.constant 128 : i32
      %parallel_loop3A_574 = arith.muli %parallel_loop3A_544, %parallel_loop3A_573 : i32
      %parallel_loop3A_575 = arith.addi %parallel_loop3A_574, %parallel_loop3A_540 : i32
      %parallel_loop3A_576 = vector.broadcast %parallel_loop3A_575 : i32 to vector<16xi32>
      %parallel_loop3A_577 = arith.addi %add3A_234, %parallel_loop3A_576 : vector<16xi32>
      tpu.vector_store_idx %arg11[%broadcast_in_dim3A_45, %broadcast_in_dim3A_45, %broadcast_in_dim3A_45, %parallel_loop3A_577], %parallel_loop3A_572 : memref<24x1x8x128xf32, #tpu.memory_space<vmem>>[vector<16xi32>, vector<16xi32>, vector<16xi32>, vector<16xi32>], vector<16xf32>,
      %parallel_loop3A_578 = arith.constant 128 : i32
      %parallel_loop3A_579 = arith.muli %parallel_loop3A_540, %parallel_loop3A_578 : i32
      %parallel_loop3A_580 = arith.addi %parallel_loop3A_579, %parallel_loop3A_544 : i32
      %parallel_loop3A_581 = vector.broadcast %parallel_loop3A_580 : i32 to vector<16xi32>
      %parallel_loop3A_582 = arith.addi %add3A_84, %parallel_loop3A_581 : vector<16xi32>
      %parallel_loop3A_583 = tpu.vector_load_idx %arg7[%broadcast_in_dim3A_45, %parallel_loop3A_582] : memref<128x128xf32, #tpu.memory_space<vmem>>[vector<16xi32>, vector<16xi32>], vector<16xf32>,
      %parallel_loop3A_584 = arith.constant 128 : i32
      %parallel_loop3A_585 = arith.muli %parallel_loop3A_544, %parallel_loop3A_584 : i32
      %parallel_loop3A_586 = arith.addi %parallel_loop3A_585, %parallel_loop3A_540 : i32
      %parallel_loop3A_587 = vector.broadcast %parallel_loop3A_586 : i32 to vector<16xi32>
      %parallel_loop3A_588 = arith.addi %add3A_244, %parallel_loop3A_587 : vector<16xi32>
      tpu.vector_store_idx %arg11[%broadcast_in_dim3A_45, %broadcast_in_dim3A_45, %broadcast_in_dim3A_45, %parallel_loop3A_588], %parallel_loop3A_583 : memref<24x1x8x128xf32, #tpu.memory_space<vmem>>[vector<16xi32>, vector<16xi32>, vector<16xi32>, vector<16xi32>], vector<16xf32>,
      %parallel_loop3A_589 = arith.constant 128 : i32
      %parallel_loop3A_590 = arith.muli %parallel_loop3A_540, %parallel_loop3A_589 : i32
      %parallel_loop3A_591 = arith.addi %parallel_loop3A_590, %parallel_loop3A_544 : i32
      %parallel_loop3A_592 = vector.broadcast %parallel_loop3A_591 : i32 to vector<16xi32>
      %parallel_loop3A_593 = arith.addi %add3A_94, %parallel_loop3A_592 : vector<16xi32>
      %parallel_loop3A_594 = tpu.vector_load_idx %arg7[%broadcast_in_dim3A_45, %parallel_loop3A_593] : memref<128x128xf32, #tpu.memory_space<vmem>>[vector<16xi32>, vector<16xi32>], vector<16xf32>,
      %parallel_loop3A_595 = arith.constant 128 : i32
      %parallel_loop3A_596 = arith.muli %parallel_loop3A_544, %parallel_loop3A_595 : i32
      %parallel_loop3A_597 = arith.addi %parallel_loop3A_596, %parallel_loop3A_540 : i32
      %parallel_loop3A_598 = vector.broadcast %parallel_loop3A_597 : i32 to vector<16xi32>
      %parallel_loop3A_599 = arith.addi %add3A_254, %parallel_loop3A_598 : vector<16xi32>
      tpu.vector_store_idx %arg11[%broadcast_in_dim3A_45, %broadcast_in_dim3A_45, %broadcast_in_dim3A_45, %parallel_loop3A_599], %parallel_loop3A_594 : memref<24x1x8x128xf32, #tpu.memory_space<vmem>>[vector<16xi32>, vector<16xi32>, vector<16xi32>, vector<16xi32>], vector<16xf32>,
      %parallel_loop3A_600 = arith.constant 128 : i32
      %parallel_loop3A_601 = arith.muli %parallel_loop3A_540, %parallel_loop3A_600 : i32
      %parallel_loop3A_602 = arith.addi %parallel_loop3A_601, %parallel_loop3A_544 : i32
      %parallel_loop3A_603 = vector.broadcast %parallel_loop3A_602 : i32 to vector<16xi32>
      %parallel_loop3A_604 = arith.addi %add3A_104, %parallel_loop3A_603 : vector<16xi32>
      %parallel_loop3A_605 = tpu.vector_load_idx %arg7[%broadcast_in_dim3A_45, %parallel_loop3A_604] : memref<128x128xf32, #tpu.memory_space<vmem>>[vector<16xi32>, vector<16xi32>], vector<16xf32>,
      %parallel_loop3A_606 = arith.constant 128 : i32
      %parallel_loop3A_607 = arith.muli %parallel_loop3A_544, %parallel_loop3A_606 : i32
      %parallel_loop3A_608 = arith.addi %parallel_loop3A_607, %parallel_loop3A_540 : i32
      %parallel_loop3A_609 = vector.broadcast %parallel_loop3A_608 : i32 to vector<16xi32>
      %parallel_loop3A_610 = arith.addi %add3A_264, %parallel_loop3A_609 : vector<16xi32>
      tpu.vector_store_idx %arg11[%broadcast_in_dim3A_45, %broadcast_in_dim3A_45, %broadcast_in_dim3A_45, %parallel_loop3A_610], %parallel_loop3A_605 : memref<24x1x8x128xf32, #tpu.memory_space<vmem>>[vector<16xi32>, vector<16xi32>, vector<16xi32>, vector<16xi32>], vector<16xf32>,
      %parallel_loop3A_611 = arith.constant 128 : i32
      %parallel_loop3A_612 = arith.muli %parallel_loop3A_540, %parallel_loop3A_611 : i32
      %parallel_loop3A_613 = arith.addi %parallel_loop3A_612, %parallel_loop3A_544 : i32
      %parallel_loop3A_614 = vector.broadcast %parallel_loop3A_613 : i32 to vector<16xi32>
      %parallel_loop3A_615 = arith.addi %add3A_114, %parallel_loop3A_614 : vector<16xi32>
      %parallel_loop3A_616 = tpu.vector_load_idx %arg7[%broadcast_in_dim3A_45, %parallel_loop3A_615] : memref<128x128xf32, #tpu.memory_space<vmem>>[vector<16xi32>, vector<16xi32>], vector<16xf32>,
      %parallel_loop3A_617 = arith.constant 128 : i32
      %parallel_loop3A_618 = arith.muli %parallel_loop3A_544, %parallel_loop3A_617 : i32
      %parallel_loop3A_619 = arith.addi %parallel_loop3A_618, %parallel_loop3A_540 : i32
      %parallel_loop3A_620 = vector.broadcast %parallel_loop3A_619 : i32 to vector<16xi32>
      %parallel_loop3A_621 = arith.addi %add3A_274, %parallel_loop3A_620 : vector<16xi32>
      tpu.vector_store_idx %arg11[%broadcast_in_dim3A_45, %broadcast_in_dim3A_45, %broadcast_in_dim3A_45, %parallel_loop3A_621], %parallel_loop3A_616 : memref<24x1x8x128xf32, #tpu.memory_space<vmem>>[vector<16xi32>, vector<16xi32>, vector<16xi32>, vector<16xi32>], vector<16xf32>,
      %parallel_loop3A_622 = arith.constant 128 : i32
      %parallel_loop3A_623 = arith.muli %parallel_loop3A_540, %parallel_loop3A_622 : i32
      %parallel_loop3A_624 = arith.addi %parallel_loop3A_623, %parallel_loop3A_544 : i32
      %parallel_loop3A_625 = vector.broadcast %parallel_loop3A_624 : i32 to vector<16xi32>
      %parallel_loop3A_626 = arith.addi %add3A_124, %parallel_loop3A_625 : vector<16xi32>
      %parallel_loop3A_627 = tpu.vector_load_idx %arg7[%broadcast_in_dim3A_45, %parallel_loop3A_626] : memref<128x128xf32, #tpu.memory_space<vmem>>[vector<16xi32>, vector<16xi32>], vector<16xf32>,
      %parallel_loop3A_628 = arith.constant 128 : i32
      %parallel_loop3A_629 = arith.muli %parallel_loop3A_544, %parallel_loop3A_628 : i32
      %parallel_loop3A_630 = arith.addi %parallel_loop3A_629, %parallel_loop3A_540 : i32
      %parallel_loop3A_631 = vector.broadcast %parallel_loop3A_630 : i32 to vector<16xi32>
      %parallel_loop3A_632 = arith.addi %add3A_284, %parallel_loop3A_631 : vector<16xi32>
      tpu.vector_store_idx %arg11[%broadcast_in_dim3A_45, %broadcast_in_dim3A_45, %broadcast_in_dim3A_45, %parallel_loop3A_632], %parallel_loop3A_627 : memref<24x1x8x128xf32, #tpu.memory_space<vmem>>[vector<16xi32>, vector<16xi32>, vector<16xi32>, vector<16xi32>], vector<16xf32>,
      %parallel_loop3A_633 = arith.constant 128 : i32
      %parallel_loop3A_634 = arith.muli %parallel_loop3A_540, %parallel_loop3A_633 : i32
      %parallel_loop3A_635 = arith.addi %parallel_loop3A_634, %parallel_loop3A_544 : i32
      %parallel_loop3A_636 = vector.broadcast %parallel_loop3A_635 : i32 to vector<16xi32>
      %parallel_loop3A_637 = arith.addi %add3A_134, %parallel_loop3A_636 : vector<16xi32>
      %parallel_loop3A_638 = tpu.vector_load_idx %arg7[%broadcast_in_dim3A_45, %parallel_loop3A_637] : memref<128x128xf32, #tpu.memory_space<vmem>>[vector<16xi32>, vector<16xi32>], vector<16xf32>,
      %parallel_loop3A_639 = arith.constant 128 : i32
      %parallel_loop3A_640 = arith.muli %parallel_loop3A_544, %parallel_loop3A_639 : i32
      %parallel_loop3A_641 = arith.addi %parallel_loop3A_640, %parallel_loop3A_540 : i32
      %parallel_loop3A_642 = vector.broadcast %parallel_loop3A_641 : i32 to vector<16xi32>
      %parallel_loop3A_643 = arith.addi %add3A_294, %parallel_loop3A_642 : vector<16xi32>
      tpu.vector_store_idx %arg11[%broadcast_in_dim3A_45, %broadcast_in_dim3A_45, %broadcast_in_dim3A_45, %parallel_loop3A_643], %parallel_loop3A_638 : memref<24x1x8x128xf32, #tpu.memory_space<vmem>>[vector<16xi32>, vector<16xi32>, vector<16xi32>, vector<16xi32>], vector<16xf32>,
      %parallel_loop3A_644 = arith.constant 128 : i32
      %parallel_loop3A_645 = arith.muli %parallel_loop3A_540, %parallel_loop3A_644 : i32
      %parallel_loop3A_646 = arith.addi %parallel_loop3A_645, %parallel_loop3A_544 : i32
      %parallel_loop3A_647 = vector.broadcast %parallel_loop3A_646 : i32 to vector<16xi32>
      %parallel_loop3A_648 = arith.addi %add3A_144, %parallel_loop3A_647 : vector<16xi32>
      %parallel_loop3A_649 = tpu.vector_load_idx %arg7[%broadcast_in_dim3A_45, %parallel_loop3A_648] : memref<128x128xf32, #tpu.memory_space<vmem>>[vector<16xi32>, vector<16xi32>], vector<16xf32>,
      %parallel_loop3A_650 = arith.constant 128 : i32
      %parallel_loop3A_651 = arith.muli %parallel_loop3A_544, %parallel_loop3A_650 : i32
      %parallel_loop3A_652 = arith.addi %parallel_loop3A_651, %parallel_loop3A_540 : i32
      %parallel_loop3A_653 = vector.broadcast %parallel_loop3A_652 : i32 to vector<16xi32>
      %parallel_loop3A_654 = arith.addi %add3A_304, %parallel_loop3A_653 : vector<16xi32>
      tpu.vector_store_idx %arg11[%broadcast_in_dim3A_45, %broadcast_in_dim3A_45, %broadcast_in_dim3A_45, %parallel_loop3A_654], %parallel_loop3A_649 : memref<24x1x8x128xf32, #tpu.memory_space<vmem>>[vector<16xi32>, vector<16xi32>, vector<16xi32>, vector<16xi32>], vector<16xf32>,
      %parallel_loop3A_655 = arith.constant 128 : i32
      %parallel_loop3A_656 = arith.muli %parallel_loop3A_540, %parallel_loop3A_655 : i32
      %parallel_loop3A_657 = arith.addi %parallel_loop3A_656, %parallel_loop3A_544 : i32
      %parallel_loop3A_658 = vector.broadcast %parallel_loop3A_657 : i32 to vector<16xi32>
      %parallel_loop3A_659 = arith.addi %add3A_154, %parallel_loop3A_658 : vector<16xi32>
      %parallel_loop3A_660 = tpu.vector_load_idx %arg7[%broadcast_in_dim3A_45, %parallel_loop3A_659] : memref<128x128xf32, #tpu.memory_space<vmem>>[vector<16xi32>, vector<16xi32>], vector<16xf32>,
      %parallel_loop3A_661 = arith.constant 128 : i32
      %parallel_loop3A_662 = arith.muli %parallel_loop3A_544, %parallel_loop3A_661 : i32
      %parallel_loop3A_663 = arith.addi %parallel_loop3A_662, %parallel_loop3A_540 : i32
      %parallel_loop3A_664 = vector.broadcast %parallel_loop3A_663 : i32 to vector<16xi32>
      %parallel_loop3A_665 = arith.addi %add3A_314, %parallel_loop3A_664 : vector<16xi32>
      tpu.vector_store_idx %arg11[%broadcast_in_dim3A_45, %broadcast_in_dim3A_45, %broadcast_in_dim3A_45, %parallel_loop3A_665], %parallel_loop3A_660 : memref<24x1x8x128xf32, #tpu.memory_space<vmem>>[vector<16xi32>, vector<16xi32>, vector<16xi32>, vector<16xi32>], vector<16xf32>,
      %parallel_loop3A_666 = arith.constant 128 : i32
      %parallel_loop3A_667 = arith.muli %parallel_loop3A_540, %parallel_loop3A_666 : i32
      %parallel_loop3A_668 = arith.addi %parallel_loop3A_667, %parallel_loop3A_544 : i32
      %parallel_loop3A_669 = vector.broadcast %parallel_loop3A_668 : i32 to vector<16xi32>
      %parallel_loop3A_670 = arith.addi %add3A_164, %parallel_loop3A_669 : vector<16xi32>
      %parallel_loop3A_671 = tpu.vector_load_idx %arg7[%broadcast_in_dim3A_45, %parallel_loop3A_670] : memref<128x128xf32, #tpu.memory_space<vmem>>[vector<16xi32>, vector<16xi32>], vector<16xf32>,
      %parallel_loop3A_672 = arith.constant 128 : i32
      %parallel_loop3A_673 = arith.muli %parallel_loop3A_544, %parallel_loop3A_672 : i32
      %parallel_loop3A_674 = arith.addi %parallel_loop3A_673, %parallel_loop3A_540 : i32
      %parallel_loop3A_675 = vector.broadcast %parallel_loop3A_674 : i32 to vector<16xi32>
      %parallel_loop3A_676 = arith.addi %add3A_324, %parallel_loop3A_675 : vector<16xi32>
      tpu.vector_store_idx %arg11[%broadcast_in_dim3A_45, %broadcast_in_dim3A_45, %broadcast_in_dim3A_45, %parallel_loop3A_676], %parallel_loop3A_671 : memref<24x1x8x128xf32, #tpu.memory_space<vmem>>[vector<16xi32>, vector<16xi32>, vector<16xi32>, vector<16xi32>], vector<16xf32>,
      %parallel_loop3A_677 = arith.constant 128 : i32
      %parallel_loop3A_678 = arith.muli %parallel_loop3A_540, %parallel_loop3A_677 : i32
      %parallel_loop3A_679 = arith.addi %parallel_loop3A_678, %parallel_loop3A_544 : i32
      %parallel_loop3A_680 = vector.broadcast %parallel_loop3A_679 : i32 to vector<16xi32>
      %parallel_loop3A_681 = arith.addi %add3A_174, %parallel_loop3A_680 : vector<16xi32>
      %parallel_loop3A_682 = tpu.vector_load_idx %arg7[%broadcast_in_dim3A_45, %parallel_loop3A_681] : memref<128x128xf32, #tpu.memory_space<vmem>>[vector<16xi32>, vector<16xi32>], vector<16xf32>,
      %parallel_loop3A_683 = arith.constant 128 : i32
      %parallel_loop3A_684 = arith.muli %parallel_loop3A_544, %parallel_loop3A_683 : i32
      %parallel_loop3A_685 = arith.addi %parallel_loop3A_684, %parallel_loop3A_540 : i32
      %parallel_loop3A_686 = vector.broadcast %parallel_loop3A_685 : i32 to vector<16xi32>
      %parallel_loop3A_687 = arith.addi %add3A_334, %parallel_loop3A_686 : vector<16xi32>
      tpu.vector_store_idx %arg11[%broadcast_in_dim3A_45, %broadcast_in_dim3A_45, %broadcast_in_dim3A_45, %parallel_loop3A_687], %parallel_loop3A_682 : memref<24x1x8x128xf32, #tpu.memory_space<vmem>>[vector<16xi32>, vector<16xi32>, vector<16xi32>, vector<16xi32>], vector<16xf32>,
      %parallel_loop3A_688 = arith.constant 128 : i32
      %parallel_loop3A_689 = arith.muli %parallel_loop3A_540, %parallel_loop3A_688 : i32
      %parallel_loop3A_690 = arith.addi %parallel_loop3A_689, %parallel_loop3A_544 : i32
      %parallel_loop3A_691 = vector.broadcast %parallel_loop3A_690 : i32 to vector<16xi32>
      %parallel_loop3A_692 = arith.addi %add3A_184, %parallel_loop3A_691 : vector<16xi32>
      %parallel_loop3A_693 = tpu.vector_load_idx %arg7[%broadcast_in_dim3A_45, %parallel_loop3A_692] : memref<128x128xf32, #tpu.memory_space<vmem>>[vector<16xi32>, vector<16xi32>], vector<16xf32>,
      %parallel_loop3A_694 = arith.constant 128 : i32
      %parallel_loop3A_695 = arith.muli %parallel_loop3A_544, %parallel_loop3A_694 : i32
      %parallel_loop3A_696 = arith.addi %parallel_loop3A_695, %parallel_loop3A_540 : i32
      %parallel_loop3A_697 = vector.broadcast %parallel_loop3A_696 : i32 to vector<16xi32>
      %parallel_loop3A_698 = arith.addi %add3A_344, %parallel_loop3A_697 : vector<16xi32>
      tpu.vector_store_idx %arg11[%broadcast_in_dim3A_45, %broadcast_in_dim3A_45, %broadcast_in_dim3A_45, %parallel_loop3A_698], %parallel_loop3A_693 : memref<24x1x8x128xf32, #tpu.memory_space<vmem>>[vector<16xi32>, vector<16xi32>, vector<16xi32>, vector<16xi32>], vector<16xf32>,
      %parallel_loop3A_699 = arith.constant 128 : i32
      %parallel_loop3A_700 = arith.muli %parallel_loop3A_540, %parallel_loop3A_699 : i32
      %parallel_loop3A_701 = arith.addi %parallel_loop3A_700, %parallel_loop3A_544 : i32
      %parallel_loop3A_702 = vector.broadcast %parallel_loop3A_701 : i32 to vector<16xi32>
      %parallel_loop3A_703 = arith.addi %add3A_194, %parallel_loop3A_702 : vector<16xi32>
      %parallel_loop3A_704 = tpu.vector_load_idx %arg7[%broadcast_in_dim3A_45, %parallel_loop3A_703] : memref<128x128xf32, #tpu.memory_space<vmem>>[vector<16xi32>, vector<16xi32>], vector<16xf32>,
      %parallel_loop3A_705 = arith.constant 128 : i32
      %parallel_loop3A_706 = arith.muli %parallel_loop3A_544, %parallel_loop3A_705 : i32
      %parallel_loop3A_707 = arith.addi %parallel_loop3A_706, %parallel_loop3A_540 : i32
      %parallel_loop3A_708 = vector.broadcast %parallel_loop3A_707 : i32 to vector<16xi32>
      %parallel_loop3A_709 = arith.addi %add3A_354, %parallel_loop3A_708 : vector<16xi32>
      tpu.vector_store_idx %arg11[%broadcast_in_dim3A_45, %broadcast_in_dim3A_45, %broadcast_in_dim3A_45, %parallel_loop3A_709], %parallel_loop3A_704 : memref<24x1x8x128xf32, #tpu.memory_space<vmem>>[vector<16xi32>, vector<16xi32>, vector<16xi32>, vector<16xi32>], vector<16xf32>,
      %parallel_loop3A_710 = arith.constant 128 : i32
      %parallel_loop3A_711 = arith.muli %parallel_loop3A_540, %parallel_loop3A_710 : i32
      %parallel_loop3A_712 = arith.addi %parallel_loop3A_711, %parallel_loop3A_544 : i32
      %parallel_loop3A_713 = vector.broadcast %parallel_loop3A_712 : i32 to vector<16xi32>
      %parallel_loop3A_714 = arith.addi %add3A_204, %parallel_loop3A_713 : vector<16xi32>
      %parallel_loop3A_715 = tpu.vector_load_idx %arg7[%broadcast_in_dim3A_45, %parallel_loop3A_714] : memref<128x128xf32, #tpu.memory_space<vmem>>[vector<16xi32>, vector<16xi32>], vector<16xf32>,
      %parallel_loop3A_716 = arith.constant 128 : i32
      %parallel_loop3A_717 = arith.muli %parallel_loop3A_544, %parallel_loop3A_716 : i32
      %parallel_loop3A_718 = arith.addi %parallel_loop3A_717, %parallel_loop3A_540 : i32
      %parallel_loop3A_719 = vector.broadcast %parallel_loop3A_718 : i32 to vector<16xi32>
      %parallel_loop3A_720 = arith.addi %add3A_364, %parallel_loop3A_719 : vector<16xi32>
      tpu.vector_store_idx %arg11[%broadcast_in_dim3A_45, %broadcast_in_dim3A_45, %broadcast_in_dim3A_45, %parallel_loop3A_720], %parallel_loop3A_715 : memref<24x1x8x128xf32, #tpu.memory_space<vmem>>[vector<16xi32>, vector<16xi32>, vector<16xi32>, vector<16xi32>], vector<16xf32>,
    } {sc.loop_unroll_factor = 2 : i64, sc.parallel_access}
    %add3A_402 = arith.constant 48 : i32
    %add3A_403 = arith.constant 4 : i32
    %add3A_404 = arith.addi %add3A_402, %add3A_403 : i32
    %lt3A = arith.constant 50 : i32
    %lt3A_405 = arith.cmpi slt, %add3A_404, %lt3A : i32
    %convert_element_type3A_406 = arith.extui %lt3A_405 : i1 to i32
    %cond3A_407 = arith.constant 48 : i32
    %cond3A_408 = arith.constant 0 : i32
    %cond3A_409 = arith.cmpi ne, %convert_element_type3A_406, %cond3A_408 : i32
    scf.if %cond3A_409 {
      %add3A_536 = arith.constant 4 : i32
      %add3A_537 = arith.addi %cond3A_407, %add3A_536 : i32
      %dma_start3A_538 = arith.constant 0 : i32
      %dma_start3A_539 = tpu.memref_slice %arg6[%add3A_537, %dma_start3A_538] : memref<50x128xi32, #tpu.memory_space<vmem>> -> memref<1x128xi32, #tpu.memory_space<vmem>>
      %dma_start3A_540 = tpu.memref_squeeze %dma_start3A_539 : memref<1x128xi32, #tpu.memory_space<vmem>> -> memref<128xi32, #tpu.memory_space<vmem>>
      %dma_start3A_541 = arith.constant 0 : i32
      %dma_start3A_542 = arith.constant 0 : i32
      %dma_start3A_543 = tpu.memref_slice %arg4[%dma_start3A_541, %dma_start3A_542] : memref<100000x128xf32, #tpu.memory_space<hbm>> -> memref<100000x128xf32, #tpu.memory_space<hbm>>
      tpu.enqueue_indirect_dma source(%dma_start3A_543 : memref<100000x128xf32, #tpu.memory_space<hbm>>) target(%arg7 : memref<128x128xf32, #tpu.memory_space<vmem>>) offsets(%dma_start3A_540 : memref<128xi32, #tpu.memory_space<vmem>>) semaphore(%arg14 : memref<!tpu.dma_semaphore, #tpu.memory_space<semaphore_mem>>)
    } else {
    }
    %dma_wait3A_410 = arith.constant 16 : i32
    %dma_wait3A_411 = arith.constant 0 : i32
    %dma_wait3A_412 = arith.constant 0 : i32
    %dma_wait3A_413 = arith.constant 0 : i32
    %dma_wait3A_414 = tpu.memref_slice %arg11[%dma_wait3A_410, %dma_wait3A_411, %dma_wait3A_412, %dma_wait3A_413] : memref<24x1x8x128xf32, #tpu.memory_space<vmem>> -> memref<8x1x8x128xf32, #tpu.memory_space<vmem>>
    %dma_wait3A_415 = arith.constant 0 : i32
    %dma_wait3A_416 = arith.constant 0 : i32
    %dma_wait3A_417 = arith.constant 0 : i32
    %dma_wait3A_418 = arith.constant 0 : i32
    %dma_wait3A_419 = tpu.memref_slice %arg3[%dma_wait3A_415, %dma_wait3A_416, %dma_wait3A_417, %dma_wait3A_418] : memref<8x1x8x204800xf32, #tpu.memory_space<hbm>> -> memref<8x1x8x128xf32, #tpu.memory_space<hbm>>
    %dma_wait3A_420 = arith.constant 16 : i32
    %dma_wait3A_421 = arith.constant 0 : i32
    %dma_wait3A_422 = arith.constant 0 : i32
    %dma_wait3A_423 = arith.constant 0 : i32
    %dma_wait3A_424 = tpu.memref_slice %arg11[%dma_wait3A_420, %dma_wait3A_421, %dma_wait3A_422, %dma_wait3A_423] : memref<24x1x8x128xf32, #tpu.memory_space<vmem>> -> memref<8x1x8x128xf32, #tpu.memory_space<vmem>>
    %dma_wait3A_425 = arith.constant 0 : i32
    %dma_wait3A_426 = arith.constant 0 : i32
    %dma_wait3A_427 = arith.constant 0 : i32
    %dma_wait3A_428 = arith.constant 0 : i32
    %dma_wait3A_429 = tpu.memref_slice %arg3[%dma_wait3A_425, %dma_wait3A_426, %dma_wait3A_427, %dma_wait3A_428] : memref<8x1x8x204800xf32, #tpu.memory_space<hbm>> -> memref<8x1x8x128xf32, #tpu.memory_space<hbm>>
    tpu.wait_dma2 semaphore(%arg18 : memref<!tpu.dma_semaphore, #tpu.memory_space<semaphore_mem>>) src(%dma_wait3A_429 : memref<8x1x8x128xf32, #tpu.memory_space<hbm>>) dst(%dma_wait3A_424 : memref<8x1x8x128xf32, #tpu.memory_space<vmem>>)
    %add3A_430 = arith.constant 48 : i32
    %add3A_431 = arith.addi %mul3A_2, %add3A_430 : i32
    %dma_start3A_432 = arith.constant 0 : i32
    %dma_start3A_433 = arith.constant 0 : i32
    %dma_start3A_434 = arith.constant 0 : i32
    %dma_start3A_435 = tpu.memref_slice %arg5[%dma_start3A_432, %add3A_431, %dma_start3A_433, %dma_start3A_434] : memref<24x1600x8x128xf32, #tpu.memory_space<hbm>> -> memref<24x1x8x128xf32, #tpu.memory_space<hbm>>
    %dma_start3A_436 = arith.constant 0 : i32
    %dma_start3A_437 = arith.constant 0 : i32
    %dma_start3A_438 = arith.constant 0 : i32
    %dma_start3A_439 = tpu.memref_slice %arg5[%dma_start3A_436, %add3A_431, %dma_start3A_437, %dma_start3A_438] : memref<24x1600x8x128xf32, #tpu.memory_space<hbm>> -> memref<24x1x8x128xf32, #tpu.memory_space<hbm>>
    tpu.enqueue_dma source(%arg11 : memref<24x1x8x128xf32, #tpu.memory_space<vmem>>) target(%dma_start3A_439 : memref<24x1x8x128xf32, #tpu.memory_space<hbm>>) target_semaphore(%arg20 : memref<!tpu.dma_semaphore, #tpu.memory_space<semaphore_mem>>)
    %ge3A_440 = arith.constant 49 : i32
    %ge3A_441 = arith.constant 2 : i32
    %ge3A_442 = arith.cmpi sge, %ge3A_440, %ge3A_441 : i32
    %convert_element_type3A_443 = arith.extui %ge3A_442 : i1 to i32
    %cond3A_444 = arith.constant 0 : i32
    %cond3A_445 = arith.cmpi ne, %convert_element_type3A_443, %cond3A_444 : i32
    scf.if %cond3A_445 {
      %add3A_536 = arith.constant 0 : i32
      %add3A_537 = arith.addi %mul3A_2, %add3A_536 : i32
      %dma_wait3A_538 = arith.constant 0 : i32
      %dma_wait3A_539 = arith.constant 0 : i32
      %dma_wait3A_540 = arith.constant 0 : i32
      %dma_wait3A_541 = tpu.memref_slice %arg5[%dma_wait3A_538, %add3A_537, %dma_wait3A_539, %dma_wait3A_540] : memref<24x1600x8x128xf32, #tpu.memory_space<hbm>> -> memref<24x1x8x128xf32, #tpu.memory_space<hbm>>
      %dma_wait3A_542 = arith.constant 0 : i32
      %dma_wait3A_543 = arith.constant 0 : i32
      %dma_wait3A_544 = arith.constant 0 : i32
      %dma_wait3A_545 = tpu.memref_slice %arg5[%dma_wait3A_542, %add3A_537, %dma_wait3A_543, %dma_wait3A_544] : memref<24x1600x8x128xf32, #tpu.memory_space<hbm>> -> memref<24x1x8x128xf32, #tpu.memory_space<hbm>>
      tpu.wait_dma2 semaphore(%arg21 : memref<!tpu.dma_semaphore, #tpu.memory_space<semaphore_mem>>) src(%arg12 : memref<24x1x8x128xf32, #tpu.memory_space<vmem>>) dst(%dma_wait3A_545 : memref<24x1x8x128xf32, #tpu.memory_space<hbm>>)
    } else {
    }
    %add3A_446 = arith.constant 49 : i32
    %add3A_447 = arith.addi %mul3A_2, %add3A_446 : i32
    %mul3A_448 = arith.constant 128 : i32
    %mul3A_449 = arith.muli %add3A_447, %mul3A_448 : i32
    %dma_start3A_450 = arith.constant 16 : i32
    %dma_start3A_451 = arith.constant 0 : i32
    %dma_start3A_452 = arith.constant 0 : i32
    %dma_start3A_453 = arith.constant 0 : i32
    %dma_start3A_454 = tpu.memref_slice %arg12[%dma_start3A_450, %dma_start3A_451, %dma_start3A_452, %dma_start3A_453] : memref<24x1x8x128xf32, #tpu.memory_space<vmem>> -> memref<8x1x8x128xf32, #tpu.memory_space<vmem>>
    %dma_start3A_455 = arith.constant 0 : i32
    %dma_start3A_456 = arith.constant 0 : i32
    %dma_start3A_457 = arith.constant 0 : i32
    %dma_start3A_458 = tpu.memref_slice %arg3[%dma_start3A_455, %dma_start3A_456, %dma_start3A_457, %mul3A_449] : memref<8x1x8x204800xf32, #tpu.memory_space<hbm>> -> memref<8x1x8x128xf32, #tpu.memory_space<hbm>>
    %dma_start3A_459 = arith.constant 16 : i32
    %dma_start3A_460 = arith.constant 0 : i32
    %dma_start3A_461 = arith.constant 0 : i32
    %dma_start3A_462 = arith.constant 0 : i32
    %dma_start3A_463 = tpu.memref_slice %arg12[%dma_start3A_459, %dma_start3A_460, %dma_start3A_461, %dma_start3A_462] : memref<24x1x8x128xf32, #tpu.memory_space<vmem>> -> memref<8x1x8x128xf32, #tpu.memory_space<vmem>>
    %dma_start3A_464 = arith.constant 0 : i32
    %dma_start3A_465 = arith.constant 0 : i32
    %dma_start3A_466 = arith.constant 0 : i32
    %dma_start3A_467 = tpu.memref_slice %arg3[%dma_start3A_464, %dma_start3A_465, %dma_start3A_466, %mul3A_449] : memref<8x1x8x204800xf32, #tpu.memory_space<hbm>> -> memref<8x1x8x128xf32, #tpu.memory_space<hbm>>
    tpu.enqueue_dma source(%dma_start3A_467 : memref<8x1x8x128xf32, #tpu.memory_space<hbm>>) target(%dma_start3A_463 : memref<8x1x8x128xf32, #tpu.memory_space<vmem>>) target_semaphore(%arg19 : memref<!tpu.dma_semaphore, #tpu.memory_space<semaphore_mem>>)
    %dma_wait3A_468 = arith.constant 0 : i32
    %dma_wait3A_469 = arith.constant 0 : i32
    %dma_wait3A_470 = tpu.memref_slice %arg4[%dma_wait3A_468, %dma_wait3A_469] : memref<100000x128xf32, #tpu.memory_space<hbm>> -> memref<128x128xf32, #tpu.memory_space<hbm>>
    %dma_wait3A_471 = arith.constant 0 : i32
    %dma_wait3A_472 = arith.constant 0 : i32
    %dma_wait3A_473 = tpu.memref_slice %arg4[%dma_wait3A_471, %dma_wait3A_472] : memref<100000x128xf32, #tpu.memory_space<hbm>> -> memref<128x128xf32, #tpu.memory_space<hbm>>
    tpu.wait_dma2 semaphore(%arg15 : memref<!tpu.dma_semaphore, #tpu.memory_space<semaphore_mem>>) src(%dma_wait3A_473 : memref<128x128xf32, #tpu.memory_space<hbm>>) dst(%arg8 : memref<128x128xf32, #tpu.memory_space<vmem>>)
    %parallel_loop3A_474 = arith.constant 0 : i32
    %parallel_loop3A_475 = arith.constant 64 : i32
    %parallel_loop3A_476 = arith.constant 1 : i32
    scf.for %parallel_loop3A_536 = %parallel_loop3A_474 to %parallel_loop3A_475 step %parallel_loop3A_476  : i32 {
      %parallel_loop3A_537 = arith.constant 3 : i32
      %parallel_loop3A_538 = arith.shrsi %parallel_loop3A_536, %parallel_loop3A_537 : i32
      %parallel_loop3A_539 = arith.constant 16 : i32
      %parallel_loop3A_540 = arith.muli %parallel_loop3A_538, %parallel_loop3A_539 : i32
      %parallel_loop3A_541 = arith.constant 7 : i32
      %parallel_loop3A_542 = arith.andi %parallel_loop3A_536, %parallel_loop3A_541 : i32
      %parallel_loop3A_543 = arith.constant 16 : i32
      %parallel_loop3A_544 = arith.muli %parallel_loop3A_542, %parallel_loop3A_543 : i32
      %parallel_loop3A_545 = arith.constant 128 : i32
      %parallel_loop3A_546 = arith.muli %parallel_loop3A_540, %parallel_loop3A_545 : i32
      %parallel_loop3A_547 = arith.addi %parallel_loop3A_546, %parallel_loop3A_544 : i32
      %parallel_loop3A_548 = vector.broadcast %parallel_loop3A_547 : i32 to vector<16xi32>
      %parallel_loop3A_549 = arith.addi %add3A_54, %parallel_loop3A_548 : vector<16xi32>
      %parallel_loop3A_550 = tpu.vector_load_idx %arg8[%broadcast_in_dim3A_45, %parallel_loop3A_549] : memref<128x128xf32, #tpu.memory_space<vmem>>[vector<16xi32>, vector<16xi32>], vector<16xf32>,
      %parallel_loop3A_551 = arith.constant 128 : i32
      %parallel_loop3A_552 = arith.muli %parallel_loop3A_544, %parallel_loop3A_551 : i32
      %parallel_loop3A_553 = arith.addi %parallel_loop3A_552, %parallel_loop3A_540 : i32
      %parallel_loop3A_554 = vector.broadcast %parallel_loop3A_553 : i32 to vector<16xi32>
      %parallel_loop3A_555 = arith.addi %add3A_214, %parallel_loop3A_554 : vector<16xi32>
      tpu.vector_store_idx %arg12[%broadcast_in_dim3A_45, %broadcast_in_dim3A_45, %broadcast_in_dim3A_45, %parallel_loop3A_555], %parallel_loop3A_550 : memref<24x1x8x128xf32, #tpu.memory_space<vmem>>[vector<16xi32>, vector<16xi32>, vector<16xi32>, vector<16xi32>], vector<16xf32>,
      %parallel_loop3A_556 = arith.constant 128 : i32
      %parallel_loop3A_557 = arith.muli %parallel_loop3A_540, %parallel_loop3A_556 : i32
      %parallel_loop3A_558 = arith.addi %parallel_loop3A_557, %parallel_loop3A_544 : i32
      %parallel_loop3A_559 = vector.broadcast %parallel_loop3A_558 : i32 to vector<16xi32>
      %parallel_loop3A_560 = arith.addi %add3A_64, %parallel_loop3A_559 : vector<16xi32>
      %parallel_loop3A_561 = tpu.vector_load_idx %arg8[%broadcast_in_dim3A_45, %parallel_loop3A_560] : memref<128x128xf32, #tpu.memory_space<vmem>>[vector<16xi32>, vector<16xi32>], vector<16xf32>,
      %parallel_loop3A_562 = arith.constant 128 : i32
      %parallel_loop3A_563 = arith.muli %parallel_loop3A_544, %parallel_loop3A_562 : i32
      %parallel_loop3A_564 = arith.addi %parallel_loop3A_563, %parallel_loop3A_540 : i32
      %parallel_loop3A_565 = vector.broadcast %parallel_loop3A_564 : i32 to vector<16xi32>
      %parallel_loop3A_566 = arith.addi %add3A_224, %parallel_loop3A_565 : vector<16xi32>
      tpu.vector_store_idx %arg12[%broadcast_in_dim3A_45, %broadcast_in_dim3A_45, %broadcast_in_dim3A_45, %parallel_loop3A_566], %parallel_loop3A_561 : memref<24x1x8x128xf32, #tpu.memory_space<vmem>>[vector<16xi32>, vector<16xi32>, vector<16xi32>, vector<16xi32>], vector<16xf32>,
      %parallel_loop3A_567 = arith.constant 128 : i32
      %parallel_loop3A_568 = arith.muli %parallel_loop3A_540, %parallel_loop3A_567 : i32
      %parallel_loop3A_569 = arith.addi %parallel_loop3A_568, %parallel_loop3A_544 : i32
      %parallel_loop3A_570 = vector.broadcast %parallel_loop3A_569 : i32 to vector<16xi32>
      %parallel_loop3A_571 = arith.addi %add3A_74, %parallel_loop3A_570 : vector<16xi32>
      %parallel_loop3A_572 = tpu.vector_load_idx %arg8[%broadcast_in_dim3A_45, %parallel_loop3A_571] : memref<128x128xf32, #tpu.memory_space<vmem>>[vector<16xi32>, vector<16xi32>], vector<16xf32>,
      %parallel_loop3A_573 = arith.constant 128 : i32
      %parallel_loop3A_574 = arith.muli %parallel_loop3A_544, %parallel_loop3A_573 : i32
      %parallel_loop3A_575 = arith.addi %parallel_loop3A_574, %parallel_loop3A_540 : i32
      %parallel_loop3A_576 = vector.broadcast %parallel_loop3A_575 : i32 to vector<16xi32>
      %parallel_loop3A_577 = arith.addi %add3A_234, %parallel_loop3A_576 : vector<16xi32>
      tpu.vector_store_idx %arg12[%broadcast_in_dim3A_45, %broadcast_in_dim3A_45, %broadcast_in_dim3A_45, %parallel_loop3A_577], %parallel_loop3A_572 : memref<24x1x8x128xf32, #tpu.memory_space<vmem>>[vector<16xi32>, vector<16xi32>, vector<16xi32>, vector<16xi32>], vector<16xf32>,
      %parallel_loop3A_578 = arith.constant 128 : i32
      %parallel_loop3A_579 = arith.muli %parallel_loop3A_540, %parallel_loop3A_578 : i32
      %parallel_loop3A_580 = arith.addi %parallel_loop3A_579, %parallel_loop3A_544 : i32
      %parallel_loop3A_581 = vector.broadcast %parallel_loop3A_580 : i32 to vector<16xi32>
      %parallel_loop3A_582 = arith.addi %add3A_84, %parallel_loop3A_581 : vector<16xi32>
      %parallel_loop3A_583 = tpu.vector_load_idx %arg8[%broadcast_in_dim3A_45, %parallel_loop3A_582] : memref<128x128xf32, #tpu.memory_space<vmem>>[vector<16xi32>, vector<16xi32>], vector<16xf32>,
      %parallel_loop3A_584 = arith.constant 128 : i32
      %parallel_loop3A_585 = arith.muli %parallel_loop3A_544, %parallel_loop3A_584 : i32
      %parallel_loop3A_586 = arith.addi %parallel_loop3A_585, %parallel_loop3A_540 : i32
      %parallel_loop3A_587 = vector.broadcast %parallel_loop3A_586 : i32 to vector<16xi32>
      %parallel_loop3A_588 = arith.addi %add3A_244, %parallel_loop3A_587 : vector<16xi32>
      tpu.vector_store_idx %arg12[%broadcast_in_dim3A_45, %broadcast_in_dim3A_45, %broadcast_in_dim3A_45, %parallel_loop3A_588], %parallel_loop3A_583 : memref<24x1x8x128xf32, #tpu.memory_space<vmem>>[vector<16xi32>, vector<16xi32>, vector<16xi32>, vector<16xi32>], vector<16xf32>,
      %parallel_loop3A_589 = arith.constant 128 : i32
      %parallel_loop3A_590 = arith.muli %parallel_loop3A_540, %parallel_loop3A_589 : i32
      %parallel_loop3A_591 = arith.addi %parallel_loop3A_590, %parallel_loop3A_544 : i32
      %parallel_loop3A_592 = vector.broadcast %parallel_loop3A_591 : i32 to vector<16xi32>
      %parallel_loop3A_593 = arith.addi %add3A_94, %parallel_loop3A_592 : vector<16xi32>
      %parallel_loop3A_594 = tpu.vector_load_idx %arg8[%broadcast_in_dim3A_45, %parallel_loop3A_593] : memref<128x128xf32, #tpu.memory_space<vmem>>[vector<16xi32>, vector<16xi32>], vector<16xf32>,
      %parallel_loop3A_595 = arith.constant 128 : i32
      %parallel_loop3A_596 = arith.muli %parallel_loop3A_544, %parallel_loop3A_595 : i32
      %parallel_loop3A_597 = arith.addi %parallel_loop3A_596, %parallel_loop3A_540 : i32
      %parallel_loop3A_598 = vector.broadcast %parallel_loop3A_597 : i32 to vector<16xi32>
      %parallel_loop3A_599 = arith.addi %add3A_254, %parallel_loop3A_598 : vector<16xi32>
      tpu.vector_store_idx %arg12[%broadcast_in_dim3A_45, %broadcast_in_dim3A_45, %broadcast_in_dim3A_45, %parallel_loop3A_599], %parallel_loop3A_594 : memref<24x1x8x128xf32, #tpu.memory_space<vmem>>[vector<16xi32>, vector<16xi32>, vector<16xi32>, vector<16xi32>], vector<16xf32>,
      %parallel_loop3A_600 = arith.constant 128 : i32
      %parallel_loop3A_601 = arith.muli %parallel_loop3A_540, %parallel_loop3A_600 : i32
      %parallel_loop3A_602 = arith.addi %parallel_loop3A_601, %parallel_loop3A_544 : i32
      %parallel_loop3A_603 = vector.broadcast %parallel_loop3A_602 : i32 to vector<16xi32>
      %parallel_loop3A_604 = arith.addi %add3A_104, %parallel_loop3A_603 : vector<16xi32>
      %parallel_loop3A_605 = tpu.vector_load_idx %arg8[%broadcast_in_dim3A_45, %parallel_loop3A_604] : memref<128x128xf32, #tpu.memory_space<vmem>>[vector<16xi32>, vector<16xi32>], vector<16xf32>,
      %parallel_loop3A_606 = arith.constant 128 : i32
      %parallel_loop3A_607 = arith.muli %parallel_loop3A_544, %parallel_loop3A_606 : i32
      %parallel_loop3A_608 = arith.addi %parallel_loop3A_607, %parallel_loop3A_540 : i32
      %parallel_loop3A_609 = vector.broadcast %parallel_loop3A_608 : i32 to vector<16xi32>
      %parallel_loop3A_610 = arith.addi %add3A_264, %parallel_loop3A_609 : vector<16xi32>
      tpu.vector_store_idx %arg12[%broadcast_in_dim3A_45, %broadcast_in_dim3A_45, %broadcast_in_dim3A_45, %parallel_loop3A_610], %parallel_loop3A_605 : memref<24x1x8x128xf32, #tpu.memory_space<vmem>>[vector<16xi32>, vector<16xi32>, vector<16xi32>, vector<16xi32>], vector<16xf32>,
      %parallel_loop3A_611 = arith.constant 128 : i32
      %parallel_loop3A_612 = arith.muli %parallel_loop3A_540, %parallel_loop3A_611 : i32
      %parallel_loop3A_613 = arith.addi %parallel_loop3A_612, %parallel_loop3A_544 : i32
      %parallel_loop3A_614 = vector.broadcast %parallel_loop3A_613 : i32 to vector<16xi32>
      %parallel_loop3A_615 = arith.addi %add3A_114, %parallel_loop3A_614 : vector<16xi32>
      %parallel_loop3A_616 = tpu.vector_load_idx %arg8[%broadcast_in_dim3A_45, %parallel_loop3A_615] : memref<128x128xf32, #tpu.memory_space<vmem>>[vector<16xi32>, vector<16xi32>], vector<16xf32>,
      %parallel_loop3A_617 = arith.constant 128 : i32
      %parallel_loop3A_618 = arith.muli %parallel_loop3A_544, %parallel_loop3A_617 : i32
      %parallel_loop3A_619 = arith.addi %parallel_loop3A_618, %parallel_loop3A_540 : i32
      %parallel_loop3A_620 = vector.broadcast %parallel_loop3A_619 : i32 to vector<16xi32>
      %parallel_loop3A_621 = arith.addi %add3A_274, %parallel_loop3A_620 : vector<16xi32>
      tpu.vector_store_idx %arg12[%broadcast_in_dim3A_45, %broadcast_in_dim3A_45, %broadcast_in_dim3A_45, %parallel_loop3A_621], %parallel_loop3A_616 : memref<24x1x8x128xf32, #tpu.memory_space<vmem>>[vector<16xi32>, vector<16xi32>, vector<16xi32>, vector<16xi32>], vector<16xf32>,
      %parallel_loop3A_622 = arith.constant 128 : i32
      %parallel_loop3A_623 = arith.muli %parallel_loop3A_540, %parallel_loop3A_622 : i32
      %parallel_loop3A_624 = arith.addi %parallel_loop3A_623, %parallel_loop3A_544 : i32
      %parallel_loop3A_625 = vector.broadcast %parallel_loop3A_624 : i32 to vector<16xi32>
      %parallel_loop3A_626 = arith.addi %add3A_124, %parallel_loop3A_625 : vector<16xi32>
      %parallel_loop3A_627 = tpu.vector_load_idx %arg8[%broadcast_in_dim3A_45, %parallel_loop3A_626] : memref<128x128xf32, #tpu.memory_space<vmem>>[vector<16xi32>, vector<16xi32>], vector<16xf32>,
      %parallel_loop3A_628 = arith.constant 128 : i32
      %parallel_loop3A_629 = arith.muli %parallel_loop3A_544, %parallel_loop3A_628 : i32
      %parallel_loop3A_630 = arith.addi %parallel_loop3A_629, %parallel_loop3A_540 : i32
      %parallel_loop3A_631 = vector.broadcast %parallel_loop3A_630 : i32 to vector<16xi32>
      %parallel_loop3A_632 = arith.addi %add3A_284, %parallel_loop3A_631 : vector<16xi32>
      tpu.vector_store_idx %arg12[%broadcast_in_dim3A_45, %broadcast_in_dim3A_45, %broadcast_in_dim3A_45, %parallel_loop3A_632], %parallel_loop3A_627 : memref<24x1x8x128xf32, #tpu.memory_space<vmem>>[vector<16xi32>, vector<16xi32>, vector<16xi32>, vector<16xi32>], vector<16xf32>,
      %parallel_loop3A_633 = arith.constant 128 : i32
      %parallel_loop3A_634 = arith.muli %parallel_loop3A_540, %parallel_loop3A_633 : i32
      %parallel_loop3A_635 = arith.addi %parallel_loop3A_634, %parallel_loop3A_544 : i32
      %parallel_loop3A_636 = vector.broadcast %parallel_loop3A_635 : i32 to vector<16xi32>
      %parallel_loop3A_637 = arith.addi %add3A_134, %parallel_loop3A_636 : vector<16xi32>
      %parallel_loop3A_638 = tpu.vector_load_idx %arg8[%broadcast_in_dim3A_45, %parallel_loop3A_637] : memref<128x128xf32, #tpu.memory_space<vmem>>[vector<16xi32>, vector<16xi32>], vector<16xf32>,
      %parallel_loop3A_639 = arith.constant 128 : i32
      %parallel_loop3A_640 = arith.muli %parallel_loop3A_544, %parallel_loop3A_639 : i32
      %parallel_loop3A_641 = arith.addi %parallel_loop3A_640, %parallel_loop3A_540 : i32
      %parallel_loop3A_642 = vector.broadcast %parallel_loop3A_641 : i32 to vector<16xi32>
      %parallel_loop3A_643 = arith.addi %add3A_294, %parallel_loop3A_642 : vector<16xi32>
      tpu.vector_store_idx %arg12[%broadcast_in_dim3A_45, %broadcast_in_dim3A_45, %broadcast_in_dim3A_45, %parallel_loop3A_643], %parallel_loop3A_638 : memref<24x1x8x128xf32, #tpu.memory_space<vmem>>[vector<16xi32>, vector<16xi32>, vector<16xi32>, vector<16xi32>], vector<16xf32>,
      %parallel_loop3A_644 = arith.constant 128 : i32
      %parallel_loop3A_645 = arith.muli %parallel_loop3A_540, %parallel_loop3A_644 : i32
      %parallel_loop3A_646 = arith.addi %parallel_loop3A_645, %parallel_loop3A_544 : i32
      %parallel_loop3A_647 = vector.broadcast %parallel_loop3A_646 : i32 to vector<16xi32>
      %parallel_loop3A_648 = arith.addi %add3A_144, %parallel_loop3A_647 : vector<16xi32>
      %parallel_loop3A_649 = tpu.vector_load_idx %arg8[%broadcast_in_dim3A_45, %parallel_loop3A_648] : memref<128x128xf32, #tpu.memory_space<vmem>>[vector<16xi32>, vector<16xi32>], vector<16xf32>,
      %parallel_loop3A_650 = arith.constant 128 : i32
      %parallel_loop3A_651 = arith.muli %parallel_loop3A_544, %parallel_loop3A_650 : i32
      %parallel_loop3A_652 = arith.addi %parallel_loop3A_651, %parallel_loop3A_540 : i32
      %parallel_loop3A_653 = vector.broadcast %parallel_loop3A_652 : i32 to vector<16xi32>
      %parallel_loop3A_654 = arith.addi %add3A_304, %parallel_loop3A_653 : vector<16xi32>
      tpu.vector_store_idx %arg12[%broadcast_in_dim3A_45, %broadcast_in_dim3A_45, %broadcast_in_dim3A_45, %parallel_loop3A_654], %parallel_loop3A_649 : memref<24x1x8x128xf32, #tpu.memory_space<vmem>>[vector<16xi32>, vector<16xi32>, vector<16xi32>, vector<16xi32>], vector<16xf32>,
      %parallel_loop3A_655 = arith.constant 128 : i32
      %parallel_loop3A_656 = arith.muli %parallel_loop3A_540, %parallel_loop3A_655 : i32
      %parallel_loop3A_657 = arith.addi %parallel_loop3A_656, %parallel_loop3A_544 : i32
      %parallel_loop3A_658 = vector.broadcast %parallel_loop3A_657 : i32 to vector<16xi32>
      %parallel_loop3A_659 = arith.addi %add3A_154, %parallel_loop3A_658 : vector<16xi32>
      %parallel_loop3A_660 = tpu.vector_load_idx %arg8[%broadcast_in_dim3A_45, %parallel_loop3A_659] : memref<128x128xf32, #tpu.memory_space<vmem>>[vector<16xi32>, vector<16xi32>], vector<16xf32>,
      %parallel_loop3A_661 = arith.constant 128 : i32
      %parallel_loop3A_662 = arith.muli %parallel_loop3A_544, %parallel_loop3A_661 : i32
      %parallel_loop3A_663 = arith.addi %parallel_loop3A_662, %parallel_loop3A_540 : i32
      %parallel_loop3A_664 = vector.broadcast %parallel_loop3A_663 : i32 to vector<16xi32>
      %parallel_loop3A_665 = arith.addi %add3A_314, %parallel_loop3A_664 : vector<16xi32>
      tpu.vector_store_idx %arg12[%broadcast_in_dim3A_45, %broadcast_in_dim3A_45, %broadcast_in_dim3A_45, %parallel_loop3A_665], %parallel_loop3A_660 : memref<24x1x8x128xf32, #tpu.memory_space<vmem>>[vector<16xi32>, vector<16xi32>, vector<16xi32>, vector<16xi32>], vector<16xf32>,
      %parallel_loop3A_666 = arith.constant 128 : i32
      %parallel_loop3A_667 = arith.muli %parallel_loop3A_540, %parallel_loop3A_666 : i32
      %parallel_loop3A_668 = arith.addi %parallel_loop3A_667, %parallel_loop3A_544 : i32
      %parallel_loop3A_669 = vector.broadcast %parallel_loop3A_668 : i32 to vector<16xi32>
      %parallel_loop3A_670 = arith.addi %add3A_164, %parallel_loop3A_669 : vector<16xi32>
      %parallel_loop3A_671 = tpu.vector_load_idx %arg8[%broadcast_in_dim3A_45, %parallel_loop3A_670] : memref<128x128xf32, #tpu.memory_space<vmem>>[vector<16xi32>, vector<16xi32>], vector<16xf32>,
      %parallel_loop3A_672 = arith.constant 128 : i32
      %parallel_loop3A_673 = arith.muli %parallel_loop3A_544, %parallel_loop3A_672 : i32
      %parallel_loop3A_674 = arith.addi %parallel_loop3A_673, %parallel_loop3A_540 : i32
      %parallel_loop3A_675 = vector.broadcast %parallel_loop3A_674 : i32 to vector<16xi32>
      %parallel_loop3A_676 = arith.addi %add3A_324, %parallel_loop3A_675 : vector<16xi32>
      tpu.vector_store_idx %arg12[%broadcast_in_dim3A_45, %broadcast_in_dim3A_45, %broadcast_in_dim3A_45, %parallel_loop3A_676], %parallel_loop3A_671 : memref<24x1x8x128xf32, #tpu.memory_space<vmem>>[vector<16xi32>, vector<16xi32>, vector<16xi32>, vector<16xi32>], vector<16xf32>,
      %parallel_loop3A_677 = arith.constant 128 : i32
      %parallel_loop3A_678 = arith.muli %parallel_loop3A_540, %parallel_loop3A_677 : i32
      %parallel_loop3A_679 = arith.addi %parallel_loop3A_678, %parallel_loop3A_544 : i32
      %parallel_loop3A_680 = vector.broadcast %parallel_loop3A_679 : i32 to vector<16xi32>
      %parallel_loop3A_681 = arith.addi %add3A_174, %parallel_loop3A_680 : vector<16xi32>
      %parallel_loop3A_682 = tpu.vector_load_idx %arg8[%broadcast_in_dim3A_45, %parallel_loop3A_681] : memref<128x128xf32, #tpu.memory_space<vmem>>[vector<16xi32>, vector<16xi32>], vector<16xf32>,
      %parallel_loop3A_683 = arith.constant 128 : i32
      %parallel_loop3A_684 = arith.muli %parallel_loop3A_544, %parallel_loop3A_683 : i32
      %parallel_loop3A_685 = arith.addi %parallel_loop3A_684, %parallel_loop3A_540 : i32
      %parallel_loop3A_686 = vector.broadcast %parallel_loop3A_685 : i32 to vector<16xi32>
      %parallel_loop3A_687 = arith.addi %add3A_334, %parallel_loop3A_686 : vector<16xi32>
      tpu.vector_store_idx %arg12[%broadcast_in_dim3A_45, %broadcast_in_dim3A_45, %broadcast_in_dim3A_45, %parallel_loop3A_687], %parallel_loop3A_682 : memref<24x1x8x128xf32, #tpu.memory_space<vmem>>[vector<16xi32>, vector<16xi32>, vector<16xi32>, vector<16xi32>], vector<16xf32>,
      %parallel_loop3A_688 = arith.constant 128 : i32
      %parallel_loop3A_689 = arith.muli %parallel_loop3A_540, %parallel_loop3A_688 : i32
      %parallel_loop3A_690 = arith.addi %parallel_loop3A_689, %parallel_loop3A_544 : i32
      %parallel_loop3A_691 = vector.broadcast %parallel_loop3A_690 : i32 to vector<16xi32>
      %parallel_loop3A_692 = arith.addi %add3A_184, %parallel_loop3A_691 : vector<16xi32>
      %parallel_loop3A_693 = tpu.vector_load_idx %arg8[%broadcast_in_dim3A_45, %parallel_loop3A_692] : memref<128x128xf32, #tpu.memory_space<vmem>>[vector<16xi32>, vector<16xi32>], vector<16xf32>,
      %parallel_loop3A_694 = arith.constant 128 : i32
      %parallel_loop3A_695 = arith.muli %parallel_loop3A_544, %parallel_loop3A_694 : i32
      %parallel_loop3A_696 = arith.addi %parallel_loop3A_695, %parallel_loop3A_540 : i32
      %parallel_loop3A_697 = vector.broadcast %parallel_loop3A_696 : i32 to vector<16xi32>
      %parallel_loop3A_698 = arith.addi %add3A_344, %parallel_loop3A_697 : vector<16xi32>
      tpu.vector_store_idx %arg12[%broadcast_in_dim3A_45, %broadcast_in_dim3A_45, %broadcast_in_dim3A_45, %parallel_loop3A_698], %parallel_loop3A_693 : memref<24x1x8x128xf32, #tpu.memory_space<vmem>>[vector<16xi32>, vector<16xi32>, vector<16xi32>, vector<16xi32>], vector<16xf32>,
      %parallel_loop3A_699 = arith.constant 128 : i32
      %parallel_loop3A_700 = arith.muli %parallel_loop3A_540, %parallel_loop3A_699 : i32
      %parallel_loop3A_701 = arith.addi %parallel_loop3A_700, %parallel_loop3A_544 : i32
      %parallel_loop3A_702 = vector.broadcast %parallel_loop3A_701 : i32 to vector<16xi32>
      %parallel_loop3A_703 = arith.addi %add3A_194, %parallel_loop3A_702 : vector<16xi32>
      %parallel_loop3A_704 = tpu.vector_load_idx %arg8[%broadcast_in_dim3A_45, %parallel_loop3A_703] : memref<128x128xf32, #tpu.memory_space<vmem>>[vector<16xi32>, vector<16xi32>], vector<16xf32>,
      %parallel_loop3A_705 = arith.constant 128 : i32
      %parallel_loop3A_706 = arith.muli %parallel_loop3A_544, %parallel_loop3A_705 : i32
      %parallel_loop3A_707 = arith.addi %parallel_loop3A_706, %parallel_loop3A_540 : i32
      %parallel_loop3A_708 = vector.broadcast %parallel_loop3A_707 : i32 to vector<16xi32>
      %parallel_loop3A_709 = arith.addi %add3A_354, %parallel_loop3A_708 : vector<16xi32>
      tpu.vector_store_idx %arg12[%broadcast_in_dim3A_45, %broadcast_in_dim3A_45, %broadcast_in_dim3A_45, %parallel_loop3A_709], %parallel_loop3A_704 : memref<24x1x8x128xf32, #tpu.memory_space<vmem>>[vector<16xi32>, vector<16xi32>, vector<16xi32>, vector<16xi32>], vector<16xf32>,
      %parallel_loop3A_710 = arith.constant 128 : i32
      %parallel_loop3A_711 = arith.muli %parallel_loop3A_540, %parallel_loop3A_710 : i32
      %parallel_loop3A_712 = arith.addi %parallel_loop3A_711, %parallel_loop3A_544 : i32
      %parallel_loop3A_713 = vector.broadcast %parallel_loop3A_712 : i32 to vector<16xi32>
      %parallel_loop3A_714 = arith.addi %add3A_204, %parallel_loop3A_713 : vector<16xi32>
      %parallel_loop3A_715 = tpu.vector_load_idx %arg8[%broadcast_in_dim3A_45, %parallel_loop3A_714] : memref<128x128xf32, #tpu.memory_space<vmem>>[vector<16xi32>, vector<16xi32>], vector<16xf32>,
      %parallel_loop3A_716 = arith.constant 128 : i32
      %parallel_loop3A_717 = arith.muli %parallel_loop3A_544, %parallel_loop3A_716 : i32
      %parallel_loop3A_718 = arith.addi %parallel_loop3A_717, %parallel_loop3A_540 : i32
      %parallel_loop3A_719 = vector.broadcast %parallel_loop3A_718 : i32 to vector<16xi32>
      %parallel_loop3A_720 = arith.addi %add3A_364, %parallel_loop3A_719 : vector<16xi32>
      tpu.vector_store_idx %arg12[%broadcast_in_dim3A_45, %broadcast_in_dim3A_45, %broadcast_in_dim3A_45, %parallel_loop3A_720], %parallel_loop3A_715 : memref<24x1x8x128xf32, #tpu.memory_space<vmem>>[vector<16xi32>, vector<16xi32>, vector<16xi32>, vector<16xi32>], vector<16xf32>,
    } {sc.loop_unroll_factor = 2 : i64, sc.parallel_access}
    %add3A_477 = arith.constant 49 : i32
    %add3A_478 = arith.constant 4 : i32
    %add3A_479 = arith.addi %add3A_477, %add3A_478 : i32
    %lt3A_480 = arith.constant 50 : i32
    %lt3A_481 = arith.cmpi slt, %add3A_479, %lt3A_480 : i32
    %convert_element_type3A_482 = arith.extui %lt3A_481 : i1 to i32
    %cond3A_483 = arith.constant 49 : i32
    %cond3A_484 = arith.constant 0 : i32
    %cond3A_485 = arith.cmpi ne, %convert_element_type3A_482, %cond3A_484 : i32
    scf.if %cond3A_485 {
      %add3A_536 = arith.constant 4 : i32
      %add3A_537 = arith.addi %cond3A_483, %add3A_536 : i32
      %dma_start3A_538 = arith.constant 0 : i32
      %dma_start3A_539 = tpu.memref_slice %arg6[%add3A_537, %dma_start3A_538] : memref<50x128xi32, #tpu.memory_space<vmem>> -> memref<1x128xi32, #tpu.memory_space<vmem>>
      %dma_start3A_540 = tpu.memref_squeeze %dma_start3A_539 : memref<1x128xi32, #tpu.memory_space<vmem>> -> memref<128xi32, #tpu.memory_space<vmem>>
      %dma_start3A_541 = arith.constant 0 : i32
      %dma_start3A_542 = arith.constant 0 : i32
      %dma_start3A_543 = tpu.memref_slice %arg4[%dma_start3A_541, %dma_start3A_542] : memref<100000x128xf32, #tpu.memory_space<hbm>> -> memref<100000x128xf32, #tpu.memory_space<hbm>>
      tpu.enqueue_indirect_dma source(%dma_start3A_543 : memref<100000x128xf32, #tpu.memory_space<hbm>>) target(%arg8 : memref<128x128xf32, #tpu.memory_space<vmem>>) offsets(%dma_start3A_540 : memref<128xi32, #tpu.memory_space<vmem>>) semaphore(%arg15 : memref<!tpu.dma_semaphore, #tpu.memory_space<semaphore_mem>>)
    } else {
    }
    %dma_wait3A_486 = arith.constant 16 : i32
    %dma_wait3A_487 = arith.constant 0 : i32
    %dma_wait3A_488 = arith.constant 0 : i32
    %dma_wait3A_489 = arith.constant 0 : i32
    %dma_wait3A_490 = tpu.memref_slice %arg12[%dma_wait3A_486, %dma_wait3A_487, %dma_wait3A_488, %dma_wait3A_489] : memref<24x1x8x128xf32, #tpu.memory_space<vmem>> -> memref<8x1x8x128xf32, #tpu.memory_space<vmem>>
    %dma_wait3A_491 = arith.constant 0 : i32
    %dma_wait3A_492 = arith.constant 0 : i32
    %dma_wait3A_493 = arith.constant 0 : i32
    %dma_wait3A_494 = arith.constant 0 : i32
    %dma_wait3A_495 = tpu.memref_slice %arg3[%dma_wait3A_491, %dma_wait3A_492, %dma_wait3A_493, %dma_wait3A_494] : memref<8x1x8x204800xf32, #tpu.memory_space<hbm>> -> memref<8x1x8x128xf32, #tpu.memory_space<hbm>>
    %dma_wait3A_496 = arith.constant 16 : i32
    %dma_wait3A_497 = arith.constant 0 : i32
    %dma_wait3A_498 = arith.constant 0 : i32
    %dma_wait3A_499 = arith.constant 0 : i32
    %dma_wait3A_500 = tpu.memref_slice %arg12[%dma_wait3A_496, %dma_wait3A_497, %dma_wait3A_498, %dma_wait3A_499] : memref<24x1x8x128xf32, #tpu.memory_space<vmem>> -> memref<8x1x8x128xf32, #tpu.memory_space<vmem>>
    %dma_wait3A_501 = arith.constant 0 : i32
    %dma_wait3A_502 = arith.constant 0 : i32
    %dma_wait3A_503 = arith.constant 0 : i32
    %dma_wait3A_504 = arith.constant 0 : i32
    %dma_wait3A_505 = tpu.memref_slice %arg3[%dma_wait3A_501, %dma_wait3A_502, %dma_wait3A_503, %dma_wait3A_504] : memref<8x1x8x204800xf32, #tpu.memory_space<hbm>> -> memref<8x1x8x128xf32, #tpu.memory_space<hbm>>
    tpu.wait_dma2 semaphore(%arg19 : memref<!tpu.dma_semaphore, #tpu.memory_space<semaphore_mem>>) src(%dma_wait3A_505 : memref<8x1x8x128xf32, #tpu.memory_space<hbm>>) dst(%dma_wait3A_500 : memref<8x1x8x128xf32, #tpu.memory_space<vmem>>)
    %add3A_506 = arith.constant 49 : i32
    %add3A_507 = arith.addi %mul3A_2, %add3A_506 : i32
    %dma_start3A_508 = arith.constant 0 : i32
    %dma_start3A_509 = arith.constant 0 : i32
    %dma_start3A_510 = arith.constant 0 : i32
    %dma_start3A_511 = tpu.memref_slice %arg5[%dma_start3A_508, %add3A_507, %dma_start3A_509, %dma_start3A_510] : memref<24x1600x8x128xf32, #tpu.memory_space<hbm>> -> memref<24x1x8x128xf32, #tpu.memory_space<hbm>>
    %dma_start3A_512 = arith.constant 0 : i32
    %dma_start3A_513 = arith.constant 0 : i32
    %dma_start3A_514 = arith.constant 0 : i32
    %dma_start3A_515 = tpu.memref_slice %arg5[%dma_start3A_512, %add3A_507, %dma_start3A_513, %dma_start3A_514] : memref<24x1600x8x128xf32, #tpu.memory_space<hbm>> -> memref<24x1x8x128xf32, #tpu.memory_space<hbm>>
    tpu.enqueue_dma source(%arg12 : memref<24x1x8x128xf32, #tpu.memory_space<vmem>>) target(%dma_start3A_515 : memref<24x1x8x128xf32, #tpu.memory_space<hbm>>) target_semaphore(%arg21 : memref<!tpu.dma_semaphore, #tpu.memory_space<semaphore_mem>>)
    %add3A_516 = arith.constant 0 : i32
    %add3A_517 = arith.addi %mul3A_2, %add3A_516 : i32
    %dma_wait3A_518 = arith.constant 0 : i32
    %dma_wait3A_519 = arith.constant 0 : i32
    %dma_wait3A_520 = arith.constant 0 : i32
    %dma_wait3A_521 = tpu.memref_slice %arg5[%dma_wait3A_518, %add3A_517, %dma_wait3A_519, %dma_wait3A_520] : memref<24x1600x8x128xf32, #tpu.memory_space<hbm>> -> memref<24x1x8x128xf32, #tpu.memory_space<hbm>>
    %dma_wait3A_522 = arith.constant 0 : i32
    %dma_wait3A_523 = arith.constant 0 : i32
    %dma_wait3A_524 = arith.constant 0 : i32
    %dma_wait3A_525 = tpu.memref_slice %arg5[%dma_wait3A_522, %add3A_517, %dma_wait3A_523, %dma_wait3A_524] : memref<24x1600x8x128xf32, #tpu.memory_space<hbm>> -> memref<24x1x8x128xf32, #tpu.memory_space<hbm>>
    tpu.wait_dma2 semaphore(%arg20 : memref<!tpu.dma_semaphore, #tpu.memory_space<semaphore_mem>>) src(%arg11 : memref<24x1x8x128xf32, #tpu.memory_space<vmem>>) dst(%dma_wait3A_525 : memref<24x1x8x128xf32, #tpu.memory_space<hbm>>)
    %add3A_526 = arith.constant 0 : i32
    %add3A_527 = arith.addi %mul3A_2, %add3A_526 : i32
    %dma_wait3A_528 = arith.constant 0 : i32
    %dma_wait3A_529 = arith.constant 0 : i32
    %dma_wait3A_530 = arith.constant 0 : i32
    %dma_wait3A_531 = tpu.memref_slice %arg5[%dma_wait3A_528, %add3A_527, %dma_wait3A_529, %dma_wait3A_530] : memref<24x1600x8x128xf32, #tpu.memory_space<hbm>> -> memref<24x1x8x128xf32, #tpu.memory_space<hbm>>
    %dma_wait3A_532 = arith.constant 0 : i32
    %dma_wait3A_533 = arith.constant 0 : i32
    %dma_wait3A_534 = arith.constant 0 : i32
    %dma_wait3A_535 = tpu.memref_slice %arg5[%dma_wait3A_532, %add3A_527, %dma_wait3A_533, %dma_wait3A_534] : memref<24x1600x8x128xf32, #tpu.memory_space<hbm>> -> memref<24x1x8x128xf32, #tpu.memory_space<hbm>>
    tpu.wait_dma2 semaphore(%arg21 : memref<!tpu.dma_semaphore, #tpu.memory_space<semaphore_mem>>) src(%arg12 : memref<24x1x8x128xf32, #tpu.memory_space<vmem>>) dst(%dma_wait3A_535 : memref<24x1x8x128xf32, #tpu.memory_space<hbm>>)
    return
  }
}

</mosaic_0001>

<sc_bundles>
// kernel: kernel.3.cloned.1.call-start
scs
__scs_entry_jumppad:
0x0: {  	(pc) =	sbr.rel $0x88, $3  }
0x1: {  	(tag) =	ssettag $0x0;
	lr =	simm.s32 $0x1  }
0x2: {  	[smem:$0x3F9D] =	sst lr;
	_ =	strace $0xD0000000  }
0x3: {  	_ = 	snop  }
0x4: {  	_ = 	snop  }
0x5: {  	_ = 	snop  }
0x6: {  	_ = 	snop  }
0x7: {  	_ = 	snop  }
__scs_overlays_trampoline_lowered:
0x8: {  	[smem:$0x3FAC] =	sst s0  }
0x9: {  	[smem:$0x3FAD] =	sst s1  }
0xa: {  	[smem:$0x3FAE] =	sst s2  }
0xb: {  	[smem:$0x3FAF] =	sst s3  }
0xc: {  	[smem:$0x3FB0] =	sst s4  }
0xd: {  	[smem:$0x3FB1] =	sst s5  }
0xe: {  	[smem:$0x3FB2] =	sst s6  }
0xf: {  	[smem:$0x3FB3] =	sst s7  }
0x10: {  	[smem:$0x3FB4] =	sst s8  }
0x11: {  	[smem:$0x3FB5] =	sst s9;
	s0 =	simm.s32 @!p0 $0x0  }
0x12: {  	s1 =	sld [smem:$0x3F9B];
	s0 =	simm.s32 @p0 $0x1  }
0x13: {  	[smem:$0x3FB6] =	sst s0;
	s0 =	simm.s32 @!p1 $0x0  }
0x14: {  	s2 =	sld [smem:$0x3F9A];
	s0 =	simm.s32 @p1 $0x1  }
0x15: {  	[smem:$0x3FB7] =	sst s0;
	s0 =	simm.s32 @!p2 $0x0  }
0x16: {  	s3 =	sld [smem:$0x3FDB];
	s0 =	simm.s32 @p2 $0x1  }
0x17: {  	s4 =	simm.s32 $0x1BF5;
	[smem:$0x3FB9] =	sst s0  }
0x18: {  	s0 =	sld [smem:$0x3F9C];
	_ =	swait.ge [sflag:s4], $0x0  }
0x19: {  	s7 =	sld [smem:$0x3F9D]  }
0x1a: {  	s8 =	sadd.s32 $0xFFFFE003, lr  }
0x1b: {  	s9 =	sadd.s32 $0xFFFFFEF7, lr;
	s5 =	simm.s32 $0xFFFFFFFF;
	p2 =	slt.u32 s8, $0xFFFFF086  }
0x1c: {  	p1 =	slt.u32 s9, $0xF7A;
	s5 =	simm.s32 @!p2 $0x0  }
0x1d: {  	s5 =	simm.s32 @p1 $0x1;
	p0 =	seq.s32 s7, s2  }
0x1e: {  	s7 =	smul.u32 @!p0 $0xF7A, s2;
	p2 =	seq.s32 @!p0 s5, $0x0  }
0x1f: {  	s9 =	smul.u32 $0xF7A, s1;
	s8 =	simm.s32 @!p0 $0x1BF5;
	p2 =	por !p2, p0  }
0x20: {  	[sflag:s8] =	ssyncset.s32 @!p0 $0xFFFFF086;
	s6 =	sadd.s32 @!p0 s3, s7;
	s7 =	simm.s32 @!p0 $0x108  }
0x21: {  	s3 =	sadd.s32 s3, s9;
	s6 =	sadd.s32 @!p0 $0x88, s6;
	s7 =	simm.s32 @p2 $0x1082  }
0x22: {  	[simem:s7], [sflag:s8] =	dma.local @!p0 [hbm:s6], $0xF7A  }
0x23: {  	s9 =	sor.u32 $0xD0000000, s2;
	s6 =	simm.s32 $0x108;
	_ =	swait.ge @!p0 [sflag:s8], $0x0  }
0x24: {  	s3 =	sadd.s32 $0x88, s3;
	s6 =	simm.s32 @!p1 $0x1082;
	[sflag:s4] =	ssyncset.s32 $0xFFFFF086  }
0x25: {  	[simem:s6], [sflag:s4] =	dma.local [hbm:s3], $0xF7A  }
0x26: {  	[smem:$0x3F9D] =	sst s1;
	(tag) =	ssettag s2;
	_ =	strace s9  }
0x27: {  	s1 =	sld [smem:$0x3FAD]  }
0x28: {  	s2 =	sld [smem:$0x3FAE]  }
0x29: {  	s4 =	sld [smem:$0x3FB0]  }
0x2a: {  	p0 =	seq.s32 s5, $0x0;
	s5 =	sld [smem:$0x3FB1]  }
0x2b: {  	s6 =	sld [smem:$0x3FB2]  }
0x2c: {  	s7 =	sld [smem:$0x3FB3]  }
0x2d: {  	s3 =	simm.s32 $0x108;
	s8 =	sld [smem:$0x3FB4]  }
0x2e: {  	s3 =	simm.s32 @!p0 $0x1082;
	s9 =	sld [smem:$0x3FB5]  }
0x2f: {  	lr =	sadd.s32 s0, s3;
	s0 =	sld [smem:$0x3FAC]  }
0x30: {  	s3 =	sld [smem:$0x3FAF]  }
0x31: {  	[smem:$0x3FB8] =	sst s10  }
0x32: {  	s10 =	sld [smem:$0x3FB6];
	_ =	sdelay $0x3  }
0x33: {  	p0 =	seq.s32 s10, $0x1;
	s10 =	sld [smem:$0x3FB8];
	_ =	sdelay $0x3  }
0x34: {  	[smem:$0x3FB8] =	sst s10  }
0x35: {  	s10 =	sld [smem:$0x3FB7];
	_ =	sdelay $0x3  }
0x36: {  	p1 =	seq.s32 s10, $0x1;
	s10 =	sld [smem:$0x3FB8];
	_ =	sdelay $0x3  }
0x37: {  	[smem:$0x3FB8] =	sst s10  }
0x38: {  	s10 =	sld [smem:$0x3FB9]  }
0x39: {  	_ = 	snop;
	(pc) =	sbr.ind lr, $3  }
0x3a: {  	_ = 	snop  }
0x3b: {  	_ = 	snop  }
0x3c: {  	p2 =	seq.s32 s10, $0x1;
	s10 =	sld [smem:$0x3FB8]  }
0x3d: {  	_ =	shalt  }
0x3e: {  	_ =	shalt  }
0x3f: {  	_ =	shalt  }
0x40: {  	_ =	shalt  }
0x41: {  	_ =	shalt  }
0x42: {  	_ =	shalt  }
0x43: {  	_ =	shalt  }
0x44: {  	_ =	shalt  }
0x45: {  	_ =	shalt  }
0x46: {  	_ =	shalt  }
0x47: {  	_ =	shalt  }
0x48: {  	_ =	shalt  }
0x49: {  	_ =	shalt  }
0x4a: {  	_ =	shalt  }
0x4b: {  	_ =	shalt  }
0x4c: {  	_ =	shalt  }
0x4d: {  	_ =	shalt  }
0x4e: {  	_ =	shalt  }
0x4f: {  	_ =	shalt  }
0x50: {  	_ =	shalt  }
0x51: {  	_ =	shalt  }
0x52: {  	_ =	shalt  }
0x53: {  	_ =	shalt  }
0x54: {  	_ =	shalt  }
0x55: {  	_ =	shalt  }
0x56: {  	_ =	shalt  }
0x57: {  	_ =	shalt  }
0x58: {  	_ =	shalt  }
0x59: {  	_ =	shalt  }
0x5a: {  	_ =	shalt  }
0x5b: {  	_ =	shalt  }
0x5c: {  	_ =	shalt  }
0x5d: {  	_ =	shalt  }
0x5e: {  	_ =	shalt  }
0x5f: {  	_ =	shalt  }
0x60: {  	_ =	shalt  }
0x61: {  	_ =	shalt  }
0x62: {  	_ =	shalt  }
0x63: {  	_ =	shalt  }
0x64: {  	_ =	shalt  }
0x65: {  	_ =	shalt  }
0x66: {  	_ =	shalt  }
0x67: {  	_ =	shalt  }
0x68: {  	_ =	shalt  }
0x69: {  	_ =	shalt  }
0x6a: {  	_ =	shalt  }
0x6b: {  	_ =	shalt  }
0x6c: {  	_ =	shalt  }
0x6d: {  	_ =	shalt  }
0x6e: {  	_ =	shalt  }
0x6f: {  	_ =	shalt  }
0x70: {  	_ =	shalt  }
0x71: {  	_ =	shalt  }
0x72: {  	_ =	shalt  }
0x73: {  	_ =	shalt  }
0x74: {  	_ =	shalt  }
0x75: {  	_ =	shalt  }
0x76: {  	_ =	shalt  }
0x77: {  	_ =	shalt  }
0x78: {  	_ =	shalt  }
0x79: {  	_ =	shalt  }
0x7a: {  	_ =	shalt  }
0x7b: {  	_ =	shalt  }
0x7c: {  	_ =	shalt  }
0x7d: {  	_ =	shalt  }
0x7e: {  	_ =	shalt  }
0x7f: {  	_ =	shalt  }
0x80: {  	_ =	shalt  }
0x81: {  	_ =	shalt  }
0x82: {  	_ =	shalt  }
0x83: {  	_ =	shalt  }
0x84: {  	_ =	shalt  }
0x85: {  	_ =	shalt  }
0x86: {  	_ =	shalt  }
0x87: {  	_ =	shalt  }
.Lfunc_end0:
.L_simem_size_0:
called_computation_lowered:
.L_overlay_start_0:
0x88: {  	s2 =	sld [smem:$0x3FD9]  }
0x89: {  	s3 =	sld [smem:$0x3FFE];
	_ =	sdelay $0x1  }
0x8a: {  	s1 =	srdreg.scid  }
0x8b: {  	s0 =	sand.u32 $0x1, s1  }
0x8c: {  	s14 =	sshll.u32 s0, $0xA;
	s2 =	sadd.s32 s3, s2  }
0x8d: {  	s2 =	sadd.s32 s2, s14  }
0x8e: {  	[smem:$0x3FC4] =	sst s2  }
0x8f: {  	_ = 	snop  }
0x90: {  	s2 =	sld [smem:$0x3FD0];
	_ =	sdelay $0x1  }
0x91: {  	s15 =	sld [smem:$0x3FC7]  }
0x92: {  	s5 =	simm.s32 $0xA;
	s6 =	simm.s32 $0x10;
	s4 =	sld [smem:$0x3FC6]  }
0x93: {  	[smem:s6], [sflag:s5] =	dma.local [hbm:s2], $0x1  }
0x94: {  	_ =	swait.eq [sflag:s5], $0x1  }
0x95: {  	[sflag:s5] =	ssyncset.done $0x0  }
0x96: {  	[sflag:s5] =	ssyncadd.s32 $0xFFFFFFFF  }
0x97: {  	s16 =	sld [smem:$0x10];
	(tm) =	ssettm $0x1  }
0x98: {  	s17 =	sld [smem:$0x3FFB];
	_ =	sdelay $0x3  }
0x99: {  	_ =	strace s17  }
0x9a: {  	s5 =	sld [smem:$0x3FFC];
	_ =	sdelay $0x3  }
0x9b: {  	_ =	strace s5  }
0x9c: {  	s5 =	sld [smem:$0x3FFD];
	_ =	sdelay $0x3  }
0x9d: {  	_ =	strace s5  }
0x9e: {  	_ =	strace $0x8FFFFFFF  }
0x9f: {  	s18 =	sld [smem:$0x3FDB];
	_ =	sdelay $0x1  }
0xa0: {  	s19 =	simm.s32 $_scs_section_size  }
0xa1: {  	s7 =	simm.s32 $_size__tile_overlayer_lowered;
	s8 =	simm.s32 $_tile_overlayer_lowered  }
0xa2: {  	s22 =	simm.s32 $0x1BFF;
	s21 =	sshll.u32 s8, $0x1;
	s5 =	sadd.s32 s19, s18  }
0xa3: {  	s9 =	simm.s32 $0x0;
	s20 =	sshll.u32 s7, $0x1;
	s7 =	sadd.s32 s21, s5  }
0xa4: {  	[timem:s9], [sflag:s22] =	dma.local [hbm:s7], s20  }
0xa5: {  	_ =	swait.ge [sflag:s22], s20  }
0xa6: {  	s6 =	ssub.s32 $0x0, s20;
	[sflag:s22] =	ssyncset.done $0x0  }
0xa7: {  	[sflag:s22] =	ssyncadd.s32 s6;
	_ =	sdelay $0x1  }
0xa8: {  	s23 =	simm.s32 $0x1B8B  }
0xa9: {  	_ =	swait.ge [sflag:s23], $0x1  }
0xaa: {  	[sflag:s23] =	ssyncset.done $0x0  }
0xab: {  	s25 =	simm.s32 $0x1B8E;
	s24 =	sld [smem:$0x3FFE];
	[sflag:s23] =	ssyncadd.s32 $0xFFFFFFFF  }
0xac: {  	s26 =	simm.s32 $execute0_lowered;
	[smem:$0x3FD2] =	sst s25  }
0xad: {  	s7 =	sshll.u32 s26, $0x1;
	_ =	strace $0x80000046;
	[dreg:$0x1] =	wrdreg $0xFFFFFFFF  }
0xae: {  	s28 =	simm.s32 $_size_execute0_lowered;
	s5 =	sadd.s32 s5, s7;
	[dreg:$0x0] =	wrdreg $0x0  }
0xaf: {  	s7 =	sshll.u32 s28, $0x1;
	[dreg:$0x2] =	wrdreg s5  }
0xb0: {  	[dreg:$0x3] =	wrdreg s7  }
0xb1: {  	[dreg:$0x4] =	wrdreg $0xC0  }
0xb2: {  	_ =	task [dreg:s9], $0x5FFFF  }
0xb3: {  	[dreg:$0x1] =	wrdreg $0xFFFFFFFF  }
0xb4: {  	[dreg:$0x0] =	wrdreg $0x60  }
0xb5: {  	[dreg:$0x2] =	wrdreg s24  }
0xb6: {  	[dreg:$0x3] =	wrdreg s15  }
0xb7: {  	[dreg:$0x4] =	wrdreg s4  }
0xb8: {  	[dreg:$0x5] =	wrdreg s16  }
0xb9: {  	[dreg:$0x6] =	wrdreg $0x9  }
0xba: {  	_ =	task.clear_ibuf [dreg:s9], $0x7FFFF;
	_ =	strace $0x90000046  }
0xbb: {  	s29 =	simm.s32 $0x9;
	_ =	strace $0x80000048  }
0xbc: {  	_ =	swait.ge [sflag:s29], $0x1  }
0xbd: {  	[sflag:s29] =	ssyncadd.s32 $0xFFFFFFFF  }
0xbe: {  	_ =	strace $0x90000048  }
0xbf: {  	_ =	sfence  }
0xc0: {  	s30 =	sld [smem:$0x0];
	_ =	sdelay $0x2  }
0xc1: {  	s31 =	sshll.u32 s1, $0xD;
	s1 =	sshrl.u32 s1, $0x2  }
0xc2: {  	s3 =	sand.u32 $0x4000, s31;
	s1 =	sadd.s32 s1, s30  }
0xc3: {  	s0 =	sor.u32 s3, s0;
	s1 =	sshll.u32 s1, $0x11  }
0xc4: {  	s0 =	sor.u32 s1, s0  }
0xc5: {  	s0 =	sadd.s32 $0x8F2B, s0  }
0xc6: {  	[sflag:s0] =	ssyncadd.remote.s32 $0x1  }
0xc7: {  	_ =	sfence.sel $0xFFFF  }
0xc8: {  	[dreg:$0x0] =	wrdreg $0xFFFFFFFF;
	(pc) =	sbr.abs _section_cstart, $3  }
0xc9: {  	[dreg:$0x1] =	wrdreg $0xFFFFFFFF  }
0xca: {  	_ =	task.clear_ibuf [dreg:s9], $0x2FFFF;
	_ =	strace $0x9FFFFFFF  }
0xcb: {  	(tm) =	ssettm $0x7FFFFFFF  }
tec
execute0_lowered:
.L_overlay_start_1:
0x0: {  	(tag) =	ssettag $0x1  }
0x1: {  	vm14 =	vcmask $0x300;
	v0 =	vimm.s32 $0x780  }
0x2: {  	vm13 =	vcmask $0x704;
	vm12 =	vcmask $0xB08;
	vm11 =	vcmask $0xF0C  }
0x3: {  	vm10 =	vcmask $0x1310;
	vm9 =	vcmask $0x1714;
	v1 =	vlaneseq.u32  }
0x4: {  	vm4 =	vcmask $0x1B18;
	vm0 =	vcmask $0x1F1C;
	v3 =	vimm.s32 $0x781  }
0x5: {  	vm1 =	vcmask $0x2320;
	vm2 =	vcmask $0x2724;
	vm3 =	vcmask $0x2B28  }
0x6: {  	vm5 =	vcmask $0x2F2C;
	vm6 =	vcmask $0x3330;
	vm7 =	vcmask $0x3734  }
0x7: {  	vm8 =	vcmask $0x3B38;
	v4 =	vimm.s32 $0x8F;
	v5 =	vimm.s32 $0x782  }
0x8: {  	v6 =	vimm.s32 $0x10F;
	v7 =	vimm.s32 $0x783;
	v8 =	vimm.s32 $0x18F  }
0x9: {  	v9 =	vimm.s32 $0x784;
	v10 =	vimm.s32 $0x20F;
	v11 =	vimm.s32 $0x785  }
0xa: {  	v12 =	vimm.s32 $0x28F;
	v13 =	vimm.s32 $0x786;
	v14 =	vimm.s32 $0x30F  }
0xb: {  	v15 =	vimm.s32 $0x787;
	v16 =	vimm.s32 $0x38F;
	v17 =	vimm.s32 $0x788  }
0xc: {  	v18 =	vimm.s32 $0x40F;
	v19 =	vimm.s32 $0x789;
	v20 =	vimm.s32 $0x48F  }
0xd: {  	v21 =	vimm.s32 $0x78A;
	v22 =	vimm.s32 $0x50F;
	v23 =	vimm.s32 $0x78B  }
0xe: {  	v24 =	vimm.s32 $0x58F;
	v25 =	vimm.s32 $0x78C;
	v26 =	vimm.s32 $0x60F  }
0xf: {  	v27 =	vimm.s32 $0x78D;
	v28 =	vimm.s32 $0x68F;
	v29 =	vimm.s32 $0x78E  }
0x10: {  	v30 =	vimm.s32 $0x70F;
	v0 =	vsel vm14, $0x1, v0;
	v3 =	vsel vm14, $0x2, v3  }
0x11: {  	v4 =	vsel vm14, $0x100, v4;
	v5 =	vsel vm14, $0x3, v5;
	v6 =	vsel vm14, $0x180, v6  }
0x12: {  	v7 =	vsel vm14, $0x4, v7;
	v8 =	vsel vm14, $0x200, v8;
	v9 =	vsel vm14, $0x5, v9  }
0x13: {  	v10 =	vsel vm14, $0x280, v10;
	v11 =	vsel vm14, $0x6, v11;
	v12 =	vsel vm14, $0x300, v12  }
0x14: {  	v13 =	vsel vm14, $0x7, v13;
	v14 =	vsel vm14, $0x380, v14;
	v15 =	vsel vm14, $0x8, v15  }
0x15: {  	v16 =	vsel vm14, $0x400, v16;
	v17 =	vsel vm14, $0x9, v17;
	v18 =	vsel vm14, $0x480, v18  }
0x16: {  	v19 =	vsel vm14, $0xA, v19;
	v20 =	vsel vm14, $0x500, v20;
	v21 =	vsel vm14, $0xB, v21  }
0x17: {  	v22 =	vsel vm14, $0x580, v22;
	v23 =	vsel vm14, $0xC, v23;
	v24 =	vsel vm14, $0x600, v24  }
0x18: {  	v25 =	vsel vm14, $0xD, v25;
	v26 =	vsel vm14, $0x680, v26;
	v27 =	vsel vm14, $0xE, v27  }
0x19: {  	v28 =	vsel vm14, $0x700, v28;
	v29 =	vsel vm14, $0xF, v29;
	v30 =	vsel vm14, $0x780, v30  }
0x1a: {  	v0 =	vsel vm13, $0x82, v0;
	v3 =	vsel vm13, $0x83, v3;
	v4 =	vsel vm13, $0x181, v4  }
0x1b: {  	v5 =	vsel vm13, $0x84, v5;
	v6 =	vsel vm13, $0x201, v6;
	v7 =	vsel vm13, $0x85, v7  }
0x1c: {  	v8 =	vsel vm13, $0x281, v8;
	v9 =	vsel vm13, $0x86, v9;
	v10 =	vsel vm13, $0x301, v10  }
0x1d: {  	v11 =	vsel vm13, $0x87, v11;
	v12 =	vsel vm13, $0x381, v12;
	v13 =	vsel vm13, $0x88, v13  }
0x1e: {  	v14 =	vsel vm13, $0x401, v14;
	v15 =	vsel vm13, $0x89, v15;
	v16 =	vsel vm13, $0x481, v16  }
0x1f: {  	v17 =	vsel vm13, $0x8A, v17;
	v18 =	vsel vm13, $0x501, v18;
	v19 =	vsel vm13, $0x8B, v19  }
0x20: {  	v20 =	vsel vm13, $0x581, v20;
	v21 =	vsel vm13, $0x8C, v21;
	v22 =	vsel vm13, $0x601, v22  }
0x21: {  	v23 =	vsel vm13, $0x8D, v23;
	v24 =	vsel vm13, $0x681, v24;
	v25 =	vsel vm13, $0x8E, v25  }
0x22: {  	v26 =	vsel vm13, $0x701, v26;
	v27 =	vsel vm13, $0x8F, v27;
	v28 =	vsel vm13, $0x781, v28  }
0x23: {  	v29 =	vsel vm13, $0x80, v29;
	v30 =	vsel vm13, $0x1, v30;
	v0 =	vsel vm12, $0x103, v0  }
0x24: {  	v3 =	vsel vm12, $0x104, v3;
	v4 =	vsel vm12, $0x202, v4;
	v5 =	vsel vm12, $0x105, v5  }
0x25: {  	v6 =	vsel vm12, $0x282, v6;
	v7 =	vsel vm12, $0x106, v7;
	v8 =	vsel vm12, $0x302, v8  }
0x26: {  	v9 =	vsel vm12, $0x107, v9;
	v10 =	vsel vm12, $0x382, v10;
	v11 =	vsel vm12, $0x108, v11  }
0x27: {  	v12 =	vsel vm12, $0x402, v12;
	v13 =	vsel vm12, $0x109, v13;
	v14 =	vsel vm12, $0x482, v14  }
0x28: {  	v15 =	vsel vm12, $0x10A, v15;
	v16 =	vsel vm12, $0x502, v16;
	v17 =	vsel vm12, $0x10B, v17  }
0x29: {  	v18 =	vsel vm12, $0x582, v18;
	v19 =	vsel vm12, $0x10C, v19;
	v20 =	vsel vm12, $0x602, v20  }
0x2a: {  	v21 =	vsel vm12, $0x10D, v21;
	v22 =	vsel vm12, $0x682, v22;
	v23 =	vsel vm12, $0x10E, v23  }
0x2b: {  	v24 =	vsel vm12, $0x702, v24;
	v25 =	vsel vm12, $0x10F, v25;
	v26 =	vsel vm12, $0x782, v26  }
0x2c: {  	v27 =	vsel vm12, $0x100, v27;
	v28 =	vsel vm12, $0x2, v28;
	v29 =	vsel vm12, $0x101, v29  }
0x2d: {  	v30 =	vsel vm12, $0x82, v30;
	v0 =	vsel vm11, $0x184, v0;
	v3 =	vsel vm11, $0x185, v3  }
0x2e: {  	v4 =	vsel vm11, $0x283, v4;
	v5 =	vsel vm11, $0x186, v5;
	v6 =	vsel vm11, $0x303, v6  }
0x2f: {  	v7 =	vsel vm11, $0x187, v7;
	v8 =	vsel vm11, $0x383, v8;
	v9 =	vsel vm11, $0x188, v9  }
0x30: {  	v10 =	vsel vm11, $0x403, v10;
	v11 =	vsel vm11, $0x189, v11;
	v12 =	vsel vm11, $0x483, v12  }
0x31: {  	v13 =	vsel vm11, $0x18A, v13;
	v14 =	vsel vm11, $0x503, v14;
	v15 =	vsel vm11, $0x18B, v15  }
0x32: {  	v16 =	vsel vm11, $0x583, v16;
	v17 =	vsel vm11, $0x18C, v17;
	v18 =	vsel vm11, $0x603, v18  }
0x33: {  	v19 =	vsel vm11, $0x18D, v19;
	v20 =	vsel vm11, $0x683, v20;
	v21 =	vsel vm11, $0x18E, v21  }
0x34: {  	v22 =	vsel vm11, $0x703, v22;
	v23 =	vsel vm11, $0x18F, v23;
	v24 =	vsel vm11, $0x783, v24  }
0x35: {  	v25 =	vsel vm11, $0x180, v25;
	v26 =	vsel vm11, $0x3, v26;
	v27 =	vsel vm11, $0x181, v27  }
0x36: {  	v28 =	vsel vm11, $0x83, v28;
	v29 =	vsel vm11, $0x182, v29;
	v30 =	vsel vm11, $0x103, v30  }
0x37: {  	v0 =	vsel vm10, $0x205, v0;
	v3 =	vsel vm10, $0x206, v3;
	v4 =	vsel vm10, $0x304, v4  }
0x38: {  	v5 =	vsel vm10, $0x207, v5;
	v6 =	vsel vm10, $0x384, v6;
	v7 =	vsel vm10, $0x208, v7  }
0x39: {  	v8 =	vsel vm10, $0x404, v8;
	v9 =	vsel vm10, $0x209, v9;
	v10 =	vsel vm10, $0x484, v10  }
0x3a: {  	v11 =	vsel vm10, $0x20A, v11;
	v12 =	vsel vm10, $0x504, v12;
	v13 =	vsel vm10, $0x20B, v13  }
0x3b: {  	v14 =	vsel vm10, $0x584, v14;
	v15 =	vsel vm10, $0x20C, v15;
	v16 =	vsel vm10, $0x604, v16  }
0x3c: {  	v17 =	vsel vm10, $0x20D, v17;
	v18 =	vsel vm10, $0x684, v18;
	v19 =	vsel vm10, $0x20E, v19  }
0x3d: {  	v20 =	vsel vm10, $0x704, v20;
	v21 =	vsel vm10, $0x20F, v21;
	v22 =	vsel vm10, $0x784, v22  }
0x3e: {  	v23 =	vsel vm10, $0x200, v23;
	v24 =	vsel vm10, $0x4, v24;
	v25 =	vsel vm10, $0x201, v25  }
0x3f: {  	v26 =	vsel vm10, $0x84, v26;
	v27 =	vsel vm10, $0x202, v27;
	v28 =	vsel vm10, $0x104, v28  }
0x40: {  	v29 =	vsel vm10, $0x203, v29;
	v30 =	vsel vm10, $0x184, v30;
	v2 =	vsel vm9, $0x286, v0  }
0x41: {  	v0 =	vmul.u32 $0x81, v1;
	v3 =	vsel vm9, $0x287, v3;
	v4 =	vsel vm9, $0x385, v4  }
0x42: {  	v5 =	vsel vm9, $0x288, v5;
	v6 =	vsel vm9, $0x405, v6;
	v7 =	vsel vm9, $0x289, v7  }
0x43: {  	v8 =	vsel vm9, $0x485, v8;
	v9 =	vsel vm9, $0x28A, v9;
	v10 =	vsel vm9, $0x505, v10  }
0x44: {  	v11 =	vsel vm9, $0x28B, v11;
	v12 =	vsel vm9, $0x585, v12;
	v13 =	vsel vm9, $0x28C, v13  }
0x45: {  	v14 =	vsel vm9, $0x605, v14;
	v15 =	vsel vm9, $0x28D, v15;
	v16 =	vsel vm9, $0x685, v16  }
0x46: {  	v17 =	vsel vm9, $0x28E, v17;
	v18 =	vsel vm9, $0x705, v18;
	v19 =	vsel vm9, $0x28F, v19  }
0x47: {  	v20 =	vsel vm9, $0x785, v20;
	v21 =	vsel vm9, $0x280, v21;
	v22 =	vsel vm9, $0x5, v22  }
0x48: {  	v23 =	vsel vm9, $0x281, v23;
	v24 =	vsel vm9, $0x85, v24;
	v25 =	vsel vm9, $0x282, v25  }
0x49: {  	v26 =	vsel vm9, $0x105, v26;
	v27 =	vsel vm9, $0x283, v27;
	v28 =	vsel vm9, $0x185, v28  }
0x4a: {  	v29 =	vsel vm9, $0x284, v29;
	v30 =	vsel vm9, $0x205, v30;
	v1 =	vsel vm4, $0x307, v2  }
0x4b: {  	v2 =	vimm.s32 $0xF;
	v3 =	vsel vm4, $0x308, v3;
	v4 =	vsel vm4, $0x406, v4  }
0x4c: {  	v5 =	vsel vm4, $0x309, v5;
	v6 =	vsel vm4, $0x486, v6;
	v7 =	vsel vm4, $0x30A, v7  }
0x4d: {  	v8 =	vsel vm4, $0x506, v8;
	v9 =	vsel vm4, $0x30B, v9;
	v10 =	vsel vm4, $0x586, v10  }
0x4e: {  	v11 =	vsel vm4, $0x30C, v11;
	v12 =	vsel vm4, $0x606, v12;
	v13 =	vsel vm4, $0x30D, v13  }
0x4f: {  	v14 =	vsel vm4, $0x686, v14;
	v15 =	vsel vm4, $0x30E, v15;
	v16 =	vsel vm4, $0x706, v16  }
0x50: {  	v17 =	vsel vm4, $0x30F, v17;
	v18 =	vsel vm4, $0x786, v18;
	v19 =	vsel vm4, $0x300, v19  }
0x51: {  	v20 =	vsel vm4, $0x6, v20;
	v21 =	vsel vm4, $0x301, v21;
	v22 =	vsel vm4, $0x86, v22  }
0x52: {  	v23 =	vsel vm4, $0x302, v23;
	v24 =	vsel vm4, $0x106, v24;
	v25 =	vsel vm4, $0x303, v25  }
0x53: {  	v26 =	vsel vm4, $0x186, v26;
	v27 =	vsel vm4, $0x304, v27;
	v28 =	vsel vm4, $0x206, v28  }
0x54: {  	v29 =	vsel vm4, $0x305, v29;
	v30 =	vsel vm4, $0x286, v30;
	v1 =	vsel vm0, $0x388, v1  }
0x55: {  	v2 =	vsel vm14, $0x80, v2;
	v3 =	vsel vm0, $0x389, v3;
	v4 =	vsel vm0, $0x487, v4  }
0x56: {  	v5 =	vsel vm0, $0x38A, v5;
	v6 =	vsel vm0, $0x507, v6;
	v7 =	vsel vm0, $0x38B, v7  }
0x57: {  	v8 =	vsel vm0, $0x587, v8;
	v9 =	vsel vm0, $0x38C, v9;
	v10 =	vsel vm0, $0x607, v10  }
0x58: {  	v11 =	vsel vm0, $0x38D, v11;
	v12 =	vsel vm0, $0x687, v12;
	v13 =	vsel vm0, $0x38E, v13  }
0x59: {  	v14 =	vsel vm0, $0x707, v14;
	v15 =	vsel vm0, $0x38F, v15;
	v16 =	vsel vm0, $0x787, v16  }
0x5a: {  	v17 =	vsel vm0, $0x380, v17;
	v18 =	vsel vm0, $0x7, v18;
	v19 =	vsel vm0, $0x381, v19  }
0x5b: {  	v20 =	vsel vm0, $0x87, v20;
	v21 =	vsel vm0, $0x382, v21;
	v22 =	vsel vm0, $0x107, v22  }
0x5c: {  	v23 =	vsel vm0, $0x383, v23;
	v24 =	vsel vm0, $0x187, v24;
	v25 =	vsel vm0, $0x384, v25  }
0x5d: {  	v26 =	vsel vm0, $0x207, v26;
	v27 =	vsel vm0, $0x385, v27;
	v28 =	vsel vm0, $0x287, v28  }
0x5e: {  	v29 =	vsel vm0, $0x386, v29;
	v30 =	vsel vm0, $0x307, v30;
	v2 =	vsel vm13, $0x101, v2  }
0x5f: {  	v1 =	vsel vm1, $0x409, v1;
	v3 =	vsel vm1, $0x40A, v3;
	v4 =	vsel vm1, $0x508, v4  }
0x60: {  	v5 =	vsel vm1, $0x40B, v5;
	v6 =	vsel vm1, $0x588, v6;
	v7 =	vsel vm1, $0x40C, v7  }
0x61: {  	v8 =	vsel vm1, $0x608, v8;
	v9 =	vsel vm1, $0x40D, v9;
	v10 =	vsel vm1, $0x688, v10  }
0x62: {  	v11 =	vsel vm1, $0x40E, v11;
	v12 =	vsel vm1, $0x708, v12;
	v13 =	vsel vm1, $0x40F, v13  }
0x63: {  	v14 =	vsel vm1, $0x788, v14;
	v15 =	vsel vm1, $0x400, v15;
	v16 =	vsel vm1, $0x8, v16  }
0x64: {  	v17 =	vsel vm1, $0x401, v17;
	v18 =	vsel vm1, $0x88, v18;
	v19 =	vsel vm1, $0x402, v19  }
0x65: {  	v20 =	vsel vm1, $0x108, v20;
	v21 =	vsel vm1, $0x403, v21;
	v22 =	vsel vm1, $0x188, v22  }
0x66: {  	v23 =	vsel vm1, $0x404, v23;
	v24 =	vsel vm1, $0x208, v24;
	v25 =	vsel vm1, $0x405, v25  }
0x67: {  	v26 =	vsel vm1, $0x288, v26;
	v27 =	vsel vm1, $0x406, v27;
	v28 =	vsel vm1, $0x308, v28  }
0x68: {  	v29 =	vsel vm1, $0x407, v29;
	v30 =	vsel vm1, $0x388, v30;
	v2 =	vsel vm12, $0x182, v2  }
0x69: {  	v1 =	vsel vm2, $0x48A, v1;
	v3 =	vsel vm2, $0x48B, v3;
	v4 =	vsel vm2, $0x589, v4  }
0x6a: {  	v5 =	vsel vm2, $0x48C, v5;
	v6 =	vsel vm2, $0x609, v6;
	v7 =	vsel vm2, $0x48D, v7  }
0x6b: {  	v8 =	vsel vm2, $0x689, v8;
	v9 =	vsel vm2, $0x48E, v9;
	v10 =	vsel vm2, $0x709, v10  }
0x6c: {  	v11 =	vsel vm2, $0x48F, v11;
	v12 =	vsel vm2, $0x789, v12;
	v13 =	vsel vm2, $0x480, v13  }
0x6d: {  	v14 =	vsel vm2, $0x9, v14;
	v15 =	vsel vm2, $0x481, v15;
	v16 =	vsel vm2, $0x89, v16  }
0x6e: {  	v17 =	vsel vm2, $0x482, v17;
	v18 =	vsel vm2, $0x109, v18;
	v19 =	vsel vm2, $0x483, v19  }
0x6f: {  	v20 =	vsel vm2, $0x189, v20;
	v21 =	vsel vm2, $0x484, v21;
	v22 =	vsel vm2, $0x209, v22  }
0x70: {  	v23 =	vsel vm2, $0x485, v23;
	v24 =	vsel vm2, $0x289, v24;
	v25 =	vsel vm2, $0x486, v25  }
0x71: {  	v26 =	vsel vm2, $0x309, v26;
	v27 =	vsel vm2, $0x487, v27;
	v28 =	vsel vm2, $0x389, v28  }
0x72: {  	v29 =	vsel vm2, $0x488, v29;
	v30 =	vsel vm2, $0x409, v30;
	v2 =	vsel vm11, $0x203, v2  }
0x73: {  	v1 =	vsel vm3, $0x50B, v1;
	v3 =	vsel vm3, $0x50C, v3;
	v4 =	vsel vm3, $0x60A, v4  }
0x74: {  	v5 =	vsel vm3, $0x50D, v5;
	v6 =	vsel vm3, $0x68A, v6;
	v7 =	vsel vm3, $0x50E, v7  }
0x75: {  	v8 =	vsel vm3, $0x70A, v8;
	v9 =	vsel vm3, $0x50F, v9;
	v10 =	vsel vm3, $0x78A, v10  }
0x76: {  	v11 =	vsel vm3, $0x500, v11;
	v12 =	vsel vm3, $0xA, v12;
	v13 =	vsel vm3, $0x501, v13  }
0x77: {  	v14 =	vsel vm3, $0x8A, v14;
	v15 =	vsel vm3, $0x502, v15;
	v16 =	vsel vm3, $0x10A, v16  }
0x78: {  	v17 =	vsel vm3, $0x503, v17;
	v18 =	vsel vm3, $0x18A, v18;
	v19 =	vsel vm3, $0x504, v19  }
0x79: {  	v20 =	vsel vm3, $0x20A, v20;
	v21 =	vsel vm3, $0x505, v21;
	v22 =	vsel vm3, $0x28A, v22  }
0x7a: {  	v23 =	vsel vm3, $0x506, v23;
	v24 =	vsel vm3, $0x30A, v24;
	v25 =	vsel vm3, $0x507, v25  }
0x7b: {  	v26 =	vsel vm3, $0x38A, v26;
	v27 =	vsel vm3, $0x508, v27;
	v28 =	vsel vm3, $0x40A, v28  }
0x7c: {  	v29 =	vsel vm3, $0x509, v29;
	v30 =	vsel vm3, $0x48A, v30;
	v2 =	vsel vm10, $0x284, v2  }
0x7d: {  	v1 =	vsel vm5, $0x58C, v1;
	v3 =	vsel vm5, $0x58D, v3;
	v4 =	vsel vm5, $0x68B, v4  }
0x7e: {  	v5 =	vsel vm5, $0x58E, v5;
	v6 =	vsel vm5, $0x70B, v6;
	v7 =	vsel vm5, $0x58F, v7  }
0x7f: {  	v8 =	vsel vm5, $0x78B, v8;
	v9 =	vsel vm5, $0x580, v9;
	v10 =	vsel vm5, $0xB, v10  }
0x80: {  	v11 =	vsel vm5, $0x581, v11;
	v12 =	vsel vm5, $0x8B, v12;
	v13 =	vsel vm5, $0x582, v13  }
0x81: {  	v14 =	vsel vm5, $0x10B, v14;
	v15 =	vsel vm5, $0x583, v15;
	v16 =	vsel vm5, $0x18B, v16  }
0x82: {  	v17 =	vsel vm5, $0x584, v17;
	v18 =	vsel vm5, $0x20B, v18;
	v19 =	vsel vm5, $0x585, v19  }
0x83: {  	v20 =	vsel vm5, $0x28B, v20;
	v21 =	vsel vm5, $0x586, v21;
	v22 =	vsel vm5, $0x30B, v22  }
0x84: {  	v23 =	vsel vm5, $0x587, v23;
	v24 =	vsel vm5, $0x38B, v24;
	v25 =	vsel vm5, $0x588, v25  }
0x85: {  	v26 =	vsel vm5, $0x40B, v26;
	v27 =	vsel vm5, $0x589, v27;
	v28 =	vsel vm5, $0x48B, v28  }
0x86: {  	v29 =	vsel vm5, $0x58A, v29;
	v30 =	vsel vm5, $0x50B, v30;
	v2 =	vsel vm9, $0x305, v2  }
0x87: {  	v1 =	vsel vm6, $0x60D, v1;
	v3 =	vsel vm6, $0x60E, v3;
	v4 =	vsel vm6, $0x70C, v4  }
0x88: {  	v5 =	vsel vm6, $0x60F, v5;
	v6 =	vsel vm6, $0x78C, v6;
	v7 =	vsel vm6, $0x600, v7  }
0x89: {  	v8 =	vsel vm6, $0xC, v8;
	v9 =	vsel vm6, $0x601, v9;
	v10 =	vsel vm6, $0x8C, v10  }
0x8a: {  	v11 =	vsel vm6, $0x602, v11;
	v12 =	vsel vm6, $0x10C, v12;
	v13 =	vsel vm6, $0x603, v13  }
0x8b: {  	v14 =	vsel vm6, $0x18C, v14;
	v15 =	vsel vm6, $0x604, v15;
	v16 =	vsel vm6, $0x20C, v16  }
0x8c: {  	v17 =	vsel vm6, $0x605, v17;
	v18 =	vsel vm6, $0x28C, v18;
	v19 =	vsel vm6, $0x606, v19  }
0x8d: {  	v20 =	vsel vm6, $0x30C, v20;
	v21 =	vsel vm6, $0x607, v21;
	v22 =	vsel vm6, $0x38C, v22  }
0x8e: {  	v23 =	vsel vm6, $0x608, v23;
	v24 =	vsel vm6, $0x40C, v24;
	v25 =	vsel vm6, $0x609, v25  }
0x8f: {  	v26 =	vsel vm6, $0x48C, v26;
	v27 =	vsel vm6, $0x60A, v27;
	v28 =	vsel vm6, $0x50C, v28  }
0x90: {  	v29 =	vsel vm6, $0x60B, v29;
	v30 =	vsel vm6, $0x58C, v30;
	v2 =	vsel vm4, $0x386, v2  }
0x91: {  	v1 =	vsel vm7, $0x68E, v1;
	v3 =	vsel vm7, $0x68F, v3;
	v4 =	vsel vm7, $0x78D, v4  }
0x92: {  	v5 =	vsel vm7, $0x680, v5;
	v6 =	vsel vm7, $0xD, v6;
	v7 =	vsel vm7, $0x681, v7  }
0x93: {  	v8 =	vsel vm7, $0x8D, v8;
	v9 =	vsel vm7, $0x682, v9;
	v10 =	vsel vm7, $0x10D, v10  }
0x94: {  	v11 =	vsel vm7, $0x683, v11;
	v12 =	vsel vm7, $0x18D, v12;
	v13 =	vsel vm7, $0x684, v13  }
0x95: {  	v14 =	vsel vm7, $0x20D, v14;
	v15 =	vsel vm7, $0x685, v15;
	v16 =	vsel vm7, $0x28D, v16  }
0x96: {  	s0 =	rddreg [dreg:$0x0];
	v17 =	vsel vm7, $0x686, v17;
	v18 =	vsel vm7, $0x30D, v18;
	v19 =	vsel vm7, $0x687, v19  }
0x97: {  	s4 =	rddreg [dreg:$0x1];
	s1 =	srdreg.scid;
	v20 =	vsel vm7, $0x38D, v20;
	v21 =	vsel vm7, $0x688, v21;
	v22 =	vsel vm7, $0x40D, v22  }
0x98: {  	s2 =	stileid.u32;
	s5 =	rddreg [dreg:$0x3];
	s6 =	simm.s32 $0x0;
	v23 =	vsel vm7, $0x689, v23;
	v24 =	vsel vm7, $0x48D, v24;
	v25 =	vsel vm7, $0x68A, v25  }
0x99: {  	s18 =	simm.s32 $0x1C00;
	s1 =	sand.u32 $0x1, s1;
	s2 =	sshll.u32 s2, $0x1;
	v26 =	vsel vm7, $0x50D, v26;
	v27 =	vsel vm7, $0x68B, v27;
	v28 =	vsel vm7, $0x58D, v28  }
0x9a: {  	s14 =	simm.s32 $0x400;
	s28 =	simm.s32 $0x190000;
	s2 =	sor.u32 s1, s2;
	v29 =	vsel vm7, $0x68C, v29;
	v30 =	vsel vm7, $0x60D, v30;
	v2 =	vsel vm0, $0x407, v2  }
0x9b: {  	s29 =	simm.s32 $0x11C00;
	[smem:$0x7FF] =	sst s6;
	s19 =	smul.u32 $0x32, s2;
	v1 =	vsel vm8, $0x70F, v1;
	v3 =	vsel vm8, $0x700, v3;
	v4 =	vsel vm8, $0xE, v4  }
0x9c: {  	s1 =	ssub.s32 $0x2, s1;
	_ =	strace $0x80000047;
	s3 =	smul.u32 $0x380, s2;
	v5 =	vsel vm8, $0x701, v5;
	v6 =	vsel vm8, $0x8E, v6;
	v7 =	vsel vm8, $0x702, v7  }
0x9d: {  	s20 =	sshrl.u32 s1, $0x1;
	s21 =	sor.u32 $0x1, s19;
	[dreg:$0x5] =	wrdreg s19;
	v8 =	vsel vm8, $0x10E, v8;
	v9 =	vsel vm8, $0x703, v9;
	v10 =	vsel vm8, $0x18E, v10  }
0x9e: {  	s2 =	smul.u32 $0x1900, s2;
	s22 =	sadd.s32 $0x2, s19;
	[dreg:$0x7] =	wrdreg s21;
	v11 =	vsel vm8, $0x704, v11;
	v12 =	vsel vm8, $0x20E, v12;
	v13 =	vsel vm8, $0x705, v13  }
0x9f: {  	s1 =	ssub.s32 s1, s20;
	s24 =	sadd.s32 $0x3, s19;
	[dreg:$0x8] =	wrdreg s22;
	v14 =	vsel vm8, $0x28E, v14;
	v15 =	vsel vm8, $0x706, v15;
	v16 =	vsel vm8, $0x30E, v16  }
0xa0: {  	s0 =	sadd.s32 s3, s0;
	s31 =	smax.u32 s1, $0x1;
	[dreg:$0x9] =	wrdreg s24;
	v17 =	vsel vm8, $0x707, v17;
	v18 =	vsel vm8, $0x38E, v18;
	v2 =	vsel vm1, $0x488, v2  }
0xa1: {  	s23 =	sadd.s32 $0x1800, s2;
	s0 =	sadd.s32 $0x600, s0;
	[dreg:$0xe] =	wrdreg s31;
	v19 =	vsel vm8, $0x708, v19;
	v20 =	vsel vm8, $0x40E, v20;
	v2 =	vsel vm2, $0x509, v2  }
0xa2: {  	s2 =	sadd.s32 $0x1880, s2;
	s25 =	sadd.s32 s4, s23;
	[dreg:$0x6] =	wrdreg s0;
	v21 =	vsel vm8, $0x709, v21;
	v22 =	vsel vm8, $0x48E, v22;
	v2 =	vsel vm3, $0x58A, v2  }
0xa3: {  	s19 =	simm.s32 $0x5C00;
	s26 =	sadd.s32 s4, s2;
	[dreg:$0xa] =	wrdreg s25;
	v23 =	vsel vm8, $0x70A, v23;
	v24 =	vsel vm8, $0x50E, v24;
	v2 =	vsel vm5, $0x60B, v2  }
0xa4: {  	s1 =	simm.s32 $0x17C00;
	s30 =	sadd.s32 s5, s2;
	[dreg:$0xc] =	wrdreg s26;
	v25 =	vsel vm8, $0x70B, v25;
	v26 =	vsel vm8, $0x58E, v26;
	v2 =	vsel vm6, $0x68C, v2  }
0xa5: {  	s3 =	simm.s32 $0x0;
	s0 =	sadd.s32 s5, s23;
	[dreg:$0xd] =	wrdreg s30;
	v27 =	vsel vm8, $0x70C, v27;
	v28 =	vsel vm8, $0x60E, v28;
	v2 =	vsel vm7, $0x70D, v2  }
0xa6: {  	s21 =	simm.s32 $0x9C00;
	s23 =	simm.s32 $0xDC00;
	[dreg:$0xb] =	wrdreg s0;
	v29 =	vsel vm8, $0x70D, v29;
	v30 =	vsel vm8, $0x68E, v30;
	v2 =	vsel vm8, $0x78E, v2  }
.LBB2_1:
0xa7: {  	[dreg:$0xf] =	wrdreg s3  }
0xa8: {  	s2 =	simm.s32 $0x0;
	s0 =	rddreg [dreg:$0x6];
	s25 =	simm.s32 $0x1  }
0xa9: {  	[tilespmem:s2], [sflag:$0x1] =	stream.linear.gather [hbm4b:s0+s2], $0x1900, $0x38;
	[tilespmem:$0x1DC00] =	vst v63  }
0xaa: {  	_ =	swait.ge [sflag:s25], $0x1900  }
0xab: {  	[sflag:s25] =	ssyncset.done $0x0  }
0xac: {  	[sflag:s25] =	ssyncadd.s32 $0xFFFFE700  }
0xad: {  	s26 =	simm.s32 $0x80;
	s0 =	rddreg [dreg:$0x2]  }
0xae: {  	[tilespmem:s18], [sflag:$0x2] =	stream.indirect.gather [hbm4b:s0+s26], $0x80, s2, s26, $0xb8;
	[tilespmem:$0x1DC00] =	vst v63  }
0xaf: {  	_ = 	snop  }
0xb0: {  	[tilespmem:s19], [sflag:$0x3] =	stream.indirect.gather [hbm4b:s0+s26], $0x80, s26, s26, $0xb8;
	[tilespmem:$0x1DC00] =	vst v63  }
0xb1: {  	s30 =	simm.s32 $0x100  }
0xb2: {  	[tilespmem:s21], [sflag:$0x4] =	stream.indirect.gather [hbm4b:s0+s26], $0x80, s30, s26, $0xb8;
	[tilespmem:$0x1DC00] =	vst v63  }
0xb3: {  	s31 =	simm.s32 $0x180;
	s13 =	simm.s32 $0x0  }
0xb4: {  	[tilespmem:s23], [sflag:$0x5] =	stream.indirect.gather [hbm4b:s0+s26], $0x80, s31, s26, $0xb8;
	[tilespmem:$0x1DC00] =	vst v63  }
.LBB2_2:
0xb5: {  	p0 =	seq.s32 s13, $0x0  }
0xb6: {  	s0 =	simm.s32 @!p0 $0x8  }
0xb7: {  	_ =	swait.ge @!p0 [sflag:s0], $0x6000  }
0xb8: {  	s3 =	sshll.u32 s13, $0x2;
	s2 =	rddreg [dreg:$0x5];
	[sflag:s0] =	ssyncset.done @!p0 $0x0  }
0xb9: {  	s2 =	sadd.s32 s2, s3;
	[sflag:s0] =	ssyncadd.s32 @!p0 $0xFFFFA000  }
0xba: {  	s16 =	sshll.u32 s2, $0x7;
	s0 =	rddreg [dreg:$0x1]  }
0xbb: {  	s10 =	simm.s32 $0x15C00;
	s11 =	simm.s32 $0x0;
	s0 =	sadd.s32 s0, s16  }
0xbc: {  	[tilespmem:s10], [sflag:$0x6] =	stream.strided.gather [hbm4b:s0+s14], $0x2000, s28, s14, $0x38;
	[tilespmem:$0x1DC00] =	vst v63  }
0xbd: {  	s0 =	sand.u32 $0x6, s11  }
0xbe: {  	s12 =	sor.u32 $0x1, s0  }
0xbf: {  	s15 =	simm.s32 $0x0;
	s4 =	sshll.u32 s12, $0x4  }
0xc0: {  	s20 =	sshll.u32 s0, $0x4;
	s17 =	sor.u32 s15, s4  }
0xc1: {  	s28 =	sor.u32 s20, s15;
	v31 =	vor.u32 s17, v0  }
0xc2: {  	s22 =	simm.s32 $0x2;
	[dreg:$0x10] =	wrdreg s3;
	v32 =	vor.u32 s28, v0  }
0xc3: {  	_ =	swait.ge [sflag:s22], $0x4000  }
0xc4: {  	[sflag:s22] =	ssyncset.done $0x0;
	s2 =	sshll.u32 s12, $0xB  }
0xc5: {  	s0 =	sshll.u32 s0, $0xB;
	[sflag:s22] =	ssyncadd.s32 $0xFFFFC000;
	s9 =	sadd.s32 $0x0, s2  }
0xc6: {  	s31 =	sadd.s32 $0x0, s0;
	v33 =	vor.u32 s9, v0;
	v31 =	vld.idx.msk [tilespmem:v31+s18+$0x0], $0xffff  }
0xc7: {  	v35 =	vor.u32 s31, v0;
	v34 =	vor.u32 s17, v1;
	v32 =	vld.idx.msk [tilespmem:v32+s18+$0x0], $0xffff  }
0xc8: {  	v36 =	vor.u32 s28, v1;
	_ =	sdelay $0x2  }
0xc9: {  	[tilespmem:v33+s29+$0x0] =	vst.idx.msk $0xffff, v31  }
0xca: {  	v63 =	vor.u32 s9, v2;
	[tilespmem:v35+s29+$0x0] =	vst.idx.msk $0xffff, v32;
	v31 =	vld.idx.msk [tilespmem:v34+s18+$0x0], $0xffff  }
0xcb: {  	v42 =	vor.u32 s31, v2;
	v40 =	vor.u32 s17, v3;
	v41 =	vld.idx.msk [tilespmem:v36+s18+$0x0], $0xffff  }
0xcc: {  	v43 =	vor.u32 s28, v3;
	_ =	sdelay $0x1  }
0xcd: {  	s24 =	simm.s32 $0x2  }
0xce: {  	s0 =	sand.u32 $0x6, s24;
	[tilespmem:v63+s29+$0x0] =	vst.idx.msk $0xffff, v31  }
0xcf: {  	s25 =	sor.u32 $0x1, s0;
	[tilespmem:v42+s29+$0x0] =	vst.idx.msk $0xffff, v41;
	v31 =	vor.u32 s9, v4;
	v32 =	vld.idx.msk [tilespmem:v40+s18+$0x0], $0xffff  }
0xd0: {  	s26 =	simm.s32 $0x0;
	v45 =	vor.u32 s31, v4;
	v44 =	vor.u32 s17, v5;
	s30 =	sshll.u32 s25, $0x4;
	v34 =	vld.idx.msk [tilespmem:v43+s18+$0x0], $0xffff  }
0xd1: {  	v46 =	vor.u32 s28, v5;
	s12 =	sor.u32 s26, s30  }
0xd2: {  	v37 =	vor.u32 s12, v0;
	_ =	sdelay $0x1  }
0xd3: {  	[tilespmem:v31+s29+$0x0] =	vst.idx.msk $0xffff, v32  }
0xd4: {  	v47 =	vor.u32 s9, v6;
	s2 =	sshll.u32 s25, $0xB;
	[tilespmem:v45+s29+$0x0] =	vst.idx.msk $0xffff, v34;
	v31 =	vld.idx.msk [tilespmem:v44+s18+$0x0], $0xffff  }
0xd5: {  	v49 =	vor.u32 s31, v6;
	v48 =	vor.u32 s17, v7;
	s15 =	sadd.s32 $0x0, s2;
	v34 =	vld.idx.msk [tilespmem:v46+s18+$0x0], $0xffff  }
0xd6: {  	v38 =	vor.u32 s28, v7;
	v51 =	vor.u32 s15, v0;
	v50 =	vld.idx.msk [tilespmem:v37+s18+$0x0], $0xffff  }
0xd7: {  	s4 =	sshll.u32 s0, $0x4;
	v39 =	vor.u32 s12, v1  }
0xd8: {  	s8 =	sor.u32 s4, s26  }
0xd9: {  	[tilespmem:v47+s29+$0x0] =	vst.idx.msk $0xffff, v31;
	v31 =	vor.u32 s8, v0  }
0xda: {  	v52 =	vor.u32 s9, v8;
	[tilespmem:v49+s29+$0x0] =	vst.idx.msk $0xffff, v34;
	v32 =	vld.idx.msk [tilespmem:v48+s18+$0x0], $0xffff  }
0xdb: {  	v53 =	vor.u32 s31, v8;
	[tilespmem:v51+s29+$0x0] =	vst.idx.msk $0xffff, v50;
	v40 =	vor.u32 s17, v9;
	v34 =	vld.idx.msk [tilespmem:v38+s18+$0x0], $0xffff  }
0xdc: {  	s0 =	sshll.u32 s0, $0xB;
	v55 =	vor.u32 s28, v9;
	v54 =	vor.u32 s15, v2;
	v36 =	vld.idx.msk [tilespmem:v39+s18+$0x0], $0xffff  }
0xdd: {  	s6 =	sadd.s32 $0x0, s0;
	v56 =	vor.u32 s12, v3  }
0xde: {  	v57 =	vor.u32 s6, v0;
	v31 =	vld.idx.msk [tilespmem:v31+s18+$0x0], $0xffff  }
0xdf: {  	v58 =	vor.u32 s8, v1;
	[tilespmem:v52+s29+$0x0] =	vst.idx.msk $0xffff, v32  }
0xe0: {  	v41 =	vor.u32 s9, v10;
	[tilespmem:v53+s29+$0x0] =	vst.idx.msk $0xffff, v34;
	v33 =	vld.idx.msk [tilespmem:v40+s18+$0x0], $0xffff  }
0xe1: {  	v59 =	vor.u32 s31, v10;
	v42 =	vor.u32 s17, v11;
	[tilespmem:v54+s29+$0x0] =	vst.idx.msk $0xffff, v36;
	v34 =	vld.idx.msk [tilespmem:v55+s18+$0x0], $0xffff  }
0xe2: {  	v61 =	vor.u32 s28, v11;
	v60 =	vor.u32 s15, v4;
	v37 =	vld.idx.msk [tilespmem:v56+s18+$0x0], $0xffff  }
0xe3: {  	[tilespmem:v57+s29+$0x0] =	vst.idx.msk $0xffff, v31;
	v31 =	vor.u32 s12, v5  }
0xe4: {  	s5 =	simm.s32 $0x4;
	v62 =	vor.u32 s6, v2;
	v32 =	vld.idx.msk [tilespmem:v58+s18+$0x0], $0xffff  }
0xe5: {  	s0 =	sand.u32 $0x6, s5;
	v46 =	vor.u32 s8, v3;
	[tilespmem:v41+s29+$0x0] =	vst.idx.msk $0xffff, v33  }
0xe6: {  	s7 =	sor.u32 $0x1, s0;
	v45 =	vor.u32 s9, v12;
	[tilespmem:v59+s29+$0x0] =	vst.idx.msk $0xffff, v34;
	v63 =	vld.idx.msk [tilespmem:v42+s18+$0x0], $0xffff  }
0xe7: {  	s11 =	simm.s32 $0x0;
	s20 =	sshll.u32 s7, $0x4;
	[tilespmem:v60+s29+$0x0] =	vst.idx.msk $0xffff, v37;
	v47 =	vor.u32 s17, v13;
	v48 =	vor.u32 s31, v12;
	v34 =	vld.idx.msk [tilespmem:v61+s18+$0x0], $0xffff  }
0xe8: {  	s10 =	sor.u32 s11, s20;
	v50 =	vor.u32 s28, v13;
	v49 =	vor.u32 s15, v6;
	v31 =	vld.idx.msk [tilespmem:v31+s18+$0x0], $0xffff  }
0xe9: {  	v52 =	vor.u32 s10, v0;
	[tilespmem:v62+s29+$0x0] =	vst.idx.msk $0xffff, v32  }
0xea: {  	v51 =	vor.u32 s12, v7;
	v53 =	vor.u32 s6, v4;
	v33 =	vld.idx.msk [tilespmem:v46+s18+$0x0], $0xffff  }
0xeb: {  	v55 =	vor.u32 s8, v5;
	[tilespmem:v45+s29+$0x0] =	vst.idx.msk $0xffff, v63  }
0xec: {  	s2 =	sshll.u32 s7, $0xB;
	v54 =	vor.u32 s9, v14;
	[tilespmem:v48+s29+$0x0] =	vst.idx.msk $0xffff, v34;
	v40 =	vld.idx.msk [tilespmem:v47+s18+$0x0], $0xffff  }
0xed: {  	s26 =	sadd.s32 $0x0, s2;
	v43 =	vor.u32 s17, v15;
	v56 =	vor.u32 s31, v14;
	[tilespmem:v49+s29+$0x0] =	vst.idx.msk $0xffff, v31;
	v31 =	vld.idx.msk [tilespmem:v50+s18+$0x0], $0xffff  }
0xee: {  	v60 =	vor.u32 s26, v0;
	v59 =	vor.u32 s28, v15;
	v32 =	vld.idx.msk [tilespmem:v52+s18+$0x0], $0xffff  }
0xef: {  	v58 =	vor.u32 s15, v8;
	v61 =	vor.u32 s10, v1;
	v57 =	vld.idx.msk [tilespmem:v51+s18+$0x0], $0xffff;
	[tilespmem:v53+s29+$0x0] =	vst.idx.msk $0xffff, v33  }
0xf0: {  	s22 =	sshll.u32 s0, $0x4;
	v44 =	vor.u32 s12, v9;
	v62 =	vor.u32 s6, v6;
	v39 =	vld.idx.msk [tilespmem:v55+s18+$0x0], $0xffff  }
0xf1: {  	s11 =	sor.u32 s22, s11;
	v48 =	vor.u32 s8, v7;
	[tilespmem:v54+s29+$0x0] =	vst.idx.msk $0xffff, v40  }
0xf2: {  	v63 =	vor.u32 s9, v16;
	v41 =	vld.idx.msk [tilespmem:v43+s18+$0x0], $0xffff;
	[tilespmem:v56+s29+$0x0] =	vst.idx.msk $0xffff, v31;
	v31 =	vor.u32 s11, v0  }
0xf3: {  	v45 =	vor.u32 s17, v17;
	v49 =	vor.u32 s31, v16;
	[tilespmem:v60+s29+$0x0] =	vst.idx.msk $0xffff, v32;
	v34 =	vld.idx.msk [tilespmem:v59+s18+$0x0], $0xffff  }
0xf4: {  	v51 =	vor.u32 s28, v17;
	v33 =	vld.idx.msk [tilespmem:v61+s18+$0x0], $0xffff;
	v53 =	vor.u32 s26, v2;
	[tilespmem:v58+s29+$0x0] =	vst.idx.msk $0xffff, v57  }
0xf5: {  	s0 =	sshll.u32 s0, $0xB;
	v50 =	vor.u32 s15, v10;
	v54 =	vor.u32 s10, v3;
	v36 =	vld.idx.msk [tilespmem:v44+s18+$0x0], $0xffff;
	[tilespmem:v62+s29+$0x0] =	vst.idx.msk $0xffff, v39  }
0xf6: {  	s5 =	sadd.s32 $0x0, s0;
	v52 =	vor.u32 s12, v11;
	v55 =	vor.u32 s6, v8;
	v40 =	vld.idx.msk [tilespmem:v48+s18+$0x0], $0xffff  }
0xf7: {  	v46 =	vor.u32 s5, v0;
	v57 =	vor.u32 s8, v9;
	[tilespmem:v63+s29+$0x0] =	vst.idx.msk $0xffff, v41;
	v31 =	vld.idx.msk [tilespmem:v31+s18+$0x0], $0xffff  }
0xf8: {  	v58 =	vor.u32 s9, v18;
	v59 =	vor.u32 s11, v1;
	v56 =	vld.idx.msk [tilespmem:v45+s18+$0x0], $0xffff;
	[tilespmem:v49+s29+$0x0] =	vst.idx.msk $0xffff, v34  }
0xf9: {  	v47 =	vor.u32 s17, v19;
	v61 =	vor.u32 s31, v18;
	[tilespmem:v53+s29+$0x0] =	vst.idx.msk $0xffff, v33;
	v60 =	vld.idx.msk [tilespmem:v51+s18+$0x0], $0xffff  }
0xfa: {  	v62 =	vor.u32 s28, v19;
	v39 =	vld.idx.msk [tilespmem:v54+s18+$0x0], $0xffff;
	v49 =	vor.u32 s26, v4;
	[tilespmem:v50+s29+$0x0] =	vst.idx.msk $0xffff, v36  }
0xfb: {  	s4 =	simm.s32 $0x6;
	v48 =	vor.u32 s15, v12;
	v63 =	vld.idx.msk [tilespmem:v52+s18+$0x0], $0xffff;
	v52 =	vor.u32 s10, v5;
	[tilespmem:v55+s29+$0x0] =	vst.idx.msk $0xffff, v40  }
0xfc: {  	s24 =	sand.u32 $0x6, s4;
	v53 =	vor.u32 s6, v10;
	v50 =	vor.u32 s12, v13;
	v51 =	vld.idx.msk [tilespmem:v57+s18+$0x0], $0xffff;
	[tilespmem:v46+s29+$0x0] =	vst.idx.msk $0xffff, v31  }
0xfd: {  	s25 =	sor.u32 $0x1, s24;
	v54 =	vor.u32 s8, v11;
	v57 =	vor.u32 s5, v2;
	[tilespmem:v58+s29+$0x0] =	vst.idx.msk $0xffff, v56;
	v34 =	vld.idx.msk [tilespmem:v59+s18+$0x0], $0xffff  }
0xfe: {  	s7 =	simm.s32 $0x0;
	s30 =	sshll.u32 s25, $0x4;
	v55 =	vor.u32 s9, v20;
	v31 =	vld.idx.msk [tilespmem:v47+s18+$0x0], $0xffff;
	[tilespmem:v61+s29+$0x0] =	vst.idx.msk $0xffff, v60;
	v60 =	vor.u32 s11, v3  }
0xff: {  	s3 =	sor.u32 s7, s30;
	v56 =	vor.u32 s17, v21;
	[tilespmem:v49+s29+$0x0] =	vst.idx.msk $0xffff, v39;
	v58 =	vld.idx.msk [tilespmem:v62+s18+$0x0], $0xffff  }
0x100: {  	v59 =	vor.u32 s31, v20;
	[tilespmem:v48+s29+$0x0] =	vst.idx.msk $0xffff, v63;
	v62 =	vor.u32 s3, v0;
	v63 =	vld.idx.msk [tilespmem:v52+s18+$0x0], $0xffff  }
0x101: {  	s22 =	sshll.u32 s24, $0x4;
	v61 =	vor.u32 s28, v21;
	v48 =	vor.u32 s26, v6;
	v37 =	vld.idx.msk [tilespmem:v50+s18+$0x0], $0xffff;
	[tilespmem:v53+s29+$0x0] =	vst.idx.msk $0xffff, v51  }
0x102: {  	s22 =	sor.u32 s22, s7;
	v50 =	vor.u32 s10, v7;
	v51 =	vor.u32 s6, v12;
	v49 =	vld.idx.msk [tilespmem:v54+s18+$0x0], $0xffff;
	[tilespmem:v57+s29+$0x0] =	vst.idx.msk $0xffff, v34  }
0x103: {  	v54 =	vor.u32 s22, v0;
	[tilespmem:v55+s29+$0x0] =	vst.idx.msk $0xffff, v31;
	v31 =	vor.u32 s15, v14;
	v36 =	vld.idx.msk [tilespmem:v60+s18+$0x0], $0xffff  }
0x104: {  	v53 =	vor.u32 s8, v13;
	v55 =	vor.u32 s5, v4;
	v44 =	vld.idx.msk [tilespmem:v56+s18+$0x0], $0xffff  }
0x105: {  	v52 =	vor.u32 s12, v15;
	[tilespmem:v59+s29+$0x0] =	vst.idx.msk $0xffff, v58;
	v56 =	vor.u32 s9, v22;
	v39 =	vld.idx.msk [tilespmem:v62+s18+$0x0], $0xffff  }
0x106: {  	v57 =	vor.u32 s11, v5;
	[tilespmem:v48+s29+$0x0] =	vst.idx.msk $0xffff, v63;
	v59 =	vor.u32 s31, v22;
	v38 =	vld.idx.msk [tilespmem:v61+s18+$0x0], $0xffff  }
0x107: {  	v60 =	vor.u32 s28, v23;
	v58 =	vld.idx.msk [tilespmem:v50+s18+$0x0], $0xffff;
	v61 =	vor.u32 s26, v8;
	[tilespmem:v51+s29+$0x0] =	vst.idx.msk $0xffff, v49  }
0x108: {  	s2 =	sshll.u32 s25, $0xB;
	v62 =	vor.u32 s10, v9;
	v33 =	vld.idx.msk [tilespmem:v54+s18+$0x0], $0xffff;
	[tilespmem:v31+s29+$0x0] =	vst.idx.msk $0xffff, v37  }
0x109: {  	s7 =	sadd.s32 $0x0, s2;
	v42 =	vor.u32 s17, v25;
	v63 =	vor.u32 s6, v14;
	v31 =	vor.u32 s17, v23;
	v45 =	vld.idx.msk [tilespmem:v53+s18+$0x0], $0xffff;
	[tilespmem:v55+s29+$0x0] =	vst.idx.msk $0xffff, v36  }
0x10a: {  	v49 =	vor.u32 s7, v0;
	v55 =	vor.u32 s8, v15;
	v34 =	vld.idx.msk [tilespmem:v52+s18+$0x0], $0xffff;
	[tilespmem:v56+s29+$0x0] =	vst.idx.msk $0xffff, v44  }
0x10b: {  	v48 =	vor.u32 s15, v16;
	v40 =	vld.idx.msk [tilespmem:v57+s18+$0x0], $0xffff;
	v56 =	vor.u32 s3, v1;
	[tilespmem:v59+s29+$0x0] =	vst.idx.msk $0xffff, v38  }
0x10c: {  	v50 =	vor.u32 s5, v6;
	v54 =	vor.u32 s12, v17;
	[tilespmem:v61+s29+$0x0] =	vst.idx.msk $0xffff, v58;
	v43 =	vld.idx.msk [tilespmem:v60+s18+$0x0], $0xffff  }
0x10d: {  	v41 =	vor.u32 s12, v19;
	v57 =	vor.u32 s11, v7;
	v51 =	vld.idx.msk [tilespmem:v62+s18+$0x0], $0xffff;
	v60 =	vor.u32 s31, v24  }
0x10e: {  	s0 =	sshll.u32 s24, $0xB;
	v47 =	vor.u32 s26, v12;
	v61 =	vor.u32 s26, v10;
	v62 =	vor.u32 s28, v25;
	v38 =	vld.idx.msk [tilespmem:v31+s18+$0x0], $0xffff;
	[tilespmem:v63+s29+$0x0] =	vst.idx.msk $0xffff, v45  }
0x10f: {  	s0 =	sadd.s32 $0x0, s0;
	v58 =	vor.u32 s9, v24;
	[tilespmem:v49+s29+$0x0] =	vst.idx.msk $0xffff, v39;
	v63 =	vor.u32 s10, v11;
	v44 =	vld.idx.msk [tilespmem:v55+s18+$0x0], $0xffff  }
0x110: {  	v53 =	vor.u32 s7, v2;
	v59 =	vor.u32 s0, v0;
	[tilespmem:v48+s29+$0x0] =	vst.idx.msk $0xffff, v34;
	v46 =	vld.idx.msk [tilespmem:v56+s18+$0x0], $0xffff  }
0x111: {  	v52 =	vor.u32 s6, v16;
	v48 =	vor.u32 s22, v1;
	[tilespmem:v50+s29+$0x0] =	vst.idx.msk $0xffff, v40;
	v35 =	vld.idx.msk [tilespmem:v54+s18+$0x0], $0xffff  }
0x112: {  	v32 =	vor.u32 s8, v19;
	v36 =	vor.u32 s28, v27;
	v55 =	vor.u32 s8, v17;
	v54 =	vld.idx.msk [tilespmem:v57+s18+$0x0], $0xffff;
	[tilespmem:v60+s29+$0x0] =	vst.idx.msk $0xffff, v43  }
0x113: {  	v56 =	vor.u32 s3, v3;
	v57 =	vor.u32 s5, v8;
	[tilespmem:v61+s29+$0x0] =	vst.idx.msk $0xffff, v51;
	v39 =	vld.idx.msk [tilespmem:v62+s18+$0x0], $0xffff  }
0x114: {  	v49 =	vor.u32 s15, v18;
	v50 =	vor.u32 s11, v9;
	[tilespmem:v58+s29+$0x0] =	vst.idx.msk $0xffff, v38;
	v45 =	vld.idx.msk [tilespmem:v63+s18+$0x0], $0xffff  }
0x115: {  	v31 =	vor.u32 s22, v19;
	v34 =	vor.u32 s7, v4;
	[tilespmem:v59+s29+$0x0] =	vst.idx.msk $0xffff, v33;
	v42 =	vld.idx.msk [tilespmem:v42+s18+$0x0], $0xffff  }
0x116: {  	v40 =	vor.u32 s17, v27;
	v37 =	vld.idx.msk [tilespmem:v48+s18+$0x0], $0xffff;
	v48 =	vor.u32 s9, v26;
	[tilespmem:v52+s29+$0x0] =	vst.idx.msk $0xffff, v44  }
0x117: {  	v33 =	vor.u32 s11, v19;
	v44 =	vor.u32 s31, v26;
	[tilespmem:v53+s29+$0x0] =	vst.idx.msk $0xffff, v46;
	v38 =	vld.idx.msk [tilespmem:v55+s18+$0x0], $0xffff  }
0x118: {  	v43 =	vor.u32 s6, v18;
	v46 =	vor.u32 s10, v13;
	v51 =	vld.idx.msk [tilespmem:v56+s18+$0x0], $0xffff;
	[tilespmem:v57+s29+$0x0] =	vst.idx.msk $0xffff, v54  }
.LBB2_3:
0x119: {  	v50 =	vld.idx.msk [tilespmem:v50+s18+$0x0], $0xffff  }
0x11a: {  	s4 =	sadd.s32 $0x2, s4;
	[tilespmem:v49+s29+$0x0] =	vst.idx.msk $0xffff, v35;
	v35 =	vor.u32 s3, v5;
	v49 =	vor.u32 s5, v10;
	v54 =	vor.u32 s0, v2  }
0x11b: {  	s2 =	sshrl.u32 s4, $0x3;
	s30 =	sand.u32 $0x6, s4;
	p1 =	slt.u32 s4, $0x3E;
	v41 =	vld.idx.msk [tilespmem:v41+s18+$0x0], $0xffff;
	[tilespmem:v48+s29+$0x0] =	vst.idx.msk $0xffff, v42;
	v42 =	vor.u32 s11, v11;
	v48 =	vor.u32 s15, v20  }
0x11c: {  	s20 =	sshll.u32 s30, $0x4;
	s24 =	sshll.u32 s2, $0xB;
	s25 =	sor.u32 $0x1, s30;
	[tilespmem:v44+s29+$0x0] =	vst.idx.msk $0xffff, v39;
	v39 =	vor.u32 s28, v29;
	v40 =	vld.idx.msk [tilespmem:v40+s18+$0x0], $0xffff;
	v44 =	vor.u32 s12, v21  }
0x11d: {  	s20 =	sor.u32 s20, s24;
	s28 =	sshll.u32 s25, $0x4;
	s25 =	sshll.u32 s25, $0xB;
	[tilespmem:v47+s29+$0x0] =	vst.idx.msk $0xffff, v45;
	v36 =	vld.idx.msk [tilespmem:v36+s18+$0x0], $0xffff;
	v45 =	vor.u32 s9, v28;
	v47 =	vor.u32 s17, v29  }
0x11e: {  	s2 =	sshll.u32 s2, $0x4;
	s17 =	sshll.u32 s30, $0xB;
	v52 =	vor.u32 s20, v0;
	v53 =	vor.u32 s20, v19;
	s24 =	sor.u32 s24, s28;
	v46 =	vld.idx.msk [tilespmem:v46+s18+$0x0], $0xffff;
	[tilespmem:v43+s29+$0x0] =	vst.idx.msk $0xffff, v38;
	v38 =	vor.u32 s31, v28  }
0x11f: {  	v55 =	vor.u32 s6, v20;
	s30 =	sadd.s32 s2, s17;
	s2 =	sadd.s32 s2, s25;
	s28 =	smov.u32 s8;
	v43 =	vor.u32 s24, v0;
	[tilespmem:v34+s29+$0x0] =	vst.idx.msk $0xffff, v51;
	v51 =	vld.idx.msk [tilespmem:v32+s18+$0x0], $0xffff;
	v32 =	vmov v33  }
0x120: {  	v56 =	vor.u32 s22, v3;
	s8 =	smov.u32 s11;
	s11 =	smov.u32 s22;
	s22 =	smov.u32 s20;
	v34 =	vor.u32 s2, v4;
	v33 =	vmovc v31;
	v31 =	vmov v53;
	v35 =	vld.idx.msk [tilespmem:v35+s18+$0x0], $0xffff;
	[tilespmem:v49+s29+$0x0] =	vst.idx.msk $0xffff, v50  }
0x121: {  	s17 =	smov.u32 s12;
	s12 =	smov.u32 s10;
	s10 =	smov.u32 s3;
	v49 =	vor.u32 s7, v6;
	v50 =	vor.u32 s28, v21;
	v42 =	vld.idx.msk [tilespmem:v42+s18+$0x0], $0xffff;
	[tilespmem:v48+s29+$0x0] =	vst.idx.msk $0xffff, v41  }
0x122: {  	s3 =	smov.u32 s24;
	v41 =	vor.u32 s26, v14;
	v44 =	vld.idx.msk [tilespmem:v44+s18+$0x0], $0xffff;
	[tilespmem:v45+s29+$0x0] =	vst.idx.msk $0xffff, v40  }
0x123: {  	v40 =	vor.u32 s10, v7;
	v45 =	vor.u32 s15, v22;
	[tilespmem:v38+s29+$0x0] =	vst.idx.msk $0xffff, v36;
	v36 =	vld.idx.msk [tilespmem:v47+s18+$0x0], $0xffff  }
0x124: {  	v38 =	vor.u32 s12, v15;
	[tilespmem:v54+s29+$0x0] =	vst.idx.msk $0xffff, v37;
	v37 =	vor.u32 s5, v12;
	v39 =	vld.idx.msk [tilespmem:v39+s18+$0x0], $0xffff  }
0x125: {  	v47 =	vld.idx.msk [tilespmem:v56+s18+$0x0], $0xffff;
	[tilespmem:v55+s29+$0x0] =	vst.idx.msk $0xffff, v51;
	v51 =	vor.u32 s31, v30;
	s31 =	smov.u32 s6;
	s6 =	smov.u32 s5;
	s5 =	smov.u32 s0  }
0x126: {  	v48 =	vor.u32 s8, v13;
	v53 =	vor.u32 s5, v4  }
0x127: {  	s0 =	smov.u32 s30;
	[tilespmem:v49+s29+$0x0] =	vst.idx.msk $0xffff, v35;
	v35 =	vld.idx.msk [tilespmem:v50+s18+$0x0], $0xffff;
	v49 =	vor.u32 s9, v30;
	s9 =	smov.u32 s15;
	s15 =	smov.u32 s26;
	v50 =	vor.u32 s11, v5  }
0x128: {  	s26 =	smov.u32 s7;
	s7 =	smov.u32 s2;
	v43 =	vld.idx.msk [tilespmem:v43+s18+$0x0], $0xffff;
	[tilespmem:v41+s29+$0x0] =	vst.idx.msk $0xffff, v46;
	v41 =	vor.u32 s28, v23;
	v46 =	vor.u32 s17, v23  }
0x129: {  	v55 =	vor.u32 s31, v22;
	v54 =	vor.u32 s7, v0;
	v40 =	vld.idx.msk [tilespmem:v40+s18+$0x0], $0xffff;
	[tilespmem:v45+s29+$0x0] =	vst.idx.msk $0xffff, v44  }
0x12a: {  	v44 =	vor.u32 s3, v1;
	v45 =	vor.u32 s26, v8;
	[tilespmem:v37+s29+$0x0] =	vst.idx.msk $0xffff, v42;
	v37 =	vld.idx.msk [tilespmem:v38+s18+$0x0], $0xffff  }
0x12b: {  	v38 =	vor.u32 s10, v9;
	v42 =	vld.idx.msk [tilespmem:v48+s18+$0x0], $0xffff;
	v48 =	vor.u32 s15, v16;
	[tilespmem:v51+s29+$0x0] =	vst.idx.msk $0xffff, v39  }
0x12c: {  	v51 =	vor.u32 s12, v17;
	v39 =	vld.idx.msk [tilespmem:v52+s18+$0x0], $0xffff;
	[tilespmem:v53+s29+$0x0] =	vst.idx.msk $0xffff, v47;
	v47 =	vor.u32 s6, v14  }
0x12d: {  	v52 =	vor.u32 s8, v15;
	v50 =	vld.idx.msk [tilespmem:v50+s18+$0x0], $0xffff;
	[tilespmem:v49+s29+$0x0] =	vst.idx.msk $0xffff, v36  }
0x12e: {  	v36 =	vor.u32 s5, v6;
	[tilespmem:v55+s29+$0x0] =	vst.idx.msk $0xffff, v35;
	v46 =	vld.idx.msk [tilespmem:v46+s18+$0x0], $0xffff  }
0x12f: {  	v49 =	vor.u32 s11, v7;
	[tilespmem:v45+s29+$0x0] =	vst.idx.msk $0xffff, v40;
	v40 =	vld.idx.msk [tilespmem:v41+s18+$0x0], $0xffff;
	v41 =	vor.u32 s9, v24  }
0x130: {  	v45 =	vor.u32 s0, v0;
	v38 =	vld.idx.msk [tilespmem:v38+s18+$0x0], $0xffff;
	[tilespmem:v48+s29+$0x0] =	vst.idx.msk $0xffff, v37;
	v37 =	vor.u32 s17, v25  }
0x131: {  	v48 =	vor.u32 s22, v1;
	[tilespmem:v47+s29+$0x0] =	vst.idx.msk $0xffff, v42;
	v35 =	vld.idx.msk [tilespmem:v51+s18+$0x0], $0xffff;
	v47 =	vor.u32 s31, v24  }
0x132: {  	[tilespmem:v54+s29+$0x0] =	vst.idx.msk $0xffff, v43;
	v43 =	vor.u32 s26, v10;
	v51 =	vld.idx.msk [tilespmem:v52+s18+$0x0], $0xffff;
	v52 =	vor.u32 s28, v25  }
0x133: {  	v53 =	vld.idx.msk [tilespmem:v44+s18+$0x0], $0xffff;
	[tilespmem:v36+s29+$0x0] =	vst.idx.msk $0xffff, v50;
	v36 =	vor.u32 s10, v11;
	v44 =	vor.u32 s6, v16  }
0x134: {  	v56 =	vor.u32 s8, v17;
	v54 =	vor.u32 s7, v2;
	v55 =	vld.idx.msk [tilespmem:v49+s18+$0x0], $0xffff;
	[tilespmem:v41+s29+$0x0] =	vst.idx.msk $0xffff, v46  }
0x135: {  	v57 =	vor.u32 s5, v8;
	v46 =	vor.u32 s3, v3;
	[tilespmem:v45+s29+$0x0] =	vst.idx.msk $0xffff, v39;
	v42 =	vld.idx.msk [tilespmem:v37+s18+$0x0], $0xffff  }
.Ltmp0:
0x136: {  	v50 =	vor.u32 s11, v9;
	v49 =	vor.u32 s15, v18;
	v37 =	vld.idx.msk [tilespmem:v48+s18+$0x0], $0xffff;
	[tilespmem:v47+s29+$0x0] =	vst.idx.msk $0xffff, v40;
	(pc) =	sbr.rel @p1 .LBB2_3-.Ltmp0, $4  }
0x137: {  	v41 =	vor.u32 s12, v19;
	v48 =	vor.u32 s9, v26;
	[tilespmem:v43+s29+$0x0] =	vst.idx.msk $0xffff, v38;
	v39 =	vld.idx.msk [tilespmem:v52+s18+$0x0], $0xffff  }
0x138: {  	v40 =	vor.u32 s17, v27;
	v45 =	vld.idx.msk [tilespmem:v36+s18+$0x0], $0xffff;
	[tilespmem:v44+s29+$0x0] =	vst.idx.msk $0xffff, v51;
	v44 =	vor.u32 s31, v26  }
0x139: {  	v47 =	vor.u32 s26, v12;
	v36 =	vor.u32 s28, v27;
	[tilespmem:v54+s29+$0x0] =	vst.idx.msk $0xffff, v53;
	v38 =	vld.idx.msk [tilespmem:v56+s18+$0x0], $0xffff  }
0x13a: {  	v43 =	vor.u32 s6, v18;
	v51 =	vld.idx.msk [tilespmem:v46+s18+$0x0], $0xffff;
	[tilespmem:v57+s29+$0x0] =	vst.idx.msk $0xffff, v55;
	v46 =	vor.u32 s10, v13  }
0x13b: {  	v52 =	vor.u32 s0, v2  }
0x13c: {  	v53 =	vor.u32 s22, v3;
	_ =	sdelay $0x3  }
0x13d: {  	[tilespmem:v52+s29+$0x0] =	vst.idx.msk $0xffff, v37  }
0x13e: {  	v61 =	vor.u32 s0, v4;
	v37 =	vld.idx.msk [tilespmem:v53+s18+$0x0], $0xffff  }
0x13f: {  	v62 =	vor.u32 s22, v5  }
0x140: {  	v54 =	vor.u32 s3, v5;
	_ =	sdelay $0x2  }
0x141: {  	[tilespmem:v61+s29+$0x0] =	vst.idx.msk $0xffff, v37  }
0x142: {  	v57 =	vor.u32 s0, v6;
	[tilespmem:v34+s29+$0x0] =	vst.idx.msk $0xffff, v51;
	v63 =	vld.idx.msk [tilespmem:v62+s18+$0x0], $0xffff  }
0x143: {  	v58 =	vor.u32 s7, v6;
	v59 =	vor.u32 s22, v7;
	v51 =	vld.idx.msk [tilespmem:v54+s18+$0x0], $0xffff  }
0x144: {  	v60 =	vor.u32 s3, v7;
	_ =	sdelay $0x2  }
0x145: {  	[tilespmem:v57+s29+$0x0] =	vst.idx.msk $0xffff, v63  }
0x146: {  	[tilespmem:v58+s29+$0x0] =	vst.idx.msk $0xffff, v51;
	v61 =	vor.u32 s0, v8;
	v34 =	vld.idx.msk [tilespmem:v59+s18+$0x0], $0xffff  }
0x147: {  	v51 =	vld.idx.msk [tilespmem:v60+s18+$0x0], $0xffff;
	v62 =	vor.u32 s7, v8;
	v63 =	vor.u32 s22, v9  }
0x148: {  	v60 =	vor.u32 s3, v9;
	_ =	sdelay $0x1  }
0x149: {  	v50 =	vld.idx.msk [tilespmem:v50+s18+$0x0], $0xffff;
	v55 =	vor.u32 s5, v10  }
0x14a: {  	v56 =	vor.u32 s11, v11;
	[tilespmem:v61+s29+$0x0] =	vst.idx.msk $0xffff, v34  }
0x14b: {  	[tilespmem:v62+s29+$0x0] =	vst.idx.msk $0xffff, v51;
	v61 =	vor.u32 s0, v10;
	v34 =	vld.idx.msk [tilespmem:v63+s18+$0x0], $0xffff  }
0x14c: {  	v62 =	vor.u32 s7, v10;
	v51 =	vld.idx.msk [tilespmem:v60+s18+$0x0], $0xffff;
	v63 =	vor.u32 s22, v11  }
0x14d: {  	v57 =	vor.u32 s3, v11  }
0x14e: {  	[tilespmem:v55+s29+$0x0] =	vst.idx.msk $0xffff, v50  }
0x14f: {  	v50 =	vld.idx.msk [tilespmem:v56+s18+$0x0], $0xffff;
	v58 =	vor.u32 s5, v12  }
0x150: {  	v59 =	vor.u32 s11, v13;
	[tilespmem:v61+s29+$0x0] =	vst.idx.msk $0xffff, v34  }
0x151: {  	v60 =	vor.u32 s0, v12;
	[tilespmem:v62+s29+$0x0] =	vst.idx.msk $0xffff, v51;
	v37 =	vld.idx.msk [tilespmem:v63+s18+$0x0], $0xffff  }
0x152: {  	[tilespmem:v49+s29+$0x0] =	vst.idx.msk $0xffff, v35;
	v62 =	vor.u32 s7, v12;
	v61 =	vld.idx.msk [tilespmem:v57+s18+$0x0], $0xffff;
	v63 =	vor.u32 s22, v13  }
0x153: {  	[tilespmem:v48+s29+$0x0] =	vst.idx.msk $0xffff, v42;
	v56 =	vor.u32 s3, v13  }
0x154: {  	[tilespmem:v58+s29+$0x0] =	vst.idx.msk $0xffff, v50  }
0x155: {  	[tilespmem:v47+s29+$0x0] =	vst.idx.msk $0xffff, v45;
	v34 =	vld.idx.msk [tilespmem:v59+s18+$0x0], $0xffff;
	v57 =	vor.u32 s5, v14  }
0x156: {  	v46 =	vld.idx.msk [tilespmem:v46+s18+$0x0], $0xffff;
	v58 =	vor.u32 s26, v14;
	v59 =	vor.u32 s11, v15;
	[tilespmem:v60+s29+$0x0] =	vst.idx.msk $0xffff, v37  }
0x157: {  	[tilespmem:v62+s29+$0x0] =	vst.idx.msk $0xffff, v61;
	v62 =	vor.u32 s0, v14;
	v60 =	vor.u32 s10, v15;
	v61 =	vld.idx.msk [tilespmem:v63+s18+$0x0], $0xffff  }
0x158: {  	[tilespmem:v44+s29+$0x0] =	vst.idx.msk $0xffff, v39;
	v52 =	vor.u32 s7, v14;
	v53 =	vor.u32 s22, v15;
	v63 =	vld.idx.msk [tilespmem:v56+s18+$0x0], $0xffff  }
0x159: {  	v41 =	vld.idx.msk [tilespmem:v41+s18+$0x0], $0xffff;
	[tilespmem:v43+s29+$0x0] =	vst.idx.msk $0xffff, v38;
	v54 =	vor.u32 s15, v20;
	v55 =	vor.u32 s3, v15  }
0x15a: {  	v40 =	vld.idx.msk [tilespmem:v40+s18+$0x0], $0xffff;
	[tilespmem:v57+s29+$0x0] =	vst.idx.msk $0xffff, v34;
	v56 =	vor.u32 s9, v28  }
0x15b: {  	[tilespmem:v58+s29+$0x0] =	vst.idx.msk $0xffff, v46;
	v57 =	vor.u32 s5, v16;
	v34 =	vld.idx.msk [tilespmem:v59+s18+$0x0], $0xffff  }
0x15c: {  	v58 =	vor.u32 s26, v16;
	v59 =	vor.u32 s11, v17;
	v37 =	vld.idx.msk [tilespmem:v60+s18+$0x0], $0xffff;
	[tilespmem:v62+s29+$0x0] =	vst.idx.msk $0xffff, v61  }
0x15d: {  	v60 =	vor.u32 s10, v17;
	[tilespmem:v52+s29+$0x0] =	vst.idx.msk $0xffff, v63;
	v62 =	vor.u32 s0, v16;
	v61 =	vld.idx.msk [tilespmem:v53+s18+$0x0], $0xffff  }
0x15e: {  	[tilespmem:v54+s29+$0x0] =	vst.idx.msk $0xffff, v41;
	v63 =	vor.u32 s7, v16;
	v52 =	vor.u32 s22, v17;
	v38 =	vld.idx.msk [tilespmem:v55+s18+$0x0], $0xffff  }
0x15f: {  	v32 =	vld.idx.msk [tilespmem:v32+s18+$0x0], $0xffff;
	v54 =	vor.u32 s3, v17;
	[tilespmem:v56+s29+$0x0] =	vst.idx.msk $0xffff, v40;
	v56 =	vor.u32 s6, v20  }
0x160: {  	v36 =	vld.idx.msk [tilespmem:v36+s18+$0x0], $0xffff;
	[tilespmem:v57+s29+$0x0] =	vst.idx.msk $0xffff, v34;
	v53 =	vor.u32 s31, v28;
	v55 =	vor.u32 s12, v21  }
0x161: {  	v57 =	vor.u32 s28, v29;
	[tilespmem:v58+s29+$0x0] =	vst.idx.msk $0xffff, v37;
	v58 =	vld.idx.msk [tilespmem:v59+s18+$0x0], $0xffff;
	v59 =	vor.u32 s5, v18  }
0x162: {  	v35 =	vld.idx.msk [tilespmem:v60+s18+$0x0], $0xffff;
	v60 =	vor.u32 s26, v18;
	[tilespmem:v62+s29+$0x0] =	vst.idx.msk $0xffff, v61  }
0x163: {  	v61 =	vor.u32 s10, v19;
	[tilespmem:v63+s29+$0x0] =	vst.idx.msk $0xffff, v38;
	v63 =	vor.u32 s0, v18;
	v62 =	vld.idx.msk [tilespmem:v52+s18+$0x0], $0xffff  }
0x164: {  	v51 =	vor.u32 s7, v18;
	[tilespmem:v56+s29+$0x0] =	vst.idx.msk $0xffff, v32;
	v50 =	vld.idx.msk [tilespmem:v54+s18+$0x0], $0xffff  }
0x165: {  	[tilespmem:v53+s29+$0x0] =	vst.idx.msk $0xffff, v36;
	v53 =	vor.u32 s15, v22;
	v52 =	vld.idx.msk [tilespmem:v55+s18+$0x0], $0xffff;
	v54 =	vor.u32 s3, v19  }
0x166: {  	v56 =	vor.u32 s31, v30;
	v55 =	vor.u32 s8, v21;
	v34 =	vld.idx.msk [tilespmem:v57+s18+$0x0], $0xffff;
	[tilespmem:v59+s29+$0x0] =	vst.idx.msk $0xffff, v58  }
0x167: {  	v57 =	vor.u32 s17, v29;
	v58 =	vor.u32 s5, v20;
	[tilespmem:v60+s29+$0x0] =	vst.idx.msk $0xffff, v35;
	v33 =	vld.idx.msk [tilespmem:v33+s18+$0x0], $0xffff  }
0x168: {  	v59 =	vor.u32 s26, v20;
	v60 =	vor.u32 s11, v21;
	v39 =	vld.idx.msk [tilespmem:v61+s18+$0x0], $0xffff;
	[tilespmem:v63+s29+$0x0] =	vst.idx.msk $0xffff, v62  }
0x169: {  	v61 =	vor.u32 s10, v21;
	[tilespmem:v51+s29+$0x0] =	vst.idx.msk $0xffff, v50;
	v62 =	vor.u32 s0, v20;
	v31 =	vld.idx.msk [tilespmem:v31+s18+$0x0], $0xffff  }
0x16a: {  	v48 =	vor.u32 s22, v21;
	[tilespmem:v53+s29+$0x0] =	vst.idx.msk $0xffff, v52;
	v63 =	vor.u32 s7, v20;
	v32 =	vld.idx.msk [tilespmem:v54+s18+$0x0], $0xffff  }
0x16b: {  	v49 =	vld.idx.msk [tilespmem:v55+s18+$0x0], $0xffff;
	v50 =	vor.u32 s6, v22;
	[tilespmem:v56+s29+$0x0] =	vst.idx.msk $0xffff, v34;
	v51 =	vor.u32 s3, v21  }
0x16c: {  	v37 =	vld.idx.msk [tilespmem:v57+s18+$0x0], $0xffff;
	v52 =	vor.u32 s9, v30;
	v53 =	vor.u32 s8, v23;
	[tilespmem:v58+s29+$0x0] =	vst.idx.msk $0xffff, v33  }
0x16d: {  	v55 =	vor.u32 s5, v22;
	v54 =	vor.u32 s12, v23;
	[tilespmem:v59+s29+$0x0] =	vst.idx.msk $0xffff, v39;
	v35 =	vld.idx.msk [tilespmem:v60+s18+$0x0], $0xffff  }
0x16e: {  	v56 =	vor.u32 s26, v22;
	v57 =	vor.u32 s11, v23;
	v38 =	vld.idx.msk [tilespmem:v61+s18+$0x0], $0xffff;
	[tilespmem:v62+s29+$0x0] =	vst.idx.msk $0xffff, v31  }
0x16f: {  	v59 =	vor.u32 s0, v22;
	v31 =	vor.u32 s10, v23;
	[tilespmem:v63+s29+$0x0] =	vst.idx.msk $0xffff, v32;
	v58 =	vld.idx.msk [tilespmem:v48+s18+$0x0], $0xffff  }
0x170: {  	v60 =	vor.u32 s7, v22;
	[tilespmem:v50+s29+$0x0] =	vst.idx.msk $0xffff, v49;
	v61 =	vor.u32 s22, v23;
	v34 =	vld.idx.msk [tilespmem:v51+s18+$0x0], $0xffff  }
0x171: {  	[tilespmem:v52+s29+$0x0] =	vst.idx.msk $0xffff, v37;
	v62 =	vld.idx.msk [tilespmem:v53+s18+$0x0], $0xffff;
	v63 =	vor.u32 s6, v24;
	v48 =	vor.u32 s3, v23  }
0x172: {  	v49 =	vor.u32 s15, v24;
	v50 =	vor.u32 s8, v25;
	v33 =	vld.idx.msk [tilespmem:v54+s18+$0x0], $0xffff;
	[tilespmem:v55+s29+$0x0] =	vst.idx.msk $0xffff, v35  }
0x173: {  	v53 =	vor.u32 s5, v24;
	v51 =	vor.u32 s12, v25;
	[tilespmem:v56+s29+$0x0] =	vst.idx.msk $0xffff, v38;
	v52 =	vld.idx.msk [tilespmem:v57+s18+$0x0], $0xffff  }
0x174: {  	v54 =	vor.u32 s26, v24;
	v55 =	vor.u32 s11, v25;
	v31 =	vld.idx.msk [tilespmem:v31+s18+$0x0], $0xffff;
	[tilespmem:v59+s29+$0x0] =	vst.idx.msk $0xffff, v58  }
0x175: {  	v56 =	vor.u32 s10, v25;
	[tilespmem:v60+s29+$0x0] =	vst.idx.msk $0xffff, v34;
	v58 =	vor.u32 s0, v24;
	v57 =	vld.idx.msk [tilespmem:v61+s18+$0x0], $0xffff  }
0x176: {  	[tilespmem:v63+s29+$0x0] =	vst.idx.msk $0xffff, v62;
	v60 =	vor.u32 s7, v24;
	v59 =	vld.idx.msk [tilespmem:v48+s18+$0x0], $0xffff;
	v61 =	vor.u32 s22, v25  }
0x177: {  	[tilespmem:v49+s29+$0x0] =	vst.idx.msk $0xffff, v33;
	v63 =	vor.u32 s6, v26;
	v62 =	vld.idx.msk [tilespmem:v50+s18+$0x0], $0xffff;
	v48 =	vor.u32 s3, v25  }
0x178: {  	v49 =	vor.u32 s15, v26;
	v35 =	vld.idx.msk [tilespmem:v51+s18+$0x0], $0xffff;
	v50 =	vor.u32 s8, v27;
	[tilespmem:v53+s29+$0x0] =	vst.idx.msk $0xffff, v52  }
0x179: {  	v51 =	vor.u32 s12, v27;
	v52 =	vor.u32 s5, v26;
	[tilespmem:v54+s29+$0x0] =	vst.idx.msk $0xffff, v31;
	v31 =	vld.idx.msk [tilespmem:v55+s18+$0x0], $0xffff  }
0x17a: {  	v53 =	vor.u32 s26, v26;
	v54 =	vor.u32 s11, v27;
	v32 =	vld.idx.msk [tilespmem:v56+s18+$0x0], $0xffff;
	[tilespmem:v58+s29+$0x0] =	vst.idx.msk $0xffff, v57  }
0x17b: {  	v55 =	vor.u32 s10, v27;
	v56 =	vor.u32 s0, v26;
	[tilespmem:v60+s29+$0x0] =	vst.idx.msk $0xffff, v59;
	v36 =	vld.idx.msk [tilespmem:v61+s18+$0x0], $0xffff  }
0x17c: {  	[tilespmem:v63+s29+$0x0] =	vst.idx.msk $0xffff, v62;
	v58 =	vor.u32 s7, v26;
	v59 =	vor.u32 s22, v27;
	v57 =	vld.idx.msk [tilespmem:v48+s18+$0x0], $0xffff  }
0x17d: {  	[tilespmem:v49+s29+$0x0] =	vst.idx.msk $0xffff, v35;
	v62 =	vor.u32 s3, v27;
	v60 =	vld.idx.msk [tilespmem:v50+s18+$0x0], $0xffff;
	v61 =	vor.u32 s6, v28  }
0x17e: {  	v63 =	vor.u32 s8, v29;
	v38 =	vld.idx.msk [tilespmem:v51+s18+$0x0], $0xffff;
	v48 =	vor.u32 s15, v28;
	[tilespmem:v52+s29+$0x0] =	vst.idx.msk $0xffff, v31  }
0x17f: {  	v50 =	vor.u32 s5, v28;
	v31 =	vor.u32 s12, v29;
	[tilespmem:v53+s29+$0x0] =	vst.idx.msk $0xffff, v32;
	v49 =	vld.idx.msk [tilespmem:v54+s18+$0x0], $0xffff  }
0x180: {  	v51 =	vor.u32 s11, v29;
	v52 =	vor.u32 s26, v28;
	v34 =	vld.idx.msk [tilespmem:v55+s18+$0x0], $0xffff;
	[tilespmem:v56+s29+$0x0] =	vst.idx.msk $0xffff, v36  }
0x181: {  	v53 =	vor.u32 s10, v29;
	v55 =	vor.u32 s0, v28;
	[tilespmem:v58+s29+$0x0] =	vst.idx.msk $0xffff, v57;
	v54 =	vld.idx.msk [tilespmem:v59+s18+$0x0], $0xffff  }
0x182: {  	[tilespmem:v61+s29+$0x0] =	vst.idx.msk $0xffff, v60;
	v56 =	vor.u32 s22, v29;
	v57 =	vor.u32 s7, v28;
	v40 =	vld.idx.msk [tilespmem:v62+s18+$0x0], $0xffff  }
0x183: {  	[tilespmem:v48+s29+$0x0] =	vst.idx.msk $0xffff, v38;
	v60 =	vor.u32 s3, v29;
	v58 =	vld.idx.msk [tilespmem:v63+s18+$0x0], $0xffff;
	v59 =	vor.u32 s6, v30  }
0x184: {  	v61 =	vor.u32 s15, v30;
	v31 =	vld.idx.msk [tilespmem:v31+s18+$0x0], $0xffff;
	[tilespmem:v50+s29+$0x0] =	vst.idx.msk $0xffff, v49  }
0x185: {  	v62 =	vor.u32 s5, v30;
	[tilespmem:v52+s29+$0x0] =	vst.idx.msk $0xffff, v34;
	v32 =	vld.idx.msk [tilespmem:v51+s18+$0x0], $0xffff  }
0x186: {  	v63 =	vor.u32 s26, v30;
	v36 =	vld.idx.msk [tilespmem:v53+s18+$0x0], $0xffff;
	[tilespmem:v55+s29+$0x0] =	vst.idx.msk $0xffff, v54  }
0x187: {  	v41 =	vor.u32 s0, v30;
	[tilespmem:v57+s29+$0x0] =	vst.idx.msk $0xffff, v40;
	v33 =	vld.idx.msk [tilespmem:v56+s18+$0x0], $0xffff  }
0x188: {  	v46 =	vor.u32 s7, v30;
	[tilespmem:v59+s29+$0x0] =	vst.idx.msk $0xffff, v58;
	v45 =	vld.idx.msk [tilespmem:v60+s18+$0x0], $0xffff  }
0x189: {  	[tilespmem:v61+s29+$0x0] =	vst.idx.msk $0xffff, v31  }
0x18a: {  	[tilespmem:v62+s29+$0x0] =	vst.idx.msk $0xffff, v32  }
0x18b: {  	s11 =	sshll.u32 s13, $0x9;
	[tilespmem:v63+s29+$0x0] =	vst.idx.msk $0xffff, v36  }
0x18c: {  	s2 =	rddreg [dreg:$0x2];
	s15 =	sand.u32 $0x3FFFFE00, s11;
	[tilespmem:v41+s29+$0x0] =	vst.idx.msk $0xffff, v33  }
0x18d: {  	s17 =	simm.s32 $0x6;
	s12 =	simm.s32 $0x80;
	s0 =	sadd.s32 $0x200, s15;
	[tilespmem:v46+s29+$0x0] =	vst.idx.msk $0xffff, v45  }
0x18e: {  	[tilespmem:s18], [sflag:$0x2] =	stream.indirect.gather [hbm4b:s2+s12], $0x80, s0, s12, $0xb8;
	[tilespmem:$0x1DC00] =	vst v63  }
0x18f: {  	_ =	swait.ge [sflag:s17], $0x2000  }
0x190: {  	[sflag:s17] =	ssyncset.done $0x0  }
0x191: {  	[sflag:s17] =	ssyncadd.s32 $0xFFFFE000  }
0x192: {  	s0 =	rddreg [dreg:$0x3]  }
0x193: {  	s20 =	simm.s32 $0x190000;
	s0 =	sadd.s32 s0, s16  }
0x194: {  	[hbm4b:s0+s14] =	stream.strided.scatter [tilespmem:s29], [sflag:$0x8], $0x6000, s20, s14, $0x38;
	[tilespmem:$0x1DC00] =	vst v63  }
0x195: {  	s22 =	rddreg [dreg:$0x7];
	s0 =	simm.s32 @!p0 $0x9  }
0x196: {  	s4 =	rddreg [dreg:$0x10];
	_ =	swait.ge @!p0 [sflag:s0], $0x6000  }
0x197: {  	s2 =	sadd.s32 s4, s22;
	[sflag:s0] =	ssyncset.done @!p0 $0x0  }
0x198: {  	s2 =	sshll.u32 s2, $0x7;
	[sflag:s0] =	ssyncadd.s32 @!p0 $0xFFFFA000  }
0x199: {  	s16 =	sand.u32 $0x1FFFFF80, s2;
	s0 =	rddreg [dreg:$0x1]  }
0x19a: {  	s24 =	simm.s32 $0x1BC00;
	s25 =	simm.s32 $0x0;
	s0 =	sadd.s32 s0, s16  }
0x19b: {  	[tilespmem:s24], [sflag:$0x7] =	stream.strided.gather [hbm4b:s0+s14], $0x2000, s20, s14, $0x38;
	[tilespmem:$0x1DC00] =	vst v63  }
0x19c: {  	s0 =	sand.u32 $0x6, s25  }
0x19d: {  	s26 =	sor.u32 $0x1, s0  }
0x19e: {  	s30 =	simm.s32 $0x0;
	s5 =	sshll.u32 s26, $0x4  }
0x19f: {  	s6 =	sshll.u32 s0, $0x4;
	s5 =	sor.u32 s30, s5  }
0x1a0: {  	s3 =	sor.u32 s6, s30;
	v31 =	vor.u32 s5, v0  }
0x1a1: {  	s7 =	simm.s32 $0x3;
	v47 =	vor.u32 s3, v0  }
0x1a2: {  	_ =	swait.ge [sflag:s7], $0x4000  }
0x1a3: {  	[sflag:s7] =	ssyncset.done $0x0;
	s2 =	sshll.u32 s26, $0xB  }
0x1a4: {  	s0 =	sshll.u32 s0, $0xB;
	[sflag:s7] =	ssyncadd.s32 $0xFFFFC000;
	s10 =	sadd.s32 $0x0, s2  }
0x1a5: {  	s17 =	sadd.s32 $0x0, s0;
	v48 =	vor.u32 s10, v0;
	v31 =	vld.idx.msk [tilespmem:v31+s19+$0x0], $0xffff  }
0x1a6: {  	v50 =	vor.u32 s17, v0;
	v49 =	vor.u32 s5, v1;
	v32 =	vld.idx.msk [tilespmem:v47+s19+$0x0], $0xffff  }
0x1a7: {  	v51 =	vor.u32 s3, v1;
	_ =	sdelay $0x2  }
0x1a8: {  	[tilespmem:v48+s1+$0x0] =	vst.idx.msk $0xffff, v31  }
0x1a9: {  	v52 =	vor.u32 s10, v2;
	[tilespmem:v50+s1+$0x0] =	vst.idx.msk $0xffff, v32;
	v31 =	vld.idx.msk [tilespmem:v49+s19+$0x0], $0xffff  }
0x1aa: {  	v55 =	vor.u32 s17, v2;
	v53 =	vor.u32 s5, v3;
	v54 =	vld.idx.msk [tilespmem:v51+s19+$0x0], $0xffff  }
0x1ab: {  	v56 =	vor.u32 s3, v3;
	_ =	sdelay $0x1  }
0x1ac: {  	s8 =	simm.s32 $0x2  }
0x1ad: {  	s0 =	sand.u32 $0x6, s8;
	[tilespmem:v52+s1+$0x0] =	vst.idx.msk $0xffff, v31  }
0x1ae: {  	s9 =	sor.u32 $0x1, s0;
	[tilespmem:v55+s1+$0x0] =	vst.idx.msk $0xffff, v54;
	v31 =	vor.u32 s10, v4;
	v32 =	vld.idx.msk [tilespmem:v53+s19+$0x0], $0xffff  }
0x1af: {  	s11 =	simm.s32 $0x0;
	v58 =	vor.u32 s17, v4;
	v57 =	vor.u32 s5, v5;
	s14 =	sshll.u32 s9, $0x4;
	v34 =	vld.idx.msk [tilespmem:v56+s19+$0x0], $0xffff  }
0x1b0: {  	v59 =	vor.u32 s3, v5;
	s6 =	sor.u32 s11, s14  }
0x1b1: {  	v60 =	vor.u32 s6, v0;
	_ =	sdelay $0x1  }
0x1b2: {  	[tilespmem:v31+s1+$0x0] =	vst.idx.msk $0xffff, v32  }
0x1b3: {  	v61 =	vor.u32 s10, v6;
	s2 =	sshll.u32 s9, $0xB;
	[tilespmem:v58+s1+$0x0] =	vst.idx.msk $0xffff, v34;
	v31 =	vld.idx.msk [tilespmem:v57+s19+$0x0], $0xffff  }
0x1b4: {  	v63 =	vor.u32 s17, v6;
	v62 =	vor.u32 s5, v7;
	s12 =	sadd.s32 $0x0, s2;
	v34 =	vld.idx.msk [tilespmem:v59+s19+$0x0], $0xffff  }
0x1b5: {  	v46 =	vor.u32 s3, v7;
	v45 =	vor.u32 s12, v0;
	v44 =	vld.idx.msk [tilespmem:v60+s19+$0x0], $0xffff  }
0x1b6: {  	s20 =	sshll.u32 s0, $0x4;
	v47 =	vor.u32 s6, v1  }
0x1b7: {  	s9 =	sor.u32 s20, s11  }
0x1b8: {  	[tilespmem:v61+s1+$0x0] =	vst.idx.msk $0xffff, v31;
	v31 =	vor.u32 s9, v0  }
0x1b9: {  	v48 =	vor.u32 s10, v8;
	[tilespmem:v63+s1+$0x0] =	vst.idx.msk $0xffff, v34;
	v32 =	vld.idx.msk [tilespmem:v62+s19+$0x0], $0xffff  }
0x1ba: {  	v50 =	vor.u32 s17, v8;
	v49 =	vor.u32 s5, v9;
	[tilespmem:v45+s1+$0x0] =	vst.idx.msk $0xffff, v44;
	v34 =	vld.idx.msk [tilespmem:v46+s19+$0x0], $0xffff  }
0x1bb: {  	s0 =	sshll.u32 s0, $0xB;
	v51 =	vor.u32 s12, v2;
	v36 =	vld.idx.msk [tilespmem:v47+s19+$0x0], $0xffff;
	v52 =	vor.u32 s3, v9  }
0x1bc: {  	s8 =	sadd.s32 $0x0, s0;
	v53 =	vor.u32 s6, v3  }
0x1bd: {  	v54 =	vor.u32 s8, v0;
	v31 =	vld.idx.msk [tilespmem:v31+s19+$0x0], $0xffff  }
0x1be: {  	v55 =	vor.u32 s9, v1;
	[tilespmem:v48+s1+$0x0] =	vst.idx.msk $0xffff, v32  }
0x1bf: {  	v56 =	vor.u32 s10, v10;
	[tilespmem:v50+s1+$0x0] =	vst.idx.msk $0xffff, v34;
	v33 =	vld.idx.msk [tilespmem:v49+s19+$0x0], $0xffff  }
0x1c0: {  	[tilespmem:v51+s1+$0x0] =	vst.idx.msk $0xffff, v36;
	v58 =	vor.u32 s17, v10;
	v57 =	vor.u32 s5, v11;
	v34 =	vld.idx.msk [tilespmem:v52+s19+$0x0], $0xffff  }
0x1c1: {  	v60 =	vor.u32 s3, v11;
	v59 =	vor.u32 s12, v4;
	v37 =	vld.idx.msk [tilespmem:v53+s19+$0x0], $0xffff  }
0x1c2: {  	[tilespmem:v54+s1+$0x0] =	vst.idx.msk $0xffff, v31;
	v31 =	vor.u32 s6, v5  }
0x1c3: {  	s22 =	simm.s32 $0x4;
	v61 =	vor.u32 s8, v2;
	v32 =	vld.idx.msk [tilespmem:v55+s19+$0x0], $0xffff  }
0x1c4: {  	s0 =	sand.u32 $0x6, s22;
	v45 =	vor.u32 s9, v3;
	[tilespmem:v56+s1+$0x0] =	vst.idx.msk $0xffff, v33  }
0x1c5: {  	s24 =	sor.u32 $0x1, s0;
	v63 =	vor.u32 s10, v12;
	[tilespmem:v58+s1+$0x0] =	vst.idx.msk $0xffff, v34;
	v62 =	vld.idx.msk [tilespmem:v57+s19+$0x0], $0xffff  }
0x1c6: {  	s25 =	simm.s32 $0x0;
	s30 =	sshll.u32 s24, $0x4;
	v47 =	vor.u32 s17, v12;
	[tilespmem:v59+s1+$0x0] =	vst.idx.msk $0xffff, v37;
	v46 =	vor.u32 s5, v13;
	v34 =	vld.idx.msk [tilespmem:v60+s19+$0x0], $0xffff  }
0x1c7: {  	s26 =	sor.u32 s25, s30;
	v48 =	vor.u32 s12, v6;
	v49 =	vor.u32 s3, v13;
	v31 =	vld.idx.msk [tilespmem:v31+s19+$0x0], $0xffff  }
0x1c8: {  	v51 =	vor.u32 s26, v0;
	[tilespmem:v61+s1+$0x0] =	vst.idx.msk $0xffff, v32  }
0x1c9: {  	v50 =	vor.u32 s6, v7;
	v52 =	vor.u32 s8, v4;
	v33 =	vld.idx.msk [tilespmem:v45+s19+$0x0], $0xffff  }
0x1ca: {  	v54 =	vor.u32 s9, v5;
	[tilespmem:v63+s1+$0x0] =	vst.idx.msk $0xffff, v62  }
0x1cb: {  	s2 =	sshll.u32 s24, $0xB;
	v53 =	vor.u32 s10, v14;
	[tilespmem:v47+s1+$0x0] =	vst.idx.msk $0xffff, v34;
	v40 =	vld.idx.msk [tilespmem:v46+s19+$0x0], $0xffff  }
0x1cc: {  	s31 =	sadd.s32 $0x0, s2;
	v55 =	vor.u32 s5, v15;
	v56 =	vor.u32 s17, v14;
	[tilespmem:v48+s1+$0x0] =	vst.idx.msk $0xffff, v31;
	v31 =	vld.idx.msk [tilespmem:v49+s19+$0x0], $0xffff  }
0x1cd: {  	v59 =	vor.u32 s3, v15;
	v60 =	vor.u32 s31, v0;
	v32 =	vld.idx.msk [tilespmem:v51+s19+$0x0], $0xffff  }
0x1ce: {  	v58 =	vor.u32 s12, v8;
	v62 =	vor.u32 s26, v1;
	v57 =	vld.idx.msk [tilespmem:v50+s19+$0x0], $0xffff;
	[tilespmem:v52+s1+$0x0] =	vst.idx.msk $0xffff, v33  }
0x1cf: {  	s11 =	sshll.u32 s0, $0x4;
	v61 =	vor.u32 s6, v9;
	v63 =	vor.u32 s8, v6;
	v39 =	vld.idx.msk [tilespmem:v54+s19+$0x0], $0xffff  }
0x1d0: {  	s28 =	sor.u32 s11, s25;
	v49 =	vor.u32 s9, v7;
	[tilespmem:v53+s1+$0x0] =	vst.idx.msk $0xffff, v40  }
0x1d1: {  	v48 =	vor.u32 s10, v16;
	v41 =	vld.idx.msk [tilespmem:v55+s19+$0x0], $0xffff;
	[tilespmem:v56+s1+$0x0] =	vst.idx.msk $0xffff, v31;
	v31 =	vor.u32 s28, v0  }
0x1d2: {  	v51 =	vor.u32 s17, v16;
	v50 =	vor.u32 s5, v17;
	[tilespmem:v60+s1+$0x0] =	vst.idx.msk $0xffff, v32;
	v34 =	vld.idx.msk [tilespmem:v59+s19+$0x0], $0xffff  }
0x1d3: {  	v33 =	vld.idx.msk [tilespmem:v62+s19+$0x0], $0xffff;
	v53 =	vor.u32 s3, v17;
	v55 =	vor.u32 s31, v2;
	[tilespmem:v58+s1+$0x0] =	vst.idx.msk $0xffff, v57  }
0x1d4: {  	s0 =	sshll.u32 s0, $0xB;
	v52 =	vor.u32 s12, v10;
	v56 =	vor.u32 s26, v3;
	v36 =	vld.idx.msk [tilespmem:v61+s19+$0x0], $0xffff;
	[tilespmem:v63+s1+$0x0] =	vst.idx.msk $0xffff, v39  }
0x1d5: {  	s11 =	sadd.s32 $0x0, s0;
	v54 =	vor.u32 s6, v11;
	v57 =	vor.u32 s8, v8;
	v40 =	vld.idx.msk [tilespmem:v49+s19+$0x0], $0xffff  }
0x1d6: {  	v59 =	vor.u32 s9, v9;
	v61 =	vor.u32 s11, v0;
	[tilespmem:v48+s1+$0x0] =	vst.idx.msk $0xffff, v41;
	v31 =	vld.idx.msk [tilespmem:v31+s19+$0x0], $0xffff  }
0x1d7: {  	v60 =	vor.u32 s10, v18;
	v63 =	vor.u32 s28, v1;
	v58 =	vld.idx.msk [tilespmem:v50+s19+$0x0], $0xffff;
	[tilespmem:v51+s1+$0x0] =	vst.idx.msk $0xffff, v34  }
0x1d8: {  	v62 =	vor.u32 s5, v19;
	v49 =	vor.u32 s17, v18;
	[tilespmem:v55+s1+$0x0] =	vst.idx.msk $0xffff, v33;
	v48 =	vld.idx.msk [tilespmem:v53+s19+$0x0], $0xffff  }
0x1d9: {  	v50 =	vor.u32 s3, v19;
	v39 =	vld.idx.msk [tilespmem:v56+s19+$0x0], $0xffff;
	[tilespmem:v52+s1+$0x0] =	vst.idx.msk $0xffff, v36;
	v53 =	vor.u32 s31, v4  }
0x1da: {  	s2 =	simm.s32 $0x6;
	v56 =	vor.u32 s26, v5;
	v52 =	vor.u32 s12, v12;
	v51 =	vld.idx.msk [tilespmem:v54+s19+$0x0], $0xffff;
	[tilespmem:v57+s1+$0x0] =	vst.idx.msk $0xffff, v40  }
0x1db: {  	s14 =	sand.u32 $0x6, s2;
	v54 =	vor.u32 s6, v13;
	v57 =	vor.u32 s8, v10;
	v55 =	vld.idx.msk [tilespmem:v59+s19+$0x0], $0xffff;
	[tilespmem:v61+s1+$0x0] =	vst.idx.msk $0xffff, v31  }
0x1dc: {  	s24 =	sor.u32 $0x1, s14;
	v61 =	vor.u32 s11, v2;
	[tilespmem:v60+s1+$0x0] =	vst.idx.msk $0xffff, v58;
	v58 =	vor.u32 s9, v11;
	v34 =	vld.idx.msk [tilespmem:v63+s19+$0x0], $0xffff  }
0x1dd: {  	s25 =	simm.s32 $0x0;
	s20 =	sshll.u32 s24, $0x4;
	v59 =	vor.u32 s10, v20;
	v31 =	vld.idx.msk [tilespmem:v62+s19+$0x0], $0xffff;
	[tilespmem:v49+s1+$0x0] =	vst.idx.msk $0xffff, v48;
	v48 =	vor.u32 s28, v3  }
0x1de: {  	s22 =	sor.u32 s25, s20;
	v60 =	vor.u32 s5, v21;
	[tilespmem:v53+s1+$0x0] =	vst.idx.msk $0xffff, v39;
	v62 =	vld.idx.msk [tilespmem:v50+s19+$0x0], $0xffff  }
0x1df: {  	s30 =	sshll.u32 s14, $0x4;
	v63 =	vor.u32 s17, v20;
	[tilespmem:v52+s1+$0x0] =	vst.idx.msk $0xffff, v51;
	v50 =	vor.u32 s22, v0;
	v51 =	vld.idx.msk [tilespmem:v56+s19+$0x0], $0xffff  }
0x1e0: {  	s7 =	sor.u32 s30, s25;
	v49 =	vor.u32 s3, v21;
	v37 =	vld.idx.msk [tilespmem:v54+s19+$0x0], $0xffff;
	[tilespmem:v57+s1+$0x0] =	vst.idx.msk $0xffff, v55  }
0x1e1: {  	v52 =	vor.u32 s31, v6;
	v53 =	vld.idx.msk [tilespmem:v58+s19+$0x0], $0xffff;
	[tilespmem:v61+s1+$0x0] =	vst.idx.msk $0xffff, v34;
	v61 =	vor.u32 s7, v0  }
0x1e2: {  	v54 =	vor.u32 s26, v7;
	[tilespmem:v59+s1+$0x0] =	vst.idx.msk $0xffff, v31;
	v31 =	vor.u32 s12, v14;
	v36 =	vld.idx.msk [tilespmem:v48+s19+$0x0], $0xffff  }
0x1e3: {  	v56 =	vor.u32 s6, v15;
	v55 =	vor.u32 s8, v12;
	v44 =	vld.idx.msk [tilespmem:v60+s19+$0x0], $0xffff  }
0x1e4: {  	v60 =	vor.u32 s9, v13;
	[tilespmem:v63+s1+$0x0] =	vst.idx.msk $0xffff, v62;
	v62 =	vor.u32 s11, v4;
	v39 =	vld.idx.msk [tilespmem:v50+s19+$0x0], $0xffff  }
0x1e5: {  	v57 =	vor.u32 s28, v5;
	v58 =	vor.u32 s17, v22;
	v38 =	vld.idx.msk [tilespmem:v49+s19+$0x0], $0xffff  }
0x1e6: {  	v59 =	vor.u32 s3, v23;
	v63 =	vor.u32 s10, v22;
	[tilespmem:v52+s1+$0x0] =	vst.idx.msk $0xffff, v51;
	v33 =	vld.idx.msk [tilespmem:v61+s19+$0x0], $0xffff  }
0x1e7: {  	v42 =	vor.u32 s5, v25;
	v52 =	vor.u32 s31, v8;
	[tilespmem:v31+s1+$0x0] =	vst.idx.msk $0xffff, v37;
	v31 =	vor.u32 s5, v23;
	v37 =	vld.idx.msk [tilespmem:v54+s19+$0x0], $0xffff  }
0x1e8: {  	s0 =	sshll.u32 s24, $0xB;
	v48 =	vor.u32 s12, v16;
	[tilespmem:v55+s1+$0x0] =	vst.idx.msk $0xffff, v53;
	v53 =	vor.u32 s26, v9;
	v34 =	vld.idx.msk [tilespmem:v56+s19+$0x0], $0xffff  }
0x1e9: {  	s0 =	sadd.s32 $0x0, s0;
	v41 =	vor.u32 s6, v19;
	v55 =	vor.u32 s6, v17;
	v54 =	vor.u32 s8, v14;
	v45 =	vld.idx.msk [tilespmem:v60+s19+$0x0], $0xffff;
	[tilespmem:v62+s1+$0x0] =	vst.idx.msk $0xffff, v36  }
0x1ea: {  	v56 =	vor.u32 s0, v0;
	v60 =	vor.u32 s9, v15;
	v40 =	vld.idx.msk [tilespmem:v57+s19+$0x0], $0xffff;
	[tilespmem:v58+s1+$0x0] =	vst.idx.msk $0xffff, v38  }
0x1eb: {  	s4 =	sshll.u32 s14, $0xB;
	v61 =	vor.u32 s22, v1;
	[tilespmem:v63+s1+$0x0] =	vst.idx.msk $0xffff, v44;
	v62 =	vor.u32 s11, v6;
	v43 =	vld.idx.msk [tilespmem:v59+s19+$0x0], $0xffff  }
0x1ec: {  	s4 =	sadd.s32 $0x0, s4;
	v57 =	vor.u32 s28, v7;
	v58 =	vor.u32 s10, v24;
	v63 =	vld.idx.msk [tilespmem:v31+s19+$0x0], $0xffff;
	[tilespmem:v52+s1+$0x0] =	vst.idx.msk $0xffff, v37  }
0x1ed: {  	v50 =	vor.u32 s28, v9;
	v59 =	vor.u32 s4, v0;
	v51 =	vld.idx.msk [tilespmem:v53+s19+$0x0], $0xffff;
	[tilespmem:v48+s1+$0x0] =	vst.idx.msk $0xffff, v34  }
0x1ee: {  	v36 =	vor.u32 s17, v24;
	v48 =	vor.u32 s7, v1;
	[tilespmem:v54+s1+$0x0] =	vst.idx.msk $0xffff, v45;
	v35 =	vld.idx.msk [tilespmem:v55+s19+$0x0], $0xffff  }
0x1ef: {  	v47 =	vor.u32 s31, v12;
	[tilespmem:v56+s1+$0x0] =	vst.idx.msk $0xffff, v39;
	v39 =	vor.u32 s31, v10;
	v45 =	vor.u32 s3, v25;
	v44 =	vld.idx.msk [tilespmem:v60+s19+$0x0], $0xffff  }
0x1f0: {  	v52 =	vor.u32 s8, v16;
	v46 =	vld.idx.msk [tilespmem:v61+s19+$0x0], $0xffff;
	[tilespmem:v62+s1+$0x0] =	vst.idx.msk $0xffff, v40;
	v40 =	vor.u32 s26, v11  }
0x1f1: {  	v32 =	vor.u32 s9, v19;
	v60 =	vor.u32 s0, v2;
	v62 =	vor.u32 s9, v17;
	v61 =	vld.idx.msk [tilespmem:v57+s19+$0x0], $0xffff;
	[tilespmem:v58+s1+$0x0] =	vst.idx.msk $0xffff, v63  }
0x1f2: {  	[tilespmem:v59+s1+$0x0] =	vst.idx.msk $0xffff, v33;
	v57 =	vor.u32 s11, v8;
	v63 =	vor.u32 s22, v3;
	v42 =	vld.idx.msk [tilespmem:v42+s19+$0x0], $0xffff  }
0x1f3: {  	v49 =	vor.u32 s12, v18;
	v31 =	vor.u32 s7, v19;
	[tilespmem:v36+s1+$0x0] =	vst.idx.msk $0xffff, v43;
	v37 =	vld.idx.msk [tilespmem:v48+s19+$0x0], $0xffff  }
0x1f4: {  	v34 =	vor.u32 s0, v4;
	v33 =	vor.u32 s28, v19;
	[tilespmem:v39+s1+$0x0] =	vst.idx.msk $0xffff, v51;
	v39 =	vld.idx.msk [tilespmem:v45+s19+$0x0], $0xffff  }
0x1f5: {  	v36 =	vor.u32 s3, v27;
	v48 =	vor.u32 s10, v26;
	v45 =	vld.idx.msk [tilespmem:v40+s19+$0x0], $0xffff;
	[tilespmem:v52+s1+$0x0] =	vst.idx.msk $0xffff, v44  }
0x1f6: {  	v44 =	vor.u32 s17, v26;
	v40 =	vor.u32 s5, v27;
	[tilespmem:v60+s1+$0x0] =	vst.idx.msk $0xffff, v46;
	v38 =	vld.idx.msk [tilespmem:v62+s19+$0x0], $0xffff  }
0x1f7: {  	v43 =	vor.u32 s8, v18;
	v46 =	vor.u32 s26, v13;
	[tilespmem:v57+s1+$0x0] =	vst.idx.msk $0xffff, v61;
	v51 =	vld.idx.msk [tilespmem:v63+s19+$0x0], $0xffff  }
.LBB2_5:
0x1f8: {  	v50 =	vld.idx.msk [tilespmem:v50+s19+$0x0], $0xffff  }
0x1f9: {  	s2 =	sadd.s32 $0x2, s2;
	[tilespmem:v49+s1+$0x0] =	vst.idx.msk $0xffff, v35;
	v35 =	vor.u32 s22, v5;
	v49 =	vor.u32 s11, v10;
	v54 =	vor.u32 s4, v2  }
0x1fa: {  	s20 =	sshrl.u32 s2, $0x3;
	s24 =	sand.u32 $0x6, s2;
	p0 =	slt.u32 s2, $0x3E;
	v41 =	vld.idx.msk [tilespmem:v41+s19+$0x0], $0xffff;
	[tilespmem:v48+s1+$0x0] =	vst.idx.msk $0xffff, v42;
	v42 =	vor.u32 s28, v11;
	v48 =	vor.u32 s12, v20  }
0x1fb: {  	s25 =	sshll.u32 s24, $0x4;
	s30 =	sshll.u32 s20, $0xB;
	s14 =	sor.u32 $0x1, s24;
	[tilespmem:v44+s1+$0x0] =	vst.idx.msk $0xffff, v39;
	v39 =	vor.u32 s3, v29;
	v40 =	vld.idx.msk [tilespmem:v40+s19+$0x0], $0xffff;
	v44 =	vor.u32 s6, v21  }
0x1fc: {  	s25 =	sor.u32 s25, s30;
	s3 =	sshll.u32 s14, $0x4;
	s14 =	sshll.u32 s14, $0xB;
	[tilespmem:v47+s1+$0x0] =	vst.idx.msk $0xffff, v45;
	v36 =	vld.idx.msk [tilespmem:v36+s19+$0x0], $0xffff;
	v45 =	vor.u32 s10, v28;
	v47 =	vor.u32 s5, v29  }
0x1fd: {  	s5 =	sshll.u32 s20, $0x4;
	s20 =	sshll.u32 s24, $0xB;
	v52 =	vor.u32 s25, v0;
	v53 =	vor.u32 s25, v19;
	s24 =	sor.u32 s30, s3;
	v46 =	vld.idx.msk [tilespmem:v46+s19+$0x0], $0xffff;
	[tilespmem:v43+s1+$0x0] =	vst.idx.msk $0xffff, v38;
	v38 =	vor.u32 s17, v28  }
0x1fe: {  	v55 =	vor.u32 s8, v20;
	s20 =	sadd.s32 s5, s20;
	s30 =	sadd.s32 s5, s14;
	s3 =	smov.u32 s9;
	v43 =	vor.u32 s24, v0;
	[tilespmem:v34+s1+$0x0] =	vst.idx.msk $0xffff, v51;
	v51 =	vld.idx.msk [tilespmem:v32+s19+$0x0], $0xffff;
	v32 =	vmov v33  }
0x1ff: {  	v56 =	vor.u32 s7, v3;
	s9 =	smov.u32 s28;
	s28 =	smov.u32 s7;
	s7 =	smov.u32 s25;
	v34 =	vor.u32 s30, v4;
	v33 =	vmovc v31;
	v31 =	vmov v53;
	v35 =	vld.idx.msk [tilespmem:v35+s19+$0x0], $0xffff;
	[tilespmem:v49+s1+$0x0] =	vst.idx.msk $0xffff, v50  }
0x200: {  	s5 =	smov.u32 s6;
	s6 =	smov.u32 s26;
	s26 =	smov.u32 s22;
	v49 =	vor.u32 s0, v6;
	v50 =	vor.u32 s3, v21;
	v42 =	vld.idx.msk [tilespmem:v42+s19+$0x0], $0xffff;
	[tilespmem:v48+s1+$0x0] =	vst.idx.msk $0xffff, v41  }
0x201: {  	s22 =	smov.u32 s24;
	v41 =	vor.u32 s31, v14;
	v44 =	vld.idx.msk [tilespmem:v44+s19+$0x0], $0xffff;
	[tilespmem:v45+s1+$0x0] =	vst.idx.msk $0xffff, v40  }
0x202: {  	v40 =	vor.u32 s26, v7;
	v45 =	vor.u32 s12, v22;
	[tilespmem:v38+s1+$0x0] =	vst.idx.msk $0xffff, v36;
	v36 =	vld.idx.msk [tilespmem:v47+s19+$0x0], $0xffff  }
0x203: {  	v38 =	vor.u32 s6, v15;
	[tilespmem:v54+s1+$0x0] =	vst.idx.msk $0xffff, v37;
	v37 =	vor.u32 s11, v12;
	v39 =	vld.idx.msk [tilespmem:v39+s19+$0x0], $0xffff  }
0x204: {  	v47 =	vld.idx.msk [tilespmem:v56+s19+$0x0], $0xffff;
	[tilespmem:v55+s1+$0x0] =	vst.idx.msk $0xffff, v51;
	v51 =	vor.u32 s17, v30;
	s17 =	smov.u32 s8;
	s8 =	smov.u32 s11;
	s11 =	smov.u32 s4  }
0x205: {  	v48 =	vor.u32 s9, v13;
	v53 =	vor.u32 s11, v4  }
0x206: {  	s4 =	smov.u32 s20;
	[tilespmem:v49+s1+$0x0] =	vst.idx.msk $0xffff, v35;
	v35 =	vld.idx.msk [tilespmem:v50+s19+$0x0], $0xffff;
	v49 =	vor.u32 s10, v30;
	s10 =	smov.u32 s12;
	s12 =	smov.u32 s31;
	v50 =	vor.u32 s28, v5  }
0x207: {  	s31 =	smov.u32 s0;
	s0 =	smov.u32 s30;
	v43 =	vld.idx.msk [tilespmem:v43+s19+$0x0], $0xffff;
	[tilespmem:v41+s1+$0x0] =	vst.idx.msk $0xffff, v46;
	v41 =	vor.u32 s3, v23;
	v46 =	vor.u32 s5, v23  }
0x208: {  	v55 =	vor.u32 s17, v22;
	v54 =	vor.u32 s0, v0;
	v40 =	vld.idx.msk [tilespmem:v40+s19+$0x0], $0xffff;
	[tilespmem:v45+s1+$0x0] =	vst.idx.msk $0xffff, v44  }
0x209: {  	v44 =	vor.u32 s22, v1;
	v45 =	vor.u32 s31, v8;
	[tilespmem:v37+s1+$0x0] =	vst.idx.msk $0xffff, v42;
	v37 =	vld.idx.msk [tilespmem:v38+s19+$0x0], $0xffff  }
0x20a: {  	v38 =	vor.u32 s26, v9;
	v42 =	vld.idx.msk [tilespmem:v48+s19+$0x0], $0xffff;
	v48 =	vor.u32 s12, v16;
	[tilespmem:v51+s1+$0x0] =	vst.idx.msk $0xffff, v39  }
0x20b: {  	v51 =	vor.u32 s6, v17;
	v39 =	vld.idx.msk [tilespmem:v52+s19+$0x0], $0xffff;
	[tilespmem:v53+s1+$0x0] =	vst.idx.msk $0xffff, v47;
	v47 =	vor.u32 s8, v14  }
0x20c: {  	v52 =	vor.u32 s9, v15;
	v50 =	vld.idx.msk [tilespmem:v50+s19+$0x0], $0xffff;
	[tilespmem:v49+s1+$0x0] =	vst.idx.msk $0xffff, v36  }
0x20d: {  	v36 =	vor.u32 s11, v6;
	[tilespmem:v55+s1+$0x0] =	vst.idx.msk $0xffff, v35;
	v46 =	vld.idx.msk [tilespmem:v46+s19+$0x0], $0xffff  }
0x20e: {  	v49 =	vor.u32 s28, v7;
	[tilespmem:v45+s1+$0x0] =	vst.idx.msk $0xffff, v40;
	v40 =	vld.idx.msk [tilespmem:v41+s19+$0x0], $0xffff;
	v41 =	vor.u32 s10, v24  }
0x20f: {  	v45 =	vor.u32 s4, v0;
	v38 =	vld.idx.msk [tilespmem:v38+s19+$0x0], $0xffff;
	[tilespmem:v48+s1+$0x0] =	vst.idx.msk $0xffff, v37;
	v37 =	vor.u32 s5, v25  }
0x210: {  	v48 =	vor.u32 s7, v1;
	[tilespmem:v47+s1+$0x0] =	vst.idx.msk $0xffff, v42;
	v35 =	vld.idx.msk [tilespmem:v51+s19+$0x0], $0xffff;
	v47 =	vor.u32 s17, v24  }
0x211: {  	[tilespmem:v54+s1+$0x0] =	vst.idx.msk $0xffff, v43;
	v43 =	vor.u32 s31, v10;
	v51 =	vld.idx.msk [tilespmem:v52+s19+$0x0], $0xffff;
	v52 =	vor.u32 s3, v25  }
0x212: {  	v53 =	vld.idx.msk [tilespmem:v44+s19+$0x0], $0xffff;
	[tilespmem:v36+s1+$0x0] =	vst.idx.msk $0xffff, v50;
	v36 =	vor.u32 s26, v11;
	v44 =	vor.u32 s8, v16  }
0x213: {  	v56 =	vor.u32 s9, v17;
	v54 =	vor.u32 s0, v2;
	v55 =	vld.idx.msk [tilespmem:v49+s19+$0x0], $0xffff;
	[tilespmem:v41+s1+$0x0] =	vst.idx.msk $0xffff, v46  }
0x214: {  	v57 =	vor.u32 s11, v8;
	v46 =	vor.u32 s22, v3;
	[tilespmem:v45+s1+$0x0] =	vst.idx.msk $0xffff, v39;
	v42 =	vld.idx.msk [tilespmem:v37+s19+$0x0], $0xffff  }
.Ltmp1:
0x215: {  	v50 =	vor.u32 s28, v9;
	v49 =	vor.u32 s12, v18;
	v37 =	vld.idx.msk [tilespmem:v48+s19+$0x0], $0xffff;
	[tilespmem:v47+s1+$0x0] =	vst.idx.msk $0xffff, v40;
	(pc) =	sbr.rel @p0 .LBB2_5-.Ltmp1, $4  }
0x216: {  	v41 =	vor.u32 s6, v19;
	v48 =	vor.u32 s10, v26;
	[tilespmem:v43+s1+$0x0] =	vst.idx.msk $0xffff, v38;
	v39 =	vld.idx.msk [tilespmem:v52+s19+$0x0], $0xffff  }
0x217: {  	v40 =	vor.u32 s5, v27;
	v45 =	vld.idx.msk [tilespmem:v36+s19+$0x0], $0xffff;
	[tilespmem:v44+s1+$0x0] =	vst.idx.msk $0xffff, v51;
	v44 =	vor.u32 s17, v26  }
0x218: {  	v47 =	vor.u32 s31, v12;
	v36 =	vor.u32 s3, v27;
	[tilespmem:v54+s1+$0x0] =	vst.idx.msk $0xffff, v53;
	v38 =	vld.idx.msk [tilespmem:v56+s19+$0x0], $0xffff  }
0x219: {  	v43 =	vor.u32 s8, v18;
	v51 =	vld.idx.msk [tilespmem:v46+s19+$0x0], $0xffff;
	[tilespmem:v57+s1+$0x0] =	vst.idx.msk $0xffff, v55;
	v46 =	vor.u32 s26, v13  }
0x21a: {  	v52 =	vor.u32 s4, v2  }
0x21b: {  	v53 =	vor.u32 s7, v3;
	_ =	sdelay $0x3  }
0x21c: {  	[tilespmem:v52+s1+$0x0] =	vst.idx.msk $0xffff, v37  }
0x21d: {  	v61 =	vor.u32 s4, v4;
	v37 =	vld.idx.msk [tilespmem:v53+s19+$0x0], $0xffff  }
0x21e: {  	v62 =	vor.u32 s7, v5  }
0x21f: {  	v54 =	vor.u32 s22, v5;
	_ =	sdelay $0x2  }
0x220: {  	[tilespmem:v61+s1+$0x0] =	vst.idx.msk $0xffff, v37  }
0x221: {  	v57 =	vor.u32 s4, v6;
	[tilespmem:v34+s1+$0x0] =	vst.idx.msk $0xffff, v51;
	v63 =	vld.idx.msk [tilespmem:v62+s19+$0x0], $0xffff  }
0x222: {  	v58 =	vor.u32 s0, v6;
	v59 =	vor.u32 s7, v7;
	v51 =	vld.idx.msk [tilespmem:v54+s19+$0x0], $0xffff  }
0x223: {  	v60 =	vor.u32 s22, v7;
	_ =	sdelay $0x2  }
0x224: {  	[tilespmem:v57+s1+$0x0] =	vst.idx.msk $0xffff, v63  }
0x225: {  	[tilespmem:v58+s1+$0x0] =	vst.idx.msk $0xffff, v51;
	v61 =	vor.u32 s4, v8;
	v34 =	vld.idx.msk [tilespmem:v59+s19+$0x0], $0xffff  }
0x226: {  	v51 =	vld.idx.msk [tilespmem:v60+s19+$0x0], $0xffff;
	v62 =	vor.u32 s0, v8;
	v63 =	vor.u32 s7, v9  }
0x227: {  	v60 =	vor.u32 s22, v9;
	_ =	sdelay $0x1  }
0x228: {  	v50 =	vld.idx.msk [tilespmem:v50+s19+$0x0], $0xffff;
	v55 =	vor.u32 s11, v10  }
0x229: {  	v56 =	vor.u32 s28, v11;
	[tilespmem:v61+s1+$0x0] =	vst.idx.msk $0xffff, v34  }
0x22a: {  	[tilespmem:v62+s1+$0x0] =	vst.idx.msk $0xffff, v51;
	v61 =	vor.u32 s4, v10;
	v34 =	vld.idx.msk [tilespmem:v63+s19+$0x0], $0xffff  }
0x22b: {  	v62 =	vor.u32 s0, v10;
	v51 =	vld.idx.msk [tilespmem:v60+s19+$0x0], $0xffff;
	v63 =	vor.u32 s7, v11  }
0x22c: {  	v57 =	vor.u32 s22, v11  }
0x22d: {  	[tilespmem:v55+s1+$0x0] =	vst.idx.msk $0xffff, v50  }
0x22e: {  	v50 =	vld.idx.msk [tilespmem:v56+s19+$0x0], $0xffff;
	v58 =	vor.u32 s11, v12  }
0x22f: {  	v59 =	vor.u32 s28, v13;
	[tilespmem:v61+s1+$0x0] =	vst.idx.msk $0xffff, v34  }
0x230: {  	v60 =	vor.u32 s4, v12;
	[tilespmem:v62+s1+$0x0] =	vst.idx.msk $0xffff, v51;
	v37 =	vld.idx.msk [tilespmem:v63+s19+$0x0], $0xffff  }
0x231: {  	[tilespmem:v49+s1+$0x0] =	vst.idx.msk $0xffff, v35;
	v62 =	vor.u32 s0, v12;
	v61 =	vld.idx.msk [tilespmem:v57+s19+$0x0], $0xffff;
	v63 =	vor.u32 s7, v13  }
0x232: {  	[tilespmem:v48+s1+$0x0] =	vst.idx.msk $0xffff, v42;
	v56 =	vor.u32 s22, v13  }
0x233: {  	[tilespmem:v58+s1+$0x0] =	vst.idx.msk $0xffff, v50  }
0x234: {  	[tilespmem:v47+s1+$0x0] =	vst.idx.msk $0xffff, v45;
	v34 =	vld.idx.msk [tilespmem:v59+s19+$0x0], $0xffff;
	v57 =	vor.u32 s11, v14  }
0x235: {  	v46 =	vld.idx.msk [tilespmem:v46+s19+$0x0], $0xffff;
	v58 =	vor.u32 s31, v14;
	v59 =	vor.u32 s28, v15;
	[tilespmem:v60+s1+$0x0] =	vst.idx.msk $0xffff, v37  }
0x236: {  	[tilespmem:v62+s1+$0x0] =	vst.idx.msk $0xffff, v61;
	v62 =	vor.u32 s4, v14;
	v60 =	vor.u32 s26, v15;
	v61 =	vld.idx.msk [tilespmem:v63+s19+$0x0], $0xffff  }
0x237: {  	[tilespmem:v44+s1+$0x0] =	vst.idx.msk $0xffff, v39;
	v52 =	vor.u32 s0, v14;
	v53 =	vor.u32 s7, v15;
	v63 =	vld.idx.msk [tilespmem:v56+s19+$0x0], $0xffff  }
0x238: {  	v41 =	vld.idx.msk [tilespmem:v41+s19+$0x0], $0xffff;
	[tilespmem:v43+s1+$0x0] =	vst.idx.msk $0xffff, v38;
	v54 =	vor.u32 s12, v20;
	v55 =	vor.u32 s22, v15  }
0x239: {  	v40 =	vld.idx.msk [tilespmem:v40+s19+$0x0], $0xffff;
	[tilespmem:v57+s1+$0x0] =	vst.idx.msk $0xffff, v34;
	v56 =	vor.u32 s10, v28  }
0x23a: {  	[tilespmem:v58+s1+$0x0] =	vst.idx.msk $0xffff, v46;
	v57 =	vor.u32 s11, v16;
	v34 =	vld.idx.msk [tilespmem:v59+s19+$0x0], $0xffff  }
0x23b: {  	v58 =	vor.u32 s31, v16;
	v59 =	vor.u32 s28, v17;
	v37 =	vld.idx.msk [tilespmem:v60+s19+$0x0], $0xffff;
	[tilespmem:v62+s1+$0x0] =	vst.idx.msk $0xffff, v61  }
0x23c: {  	v60 =	vor.u32 s26, v17;
	[tilespmem:v52+s1+$0x0] =	vst.idx.msk $0xffff, v63;
	v62 =	vor.u32 s4, v16;
	v61 =	vld.idx.msk [tilespmem:v53+s19+$0x0], $0xffff  }
0x23d: {  	[tilespmem:v54+s1+$0x0] =	vst.idx.msk $0xffff, v41;
	v63 =	vor.u32 s0, v16;
	v52 =	vor.u32 s7, v17;
	v38 =	vld.idx.msk [tilespmem:v55+s19+$0x0], $0xffff  }
0x23e: {  	v32 =	vld.idx.msk [tilespmem:v32+s19+$0x0], $0xffff;
	v54 =	vor.u32 s22, v17;
	[tilespmem:v56+s1+$0x0] =	vst.idx.msk $0xffff, v40;
	v56 =	vor.u32 s8, v20  }
0x23f: {  	v36 =	vld.idx.msk [tilespmem:v36+s19+$0x0], $0xffff;
	[tilespmem:v57+s1+$0x0] =	vst.idx.msk $0xffff, v34;
	v53 =	vor.u32 s17, v28;
	v55 =	vor.u32 s6, v21  }
0x240: {  	v57 =	vor.u32 s3, v29;
	[tilespmem:v58+s1+$0x0] =	vst.idx.msk $0xffff, v37;
	v58 =	vld.idx.msk [tilespmem:v59+s19+$0x0], $0xffff;
	v59 =	vor.u32 s11, v18  }
0x241: {  	v35 =	vld.idx.msk [tilespmem:v60+s19+$0x0], $0xffff;
	v60 =	vor.u32 s31, v18;
	[tilespmem:v62+s1+$0x0] =	vst.idx.msk $0xffff, v61  }
0x242: {  	v61 =	vor.u32 s26, v19;
	[tilespmem:v63+s1+$0x0] =	vst.idx.msk $0xffff, v38;
	v63 =	vor.u32 s4, v18;
	v62 =	vld.idx.msk [tilespmem:v52+s19+$0x0], $0xffff  }
0x243: {  	v51 =	vor.u32 s0, v18;
	[tilespmem:v56+s1+$0x0] =	vst.idx.msk $0xffff, v32;
	v50 =	vld.idx.msk [tilespmem:v54+s19+$0x0], $0xffff  }
0x244: {  	[tilespmem:v53+s1+$0x0] =	vst.idx.msk $0xffff, v36;
	v53 =	vor.u32 s12, v22;
	v52 =	vld.idx.msk [tilespmem:v55+s19+$0x0], $0xffff;
	v54 =	vor.u32 s22, v19  }
0x245: {  	v56 =	vor.u32 s17, v30;
	v55 =	vor.u32 s9, v21;
	v34 =	vld.idx.msk [tilespmem:v57+s19+$0x0], $0xffff;
	[tilespmem:v59+s1+$0x0] =	vst.idx.msk $0xffff, v58  }
0x246: {  	v57 =	vor.u32 s5, v29;
	v58 =	vor.u32 s11, v20;
	[tilespmem:v60+s1+$0x0] =	vst.idx.msk $0xffff, v35;
	v33 =	vld.idx.msk [tilespmem:v33+s19+$0x0], $0xffff  }
0x247: {  	v59 =	vor.u32 s31, v20;
	v60 =	vor.u32 s28, v21;
	v39 =	vld.idx.msk [tilespmem:v61+s19+$0x0], $0xffff;
	[tilespmem:v63+s1+$0x0] =	vst.idx.msk $0xffff, v62  }
0x248: {  	v61 =	vor.u32 s26, v21;
	[tilespmem:v51+s1+$0x0] =	vst.idx.msk $0xffff, v50;
	v62 =	vor.u32 s4, v20;
	v31 =	vld.idx.msk [tilespmem:v31+s19+$0x0], $0xffff  }
0x249: {  	v48 =	vor.u32 s7, v21;
	[tilespmem:v53+s1+$0x0] =	vst.idx.msk $0xffff, v52;
	v63 =	vor.u32 s0, v20;
	v32 =	vld.idx.msk [tilespmem:v54+s19+$0x0], $0xffff  }
0x24a: {  	v49 =	vld.idx.msk [tilespmem:v55+s19+$0x0], $0xffff;
	v50 =	vor.u32 s8, v22;
	[tilespmem:v56+s1+$0x0] =	vst.idx.msk $0xffff, v34;
	v51 =	vor.u32 s22, v21  }
0x24b: {  	v37 =	vld.idx.msk [tilespmem:v57+s19+$0x0], $0xffff;
	v52 =	vor.u32 s10, v30;
	v53 =	vor.u32 s9, v23;
	[tilespmem:v58+s1+$0x0] =	vst.idx.msk $0xffff, v33  }
0x24c: {  	v55 =	vor.u32 s11, v22;
	v54 =	vor.u32 s6, v23;
	[tilespmem:v59+s1+$0x0] =	vst.idx.msk $0xffff, v39;
	v35 =	vld.idx.msk [tilespmem:v60+s19+$0x0], $0xffff  }
0x24d: {  	v56 =	vor.u32 s31, v22;
	v57 =	vor.u32 s28, v23;
	v38 =	vld.idx.msk [tilespmem:v61+s19+$0x0], $0xffff;
	[tilespmem:v62+s1+$0x0] =	vst.idx.msk $0xffff, v31  }
0x24e: {  	v59 =	vor.u32 s4, v22;
	v31 =	vor.u32 s26, v23;
	[tilespmem:v63+s1+$0x0] =	vst.idx.msk $0xffff, v32;
	v58 =	vld.idx.msk [tilespmem:v48+s19+$0x0], $0xffff  }
0x24f: {  	v60 =	vor.u32 s0, v22;
	[tilespmem:v50+s1+$0x0] =	vst.idx.msk $0xffff, v49;
	v61 =	vor.u32 s7, v23;
	v34 =	vld.idx.msk [tilespmem:v51+s19+$0x0], $0xffff  }
0x250: {  	[tilespmem:v52+s1+$0x0] =	vst.idx.msk $0xffff, v37;
	v62 =	vld.idx.msk [tilespmem:v53+s19+$0x0], $0xffff;
	v63 =	vor.u32 s8, v24;
	v48 =	vor.u32 s22, v23  }
0x251: {  	v49 =	vor.u32 s12, v24;
	v50 =	vor.u32 s9, v25;
	v33 =	vld.idx.msk [tilespmem:v54+s19+$0x0], $0xffff;
	[tilespmem:v55+s1+$0x0] =	vst.idx.msk $0xffff, v35  }
0x252: {  	v53 =	vor.u32 s11, v24;
	v51 =	vor.u32 s6, v25;
	[tilespmem:v56+s1+$0x0] =	vst.idx.msk $0xffff, v38;
	v52 =	vld.idx.msk [tilespmem:v57+s19+$0x0], $0xffff  }
0x253: {  	v54 =	vor.u32 s31, v24;
	v55 =	vor.u32 s28, v25;
	v31 =	vld.idx.msk [tilespmem:v31+s19+$0x0], $0xffff;
	[tilespmem:v59+s1+$0x0] =	vst.idx.msk $0xffff, v58  }
0x254: {  	v56 =	vor.u32 s26, v25;
	[tilespmem:v60+s1+$0x0] =	vst.idx.msk $0xffff, v34;
	v58 =	vor.u32 s4, v24;
	v57 =	vld.idx.msk [tilespmem:v61+s19+$0x0], $0xffff  }
0x255: {  	[tilespmem:v63+s1+$0x0] =	vst.idx.msk $0xffff, v62;
	v60 =	vor.u32 s0, v24;
	v59 =	vld.idx.msk [tilespmem:v48+s19+$0x0], $0xffff;
	v61 =	vor.u32 s7, v25  }
0x256: {  	[tilespmem:v49+s1+$0x0] =	vst.idx.msk $0xffff, v33;
	v63 =	vor.u32 s8, v26;
	v62 =	vld.idx.msk [tilespmem:v50+s19+$0x0], $0xffff;
	v48 =	vor.u32 s22, v25  }
0x257: {  	v49 =	vor.u32 s12, v26;
	v35 =	vld.idx.msk [tilespmem:v51+s19+$0x0], $0xffff;
	v50 =	vor.u32 s9, v27;
	[tilespmem:v53+s1+$0x0] =	vst.idx.msk $0xffff, v52  }
0x258: {  	v51 =	vor.u32 s6, v27;
	v52 =	vor.u32 s11, v26;
	[tilespmem:v54+s1+$0x0] =	vst.idx.msk $0xffff, v31;
	v31 =	vld.idx.msk [tilespmem:v55+s19+$0x0], $0xffff  }
0x259: {  	v53 =	vor.u32 s31, v26;
	v54 =	vor.u32 s28, v27;
	v32 =	vld.idx.msk [tilespmem:v56+s19+$0x0], $0xffff;
	[tilespmem:v58+s1+$0x0] =	vst.idx.msk $0xffff, v57  }
0x25a: {  	v55 =	vor.u32 s26, v27;
	v56 =	vor.u32 s4, v26;
	[tilespmem:v60+s1+$0x0] =	vst.idx.msk $0xffff, v59;
	v36 =	vld.idx.msk [tilespmem:v61+s19+$0x0], $0xffff  }
0x25b: {  	[tilespmem:v63+s1+$0x0] =	vst.idx.msk $0xffff, v62;
	v58 =	vor.u32 s0, v26;
	v59 =	vor.u32 s7, v27;
	v57 =	vld.idx.msk [tilespmem:v48+s19+$0x0], $0xffff  }
0x25c: {  	[tilespmem:v49+s1+$0x0] =	vst.idx.msk $0xffff, v35;
	v62 =	vor.u32 s22, v27;
	v60 =	vld.idx.msk [tilespmem:v50+s19+$0x0], $0xffff;
	v61 =	vor.u32 s8, v28  }
0x25d: {  	v63 =	vor.u32 s9, v29;
	v38 =	vld.idx.msk [tilespmem:v51+s19+$0x0], $0xffff;
	v48 =	vor.u32 s12, v28;
	[tilespmem:v52+s1+$0x0] =	vst.idx.msk $0xffff, v31  }
0x25e: {  	v50 =	vor.u32 s11, v28;
	v31 =	vor.u32 s6, v29;
	[tilespmem:v53+s1+$0x0] =	vst.idx.msk $0xffff, v32;
	v49 =	vld.idx.msk [tilespmem:v54+s19+$0x0], $0xffff  }
0x25f: {  	v51 =	vor.u32 s28, v29;
	v52 =	vor.u32 s31, v28;
	v34 =	vld.idx.msk [tilespmem:v55+s19+$0x0], $0xffff;
	[tilespmem:v56+s1+$0x0] =	vst.idx.msk $0xffff, v36  }
0x260: {  	v53 =	vor.u32 s26, v29;
	v55 =	vor.u32 s4, v28;
	[tilespmem:v58+s1+$0x0] =	vst.idx.msk $0xffff, v57;
	v54 =	vld.idx.msk [tilespmem:v59+s19+$0x0], $0xffff  }
0x261: {  	[tilespmem:v61+s1+$0x0] =	vst.idx.msk $0xffff, v60;
	v56 =	vor.u32 s7, v29;
	v57 =	vor.u32 s0, v28;
	v40 =	vld.idx.msk [tilespmem:v62+s19+$0x0], $0xffff  }
0x262: {  	[tilespmem:v48+s1+$0x0] =	vst.idx.msk $0xffff, v38;
	v60 =	vor.u32 s22, v29;
	v58 =	vld.idx.msk [tilespmem:v63+s19+$0x0], $0xffff;
	v59 =	vor.u32 s8, v30  }
0x263: {  	v61 =	vor.u32 s12, v30;
	v31 =	vld.idx.msk [tilespmem:v31+s19+$0x0], $0xffff;
	[tilespmem:v50+s1+$0x0] =	vst.idx.msk $0xffff, v49  }
0x264: {  	v62 =	vor.u32 s11, v30;
	[tilespmem:v52+s1+$0x0] =	vst.idx.msk $0xffff, v34;
	v32 =	vld.idx.msk [tilespmem:v51+s19+$0x0], $0xffff  }
0x265: {  	v63 =	vor.u32 s31, v30;
	v36 =	vld.idx.msk [tilespmem:v53+s19+$0x0], $0xffff;
	[tilespmem:v55+s1+$0x0] =	vst.idx.msk $0xffff, v54  }
0x266: {  	v41 =	vor.u32 s4, v30;
	[tilespmem:v57+s1+$0x0] =	vst.idx.msk $0xffff, v40;
	v33 =	vld.idx.msk [tilespmem:v56+s19+$0x0], $0xffff  }
0x267: {  	v46 =	vor.u32 s0, v30;
	[tilespmem:v59+s1+$0x0] =	vst.idx.msk $0xffff, v58;
	v45 =	vld.idx.msk [tilespmem:v60+s19+$0x0], $0xffff  }
0x268: {  	[tilespmem:v61+s1+$0x0] =	vst.idx.msk $0xffff, v31  }
0x269: {  	[tilespmem:v62+s1+$0x0] =	vst.idx.msk $0xffff, v32  }
0x26a: {  	[tilespmem:v63+s1+$0x0] =	vst.idx.msk $0xffff, v36  }
0x26b: {  	s2 =	rddreg [dreg:$0x2];
	[tilespmem:v41+s1+$0x0] =	vst.idx.msk $0xffff, v33  }
0x26c: {  	s14 =	simm.s32 $0x7;
	s12 =	simm.s32 $0x80;
	s11 =	sadd.s32 $0x280, s15;
	[tilespmem:v46+s1+$0x0] =	vst.idx.msk $0xffff, v45  }
0x26d: {  	[tilespmem:s19], [sflag:$0x3] =	stream.indirect.gather [hbm4b:s2+s12], $0x80, s11, s12, $0xb8;
	[tilespmem:$0x1DC00] =	vst v63  }
0x26e: {  	_ =	swait.ge [sflag:s14], $0x2000  }
0x26f: {  	[sflag:s14] =	ssyncset.done $0x0  }
0x270: {  	[sflag:s14] =	ssyncadd.s32 $0xFFFFE000  }
0x271: {  	s20 =	simm.s32 $0x190000;
	s25 =	simm.s32 $0x8;
	s0 =	rddreg [dreg:$0x3]  }
0x272: {  	s17 =	simm.s32 $0x400;
	s22 =	rddreg [dreg:$0x8];
	s0 =	sadd.s32 s0, s16  }
0x273: {  	[hbm4b:s0+s17] =	stream.strided.scatter [tilespmem:s1], [sflag:$0x9], $0x6000, s20, s17, $0x38;
	[tilespmem:$0x1DC00] =	vst v63  }
0x274: {  	s24 =	rddreg [dreg:$0x10];
	_ =	swait.ge [sflag:s25], $0x6000  }
0x275: {  	s0 =	sadd.s32 s24, s22;
	[sflag:s25] =	ssyncset.done $0x0  }
0x276: {  	s0 =	sshll.u32 s0, $0x7;
	[sflag:s25] =	ssyncadd.s32 $0xFFFFA000  }
0x277: {  	s16 =	sand.u32 $0x1FFFFF00, s0;
	s26 =	rddreg [dreg:$0x1]  }
0x278: {  	s30 =	simm.s32 $0x15C00;
	s5 =	simm.s32 $0x0;
	s0 =	sadd.s32 s26, s16  }
0x279: {  	[tilespmem:s30], [sflag:$0x6] =	stream.strided.gather [hbm4b:s0+s17], $0x2000, s20, s17, $0x38;
	[tilespmem:$0x1DC00] =	vst v63  }
0x27a: {  	s0 =	sand.u32 $0x6, s5  }
0x27b: {  	s6 =	sor.u32 $0x1, s0  }
0x27c: {  	s7 =	simm.s32 $0x0;
	s8 =	sshll.u32 s6, $0x4  }
0x27d: {  	s9 =	sshll.u32 s0, $0x4;
	s5 =	sor.u32 s7, s8  }
0x27e: {  	s3 =	sor.u32 s9, s7;
	v31 =	vor.u32 s5, v0  }
0x27f: {  	s10 =	simm.s32 $0x4;
	v47 =	vor.u32 s3, v0  }
0x280: {  	_ =	swait.ge [sflag:s10], $0x4000  }
0x281: {  	[sflag:s10] =	ssyncset.done $0x0;
	s2 =	sshll.u32 s6, $0xB  }
0x282: {  	s0 =	sshll.u32 s0, $0xB;
	[sflag:s10] =	ssyncadd.s32 $0xFFFFC000;
	s10 =	sadd.s32 $0x0, s2  }
0x283: {  	s17 =	sadd.s32 $0x0, s0;
	v48 =	vor.u32 s10, v0;
	v31 =	vld.idx.msk [tilespmem:v31+s21+$0x0], $0xffff  }
0x284: {  	v50 =	vor.u32 s17, v0;
	v49 =	vor.u32 s5, v1;
	v32 =	vld.idx.msk [tilespmem:v47+s21+$0x0], $0xffff  }
0x285: {  	v51 =	vor.u32 s3, v1;
	_ =	sdelay $0x2  }
0x286: {  	[tilespmem:v48+s29+$0x0] =	vst.idx.msk $0xffff, v31  }
0x287: {  	v52 =	vor.u32 s10, v2;
	[tilespmem:v50+s29+$0x0] =	vst.idx.msk $0xffff, v32;
	v31 =	vld.idx.msk [tilespmem:v49+s21+$0x0], $0xffff  }
0x288: {  	v55 =	vor.u32 s17, v2;
	v53 =	vor.u32 s5, v3;
	v54 =	vld.idx.msk [tilespmem:v51+s21+$0x0], $0xffff  }
0x289: {  	v56 =	vor.u32 s3, v3;
	_ =	sdelay $0x1  }
0x28a: {  	s11 =	simm.s32 $0x2  }
0x28b: {  	s0 =	sand.u32 $0x6, s11;
	[tilespmem:v52+s29+$0x0] =	vst.idx.msk $0xffff, v31  }
0x28c: {  	s12 =	sor.u32 $0x1, s0;
	[tilespmem:v55+s29+$0x0] =	vst.idx.msk $0xffff, v54;
	v31 =	vor.u32 s10, v4;
	v32 =	vld.idx.msk [tilespmem:v53+s21+$0x0], $0xffff  }
0x28d: {  	s14 =	simm.s32 $0x0;
	v58 =	vor.u32 s17, v4;
	v57 =	vor.u32 s5, v5;
	s20 =	sshll.u32 s12, $0x4;
	v34 =	vld.idx.msk [tilespmem:v56+s21+$0x0], $0xffff  }
0x28e: {  	v59 =	vor.u32 s3, v5;
	s6 =	sor.u32 s14, s20  }
0x28f: {  	v60 =	vor.u32 s6, v0;
	_ =	sdelay $0x1  }
0x290: {  	[tilespmem:v31+s29+$0x0] =	vst.idx.msk $0xffff, v32  }
0x291: {  	v61 =	vor.u32 s10, v6;
	s2 =	sshll.u32 s12, $0xB;
	[tilespmem:v58+s29+$0x0] =	vst.idx.msk $0xffff, v34;
	v31 =	vld.idx.msk [tilespmem:v57+s21+$0x0], $0xffff  }
0x292: {  	v63 =	vor.u32 s17, v6;
	v62 =	vor.u32 s5, v7;
	s12 =	sadd.s32 $0x0, s2;
	v34 =	vld.idx.msk [tilespmem:v59+s21+$0x0], $0xffff  }
0x293: {  	v46 =	vor.u32 s3, v7;
	v45 =	vor.u32 s12, v0;
	v44 =	vld.idx.msk [tilespmem:v60+s21+$0x0], $0xffff  }
0x294: {  	s22 =	sshll.u32 s0, $0x4;
	v47 =	vor.u32 s6, v1  }
0x295: {  	s9 =	sor.u32 s22, s14  }
0x296: {  	[tilespmem:v61+s29+$0x0] =	vst.idx.msk $0xffff, v31;
	v31 =	vor.u32 s9, v0  }
0x297: {  	v48 =	vor.u32 s10, v8;
	[tilespmem:v63+s29+$0x0] =	vst.idx.msk $0xffff, v34;
	v32 =	vld.idx.msk [tilespmem:v62+s21+$0x0], $0xffff  }
0x298: {  	v50 =	vor.u32 s17, v8;
	v49 =	vor.u32 s5, v9;
	[tilespmem:v45+s29+$0x0] =	vst.idx.msk $0xffff, v44;
	v34 =	vld.idx.msk [tilespmem:v46+s21+$0x0], $0xffff  }
0x299: {  	s0 =	sshll.u32 s0, $0xB;
	v51 =	vor.u32 s12, v2;
	v36 =	vld.idx.msk [tilespmem:v47+s21+$0x0], $0xffff;
	v52 =	vor.u32 s3, v9  }
0x29a: {  	s8 =	sadd.s32 $0x0, s0;
	v53 =	vor.u32 s6, v3  }
0x29b: {  	v54 =	vor.u32 s8, v0;
	v31 =	vld.idx.msk [tilespmem:v31+s21+$0x0], $0xffff  }
0x29c: {  	v55 =	vor.u32 s9, v1;
	[tilespmem:v48+s29+$0x0] =	vst.idx.msk $0xffff, v32  }
0x29d: {  	v56 =	vor.u32 s10, v10;
	[tilespmem:v50+s29+$0x0] =	vst.idx.msk $0xffff, v34;
	v33 =	vld.idx.msk [tilespmem:v49+s21+$0x0], $0xffff  }
0x29e: {  	[tilespmem:v51+s29+$0x0] =	vst.idx.msk $0xffff, v36;
	v58 =	vor.u32 s17, v10;
	v57 =	vor.u32 s5, v11;
	v34 =	vld.idx.msk [tilespmem:v52+s21+$0x0], $0xffff  }
0x29f: {  	v60 =	vor.u32 s3, v11;
	v59 =	vor.u32 s12, v4;
	v37 =	vld.idx.msk [tilespmem:v53+s21+$0x0], $0xffff  }
0x2a0: {  	[tilespmem:v54+s29+$0x0] =	vst.idx.msk $0xffff, v31;
	v31 =	vor.u32 s6, v5  }
0x2a1: {  	s24 =	simm.s32 $0x4;
	v61 =	vor.u32 s8, v2;
	v32 =	vld.idx.msk [tilespmem:v55+s21+$0x0], $0xffff  }
0x2a2: {  	s0 =	sand.u32 $0x6, s24;
	v45 =	vor.u32 s9, v3;
	[tilespmem:v56+s29+$0x0] =	vst.idx.msk $0xffff, v33  }
0x2a3: {  	s25 =	sor.u32 $0x1, s0;
	v63 =	vor.u32 s10, v12;
	[tilespmem:v58+s29+$0x0] =	vst.idx.msk $0xffff, v34;
	v62 =	vld.idx.msk [tilespmem:v57+s21+$0x0], $0xffff  }
0x2a4: {  	s30 =	simm.s32 $0x0;
	s11 =	sshll.u32 s25, $0x4;
	v47 =	vor.u32 s17, v12;
	[tilespmem:v59+s29+$0x0] =	vst.idx.msk $0xffff, v37;
	v46 =	vor.u32 s5, v13;
	v34 =	vld.idx.msk [tilespmem:v60+s21+$0x0], $0xffff  }
0x2a5: {  	s26 =	sor.u32 s30, s11;
	v48 =	vor.u32 s12, v6;
	v49 =	vor.u32 s3, v13;
	v31 =	vld.idx.msk [tilespmem:v31+s21+$0x0], $0xffff  }
0x2a6: {  	v51 =	vor.u32 s26, v0;
	[tilespmem:v61+s29+$0x0] =	vst.idx.msk $0xffff, v32  }
0x2a7: {  	v50 =	vor.u32 s6, v7;
	v52 =	vor.u32 s8, v4;
	v33 =	vld.idx.msk [tilespmem:v45+s21+$0x0], $0xffff  }
0x2a8: {  	v54 =	vor.u32 s9, v5;
	[tilespmem:v63+s29+$0x0] =	vst.idx.msk $0xffff, v62  }
0x2a9: {  	s2 =	sshll.u32 s25, $0xB;
	v53 =	vor.u32 s10, v14;
	[tilespmem:v47+s29+$0x0] =	vst.idx.msk $0xffff, v34;
	v40 =	vld.idx.msk [tilespmem:v46+s21+$0x0], $0xffff  }
0x2aa: {  	s31 =	sadd.s32 $0x0, s2;
	v55 =	vor.u32 s5, v15;
	v56 =	vor.u32 s17, v14;
	[tilespmem:v48+s29+$0x0] =	vst.idx.msk $0xffff, v31;
	v31 =	vld.idx.msk [tilespmem:v49+s21+$0x0], $0xffff  }
0x2ab: {  	v59 =	vor.u32 s3, v15;
	v60 =	vor.u32 s31, v0;
	v32 =	vld.idx.msk [tilespmem:v51+s21+$0x0], $0xffff  }
0x2ac: {  	v58 =	vor.u32 s12, v8;
	v62 =	vor.u32 s26, v1;
	v57 =	vld.idx.msk [tilespmem:v50+s21+$0x0], $0xffff;
	[tilespmem:v52+s29+$0x0] =	vst.idx.msk $0xffff, v33  }
0x2ad: {  	s14 =	sshll.u32 s0, $0x4;
	v61 =	vor.u32 s6, v9;
	v63 =	vor.u32 s8, v6;
	v39 =	vld.idx.msk [tilespmem:v54+s21+$0x0], $0xffff  }
0x2ae: {  	s28 =	sor.u32 s14, s30;
	v49 =	vor.u32 s9, v7;
	[tilespmem:v53+s29+$0x0] =	vst.idx.msk $0xffff, v40  }
0x2af: {  	v48 =	vor.u32 s10, v16;
	v41 =	vld.idx.msk [tilespmem:v55+s21+$0x0], $0xffff;
	[tilespmem:v56+s29+$0x0] =	vst.idx.msk $0xffff, v31;
	v31 =	vor.u32 s28, v0  }
0x2b0: {  	v51 =	vor.u32 s17, v16;
	v50 =	vor.u32 s5, v17;
	[tilespmem:v60+s29+$0x0] =	vst.idx.msk $0xffff, v32;
	v34 =	vld.idx.msk [tilespmem:v59+s21+$0x0], $0xffff  }
0x2b1: {  	v33 =	vld.idx.msk [tilespmem:v62+s21+$0x0], $0xffff;
	v53 =	vor.u32 s3, v17;
	v55 =	vor.u32 s31, v2;
	[tilespmem:v58+s29+$0x0] =	vst.idx.msk $0xffff, v57  }
0x2b2: {  	s0 =	sshll.u32 s0, $0xB;
	v52 =	vor.u32 s12, v10;
	v56 =	vor.u32 s26, v3;
	v36 =	vld.idx.msk [tilespmem:v61+s21+$0x0], $0xffff;
	[tilespmem:v63+s29+$0x0] =	vst.idx.msk $0xffff, v39  }
0x2b3: {  	s11 =	sadd.s32 $0x0, s0;
	v54 =	vor.u32 s6, v11;
	v57 =	vor.u32 s8, v8;
	v40 =	vld.idx.msk [tilespmem:v49+s21+$0x0], $0xffff  }
0x2b4: {  	v59 =	vor.u32 s9, v9;
	v61 =	vor.u32 s11, v0;
	[tilespmem:v48+s29+$0x0] =	vst.idx.msk $0xffff, v41;
	v31 =	vld.idx.msk [tilespmem:v31+s21+$0x0], $0xffff  }
0x2b5: {  	v60 =	vor.u32 s10, v18;
	v63 =	vor.u32 s28, v1;
	v58 =	vld.idx.msk [tilespmem:v50+s21+$0x0], $0xffff;
	[tilespmem:v51+s29+$0x0] =	vst.idx.msk $0xffff, v34  }
0x2b6: {  	v62 =	vor.u32 s5, v19;
	v49 =	vor.u32 s17, v18;
	[tilespmem:v55+s29+$0x0] =	vst.idx.msk $0xffff, v33;
	v48 =	vld.idx.msk [tilespmem:v53+s21+$0x0], $0xffff  }
0x2b7: {  	v50 =	vor.u32 s3, v19;
	v39 =	vld.idx.msk [tilespmem:v56+s21+$0x0], $0xffff;
	[tilespmem:v52+s29+$0x0] =	vst.idx.msk $0xffff, v36;
	v53 =	vor.u32 s31, v4  }
0x2b8: {  	s2 =	simm.s32 $0x6;
	v56 =	vor.u32 s26, v5;
	v52 =	vor.u32 s12, v12;
	v51 =	vld.idx.msk [tilespmem:v54+s21+$0x0], $0xffff;
	[tilespmem:v57+s29+$0x0] =	vst.idx.msk $0xffff, v40  }
0x2b9: {  	s20 =	sand.u32 $0x6, s2;
	v54 =	vor.u32 s6, v13;
	v57 =	vor.u32 s8, v10;
	v55 =	vld.idx.msk [tilespmem:v59+s21+$0x0], $0xffff;
	[tilespmem:v61+s29+$0x0] =	vst.idx.msk $0xffff, v31  }
0x2ba: {  	s24 =	sor.u32 $0x1, s20;
	v61 =	vor.u32 s11, v2;
	[tilespmem:v60+s29+$0x0] =	vst.idx.msk $0xffff, v58;
	v58 =	vor.u32 s9, v11;
	v34 =	vld.idx.msk [tilespmem:v63+s21+$0x0], $0xffff  }
0x2bb: {  	s25 =	simm.s32 $0x0;
	s14 =	sshll.u32 s24, $0x4;
	v59 =	vor.u32 s10, v20;
	v31 =	vld.idx.msk [tilespmem:v62+s21+$0x0], $0xffff;
	[tilespmem:v49+s29+$0x0] =	vst.idx.msk $0xffff, v48;
	v48 =	vor.u32 s28, v3  }
0x2bc: {  	s22 =	sor.u32 s25, s14;
	v60 =	vor.u32 s5, v21;
	[tilespmem:v53+s29+$0x0] =	vst.idx.msk $0xffff, v39;
	v62 =	vld.idx.msk [tilespmem:v50+s21+$0x0], $0xffff  }
0x2bd: {  	s30 =	sshll.u32 s20, $0x4;
	v63 =	vor.u32 s17, v20;
	[tilespmem:v52+s29+$0x0] =	vst.idx.msk $0xffff, v51;
	v50 =	vor.u32 s22, v0;
	v51 =	vld.idx.msk [tilespmem:v56+s21+$0x0], $0xffff  }
0x2be: {  	s7 =	sor.u32 s30, s25;
	v49 =	vor.u32 s3, v21;
	v37 =	vld.idx.msk [tilespmem:v54+s21+$0x0], $0xffff;
	[tilespmem:v57+s29+$0x0] =	vst.idx.msk $0xffff, v55  }
0x2bf: {  	v52 =	vor.u32 s31, v6;
	v53 =	vld.idx.msk [tilespmem:v58+s21+$0x0], $0xffff;
	[tilespmem:v61+s29+$0x0] =	vst.idx.msk $0xffff, v34;
	v61 =	vor.u32 s7, v0  }
0x2c0: {  	v54 =	vor.u32 s26, v7;
	[tilespmem:v59+s29+$0x0] =	vst.idx.msk $0xffff, v31;
	v31 =	vor.u32 s12, v14;
	v36 =	vld.idx.msk [tilespmem:v48+s21+$0x0], $0xffff  }
0x2c1: {  	v56 =	vor.u32 s6, v15;
	v55 =	vor.u32 s8, v12;
	v44 =	vld.idx.msk [tilespmem:v60+s21+$0x0], $0xffff  }
0x2c2: {  	v60 =	vor.u32 s9, v13;
	[tilespmem:v63+s29+$0x0] =	vst.idx.msk $0xffff, v62;
	v62 =	vor.u32 s11, v4;
	v39 =	vld.idx.msk [tilespmem:v50+s21+$0x0], $0xffff  }
0x2c3: {  	v57 =	vor.u32 s28, v5;
	v58 =	vor.u32 s17, v22;
	v38 =	vld.idx.msk [tilespmem:v49+s21+$0x0], $0xffff  }
0x2c4: {  	v59 =	vor.u32 s3, v23;
	v63 =	vor.u32 s10, v22;
	[tilespmem:v52+s29+$0x0] =	vst.idx.msk $0xffff, v51;
	v33 =	vld.idx.msk [tilespmem:v61+s21+$0x0], $0xffff  }
0x2c5: {  	v42 =	vor.u32 s5, v25;
	v52 =	vor.u32 s31, v8;
	[tilespmem:v31+s29+$0x0] =	vst.idx.msk $0xffff, v37;
	v31 =	vor.u32 s5, v23;
	v37 =	vld.idx.msk [tilespmem:v54+s21+$0x0], $0xffff  }
0x2c6: {  	s0 =	sshll.u32 s24, $0xB;
	v48 =	vor.u32 s12, v16;
	[tilespmem:v55+s29+$0x0] =	vst.idx.msk $0xffff, v53;
	v53 =	vor.u32 s26, v9;
	v34 =	vld.idx.msk [tilespmem:v56+s21+$0x0], $0xffff  }
0x2c7: {  	s0 =	sadd.s32 $0x0, s0;
	v41 =	vor.u32 s6, v19;
	v55 =	vor.u32 s6, v17;
	v54 =	vor.u32 s8, v14;
	v45 =	vld.idx.msk [tilespmem:v60+s21+$0x0], $0xffff;
	[tilespmem:v62+s29+$0x0] =	vst.idx.msk $0xffff, v36  }
0x2c8: {  	v56 =	vor.u32 s0, v0;
	v60 =	vor.u32 s9, v15;
	v40 =	vld.idx.msk [tilespmem:v57+s21+$0x0], $0xffff;
	[tilespmem:v58+s29+$0x0] =	vst.idx.msk $0xffff, v38  }
0x2c9: {  	s4 =	sshll.u32 s20, $0xB;
	v61 =	vor.u32 s22, v1;
	[tilespmem:v63+s29+$0x0] =	vst.idx.msk $0xffff, v44;
	v62 =	vor.u32 s11, v6;
	v43 =	vld.idx.msk [tilespmem:v59+s21+$0x0], $0xffff  }
0x2ca: {  	s4 =	sadd.s32 $0x0, s4;
	v57 =	vor.u32 s28, v7;
	v58 =	vor.u32 s10, v24;
	v63 =	vld.idx.msk [tilespmem:v31+s21+$0x0], $0xffff;
	[tilespmem:v52+s29+$0x0] =	vst.idx.msk $0xffff, v37  }
0x2cb: {  	v50 =	vor.u32 s28, v9;
	v59 =	vor.u32 s4, v0;
	v51 =	vld.idx.msk [tilespmem:v53+s21+$0x0], $0xffff;
	[tilespmem:v48+s29+$0x0] =	vst.idx.msk $0xffff, v34  }
0x2cc: {  	v36 =	vor.u32 s17, v24;
	v48 =	vor.u32 s7, v1;
	[tilespmem:v54+s29+$0x0] =	vst.idx.msk $0xffff, v45;
	v35 =	vld.idx.msk [tilespmem:v55+s21+$0x0], $0xffff  }
0x2cd: {  	v47 =	vor.u32 s31, v12;
	[tilespmem:v56+s29+$0x0] =	vst.idx.msk $0xffff, v39;
	v39 =	vor.u32 s31, v10;
	v45 =	vor.u32 s3, v25;
	v44 =	vld.idx.msk [tilespmem:v60+s21+$0x0], $0xffff  }
0x2ce: {  	v52 =	vor.u32 s8, v16;
	v46 =	vld.idx.msk [tilespmem:v61+s21+$0x0], $0xffff;
	[tilespmem:v62+s29+$0x0] =	vst.idx.msk $0xffff, v40;
	v40 =	vor.u32 s26, v11  }
0x2cf: {  	v32 =	vor.u32 s9, v19;
	v60 =	vor.u32 s0, v2;
	v62 =	vor.u32 s9, v17;
	v61 =	vld.idx.msk [tilespmem:v57+s21+$0x0], $0xffff;
	[tilespmem:v58+s29+$0x0] =	vst.idx.msk $0xffff, v63  }
0x2d0: {  	[tilespmem:v59+s29+$0x0] =	vst.idx.msk $0xffff, v33;
	v57 =	vor.u32 s11, v8;
	v63 =	vor.u32 s22, v3;
	v42 =	vld.idx.msk [tilespmem:v42+s21+$0x0], $0xffff  }
0x2d1: {  	v49 =	vor.u32 s12, v18;
	v31 =	vor.u32 s7, v19;
	[tilespmem:v36+s29+$0x0] =	vst.idx.msk $0xffff, v43;
	v37 =	vld.idx.msk [tilespmem:v48+s21+$0x0], $0xffff  }
0x2d2: {  	v34 =	vor.u32 s0, v4;
	v33 =	vor.u32 s28, v19;
	[tilespmem:v39+s29+$0x0] =	vst.idx.msk $0xffff, v51;
	v39 =	vld.idx.msk [tilespmem:v45+s21+$0x0], $0xffff  }
0x2d3: {  	v36 =	vor.u32 s3, v27;
	v48 =	vor.u32 s10, v26;
	v45 =	vld.idx.msk [tilespmem:v40+s21+$0x0], $0xffff;
	[tilespmem:v52+s29+$0x0] =	vst.idx.msk $0xffff, v44  }
0x2d4: {  	v44 =	vor.u32 s17, v26;
	v40 =	vor.u32 s5, v27;
	[tilespmem:v60+s29+$0x0] =	vst.idx.msk $0xffff, v46;
	v38 =	vld.idx.msk [tilespmem:v62+s21+$0x0], $0xffff  }
0x2d5: {  	v43 =	vor.u32 s8, v18;
	v46 =	vor.u32 s26, v13;
	[tilespmem:v57+s29+$0x0] =	vst.idx.msk $0xffff, v61;
	v51 =	vld.idx.msk [tilespmem:v63+s21+$0x0], $0xffff  }
.LBB2_7:
0x2d6: {  	v50 =	vld.idx.msk [tilespmem:v50+s21+$0x0], $0xffff  }
0x2d7: {  	s2 =	sadd.s32 $0x2, s2;
	[tilespmem:v49+s29+$0x0] =	vst.idx.msk $0xffff, v35;
	v35 =	vor.u32 s22, v5;
	v49 =	vor.u32 s11, v10;
	v54 =	vor.u32 s4, v2  }
0x2d8: {  	s14 =	sshrl.u32 s2, $0x3;
	s20 =	sand.u32 $0x6, s2;
	p0 =	slt.u32 s2, $0x3E;
	v41 =	vld.idx.msk [tilespmem:v41+s21+$0x0], $0xffff;
	[tilespmem:v48+s29+$0x0] =	vst.idx.msk $0xffff, v42;
	v42 =	vor.u32 s28, v11;
	v48 =	vor.u32 s12, v20  }
0x2d9: {  	s24 =	sshll.u32 s20, $0x4;
	s25 =	sshll.u32 s14, $0xB;
	s30 =	sor.u32 $0x1, s20;
	[tilespmem:v44+s29+$0x0] =	vst.idx.msk $0xffff, v39;
	v39 =	vor.u32 s3, v29;
	v40 =	vld.idx.msk [tilespmem:v40+s21+$0x0], $0xffff;
	v44 =	vor.u32 s6, v21  }
0x2da: {  	s24 =	sor.u32 s24, s25;
	s3 =	sshll.u32 s30, $0x4;
	s30 =	sshll.u32 s30, $0xB;
	[tilespmem:v47+s29+$0x0] =	vst.idx.msk $0xffff, v45;
	v36 =	vld.idx.msk [tilespmem:v36+s21+$0x0], $0xffff;
	v45 =	vor.u32 s10, v28;
	v47 =	vor.u32 s5, v29  }
0x2db: {  	s5 =	sshll.u32 s14, $0x4;
	s14 =	sshll.u32 s20, $0xB;
	v52 =	vor.u32 s24, v0;
	v53 =	vor.u32 s24, v19;
	s20 =	sor.u32 s25, s3;
	v46 =	vld.idx.msk [tilespmem:v46+s21+$0x0], $0xffff;
	[tilespmem:v43+s29+$0x0] =	vst.idx.msk $0xffff, v38;
	v38 =	vor.u32 s17, v28  }
0x2dc: {  	v55 =	vor.u32 s8, v20;
	s14 =	sadd.s32 s5, s14;
	s30 =	sadd.s32 s5, s30;
	s3 =	smov.u32 s9;
	v43 =	vor.u32 s20, v0;
	[tilespmem:v34+s29+$0x0] =	vst.idx.msk $0xffff, v51;
	v51 =	vld.idx.msk [tilespmem:v32+s21+$0x0], $0xffff;
	v32 =	vmov v33  }
0x2dd: {  	v56 =	vor.u32 s7, v3;
	s9 =	smov.u32 s28;
	s28 =	smov.u32 s7;
	s7 =	smov.u32 s24;
	v34 =	vor.u32 s30, v4;
	v33 =	vmovc v31;
	v31 =	vmov v53;
	v35 =	vld.idx.msk [tilespmem:v35+s21+$0x0], $0xffff;
	[tilespmem:v49+s29+$0x0] =	vst.idx.msk $0xffff, v50  }
0x2de: {  	s5 =	smov.u32 s6;
	s6 =	smov.u32 s26;
	s26 =	smov.u32 s22;
	v49 =	vor.u32 s0, v6;
	v50 =	vor.u32 s3, v21;
	v42 =	vld.idx.msk [tilespmem:v42+s21+$0x0], $0xffff;
	[tilespmem:v48+s29+$0x0] =	vst.idx.msk $0xffff, v41  }
0x2df: {  	s22 =	smov.u32 s20;
	v41 =	vor.u32 s31, v14;
	v44 =	vld.idx.msk [tilespmem:v44+s21+$0x0], $0xffff;
	[tilespmem:v45+s29+$0x0] =	vst.idx.msk $0xffff, v40  }
0x2e0: {  	v40 =	vor.u32 s26, v7;
	v45 =	vor.u32 s12, v22;
	[tilespmem:v38+s29+$0x0] =	vst.idx.msk $0xffff, v36;
	v36 =	vld.idx.msk [tilespmem:v47+s21+$0x0], $0xffff  }
0x2e1: {  	v38 =	vor.u32 s6, v15;
	[tilespmem:v54+s29+$0x0] =	vst.idx.msk $0xffff, v37;
	v37 =	vor.u32 s11, v12;
	v39 =	vld.idx.msk [tilespmem:v39+s21+$0x0], $0xffff  }
0x2e2: {  	v47 =	vld.idx.msk [tilespmem:v56+s21+$0x0], $0xffff;
	[tilespmem:v55+s29+$0x0] =	vst.idx.msk $0xffff, v51;
	v51 =	vor.u32 s17, v30;
	s17 =	smov.u32 s8;
	s8 =	smov.u32 s11;
	s11 =	smov.u32 s4  }
0x2e3: {  	v48 =	vor.u32 s9, v13;
	v53 =	vor.u32 s11, v4  }
0x2e4: {  	s4 =	smov.u32 s14;
	[tilespmem:v49+s29+$0x0] =	vst.idx.msk $0xffff, v35;
	v35 =	vld.idx.msk [tilespmem:v50+s21+$0x0], $0xffff;
	v49 =	vor.u32 s10, v30;
	s10 =	smov.u32 s12;
	s12 =	smov.u32 s31;
	v50 =	vor.u32 s28, v5  }
0x2e5: {  	s31 =	smov.u32 s0;
	s0 =	smov.u32 s30;
	v43 =	vld.idx.msk [tilespmem:v43+s21+$0x0], $0xffff;
	[tilespmem:v41+s29+$0x0] =	vst.idx.msk $0xffff, v46;
	v41 =	vor.u32 s3, v23;
	v46 =	vor.u32 s5, v23  }
0x2e6: {  	v55 =	vor.u32 s17, v22;
	v54 =	vor.u32 s0, v0;
	v40 =	vld.idx.msk [tilespmem:v40+s21+$0x0], $0xffff;
	[tilespmem:v45+s29+$0x0] =	vst.idx.msk $0xffff, v44  }
0x2e7: {  	v44 =	vor.u32 s22, v1;
	v45 =	vor.u32 s31, v8;
	[tilespmem:v37+s29+$0x0] =	vst.idx.msk $0xffff, v42;
	v37 =	vld.idx.msk [tilespmem:v38+s21+$0x0], $0xffff  }
0x2e8: {  	v38 =	vor.u32 s26, v9;
	v42 =	vld.idx.msk [tilespmem:v48+s21+$0x0], $0xffff;
	v48 =	vor.u32 s12, v16;
	[tilespmem:v51+s29+$0x0] =	vst.idx.msk $0xffff, v39  }
0x2e9: {  	v51 =	vor.u32 s6, v17;
	v39 =	vld.idx.msk [tilespmem:v52+s21+$0x0], $0xffff;
	[tilespmem:v53+s29+$0x0] =	vst.idx.msk $0xffff, v47;
	v47 =	vor.u32 s8, v14  }
0x2ea: {  	v52 =	vor.u32 s9, v15;
	v50 =	vld.idx.msk [tilespmem:v50+s21+$0x0], $0xffff;
	[tilespmem:v49+s29+$0x0] =	vst.idx.msk $0xffff, v36  }
0x2eb: {  	v36 =	vor.u32 s11, v6;
	[tilespmem:v55+s29+$0x0] =	vst.idx.msk $0xffff, v35;
	v46 =	vld.idx.msk [tilespmem:v46+s21+$0x0], $0xffff  }
0x2ec: {  	v49 =	vor.u32 s28, v7;
	[tilespmem:v45+s29+$0x0] =	vst.idx.msk $0xffff, v40;
	v40 =	vld.idx.msk [tilespmem:v41+s21+$0x0], $0xffff;
	v41 =	vor.u32 s10, v24  }
0x2ed: {  	v45 =	vor.u32 s4, v0;
	v38 =	vld.idx.msk [tilespmem:v38+s21+$0x0], $0xffff;
	[tilespmem:v48+s29+$0x0] =	vst.idx.msk $0xffff, v37;
	v37 =	vor.u32 s5, v25  }
0x2ee: {  	v48 =	vor.u32 s7, v1;
	[tilespmem:v47+s29+$0x0] =	vst.idx.msk $0xffff, v42;
	v35 =	vld.idx.msk [tilespmem:v51+s21+$0x0], $0xffff;
	v47 =	vor.u32 s17, v24  }
0x2ef: {  	[tilespmem:v54+s29+$0x0] =	vst.idx.msk $0xffff, v43;
	v43 =	vor.u32 s31, v10;
	v51 =	vld.idx.msk [tilespmem:v52+s21+$0x0], $0xffff;
	v52 =	vor.u32 s3, v25  }
0x2f0: {  	v53 =	vld.idx.msk [tilespmem:v44+s21+$0x0], $0xffff;
	[tilespmem:v36+s29+$0x0] =	vst.idx.msk $0xffff, v50;
	v36 =	vor.u32 s26, v11;
	v44 =	vor.u32 s8, v16  }
0x2f1: {  	v56 =	vor.u32 s9, v17;
	v54 =	vor.u32 s0, v2;
	v55 =	vld.idx.msk [tilespmem:v49+s21+$0x0], $0xffff;
	[tilespmem:v41+s29+$0x0] =	vst.idx.msk $0xffff, v46  }
0x2f2: {  	v57 =	vor.u32 s11, v8;
	v46 =	vor.u32 s22, v3;
	[tilespmem:v45+s29+$0x0] =	vst.idx.msk $0xffff, v39;
	v42 =	vld.idx.msk [tilespmem:v37+s21+$0x0], $0xffff  }
.Ltmp2:
0x2f3: {  	v50 =	vor.u32 s28, v9;
	v49 =	vor.u32 s12, v18;
	v37 =	vld.idx.msk [tilespmem:v48+s21+$0x0], $0xffff;
	[tilespmem:v47+s29+$0x0] =	vst.idx.msk $0xffff, v40;
	(pc) =	sbr.rel @p0 .LBB2_7-.Ltmp2, $4  }
0x2f4: {  	v41 =	vor.u32 s6, v19;
	v48 =	vor.u32 s10, v26;
	[tilespmem:v43+s29+$0x0] =	vst.idx.msk $0xffff, v38;
	v39 =	vld.idx.msk [tilespmem:v52+s21+$0x0], $0xffff  }
0x2f5: {  	v40 =	vor.u32 s5, v27;
	v45 =	vld.idx.msk [tilespmem:v36+s21+$0x0], $0xffff;
	[tilespmem:v44+s29+$0x0] =	vst.idx.msk $0xffff, v51;
	v44 =	vor.u32 s17, v26  }
0x2f6: {  	v47 =	vor.u32 s31, v12;
	v36 =	vor.u32 s3, v27;
	[tilespmem:v54+s29+$0x0] =	vst.idx.msk $0xffff, v53;
	v38 =	vld.idx.msk [tilespmem:v56+s21+$0x0], $0xffff  }
0x2f7: {  	v43 =	vor.u32 s8, v18;
	v51 =	vld.idx.msk [tilespmem:v46+s21+$0x0], $0xffff;
	[tilespmem:v57+s29+$0x0] =	vst.idx.msk $0xffff, v55;
	v46 =	vor.u32 s26, v13  }
0x2f8: {  	v52 =	vor.u32 s4, v2  }
0x2f9: {  	v53 =	vor.u32 s7, v3;
	_ =	sdelay $0x3  }
0x2fa: {  	[tilespmem:v52+s29+$0x0] =	vst.idx.msk $0xffff, v37  }
0x2fb: {  	v61 =	vor.u32 s4, v4;
	v37 =	vld.idx.msk [tilespmem:v53+s21+$0x0], $0xffff  }
0x2fc: {  	v62 =	vor.u32 s7, v5  }
0x2fd: {  	v54 =	vor.u32 s22, v5;
	_ =	sdelay $0x2  }
0x2fe: {  	[tilespmem:v61+s29+$0x0] =	vst.idx.msk $0xffff, v37  }
0x2ff: {  	v57 =	vor.u32 s4, v6;
	[tilespmem:v34+s29+$0x0] =	vst.idx.msk $0xffff, v51;
	v63 =	vld.idx.msk [tilespmem:v62+s21+$0x0], $0xffff  }
0x300: {  	v58 =	vor.u32 s0, v6;
	v59 =	vor.u32 s7, v7;
	v51 =	vld.idx.msk [tilespmem:v54+s21+$0x0], $0xffff  }
0x301: {  	v60 =	vor.u32 s22, v7;
	_ =	sdelay $0x2  }
0x302: {  	[tilespmem:v57+s29+$0x0] =	vst.idx.msk $0xffff, v63  }
0x303: {  	[tilespmem:v58+s29+$0x0] =	vst.idx.msk $0xffff, v51;
	v61 =	vor.u32 s4, v8;
	v34 =	vld.idx.msk [tilespmem:v59+s21+$0x0], $0xffff  }
0x304: {  	v51 =	vld.idx.msk [tilespmem:v60+s21+$0x0], $0xffff;
	v62 =	vor.u32 s0, v8;
	v63 =	vor.u32 s7, v9  }
0x305: {  	v60 =	vor.u32 s22, v9;
	_ =	sdelay $0x1  }
0x306: {  	v50 =	vld.idx.msk [tilespmem:v50+s21+$0x0], $0xffff;
	v55 =	vor.u32 s11, v10  }
0x307: {  	v56 =	vor.u32 s28, v11;
	[tilespmem:v61+s29+$0x0] =	vst.idx.msk $0xffff, v34  }
0x308: {  	[tilespmem:v62+s29+$0x0] =	vst.idx.msk $0xffff, v51;
	v61 =	vor.u32 s4, v10;
	v34 =	vld.idx.msk [tilespmem:v63+s21+$0x0], $0xffff  }
0x309: {  	v62 =	vor.u32 s0, v10;
	v51 =	vld.idx.msk [tilespmem:v60+s21+$0x0], $0xffff;
	v63 =	vor.u32 s7, v11  }
0x30a: {  	v57 =	vor.u32 s22, v11  }
0x30b: {  	[tilespmem:v55+s29+$0x0] =	vst.idx.msk $0xffff, v50  }
0x30c: {  	v50 =	vld.idx.msk [tilespmem:v56+s21+$0x0], $0xffff;
	v58 =	vor.u32 s11, v12  }
0x30d: {  	v59 =	vor.u32 s28, v13;
	[tilespmem:v61+s29+$0x0] =	vst.idx.msk $0xffff, v34  }
0x30e: {  	v60 =	vor.u32 s4, v12;
	[tilespmem:v62+s29+$0x0] =	vst.idx.msk $0xffff, v51;
	v37 =	vld.idx.msk [tilespmem:v63+s21+$0x0], $0xffff  }
0x30f: {  	[tilespmem:v49+s29+$0x0] =	vst.idx.msk $0xffff, v35;
	v62 =	vor.u32 s0, v12;
	v61 =	vld.idx.msk [tilespmem:v57+s21+$0x0], $0xffff;
	v63 =	vor.u32 s7, v13  }
0x310: {  	[tilespmem:v48+s29+$0x0] =	vst.idx.msk $0xffff, v42;
	v56 =	vor.u32 s22, v13  }
0x311: {  	[tilespmem:v58+s29+$0x0] =	vst.idx.msk $0xffff, v50  }
0x312: {  	[tilespmem:v47+s29+$0x0] =	vst.idx.msk $0xffff, v45;
	v34 =	vld.idx.msk [tilespmem:v59+s21+$0x0], $0xffff;
	v57 =	vor.u32 s11, v14  }
0x313: {  	v46 =	vld.idx.msk [tilespmem:v46+s21+$0x0], $0xffff;
	v58 =	vor.u32 s31, v14;
	v59 =	vor.u32 s28, v15;
	[tilespmem:v60+s29+$0x0] =	vst.idx.msk $0xffff, v37  }
0x314: {  	[tilespmem:v62+s29+$0x0] =	vst.idx.msk $0xffff, v61;
	v62 =	vor.u32 s4, v14;
	v60 =	vor.u32 s26, v15;
	v61 =	vld.idx.msk [tilespmem:v63+s21+$0x0], $0xffff  }
0x315: {  	[tilespmem:v44+s29+$0x0] =	vst.idx.msk $0xffff, v39;
	v52 =	vor.u32 s0, v14;
	v53 =	vor.u32 s7, v15;
	v63 =	vld.idx.msk [tilespmem:v56+s21+$0x0], $0xffff  }
0x316: {  	v41 =	vld.idx.msk [tilespmem:v41+s21+$0x0], $0xffff;
	[tilespmem:v43+s29+$0x0] =	vst.idx.msk $0xffff, v38;
	v54 =	vor.u32 s12, v20;
	v55 =	vor.u32 s22, v15  }
0x317: {  	v40 =	vld.idx.msk [tilespmem:v40+s21+$0x0], $0xffff;
	[tilespmem:v57+s29+$0x0] =	vst.idx.msk $0xffff, v34;
	v56 =	vor.u32 s10, v28  }
0x318: {  	[tilespmem:v58+s29+$0x0] =	vst.idx.msk $0xffff, v46;
	v57 =	vor.u32 s11, v16;
	v34 =	vld.idx.msk [tilespmem:v59+s21+$0x0], $0xffff  }
0x319: {  	v58 =	vor.u32 s31, v16;
	v59 =	vor.u32 s28, v17;
	v37 =	vld.idx.msk [tilespmem:v60+s21+$0x0], $0xffff;
	[tilespmem:v62+s29+$0x0] =	vst.idx.msk $0xffff, v61  }
0x31a: {  	v60 =	vor.u32 s26, v17;
	[tilespmem:v52+s29+$0x0] =	vst.idx.msk $0xffff, v63;
	v62 =	vor.u32 s4, v16;
	v61 =	vld.idx.msk [tilespmem:v53+s21+$0x0], $0xffff  }
0x31b: {  	[tilespmem:v54+s29+$0x0] =	vst.idx.msk $0xffff, v41;
	v63 =	vor.u32 s0, v16;
	v52 =	vor.u32 s7, v17;
	v38 =	vld.idx.msk [tilespmem:v55+s21+$0x0], $0xffff  }
0x31c: {  	v32 =	vld.idx.msk [tilespmem:v32+s21+$0x0], $0xffff;
	v54 =	vor.u32 s22, v17;
	[tilespmem:v56+s29+$0x0] =	vst.idx.msk $0xffff, v40;
	v56 =	vor.u32 s8, v20  }
0x31d: {  	v36 =	vld.idx.msk [tilespmem:v36+s21+$0x0], $0xffff;
	[tilespmem:v57+s29+$0x0] =	vst.idx.msk $0xffff, v34;
	v53 =	vor.u32 s17, v28;
	v55 =	vor.u32 s6, v21  }
0x31e: {  	v57 =	vor.u32 s3, v29;
	[tilespmem:v58+s29+$0x0] =	vst.idx.msk $0xffff, v37;
	v58 =	vld.idx.msk [tilespmem:v59+s21+$0x0], $0xffff;
	v59 =	vor.u32 s11, v18  }
0x31f: {  	v35 =	vld.idx.msk [tilespmem:v60+s21+$0x0], $0xffff;
	v60 =	vor.u32 s31, v18;
	[tilespmem:v62+s29+$0x0] =	vst.idx.msk $0xffff, v61  }
0x320: {  	v61 =	vor.u32 s26, v19;
	[tilespmem:v63+s29+$0x0] =	vst.idx.msk $0xffff, v38;
	v63 =	vor.u32 s4, v18;
	v62 =	vld.idx.msk [tilespmem:v52+s21+$0x0], $0xffff  }
0x321: {  	v51 =	vor.u32 s0, v18;
	[tilespmem:v56+s29+$0x0] =	vst.idx.msk $0xffff, v32;
	v50 =	vld.idx.msk [tilespmem:v54+s21+$0x0], $0xffff  }
0x322: {  	[tilespmem:v53+s29+$0x0] =	vst.idx.msk $0xffff, v36;
	v53 =	vor.u32 s12, v22;
	v52 =	vld.idx.msk [tilespmem:v55+s21+$0x0], $0xffff;
	v54 =	vor.u32 s22, v19  }
0x323: {  	v56 =	vor.u32 s17, v30;
	v55 =	vor.u32 s9, v21;
	v34 =	vld.idx.msk [tilespmem:v57+s21+$0x0], $0xffff;
	[tilespmem:v59+s29+$0x0] =	vst.idx.msk $0xffff, v58  }
0x324: {  	v57 =	vor.u32 s5, v29;
	v58 =	vor.u32 s11, v20;
	[tilespmem:v60+s29+$0x0] =	vst.idx.msk $0xffff, v35;
	v33 =	vld.idx.msk [tilespmem:v33+s21+$0x0], $0xffff  }
0x325: {  	v59 =	vor.u32 s31, v20;
	v60 =	vor.u32 s28, v21;
	v39 =	vld.idx.msk [tilespmem:v61+s21+$0x0], $0xffff;
	[tilespmem:v63+s29+$0x0] =	vst.idx.msk $0xffff, v62  }
0x326: {  	v61 =	vor.u32 s26, v21;
	[tilespmem:v51+s29+$0x0] =	vst.idx.msk $0xffff, v50;
	v62 =	vor.u32 s4, v20;
	v31 =	vld.idx.msk [tilespmem:v31+s21+$0x0], $0xffff  }
0x327: {  	v48 =	vor.u32 s7, v21;
	[tilespmem:v53+s29+$0x0] =	vst.idx.msk $0xffff, v52;
	v63 =	vor.u32 s0, v20;
	v32 =	vld.idx.msk [tilespmem:v54+s21+$0x0], $0xffff  }
0x328: {  	v49 =	vld.idx.msk [tilespmem:v55+s21+$0x0], $0xffff;
	v50 =	vor.u32 s8, v22;
	[tilespmem:v56+s29+$0x0] =	vst.idx.msk $0xffff, v34;
	v51 =	vor.u32 s22, v21  }
0x329: {  	v37 =	vld.idx.msk [tilespmem:v57+s21+$0x0], $0xffff;
	v52 =	vor.u32 s10, v30;
	v53 =	vor.u32 s9, v23;
	[tilespmem:v58+s29+$0x0] =	vst.idx.msk $0xffff, v33  }
0x32a: {  	v55 =	vor.u32 s11, v22;
	v54 =	vor.u32 s6, v23;
	[tilespmem:v59+s29+$0x0] =	vst.idx.msk $0xffff, v39;
	v35 =	vld.idx.msk [tilespmem:v60+s21+$0x0], $0xffff  }
0x32b: {  	v56 =	vor.u32 s31, v22;
	v57 =	vor.u32 s28, v23;
	v38 =	vld.idx.msk [tilespmem:v61+s21+$0x0], $0xffff;
	[tilespmem:v62+s29+$0x0] =	vst.idx.msk $0xffff, v31  }
0x32c: {  	v59 =	vor.u32 s4, v22;
	v31 =	vor.u32 s26, v23;
	[tilespmem:v63+s29+$0x0] =	vst.idx.msk $0xffff, v32;
	v58 =	vld.idx.msk [tilespmem:v48+s21+$0x0], $0xffff  }
0x32d: {  	v60 =	vor.u32 s0, v22;
	[tilespmem:v50+s29+$0x0] =	vst.idx.msk $0xffff, v49;
	v61 =	vor.u32 s7, v23;
	v34 =	vld.idx.msk [tilespmem:v51+s21+$0x0], $0xffff  }
0x32e: {  	[tilespmem:v52+s29+$0x0] =	vst.idx.msk $0xffff, v37;
	v62 =	vld.idx.msk [tilespmem:v53+s21+$0x0], $0xffff;
	v63 =	vor.u32 s8, v24;
	v48 =	vor.u32 s22, v23  }
0x32f: {  	v49 =	vor.u32 s12, v24;
	v50 =	vor.u32 s9, v25;
	v33 =	vld.idx.msk [tilespmem:v54+s21+$0x0], $0xffff;
	[tilespmem:v55+s29+$0x0] =	vst.idx.msk $0xffff, v35  }
0x330: {  	v53 =	vor.u32 s11, v24;
	v51 =	vor.u32 s6, v25;
	[tilespmem:v56+s29+$0x0] =	vst.idx.msk $0xffff, v38;
	v52 =	vld.idx.msk [tilespmem:v57+s21+$0x0], $0xffff  }
0x331: {  	v54 =	vor.u32 s31, v24;
	v55 =	vor.u32 s28, v25;
	v31 =	vld.idx.msk [tilespmem:v31+s21+$0x0], $0xffff;
	[tilespmem:v59+s29+$0x0] =	vst.idx.msk $0xffff, v58  }
0x332: {  	v56 =	vor.u32 s26, v25;
	[tilespmem:v60+s29+$0x0] =	vst.idx.msk $0xffff, v34;
	v58 =	vor.u32 s4, v24;
	v57 =	vld.idx.msk [tilespmem:v61+s21+$0x0], $0xffff  }
0x333: {  	[tilespmem:v63+s29+$0x0] =	vst.idx.msk $0xffff, v62;
	v60 =	vor.u32 s0, v24;
	v59 =	vld.idx.msk [tilespmem:v48+s21+$0x0], $0xffff;
	v61 =	vor.u32 s7, v25  }
0x334: {  	[tilespmem:v49+s29+$0x0] =	vst.idx.msk $0xffff, v33;
	v63 =	vor.u32 s8, v26;
	v62 =	vld.idx.msk [tilespmem:v50+s21+$0x0], $0xffff;
	v48 =	vor.u32 s22, v25  }
0x335: {  	v49 =	vor.u32 s12, v26;
	v35 =	vld.idx.msk [tilespmem:v51+s21+$0x0], $0xffff;
	v50 =	vor.u32 s9, v27;
	[tilespmem:v53+s29+$0x0] =	vst.idx.msk $0xffff, v52  }
0x336: {  	v51 =	vor.u32 s6, v27;
	v52 =	vor.u32 s11, v26;
	[tilespmem:v54+s29+$0x0] =	vst.idx.msk $0xffff, v31;
	v31 =	vld.idx.msk [tilespmem:v55+s21+$0x0], $0xffff  }
0x337: {  	v53 =	vor.u32 s31, v26;
	v54 =	vor.u32 s28, v27;
	v32 =	vld.idx.msk [tilespmem:v56+s21+$0x0], $0xffff;
	[tilespmem:v58+s29+$0x0] =	vst.idx.msk $0xffff, v57  }
0x338: {  	v55 =	vor.u32 s26, v27;
	v56 =	vor.u32 s4, v26;
	[tilespmem:v60+s29+$0x0] =	vst.idx.msk $0xffff, v59;
	v36 =	vld.idx.msk [tilespmem:v61+s21+$0x0], $0xffff  }
0x339: {  	[tilespmem:v63+s29+$0x0] =	vst.idx.msk $0xffff, v62;
	v58 =	vor.u32 s0, v26;
	v59 =	vor.u32 s7, v27;
	v57 =	vld.idx.msk [tilespmem:v48+s21+$0x0], $0xffff  }
0x33a: {  	[tilespmem:v49+s29+$0x0] =	vst.idx.msk $0xffff, v35;
	v62 =	vor.u32 s22, v27;
	v60 =	vld.idx.msk [tilespmem:v50+s21+$0x0], $0xffff;
	v61 =	vor.u32 s8, v28  }
0x33b: {  	v63 =	vor.u32 s9, v29;
	v38 =	vld.idx.msk [tilespmem:v51+s21+$0x0], $0xffff;
	v48 =	vor.u32 s12, v28;
	[tilespmem:v52+s29+$0x0] =	vst.idx.msk $0xffff, v31  }
0x33c: {  	v50 =	vor.u32 s11, v28;
	v31 =	vor.u32 s6, v29;
	[tilespmem:v53+s29+$0x0] =	vst.idx.msk $0xffff, v32;
	v49 =	vld.idx.msk [tilespmem:v54+s21+$0x0], $0xffff  }
0x33d: {  	v51 =	vor.u32 s28, v29;
	v52 =	vor.u32 s31, v28;
	v34 =	vld.idx.msk [tilespmem:v55+s21+$0x0], $0xffff;
	[tilespmem:v56+s29+$0x0] =	vst.idx.msk $0xffff, v36  }
0x33e: {  	v53 =	vor.u32 s26, v29;
	v55 =	vor.u32 s4, v28;
	[tilespmem:v58+s29+$0x0] =	vst.idx.msk $0xffff, v57;
	v54 =	vld.idx.msk [tilespmem:v59+s21+$0x0], $0xffff  }
0x33f: {  	[tilespmem:v61+s29+$0x0] =	vst.idx.msk $0xffff, v60;
	v56 =	vor.u32 s7, v29;
	v57 =	vor.u32 s0, v28;
	v40 =	vld.idx.msk [tilespmem:v62+s21+$0x0], $0xffff  }
0x340: {  	[tilespmem:v48+s29+$0x0] =	vst.idx.msk $0xffff, v38;
	v60 =	vor.u32 s22, v29;
	v58 =	vld.idx.msk [tilespmem:v63+s21+$0x0], $0xffff;
	v59 =	vor.u32 s8, v30  }
0x341: {  	v61 =	vor.u32 s12, v30;
	v31 =	vld.idx.msk [tilespmem:v31+s21+$0x0], $0xffff;
	[tilespmem:v50+s29+$0x0] =	vst.idx.msk $0xffff, v49  }
0x342: {  	v62 =	vor.u32 s11, v30;
	[tilespmem:v52+s29+$0x0] =	vst.idx.msk $0xffff, v34;
	v32 =	vld.idx.msk [tilespmem:v51+s21+$0x0], $0xffff  }
0x343: {  	v63 =	vor.u32 s31, v30;
	v36 =	vld.idx.msk [tilespmem:v53+s21+$0x0], $0xffff;
	[tilespmem:v55+s29+$0x0] =	vst.idx.msk $0xffff, v54  }
0x344: {  	v41 =	vor.u32 s4, v30;
	[tilespmem:v57+s29+$0x0] =	vst.idx.msk $0xffff, v40;
	v33 =	vld.idx.msk [tilespmem:v56+s21+$0x0], $0xffff  }
0x345: {  	v46 =	vor.u32 s0, v30;
	[tilespmem:v59+s29+$0x0] =	vst.idx.msk $0xffff, v58;
	v45 =	vld.idx.msk [tilespmem:v60+s21+$0x0], $0xffff  }
0x346: {  	[tilespmem:v61+s29+$0x0] =	vst.idx.msk $0xffff, v31  }
0x347: {  	[tilespmem:v62+s29+$0x0] =	vst.idx.msk $0xffff, v32  }
0x348: {  	p0 =	seq.s32 s13, $0xB;
	[tilespmem:v63+s29+$0x0] =	vst.idx.msk $0xffff, v36  }
0x349: {  	s2 =	simm.s32 @!p0 $0x80;
	[tilespmem:v41+s29+$0x0] =	vst.idx.msk $0xffff, v33  }
0x34a: {  	s3 =	simm.s32 @!p0 $0x9C00;
	s4 =	rddreg [dreg:$0x2];
	s0 =	sadd.s32 @!p0 $0x300, s15;
	[tilespmem:v46+s29+$0x0] =	vst.idx.msk $0xffff, v45  }
0x34b: {  	[tilespmem:s3], [sflag:$0x4] =	stream.indirect.gather @!p0 [hbm4b:s4+s2], $0x80, s0, s2, $0xb8;
	[tilespmem:$0x1DC00] =	vst v63  }
0x34c: {  	s2 =	simm.s32 $0x6  }
0x34d: {  	_ =	swait.ge [sflag:s2], $0x2000  }
0x34e: {  	[sflag:s2] =	ssyncset.done $0x0  }
0x34f: {  	[sflag:s2] =	ssyncadd.s32 $0xFFFFE000  }
0x350: {  	s5 =	simm.s32 $0x190000;
	s8 =	simm.s32 $0x9;
	s0 =	rddreg [dreg:$0x3]  }
0x351: {  	s3 =	simm.s32 $0x400;
	s6 =	rddreg [dreg:$0x9];
	s0 =	sadd.s32 s0, s16  }
0x352: {  	[hbm4b:s0+s3] =	stream.strided.scatter [tilespmem:s29], [sflag:$0x8], $0x6000, s5, s3, $0x38;
	[tilespmem:$0x1DC00] =	vst v63  }
0x353: {  	s7 =	rddreg [dreg:$0x10];
	_ =	swait.ge [sflag:s8], $0x6000  }
0x354: {  	s0 =	sadd.s32 s7, s6;
	[sflag:s8] =	ssyncset.done $0x0  }
0x355: {  	s0 =	sshll.u32 s0, $0x7;
	[sflag:s8] =	ssyncadd.s32 $0xFFFFA000  }
0x356: {  	s14 =	sand.u32 $0x1FFFFF80, s0;
	s9 =	rddreg [dreg:$0x1]  }
0x357: {  	s10 =	simm.s32 $0x1BC00;
	s11 =	simm.s32 $0x0;
	s0 =	sadd.s32 s9, s14  }
0x358: {  	[tilespmem:s10], [sflag:$0x7] =	stream.strided.gather [hbm4b:s0+s3], $0x2000, s5, s3, $0x38;
	[tilespmem:$0x1DC00] =	vst v63  }
0x359: {  	s0 =	sand.u32 $0x6, s11  }
0x35a: {  	s12 =	sor.u32 $0x1, s0  }
0x35b: {  	s16 =	simm.s32 $0x0;
	s17 =	sshll.u32 s12, $0x4  }
0x35c: {  	s20 =	sshll.u32 s0, $0x4;
	s5 =	sor.u32 s16, s17  }
0x35d: {  	s3 =	sor.u32 s20, s16;
	v31 =	vor.u32 s5, v0  }
0x35e: {  	s22 =	simm.s32 $0x5;
	v47 =	vor.u32 s3, v0  }
0x35f: {  	_ =	swait.ge [sflag:s22], $0x4000  }
0x360: {  	[sflag:s22] =	ssyncset.done $0x0;
	s2 =	sshll.u32 s12, $0xB  }
0x361: {  	s0 =	sshll.u32 s0, $0xB;
	[sflag:s22] =	ssyncadd.s32 $0xFFFFC000;
	s10 =	sadd.s32 $0x0, s2  }
0x362: {  	s17 =	sadd.s32 $0x0, s0;
	v48 =	vor.u32 s10, v0;
	v31 =	vld.idx.msk [tilespmem:v31+s23+$0x0], $0xffff  }
0x363: {  	v49 =	vor.u32 s5, v1;
	v50 =	vor.u32 s17, v0;
	v32 =	vld.idx.msk [tilespmem:v47+s23+$0x0], $0xffff  }
0x364: {  	v51 =	vor.u32 s3, v1;
	_ =	sdelay $0x2  }
0x365: {  	[tilespmem:v48+s1+$0x0] =	vst.idx.msk $0xffff, v31  }
0x366: {  	v52 =	vor.u32 s10, v2;
	[tilespmem:v50+s1+$0x0] =	vst.idx.msk $0xffff, v32;
	v31 =	vld.idx.msk [tilespmem:v49+s23+$0x0], $0xffff  }
0x367: {  	v53 =	vor.u32 s5, v3;
	v55 =	vor.u32 s17, v2;
	v54 =	vld.idx.msk [tilespmem:v51+s23+$0x0], $0xffff  }
0x368: {  	v56 =	vor.u32 s3, v3;
	_ =	sdelay $0x1  }
0x369: {  	s24 =	simm.s32 $0x2  }
0x36a: {  	s0 =	sand.u32 $0x6, s24;
	[tilespmem:v52+s1+$0x0] =	vst.idx.msk $0xffff, v31  }
0x36b: {  	s25 =	sor.u32 $0x1, s0;
	[tilespmem:v55+s1+$0x0] =	vst.idx.msk $0xffff, v54;
	v31 =	vor.u32 s10, v4;
	v32 =	vld.idx.msk [tilespmem:v53+s23+$0x0], $0xffff  }
0x36c: {  	s26 =	simm.s32 $0x0;
	v57 =	vor.u32 s5, v5;
	v58 =	vor.u32 s17, v4;
	s30 =	sshll.u32 s25, $0x4;
	v34 =	vld.idx.msk [tilespmem:v56+s23+$0x0], $0xffff  }
0x36d: {  	v59 =	vor.u32 s3, v5;
	s6 =	sor.u32 s26, s30  }
0x36e: {  	v60 =	vor.u32 s6, v0;
	_ =	sdelay $0x1  }
0x36f: {  	[tilespmem:v31+s1+$0x0] =	vst.idx.msk $0xffff, v32  }
0x370: {  	v61 =	vor.u32 s10, v6;
	s2 =	sshll.u32 s25, $0xB;
	[tilespmem:v58+s1+$0x0] =	vst.idx.msk $0xffff, v34;
	v31 =	vld.idx.msk [tilespmem:v57+s23+$0x0], $0xffff  }
0x371: {  	v62 =	vor.u32 s5, v7;
	v63 =	vor.u32 s17, v6;
	s12 =	sadd.s32 $0x0, s2;
	v34 =	vld.idx.msk [tilespmem:v59+s23+$0x0], $0xffff  }
0x372: {  	v46 =	vor.u32 s3, v7;
	v45 =	vor.u32 s12, v0;
	v44 =	vld.idx.msk [tilespmem:v60+s23+$0x0], $0xffff  }
0x373: {  	s31 =	sshll.u32 s0, $0x4;
	v47 =	vor.u32 s6, v1  }
0x374: {  	s9 =	sor.u32 s31, s26  }
0x375: {  	[tilespmem:v61+s1+$0x0] =	vst.idx.msk $0xffff, v31;
	v31 =	vor.u32 s9, v0  }
0x376: {  	v48 =	vor.u32 s10, v8;
	[tilespmem:v63+s1+$0x0] =	vst.idx.msk $0xffff, v34;
	v32 =	vld.idx.msk [tilespmem:v62+s23+$0x0], $0xffff  }
0x377: {  	v50 =	vor.u32 s17, v8;
	v49 =	vor.u32 s5, v9;
	[tilespmem:v45+s1+$0x0] =	vst.idx.msk $0xffff, v44;
	v34 =	vld.idx.msk [tilespmem:v46+s23+$0x0], $0xffff  }
0x378: {  	s0 =	sshll.u32 s0, $0xB;
	v51 =	vor.u32 s12, v2;
	v36 =	vld.idx.msk [tilespmem:v47+s23+$0x0], $0xffff;
	v52 =	vor.u32 s3, v9  }
0x379: {  	s8 =	sadd.s32 $0x0, s0;
	v53 =	vor.u32 s6, v3  }
0x37a: {  	v54 =	vor.u32 s8, v0;
	v31 =	vld.idx.msk [tilespmem:v31+s23+$0x0], $0xffff  }
0x37b: {  	v55 =	vor.u32 s9, v1;
	[tilespmem:v48+s1+$0x0] =	vst.idx.msk $0xffff, v32  }
0x37c: {  	v56 =	vor.u32 s10, v10;
	[tilespmem:v50+s1+$0x0] =	vst.idx.msk $0xffff, v34;
	v33 =	vld.idx.msk [tilespmem:v49+s23+$0x0], $0xffff  }
0x37d: {  	[tilespmem:v51+s1+$0x0] =	vst.idx.msk $0xffff, v36;
	v58 =	vor.u32 s17, v10;
	v57 =	vor.u32 s5, v11;
	v34 =	vld.idx.msk [tilespmem:v52+s23+$0x0], $0xffff  }
0x37e: {  	v60 =	vor.u32 s3, v11;
	v59 =	vor.u32 s12, v4;
	v37 =	vld.idx.msk [tilespmem:v53+s23+$0x0], $0xffff  }
0x37f: {  	[tilespmem:v54+s1+$0x0] =	vst.idx.msk $0xffff, v31;
	v31 =	vor.u32 s6, v5  }
0x380: {  	s2 =	simm.s32 $0x4;
	v61 =	vor.u32 s8, v2;
	v32 =	vld.idx.msk [tilespmem:v55+s23+$0x0], $0xffff  }
0x381: {  	s0 =	sand.u32 $0x6, s2;
	v45 =	vor.u32 s9, v3;
	[tilespmem:v56+s1+$0x0] =	vst.idx.msk $0xffff, v33  }
0x382: {  	s4 =	sor.u32 $0x1, s0;
	v63 =	vor.u32 s10, v12;
	[tilespmem:v58+s1+$0x0] =	vst.idx.msk $0xffff, v34;
	v62 =	vld.idx.msk [tilespmem:v57+s23+$0x0], $0xffff  }
0x383: {  	s11 =	simm.s32 $0x0;
	s20 =	sshll.u32 s4, $0x4;
	v47 =	vor.u32 s17, v12;
	[tilespmem:v59+s1+$0x0] =	vst.idx.msk $0xffff, v37;
	v46 =	vor.u32 s5, v13;
	v34 =	vld.idx.msk [tilespmem:v60+s23+$0x0], $0xffff  }
0x384: {  	s16 =	sor.u32 s11, s20;
	v48 =	vor.u32 s12, v6;
	v49 =	vor.u32 s3, v13;
	v31 =	vld.idx.msk [tilespmem:v31+s23+$0x0], $0xffff  }
0x385: {  	v51 =	vor.u32 s16, v0;
	[tilespmem:v61+s1+$0x0] =	vst.idx.msk $0xffff, v32  }
0x386: {  	v50 =	vor.u32 s6, v7;
	v52 =	vor.u32 s8, v4;
	v33 =	vld.idx.msk [tilespmem:v45+s23+$0x0], $0xffff  }
0x387: {  	v54 =	vor.u32 s9, v5;
	[tilespmem:v63+s1+$0x0] =	vst.idx.msk $0xffff, v62  }
0x388: {  	s2 =	sshll.u32 s4, $0xB;
	v53 =	vor.u32 s10, v14;
	[tilespmem:v47+s1+$0x0] =	vst.idx.msk $0xffff, v34;
	v40 =	vld.idx.msk [tilespmem:v46+s23+$0x0], $0xffff  }
0x389: {  	s26 =	sadd.s32 $0x0, s2;
	v55 =	vor.u32 s5, v15;
	v56 =	vor.u32 s17, v14;
	[tilespmem:v48+s1+$0x0] =	vst.idx.msk $0xffff, v31;
	v31 =	vld.idx.msk [tilespmem:v49+s23+$0x0], $0xffff  }
0x38a: {  	v59 =	vor.u32 s3, v15;
	v60 =	vor.u32 s26, v0;
	v32 =	vld.idx.msk [tilespmem:v51+s23+$0x0], $0xffff  }
0x38b: {  	v58 =	vor.u32 s12, v8;
	v62 =	vor.u32 s16, v1;
	v57 =	vld.idx.msk [tilespmem:v50+s23+$0x0], $0xffff;
	[tilespmem:v52+s1+$0x0] =	vst.idx.msk $0xffff, v33  }
0x38c: {  	s22 =	sshll.u32 s0, $0x4;
	v61 =	vor.u32 s6, v9;
	v63 =	vor.u32 s8, v6;
	v39 =	vld.idx.msk [tilespmem:v54+s23+$0x0], $0xffff  }
0x38d: {  	s28 =	sor.u32 s22, s11;
	v49 =	vor.u32 s9, v7;
	[tilespmem:v53+s1+$0x0] =	vst.idx.msk $0xffff, v40  }
0x38e: {  	v48 =	vor.u32 s10, v16;
	v41 =	vld.idx.msk [tilespmem:v55+s23+$0x0], $0xffff;
	[tilespmem:v56+s1+$0x0] =	vst.idx.msk $0xffff, v31;
	v31 =	vor.u32 s28, v0  }
0x38f: {  	v51 =	vor.u32 s17, v16;
	v50 =	vor.u32 s5, v17;
	[tilespmem:v60+s1+$0x0] =	vst.idx.msk $0xffff, v32;
	v34 =	vld.idx.msk [tilespmem:v59+s23+$0x0], $0xffff  }
0x390: {  	v33 =	vld.idx.msk [tilespmem:v62+s23+$0x0], $0xffff;
	v53 =	vor.u32 s3, v17;
	v55 =	vor.u32 s26, v2;
	[tilespmem:v58+s1+$0x0] =	vst.idx.msk $0xffff, v57  }
0x391: {  	s0 =	sshll.u32 s0, $0xB;
	v52 =	vor.u32 s12, v10;
	v56 =	vor.u32 s16, v3;
	v36 =	vld.idx.msk [tilespmem:v61+s23+$0x0], $0xffff;
	[tilespmem:v63+s1+$0x0] =	vst.idx.msk $0xffff, v39  }
0x392: {  	s11 =	sadd.s32 $0x0, s0;
	v54 =	vor.u32 s6, v11;
	v57 =	vor.u32 s8, v8;
	v40 =	vld.idx.msk [tilespmem:v49+s23+$0x0], $0xffff  }
0x393: {  	v59 =	vor.u32 s9, v9;
	v61 =	vor.u32 s11, v0;
	[tilespmem:v48+s1+$0x0] =	vst.idx.msk $0xffff, v41;
	v31 =	vld.idx.msk [tilespmem:v31+s23+$0x0], $0xffff  }
0x394: {  	v60 =	vor.u32 s10, v18;
	v63 =	vor.u32 s28, v1;
	v58 =	vld.idx.msk [tilespmem:v50+s23+$0x0], $0xffff;
	[tilespmem:v51+s1+$0x0] =	vst.idx.msk $0xffff, v34  }
0x395: {  	v62 =	vor.u32 s5, v19;
	v49 =	vor.u32 s17, v18;
	[tilespmem:v55+s1+$0x0] =	vst.idx.msk $0xffff, v33;
	v48 =	vld.idx.msk [tilespmem:v53+s23+$0x0], $0xffff  }
0x396: {  	v50 =	vor.u32 s3, v19;
	v39 =	vld.idx.msk [tilespmem:v56+s23+$0x0], $0xffff;
	[tilespmem:v52+s1+$0x0] =	vst.idx.msk $0xffff, v36;
	v53 =	vor.u32 s26, v4  }
0x397: {  	s2 =	simm.s32 $0x6;
	v56 =	vor.u32 s16, v5;
	v52 =	vor.u32 s12, v12;
	v51 =	vld.idx.msk [tilespmem:v54+s23+$0x0], $0xffff;
	[tilespmem:v57+s1+$0x0] =	vst.idx.msk $0xffff, v40  }
0x398: {  	s24 =	sand.u32 $0x6, s2;
	v54 =	vor.u32 s6, v13;
	v57 =	vor.u32 s8, v10;
	v55 =	vld.idx.msk [tilespmem:v59+s23+$0x0], $0xffff;
	[tilespmem:v61+s1+$0x0] =	vst.idx.msk $0xffff, v31  }
0x399: {  	s25 =	sor.u32 $0x1, s24;
	v61 =	vor.u32 s11, v2;
	[tilespmem:v60+s1+$0x0] =	vst.idx.msk $0xffff, v58;
	v58 =	vor.u32 s9, v11;
	v34 =	vld.idx.msk [tilespmem:v63+s23+$0x0], $0xffff  }
0x39a: {  	s30 =	simm.s32 $0x0;
	s20 =	sshll.u32 s25, $0x4;
	v59 =	vor.u32 s10, v20;
	v31 =	vld.idx.msk [tilespmem:v62+s23+$0x0], $0xffff;
	[tilespmem:v49+s1+$0x0] =	vst.idx.msk $0xffff, v48;
	v48 =	vor.u32 s28, v3  }
0x39b: {  	s22 =	sor.u32 s30, s20;
	v60 =	vor.u32 s5, v21;
	[tilespmem:v53+s1+$0x0] =	vst.idx.msk $0xffff, v39;
	v62 =	vld.idx.msk [tilespmem:v50+s23+$0x0], $0xffff  }
0x39c: {  	s31 =	sshll.u32 s24, $0x4;
	v63 =	vor.u32 s17, v20;
	[tilespmem:v52+s1+$0x0] =	vst.idx.msk $0xffff, v51;
	v50 =	vor.u32 s22, v0;
	v51 =	vld.idx.msk [tilespmem:v56+s23+$0x0], $0xffff  }
0x39d: {  	s7 =	sor.u32 s31, s30;
	v49 =	vor.u32 s3, v21;
	v37 =	vld.idx.msk [tilespmem:v54+s23+$0x0], $0xffff;
	[tilespmem:v57+s1+$0x0] =	vst.idx.msk $0xffff, v55  }
0x39e: {  	v52 =	vor.u32 s26, v6;
	v53 =	vld.idx.msk [tilespmem:v58+s23+$0x0], $0xffff;
	[tilespmem:v61+s1+$0x0] =	vst.idx.msk $0xffff, v34;
	v61 =	vor.u32 s7, v0  }
0x39f: {  	v54 =	vor.u32 s16, v7;
	[tilespmem:v59+s1+$0x0] =	vst.idx.msk $0xffff, v31;
	v31 =	vor.u32 s12, v14;
	v36 =	vld.idx.msk [tilespmem:v48+s23+$0x0], $0xffff  }
0x3a0: {  	v56 =	vor.u32 s6, v15;
	v55 =	vor.u32 s8, v12;
	v44 =	vld.idx.msk [tilespmem:v60+s23+$0x0], $0xffff  }
0x3a1: {  	v60 =	vor.u32 s9, v13;
	[tilespmem:v63+s1+$0x0] =	vst.idx.msk $0xffff, v62;
	v62 =	vor.u32 s11, v4;
	v39 =	vld.idx.msk [tilespmem:v50+s23+$0x0], $0xffff  }
0x3a2: {  	v57 =	vor.u32 s28, v5;
	v58 =	vor.u32 s17, v22;
	v38 =	vld.idx.msk [tilespmem:v49+s23+$0x0], $0xffff  }
0x3a3: {  	v59 =	vor.u32 s3, v23;
	v63 =	vor.u32 s10, v22;
	[tilespmem:v52+s1+$0x0] =	vst.idx.msk $0xffff, v51;
	v33 =	vld.idx.msk [tilespmem:v61+s23+$0x0], $0xffff  }
0x3a4: {  	v42 =	vor.u32 s5, v25;
	v52 =	vor.u32 s26, v8;
	[tilespmem:v31+s1+$0x0] =	vst.idx.msk $0xffff, v37;
	v31 =	vor.u32 s5, v23;
	v37 =	vld.idx.msk [tilespmem:v54+s23+$0x0], $0xffff  }
0x3a5: {  	s0 =	sshll.u32 s25, $0xB;
	v48 =	vor.u32 s12, v16;
	[tilespmem:v55+s1+$0x0] =	vst.idx.msk $0xffff, v53;
	v53 =	vor.u32 s16, v9;
	v34 =	vld.idx.msk [tilespmem:v56+s23+$0x0], $0xffff  }
0x3a6: {  	s0 =	sadd.s32 $0x0, s0;
	v41 =	vor.u32 s6, v19;
	v55 =	vor.u32 s6, v17;
	v54 =	vor.u32 s8, v14;
	v45 =	vld.idx.msk [tilespmem:v60+s23+$0x0], $0xffff;
	[tilespmem:v62+s1+$0x0] =	vst.idx.msk $0xffff, v36  }
0x3a7: {  	v56 =	vor.u32 s0, v0;
	v60 =	vor.u32 s9, v15;
	v40 =	vld.idx.msk [tilespmem:v57+s23+$0x0], $0xffff;
	[tilespmem:v58+s1+$0x0] =	vst.idx.msk $0xffff, v38  }
0x3a8: {  	s4 =	sshll.u32 s24, $0xB;
	v61 =	vor.u32 s22, v1;
	[tilespmem:v63+s1+$0x0] =	vst.idx.msk $0xffff, v44;
	v62 =	vor.u32 s11, v6;
	v43 =	vld.idx.msk [tilespmem:v59+s23+$0x0], $0xffff  }
0x3a9: {  	s4 =	sadd.s32 $0x0, s4;
	v57 =	vor.u32 s28, v7;
	v58 =	vor.u32 s10, v24;
	v63 =	vld.idx.msk [tilespmem:v31+s23+$0x0], $0xffff;
	[tilespmem:v52+s1+$0x0] =	vst.idx.msk $0xffff, v37  }
0x3aa: {  	v50 =	vor.u32 s28, v9;
	v59 =	vor.u32 s4, v0;
	v51 =	vld.idx.msk [tilespmem:v53+s23+$0x0], $0xffff;
	[tilespmem:v48+s1+$0x0] =	vst.idx.msk $0xffff, v34  }
0x3ab: {  	v36 =	vor.u32 s17, v24;
	v48 =	vor.u32 s7, v1;
	[tilespmem:v54+s1+$0x0] =	vst.idx.msk $0xffff, v45;
	v35 =	vld.idx.msk [tilespmem:v55+s23+$0x0], $0xffff  }
0x3ac: {  	v47 =	vor.u32 s26, v12;
	[tilespmem:v56+s1+$0x0] =	vst.idx.msk $0xffff, v39;
	v39 =	vor.u32 s26, v10;
	v45 =	vor.u32 s3, v25;
	v44 =	vld.idx.msk [tilespmem:v60+s23+$0x0], $0xffff  }
0x3ad: {  	v52 =	vor.u32 s8, v16;
	v46 =	vld.idx.msk [tilespmem:v61+s23+$0x0], $0xffff;
	[tilespmem:v62+s1+$0x0] =	vst.idx.msk $0xffff, v40;
	v40 =	vor.u32 s16, v11  }
0x3ae: {  	v32 =	vor.u32 s9, v19;
	v60 =	vor.u32 s0, v2;
	v62 =	vor.u32 s9, v17;
	v61 =	vld.idx.msk [tilespmem:v57+s23+$0x0], $0xffff;
	[tilespmem:v58+s1+$0x0] =	vst.idx.msk $0xffff, v63  }
0x3af: {  	[tilespmem:v59+s1+$0x0] =	vst.idx.msk $0xffff, v33;
	v57 =	vor.u32 s11, v8;
	v63 =	vor.u32 s22, v3;
	v42 =	vld.idx.msk [tilespmem:v42+s23+$0x0], $0xffff  }
0x3b0: {  	v49 =	vor.u32 s12, v18;
	v31 =	vor.u32 s7, v19;
	[tilespmem:v36+s1+$0x0] =	vst.idx.msk $0xffff, v43;
	v37 =	vld.idx.msk [tilespmem:v48+s23+$0x0], $0xffff  }
0x3b1: {  	v34 =	vor.u32 s0, v4;
	v33 =	vor.u32 s28, v19;
	[tilespmem:v39+s1+$0x0] =	vst.idx.msk $0xffff, v51;
	v39 =	vld.idx.msk [tilespmem:v45+s23+$0x0], $0xffff  }
0x3b2: {  	v36 =	vor.u32 s3, v27;
	v48 =	vor.u32 s10, v26;
	v45 =	vld.idx.msk [tilespmem:v40+s23+$0x0], $0xffff;
	[tilespmem:v52+s1+$0x0] =	vst.idx.msk $0xffff, v44  }
0x3b3: {  	v44 =	vor.u32 s17, v26;
	v40 =	vor.u32 s5, v27;
	[tilespmem:v60+s1+$0x0] =	vst.idx.msk $0xffff, v46;
	v38 =	vld.idx.msk [tilespmem:v62+s23+$0x0], $0xffff  }
0x3b4: {  	v43 =	vor.u32 s8, v18;
	v46 =	vor.u32 s16, v13;
	[tilespmem:v57+s1+$0x0] =	vst.idx.msk $0xffff, v61;
	v51 =	vld.idx.msk [tilespmem:v63+s23+$0x0], $0xffff  }
.LBB2_9:
0x3b5: {  	v50 =	vld.idx.msk [tilespmem:v50+s23+$0x0], $0xffff  }
0x3b6: {  	s2 =	sadd.s32 $0x2, s2;
	[tilespmem:v49+s1+$0x0] =	vst.idx.msk $0xffff, v35;
	v35 =	vor.u32 s22, v5;
	v49 =	vor.u32 s11, v10;
	v54 =	vor.u32 s4, v2  }
0x3b7: {  	s20 =	sshrl.u32 s2, $0x3;
	s24 =	sand.u32 $0x6, s2;
	p1 =	slt.u32 s2, $0x3E;
	v41 =	vld.idx.msk [tilespmem:v41+s23+$0x0], $0xffff;
	[tilespmem:v48+s1+$0x0] =	vst.idx.msk $0xffff, v42;
	v42 =	vor.u32 s28, v11;
	v48 =	vor.u32 s12, v20  }
0x3b8: {  	s25 =	sshll.u32 s24, $0x4;
	s30 =	sshll.u32 s20, $0xB;
	s31 =	sor.u32 $0x1, s24;
	[tilespmem:v44+s1+$0x0] =	vst.idx.msk $0xffff, v39;
	v39 =	vor.u32 s3, v29;
	v40 =	vld.idx.msk [tilespmem:v40+s23+$0x0], $0xffff;
	v44 =	vor.u32 s6, v21  }
0x3b9: {  	s25 =	sor.u32 s25, s30;
	s3 =	sshll.u32 s31, $0x4;
	s31 =	sshll.u32 s31, $0xB;
	[tilespmem:v47+s1+$0x0] =	vst.idx.msk $0xffff, v45;
	v36 =	vld.idx.msk [tilespmem:v36+s23+$0x0], $0xffff;
	v45 =	vor.u32 s10, v28;
	v47 =	vor.u32 s5, v29  }
0x3ba: {  	s5 =	sshll.u32 s20, $0x4;
	s20 =	sshll.u32 s24, $0xB;
	v52 =	vor.u32 s25, v0;
	v53 =	vor.u32 s25, v19;
	s24 =	sor.u32 s30, s3;
	v46 =	vld.idx.msk [tilespmem:v46+s23+$0x0], $0xffff;
	[tilespmem:v43+s1+$0x0] =	vst.idx.msk $0xffff, v38;
	v38 =	vor.u32 s17, v28  }
0x3bb: {  	v55 =	vor.u32 s8, v20;
	s20 =	sadd.s32 s5, s20;
	s30 =	sadd.s32 s5, s31;
	s3 =	smov.u32 s9;
	v43 =	vor.u32 s24, v0;
	[tilespmem:v34+s1+$0x0] =	vst.idx.msk $0xffff, v51;
	v51 =	vld.idx.msk [tilespmem:v32+s23+$0x0], $0xffff;
	v32 =	vmov v33  }
0x3bc: {  	v56 =	vor.u32 s7, v3;
	s9 =	smov.u32 s28;
	s28 =	smov.u32 s7;
	s7 =	smov.u32 s25;
	v34 =	vor.u32 s30, v4;
	v33 =	vmovc v31;
	v31 =	vmov v53;
	v35 =	vld.idx.msk [tilespmem:v35+s23+$0x0], $0xffff;
	[tilespmem:v49+s1+$0x0] =	vst.idx.msk $0xffff, v50  }
0x3bd: {  	s5 =	smov.u32 s6;
	s6 =	smov.u32 s16;
	s16 =	smov.u32 s22;
	v49 =	vor.u32 s0, v6;
	v50 =	vor.u32 s3, v21;
	v42 =	vld.idx.msk [tilespmem:v42+s23+$0x0], $0xffff;
	[tilespmem:v48+s1+$0x0] =	vst.idx.msk $0xffff, v41  }
0x3be: {  	s22 =	smov.u32 s24;
	v41 =	vor.u32 s26, v14;
	v44 =	vld.idx.msk [tilespmem:v44+s23+$0x0], $0xffff;
	[tilespmem:v45+s1+$0x0] =	vst.idx.msk $0xffff, v40  }
0x3bf: {  	v40 =	vor.u32 s16, v7;
	v45 =	vor.u32 s12, v22;
	[tilespmem:v38+s1+$0x0] =	vst.idx.msk $0xffff, v36;
	v36 =	vld.idx.msk [tilespmem:v47+s23+$0x0], $0xffff  }
0x3c0: {  	v38 =	vor.u32 s6, v15;
	[tilespmem:v54+s1+$0x0] =	vst.idx.msk $0xffff, v37;
	v37 =	vor.u32 s11, v12;
	v39 =	vld.idx.msk [tilespmem:v39+s23+$0x0], $0xffff  }
0x3c1: {  	v47 =	vld.idx.msk [tilespmem:v56+s23+$0x0], $0xffff;
	[tilespmem:v55+s1+$0x0] =	vst.idx.msk $0xffff, v51;
	v51 =	vor.u32 s17, v30;
	s17 =	smov.u32 s8;
	s8 =	smov.u32 s11;
	s11 =	smov.u32 s4  }
0x3c2: {  	v48 =	vor.u32 s9, v13;
	v53 =	vor.u32 s11, v4  }
0x3c3: {  	s4 =	smov.u32 s20;
	[tilespmem:v49+s1+$0x0] =	vst.idx.msk $0xffff, v35;
	v35 =	vld.idx.msk [tilespmem:v50+s23+$0x0], $0xffff;
	v49 =	vor.u32 s10, v30;
	s10 =	smov.u32 s12;
	s12 =	smov.u32 s26;
	v50 =	vor.u32 s28, v5  }
0x3c4: {  	s26 =	smov.u32 s0;
	s0 =	smov.u32 s30;
	v43 =	vld.idx.msk [tilespmem:v43+s23+$0x0], $0xffff;
	[tilespmem:v41+s1+$0x0] =	vst.idx.msk $0xffff, v46;
	v41 =	vor.u32 s3, v23;
	v46 =	vor.u32 s5, v23  }
0x3c5: {  	v55 =	vor.u32 s17, v22;
	v54 =	vor.u32 s0, v0;
	v40 =	vld.idx.msk [tilespmem:v40+s23+$0x0], $0xffff;
	[tilespmem:v45+s1+$0x0] =	vst.idx.msk $0xffff, v44  }
0x3c6: {  	v44 =	vor.u32 s22, v1;
	v45 =	vor.u32 s26, v8;
	[tilespmem:v37+s1+$0x0] =	vst.idx.msk $0xffff, v42;
	v37 =	vld.idx.msk [tilespmem:v38+s23+$0x0], $0xffff  }
0x3c7: {  	v38 =	vor.u32 s16, v9;
	v42 =	vld.idx.msk [tilespmem:v48+s23+$0x0], $0xffff;
	v48 =	vor.u32 s12, v16;
	[tilespmem:v51+s1+$0x0] =	vst.idx.msk $0xffff, v39  }
0x3c8: {  	v51 =	vor.u32 s6, v17;
	v39 =	vld.idx.msk [tilespmem:v52+s23+$0x0], $0xffff;
	[tilespmem:v53+s1+$0x0] =	vst.idx.msk $0xffff, v47;
	v47 =	vor.u32 s8, v14  }
0x3c9: {  	v52 =	vor.u32 s9, v15;
	v50 =	vld.idx.msk [tilespmem:v50+s23+$0x0], $0xffff;
	[tilespmem:v49+s1+$0x0] =	vst.idx.msk $0xffff, v36  }
0x3ca: {  	v36 =	vor.u32 s11, v6;
	[tilespmem:v55+s1+$0x0] =	vst.idx.msk $0xffff, v35;
	v46 =	vld.idx.msk [tilespmem:v46+s23+$0x0], $0xffff  }
0x3cb: {  	v49 =	vor.u32 s28, v7;
	[tilespmem:v45+s1+$0x0] =	vst.idx.msk $0xffff, v40;
	v40 =	vld.idx.msk [tilespmem:v41+s23+$0x0], $0xffff;
	v41 =	vor.u32 s10, v24  }
0x3cc: {  	v45 =	vor.u32 s4, v0;
	v38 =	vld.idx.msk [tilespmem:v38+s23+$0x0], $0xffff;
	[tilespmem:v48+s1+$0x0] =	vst.idx.msk $0xffff, v37;
	v37 =	vor.u32 s5, v25  }
0x3cd: {  	v48 =	vor.u32 s7, v1;
	[tilespmem:v47+s1+$0x0] =	vst.idx.msk $0xffff, v42;
	v35 =	vld.idx.msk [tilespmem:v51+s23+$0x0], $0xffff;
	v47 =	vor.u32 s17, v24  }
0x3ce: {  	[tilespmem:v54+s1+$0x0] =	vst.idx.msk $0xffff, v43;
	v43 =	vor.u32 s26, v10;
	v51 =	vld.idx.msk [tilespmem:v52+s23+$0x0], $0xffff;
	v52 =	vor.u32 s3, v25  }
0x3cf: {  	v53 =	vld.idx.msk [tilespmem:v44+s23+$0x0], $0xffff;
	[tilespmem:v36+s1+$0x0] =	vst.idx.msk $0xffff, v50;
	v36 =	vor.u32 s16, v11;
	v44 =	vor.u32 s8, v16  }
0x3d0: {  	v56 =	vor.u32 s9, v17;
	v54 =	vor.u32 s0, v2;
	v55 =	vld.idx.msk [tilespmem:v49+s23+$0x0], $0xffff;
	[tilespmem:v41+s1+$0x0] =	vst.idx.msk $0xffff, v46  }
0x3d1: {  	v57 =	vor.u32 s11, v8;
	v46 =	vor.u32 s22, v3;
	[tilespmem:v45+s1+$0x0] =	vst.idx.msk $0xffff, v39;
	v42 =	vld.idx.msk [tilespmem:v37+s23+$0x0], $0xffff  }
.Ltmp3:
0x3d2: {  	v50 =	vor.u32 s28, v9;
	v49 =	vor.u32 s12, v18;
	v37 =	vld.idx.msk [tilespmem:v48+s23+$0x0], $0xffff;
	[tilespmem:v47+s1+$0x0] =	vst.idx.msk $0xffff, v40;
	(pc) =	sbr.rel @p1 .LBB2_9-.Ltmp3, $4  }
0x3d3: {  	v41 =	vor.u32 s6, v19;
	v48 =	vor.u32 s10, v26;
	[tilespmem:v43+s1+$0x0] =	vst.idx.msk $0xffff, v38;
	v39 =	vld.idx.msk [tilespmem:v52+s23+$0x0], $0xffff  }
0x3d4: {  	v40 =	vor.u32 s5, v27;
	v45 =	vld.idx.msk [tilespmem:v36+s23+$0x0], $0xffff;
	[tilespmem:v44+s1+$0x0] =	vst.idx.msk $0xffff, v51;
	v44 =	vor.u32 s17, v26  }
0x3d5: {  	v47 =	vor.u32 s26, v12;
	v36 =	vor.u32 s3, v27;
	[tilespmem:v54+s1+$0x0] =	vst.idx.msk $0xffff, v53;
	v38 =	vld.idx.msk [tilespmem:v56+s23+$0x0], $0xffff  }
0x3d6: {  	v43 =	vor.u32 s8, v18;
	v51 =	vld.idx.msk [tilespmem:v46+s23+$0x0], $0xffff;
	[tilespmem:v57+s1+$0x0] =	vst.idx.msk $0xffff, v55;
	v46 =	vor.u32 s16, v13  }
0x3d7: {  	v52 =	vor.u32 s4, v2  }
0x3d8: {  	v53 =	vor.u32 s7, v3;
	_ =	sdelay $0x3  }
0x3d9: {  	[tilespmem:v52+s1+$0x0] =	vst.idx.msk $0xffff, v37  }
0x3da: {  	v61 =	vor.u32 s4, v4;
	v37 =	vld.idx.msk [tilespmem:v53+s23+$0x0], $0xffff  }
0x3db: {  	v62 =	vor.u32 s7, v5  }
0x3dc: {  	v54 =	vor.u32 s22, v5;
	_ =	sdelay $0x2  }
0x3dd: {  	[tilespmem:v61+s1+$0x0] =	vst.idx.msk $0xffff, v37  }
0x3de: {  	v57 =	vor.u32 s4, v6;
	[tilespmem:v34+s1+$0x0] =	vst.idx.msk $0xffff, v51;
	v63 =	vld.idx.msk [tilespmem:v62+s23+$0x0], $0xffff  }
0x3df: {  	v58 =	vor.u32 s0, v6;
	v59 =	vor.u32 s7, v7;
	v51 =	vld.idx.msk [tilespmem:v54+s23+$0x0], $0xffff  }
0x3e0: {  	v60 =	vor.u32 s22, v7;
	_ =	sdelay $0x2  }
0x3e1: {  	[tilespmem:v57+s1+$0x0] =	vst.idx.msk $0xffff, v63  }
0x3e2: {  	[tilespmem:v58+s1+$0x0] =	vst.idx.msk $0xffff, v51;
	v61 =	vor.u32 s4, v8;
	v34 =	vld.idx.msk [tilespmem:v59+s23+$0x0], $0xffff  }
0x3e3: {  	v51 =	vld.idx.msk [tilespmem:v60+s23+$0x0], $0xffff;
	v62 =	vor.u32 s0, v8;
	v63 =	vor.u32 s7, v9  }
0x3e4: {  	v60 =	vor.u32 s22, v9;
	_ =	sdelay $0x1  }
0x3e5: {  	v50 =	vld.idx.msk [tilespmem:v50+s23+$0x0], $0xffff;
	v55 =	vor.u32 s11, v10  }
0x3e6: {  	v56 =	vor.u32 s28, v11;
	[tilespmem:v61+s1+$0x0] =	vst.idx.msk $0xffff, v34  }
0x3e7: {  	[tilespmem:v62+s1+$0x0] =	vst.idx.msk $0xffff, v51;
	v61 =	vor.u32 s4, v10;
	v34 =	vld.idx.msk [tilespmem:v63+s23+$0x0], $0xffff  }
0x3e8: {  	v62 =	vor.u32 s0, v10;
	v51 =	vld.idx.msk [tilespmem:v60+s23+$0x0], $0xffff;
	v63 =	vor.u32 s7, v11  }
0x3e9: {  	v57 =	vor.u32 s22, v11  }
0x3ea: {  	[tilespmem:v55+s1+$0x0] =	vst.idx.msk $0xffff, v50  }
0x3eb: {  	v50 =	vld.idx.msk [tilespmem:v56+s23+$0x0], $0xffff;
	v58 =	vor.u32 s11, v12  }
0x3ec: {  	v59 =	vor.u32 s28, v13;
	[tilespmem:v61+s1+$0x0] =	vst.idx.msk $0xffff, v34  }
0x3ed: {  	v60 =	vor.u32 s4, v12;
	[tilespmem:v62+s1+$0x0] =	vst.idx.msk $0xffff, v51;
	v37 =	vld.idx.msk [tilespmem:v63+s23+$0x0], $0xffff  }
0x3ee: {  	[tilespmem:v49+s1+$0x0] =	vst.idx.msk $0xffff, v35;
	v62 =	vor.u32 s0, v12;
	v61 =	vld.idx.msk [tilespmem:v57+s23+$0x0], $0xffff;
	v63 =	vor.u32 s7, v13  }
0x3ef: {  	[tilespmem:v48+s1+$0x0] =	vst.idx.msk $0xffff, v42;
	v54 =	vor.u32 s22, v13  }
0x3f0: {  	[tilespmem:v58+s1+$0x0] =	vst.idx.msk $0xffff, v50  }
0x3f1: {  	[tilespmem:v47+s1+$0x0] =	vst.idx.msk $0xffff, v45;
	v55 =	vor.u32 s11, v14;
	v34 =	vld.idx.msk [tilespmem:v59+s23+$0x0], $0xffff  }
0x3f2: {  	v46 =	vld.idx.msk [tilespmem:v46+s23+$0x0], $0xffff;
	v56 =	vor.u32 s26, v14;
	v57 =	vor.u32 s28, v15;
	[tilespmem:v60+s1+$0x0] =	vst.idx.msk $0xffff, v37  }
0x3f3: {  	v58 =	vor.u32 s16, v15;
	[tilespmem:v62+s1+$0x0] =	vst.idx.msk $0xffff, v61;
	v60 =	vor.u32 s4, v14;
	v59 =	vld.idx.msk [tilespmem:v63+s23+$0x0], $0xffff  }
0x3f4: {  	[tilespmem:v44+s1+$0x0] =	vst.idx.msk $0xffff, v39;
	v62 =	vor.u32 s0, v14;
	v61 =	vld.idx.msk [tilespmem:v54+s23+$0x0], $0xffff;
	v63 =	vor.u32 s7, v15  }
0x3f5: {  	v41 =	vld.idx.msk [tilespmem:v41+s23+$0x0], $0xffff;
	[tilespmem:v43+s1+$0x0] =	vst.idx.msk $0xffff, v38;
	v52 =	vor.u32 s12, v20;
	v53 =	vor.u32 s22, v15  }
0x3f6: {  	v40 =	vld.idx.msk [tilespmem:v40+s23+$0x0], $0xffff;
	[tilespmem:v55+s1+$0x0] =	vst.idx.msk $0xffff, v34;
	v54 =	vor.u32 s10, v28  }
0x3f7: {  	[tilespmem:v56+s1+$0x0] =	vst.idx.msk $0xffff, v46;
	v55 =	vor.u32 s11, v16;
	v34 =	vld.idx.msk [tilespmem:v57+s23+$0x0], $0xffff  }
0x3f8: {  	v56 =	vor.u32 s26, v16;
	v37 =	vld.idx.msk [tilespmem:v58+s23+$0x0], $0xffff;
	v57 =	vor.u32 s28, v17;
	[tilespmem:v60+s1+$0x0] =	vst.idx.msk $0xffff, v59  }
0x3f9: {  	v58 =	vor.u32 s16, v17;
	[tilespmem:v62+s1+$0x0] =	vst.idx.msk $0xffff, v61;
	v60 =	vor.u32 s4, v16;
	v59 =	vld.idx.msk [tilespmem:v63+s23+$0x0], $0xffff  }
0x3fa: {  	[tilespmem:v52+s1+$0x0] =	vst.idx.msk $0xffff, v41;
	v61 =	vor.u32 s0, v16;
	v62 =	vor.u32 s7, v17;
	v38 =	vld.idx.msk [tilespmem:v53+s23+$0x0], $0xffff  }
0x3fb: {  	v36 =	vld.idx.msk [tilespmem:v36+s23+$0x0], $0xffff;
	v52 =	vor.u32 s22, v17;
	[tilespmem:v54+s1+$0x0] =	vst.idx.msk $0xffff, v40;
	v63 =	vor.u32 s17, v28  }
0x3fc: {  	v32 =	vld.idx.msk [tilespmem:v32+s23+$0x0], $0xffff;
	v54 =	vor.u32 s8, v20;
	[tilespmem:v55+s1+$0x0] =	vst.idx.msk $0xffff, v34;
	v53 =	vor.u32 s6, v21  }
0x3fd: {  	v55 =	vor.u32 s3, v29;
	[tilespmem:v56+s1+$0x0] =	vst.idx.msk $0xffff, v37;
	v56 =	vld.idx.msk [tilespmem:v57+s23+$0x0], $0xffff;
	v57 =	vor.u32 s11, v18  }
0x3fe: {  	v35 =	vld.idx.msk [tilespmem:v58+s23+$0x0], $0xffff;
	v58 =	vor.u32 s26, v18;
	[tilespmem:v60+s1+$0x0] =	vst.idx.msk $0xffff, v59  }
0x3ff: {  	[tilespmem:v61+s1+$0x0] =	vst.idx.msk $0xffff, v38;
	v61 =	vor.u32 s4, v18;
	v59 =	vor.u32 s16, v19;
	v60 =	vld.idx.msk [tilespmem:v62+s23+$0x0], $0xffff  }
0x400: {  	[tilespmem:v63+s1+$0x0] =	vst.idx.msk $0xffff, v36;
	v63 =	vor.u32 s0, v18;
	v62 =	vld.idx.msk [tilespmem:v52+s23+$0x0], $0xffff  }
0x401: {  	v50 =	vor.u32 s12, v22;
	v51 =	vor.u32 s22, v19;
	[tilespmem:v54+s1+$0x0] =	vst.idx.msk $0xffff, v32;
	v48 =	vld.idx.msk [tilespmem:v53+s23+$0x0], $0xffff  }
0x402: {  	v53 =	vor.u32 s17, v30;
	[tilespmem:v57+s1+$0x0] =	vst.idx.msk $0xffff, v56;
	v52 =	vor.u32 s9, v21;
	v34 =	vld.idx.msk [tilespmem:v55+s23+$0x0], $0xffff  }
0x403: {  	v54 =	vor.u32 s5, v29;
	[tilespmem:v58+s1+$0x0] =	vst.idx.msk $0xffff, v35;
	v33 =	vld.idx.msk [tilespmem:v33+s23+$0x0], $0xffff;
	v55 =	vor.u32 s11, v20  }
0x404: {  	v56 =	vor.u32 s26, v20;
	v57 =	vor.u32 s28, v21;
	v39 =	vld.idx.msk [tilespmem:v59+s23+$0x0], $0xffff;
	[tilespmem:v61+s1+$0x0] =	vst.idx.msk $0xffff, v60  }
0x405: {  	v58 =	vor.u32 s16, v21;
	v59 =	vor.u32 s4, v20;
	[tilespmem:v63+s1+$0x0] =	vst.idx.msk $0xffff, v62;
	v31 =	vld.idx.msk [tilespmem:v31+s23+$0x0], $0xffff  }
0x406: {  	[tilespmem:v50+s1+$0x0] =	vst.idx.msk $0xffff, v48;
	v60 =	vor.u32 s0, v20;
	v61 =	vor.u32 s7, v21;
	v32 =	vld.idx.msk [tilespmem:v51+s23+$0x0], $0xffff  }
0x407: {  	v48 =	vor.u32 s22, v21;
	v62 =	vld.idx.msk [tilespmem:v52+s23+$0x0], $0xffff;
	v63 =	vor.u32 s8, v22;
	[tilespmem:v53+s1+$0x0] =	vst.idx.msk $0xffff, v34  }
0x408: {  	v49 =	vor.u32 s10, v30;
	v37 =	vld.idx.msk [tilespmem:v54+s23+$0x0], $0xffff;
	v50 =	vor.u32 s9, v23;
	[tilespmem:v55+s1+$0x0] =	vst.idx.msk $0xffff, v33  }
0x409: {  	v52 =	vor.u32 s11, v22;
	v51 =	vor.u32 s6, v23;
	v35 =	vld.idx.msk [tilespmem:v57+s23+$0x0], $0xffff;
	[tilespmem:v56+s1+$0x0] =	vst.idx.msk $0xffff, v39  }
0x40a: {  	v54 =	vor.u32 s28, v23;
	v53 =	vor.u32 s26, v22;
	v38 =	vld.idx.msk [tilespmem:v58+s23+$0x0], $0xffff;
	[tilespmem:v59+s1+$0x0] =	vst.idx.msk $0xffff, v31  }
0x40b: {  	v56 =	vor.u32 s4, v22;
	v31 =	vor.u32 s16, v23;
	[tilespmem:v60+s1+$0x0] =	vst.idx.msk $0xffff, v32;
	v55 =	vld.idx.msk [tilespmem:v61+s23+$0x0], $0xffff  }
0x40c: {  	v57 =	vor.u32 s0, v22;
	[tilespmem:v63+s1+$0x0] =	vst.idx.msk $0xffff, v62;
	v58 =	vor.u32 s7, v23;
	v34 =	vld.idx.msk [tilespmem:v48+s23+$0x0], $0xffff  }
0x40d: {  	[tilespmem:v49+s1+$0x0] =	vst.idx.msk $0xffff, v37;
	v59 =	vld.idx.msk [tilespmem:v50+s23+$0x0], $0xffff;
	v60 =	vor.u32 s8, v24;
	v61 =	vor.u32 s22, v23  }
0x40e: {  	v62 =	vor.u32 s12, v24;
	v63 =	vor.u32 s9, v25;
	v33 =	vld.idx.msk [tilespmem:v51+s23+$0x0], $0xffff;
	[tilespmem:v52+s1+$0x0] =	vst.idx.msk $0xffff, v35  }
0x40f: {  	v50 =	vor.u32 s11, v24;
	v48 =	vor.u32 s6, v25;
	v49 =	vld.idx.msk [tilespmem:v54+s23+$0x0], $0xffff;
	[tilespmem:v53+s1+$0x0] =	vst.idx.msk $0xffff, v38  }
0x410: {  	v51 =	vor.u32 s26, v24;
	v52 =	vor.u32 s28, v25;
	v31 =	vld.idx.msk [tilespmem:v31+s23+$0x0], $0xffff;
	[tilespmem:v56+s1+$0x0] =	vst.idx.msk $0xffff, v55  }
0x411: {  	v53 =	vor.u32 s16, v25;
	[tilespmem:v57+s1+$0x0] =	vst.idx.msk $0xffff, v34;
	v55 =	vor.u32 s4, v24;
	v54 =	vld.idx.msk [tilespmem:v58+s23+$0x0], $0xffff  }
0x412: {  	[tilespmem:v60+s1+$0x0] =	vst.idx.msk $0xffff, v59;
	v57 =	vor.u32 s0, v24;
	v56 =	vld.idx.msk [tilespmem:v61+s23+$0x0], $0xffff;
	v58 =	vor.u32 s7, v25  }
0x413: {  	[tilespmem:v62+s1+$0x0] =	vst.idx.msk $0xffff, v33;
	v60 =	vor.u32 s8, v26;
	v59 =	vld.idx.msk [tilespmem:v63+s23+$0x0], $0xffff;
	v61 =	vor.u32 s22, v25  }
0x414: {  	v62 =	vor.u32 s12, v26;
	v35 =	vld.idx.msk [tilespmem:v48+s23+$0x0], $0xffff;
	v63 =	vor.u32 s9, v27;
	[tilespmem:v50+s1+$0x0] =	vst.idx.msk $0xffff, v49  }
0x415: {  	v48 =	vor.u32 s6, v27;
	v49 =	vor.u32 s11, v26;
	[tilespmem:v51+s1+$0x0] =	vst.idx.msk $0xffff, v31;
	v31 =	vld.idx.msk [tilespmem:v52+s23+$0x0], $0xffff  }
0x416: {  	v50 =	vor.u32 s26, v26;
	v51 =	vor.u32 s28, v27;
	v32 =	vld.idx.msk [tilespmem:v53+s23+$0x0], $0xffff;
	[tilespmem:v55+s1+$0x0] =	vst.idx.msk $0xffff, v54  }
0x417: {  	v52 =	vor.u32 s16, v27;
	v53 =	vor.u32 s4, v26;
	[tilespmem:v57+s1+$0x0] =	vst.idx.msk $0xffff, v56;
	v36 =	vld.idx.msk [tilespmem:v58+s23+$0x0], $0xffff  }
0x418: {  	[tilespmem:v60+s1+$0x0] =	vst.idx.msk $0xffff, v59;
	v55 =	vor.u32 s0, v26;
	v56 =	vor.u32 s7, v27;
	v54 =	vld.idx.msk [tilespmem:v61+s23+$0x0], $0xffff  }
0x419: {  	[tilespmem:v62+s1+$0x0] =	vst.idx.msk $0xffff, v35;
	v59 =	vor.u32 s22, v27;
	v57 =	vld.idx.msk [tilespmem:v63+s23+$0x0], $0xffff;
	v58 =	vor.u32 s8, v28  }
0x41a: {  	v60 =	vor.u32 s9, v29;
	v38 =	vld.idx.msk [tilespmem:v48+s23+$0x0], $0xffff;
	v61 =	vor.u32 s12, v28;
	[tilespmem:v49+s1+$0x0] =	vst.idx.msk $0xffff, v31  }
0x41b: {  	v63 =	vor.u32 s11, v28;
	v31 =	vor.u32 s6, v29;
	[tilespmem:v50+s1+$0x0] =	vst.idx.msk $0xffff, v32;
	v62 =	vld.idx.msk [tilespmem:v51+s23+$0x0], $0xffff  }
0x41c: {  	v48 =	vor.u32 s28, v29;
	v49 =	vor.u32 s26, v28;
	v34 =	vld.idx.msk [tilespmem:v52+s23+$0x0], $0xffff;
	[tilespmem:v53+s1+$0x0] =	vst.idx.msk $0xffff, v36  }
0x41d: {  	v50 =	vor.u32 s16, v29;
	v52 =	vor.u32 s4, v28;
	[tilespmem:v55+s1+$0x0] =	vst.idx.msk $0xffff, v54;
	v51 =	vld.idx.msk [tilespmem:v56+s23+$0x0], $0xffff  }
0x41e: {  	[tilespmem:v58+s1+$0x0] =	vst.idx.msk $0xffff, v57;
	v53 =	vor.u32 s7, v29;
	v54 =	vor.u32 s0, v28;
	v40 =	vld.idx.msk [tilespmem:v59+s23+$0x0], $0xffff  }
0x41f: {  	[tilespmem:v61+s1+$0x0] =	vst.idx.msk $0xffff, v38;
	v57 =	vor.u32 s22, v29;
	v55 =	vld.idx.msk [tilespmem:v60+s23+$0x0], $0xffff;
	v56 =	vor.u32 s8, v30  }
0x420: {  	v58 =	vor.u32 s12, v30;
	v31 =	vld.idx.msk [tilespmem:v31+s23+$0x0], $0xffff;
	[tilespmem:v63+s1+$0x0] =	vst.idx.msk $0xffff, v62  }
0x421: {  	v59 =	vor.u32 s11, v30;
	[tilespmem:v49+s1+$0x0] =	vst.idx.msk $0xffff, v34;
	v32 =	vld.idx.msk [tilespmem:v48+s23+$0x0], $0xffff  }
0x422: {  	v60 =	vor.u32 s26, v30;
	v36 =	vld.idx.msk [tilespmem:v50+s23+$0x0], $0xffff;
	[tilespmem:v52+s1+$0x0] =	vst.idx.msk $0xffff, v51  }
0x423: {  	v61 =	vor.u32 s4, v30;
	[tilespmem:v54+s1+$0x0] =	vst.idx.msk $0xffff, v40;
	v33 =	vld.idx.msk [tilespmem:v53+s23+$0x0], $0xffff  }
0x424: {  	v63 =	vor.u32 s0, v30;
	[tilespmem:v56+s1+$0x0] =	vst.idx.msk $0xffff, v55;
	v62 =	vld.idx.msk [tilespmem:v57+s23+$0x0], $0xffff  }
0x425: {  	[tilespmem:v58+s1+$0x0] =	vst.idx.msk $0xffff, v31  }
0x426: {  	[tilespmem:v59+s1+$0x0] =	vst.idx.msk $0xffff, v32  }
0x427: {  	[tilespmem:v60+s1+$0x0] =	vst.idx.msk $0xffff, v36  }
0x428: {  	s2 =	simm.s32 @!p0 $0x80;
	s31 =	simm.s32 $0x7;
	s13 =	sadd.s32 $0x1, s13;
	[tilespmem:v61+s1+$0x0] =	vst.idx.msk $0xffff, v33  }
0x429: {  	s3 =	simm.s32 @!p0 $0xDC00;
	s4 =	rddreg [dreg:$0x2];
	s0 =	sadd.s32 @!p0 $0x380, s15;
	[tilespmem:v63+s1+$0x0] =	vst.idx.msk $0xffff, v62  }
0x42a: {  	[tilespmem:s3], [sflag:$0x5] =	stream.indirect.gather @!p0 [hbm4b:s4+s2], $0x80, s0, s2, $0xb8;
	[tilespmem:$0x1DC00] =	vst v63  }
0x42b: {  	p0 =	sne.s32 s13, $0xC;
	_ =	swait.ge [sflag:s31], $0x2000  }
.Ltmp4:
0x42c: {  	[sflag:s31] =	ssyncset.done $0x0;
	(pc) =	sbr.rel @p0 .LBB2_2-.Ltmp4, $4  }
0x42d: {  	[sflag:s31] =	ssyncadd.s32 $0xFFFFE000  }
0x42e: {  	s0 =	rddreg [dreg:$0x3]  }
0x42f: {  	s28 =	simm.s32 $0x190000;
	s0 =	sadd.s32 s0, s14;
	s14 =	simm.s32 $0x400  }
0x430: {  	[hbm4b:s0+s14] =	stream.strided.scatter [tilespmem:s1], [sflag:$0x9], $0x6000, s28, s14, $0x38;
	[tilespmem:$0x1DC00] =	vst v63  }
0x431: {  	s0 =	simm.s32 $0x8  }
0x432: {  	_ =	swait.ge [sflag:s0], $0x6000  }
0x433: {  	s9 =	simm.s32 $0x0;
	[sflag:s0] =	ssyncset.done $0x0  }
0x434: {  	[sflag:s0] =	ssyncadd.s32 $0xFFFFA000;
	s0 =	sand.u32 $0x6, s9  }
0x435: {  	s10 =	sor.u32 $0x1, s0  }
0x436: {  	s3 =	simm.s32 $0x0;
	s4 =	sshll.u32 s10, $0x4  }
0x437: {  	s2 =	simm.s32 $0x15C00;
	s11 =	sshll.u32 s0, $0x4;
	s5 =	sor.u32 s3, s4  }
0x438: {  	s12 =	simm.s32 $0x2;
	s8 =	rddreg [dreg:$0xa];
	s3 =	sor.u32 s11, s3;
	v31 =	vor.u32 s5, v0  }
0x439: {  	[tilespmem:s2], [sflag:$0x6] =	stream.strided.gather [hbm4b:s8+s14], $0x2000, s28, s14, $0x38;
	v32 =	vor.u32 s3, v0;
	[tilespmem:$0x1DC00] =	vst v63  }
0x43a: {  	_ =	swait.ge [sflag:s12], $0x4000  }
0x43b: {  	s2 =	sshll.u32 s10, $0xB;
	[sflag:s12] =	ssyncset.done $0x0  }
0x43c: {  	s0 =	sshll.u32 s0, $0xB;
	s10 =	sadd.s32 $0x0, s2;
	[sflag:s12] =	ssyncadd.s32 $0xFFFFC000  }
0x43d: {  	s15 =	sadd.s32 $0x0, s0;
	v33 =	vor.u32 s10, v0;
	v31 =	vld.idx.msk [tilespmem:v31+s18+$0x0], $0xffff  }
0x43e: {  	v35 =	vor.u32 s15, v0;
	v34 =	vor.u32 s5, v1;
	v32 =	vld.idx.msk [tilespmem:v32+s18+$0x0], $0xffff  }
0x43f: {  	v36 =	vor.u32 s3, v1;
	_ =	sdelay $0x2  }
0x440: {  	[tilespmem:v33+s29+$0x0] =	vst.idx.msk $0xffff, v31  }
0x441: {  	v63 =	vor.u32 s10, v2;
	[tilespmem:v35+s29+$0x0] =	vst.idx.msk $0xffff, v32;
	v31 =	vld.idx.msk [tilespmem:v34+s18+$0x0], $0xffff  }
0x442: {  	v42 =	vor.u32 s15, v2;
	v40 =	vor.u32 s5, v3;
	v41 =	vld.idx.msk [tilespmem:v36+s18+$0x0], $0xffff  }
0x443: {  	v43 =	vor.u32 s3, v3;
	_ =	sdelay $0x1  }
0x444: {  	s13 =	simm.s32 $0x2  }
0x445: {  	s0 =	sand.u32 $0x6, s13;
	[tilespmem:v63+s29+$0x0] =	vst.idx.msk $0xffff, v31  }
0x446: {  	s14 =	sor.u32 $0x1, s0;
	v31 =	vor.u32 s10, v4;
	[tilespmem:v42+s29+$0x0] =	vst.idx.msk $0xffff, v41;
	v32 =	vld.idx.msk [tilespmem:v40+s18+$0x0], $0xffff  }
0x447: {  	s16 =	simm.s32 $0x0;
	v45 =	vor.u32 s15, v4;
	v44 =	vor.u32 s5, v5;
	s6 =	sshll.u32 s14, $0x4;
	v34 =	vld.idx.msk [tilespmem:v43+s18+$0x0], $0xffff  }
0x448: {  	v46 =	vor.u32 s3, v5;
	s6 =	sor.u32 s16, s6  }
0x449: {  	v37 =	vor.u32 s6, v0;
	_ =	sdelay $0x1  }
0x44a: {  	[tilespmem:v31+s29+$0x0] =	vst.idx.msk $0xffff, v32  }
0x44b: {  	v47 =	vor.u32 s10, v6;
	s2 =	sshll.u32 s14, $0xB;
	[tilespmem:v45+s29+$0x0] =	vst.idx.msk $0xffff, v34;
	v31 =	vld.idx.msk [tilespmem:v44+s18+$0x0], $0xffff  }
0x44c: {  	v49 =	vor.u32 s15, v6;
	v48 =	vor.u32 s5, v7;
	s12 =	sadd.s32 $0x0, s2;
	v34 =	vld.idx.msk [tilespmem:v46+s18+$0x0], $0xffff  }
0x44d: {  	v38 =	vor.u32 s3, v7;
	v51 =	vor.u32 s12, v0;
	v50 =	vld.idx.msk [tilespmem:v37+s18+$0x0], $0xffff  }
0x44e: {  	s17 =	sshll.u32 s0, $0x4;
	v39 =	vor.u32 s6, v1  }
0x44f: {  	s9 =	sor.u32 s17, s16  }
0x450: {  	[tilespmem:v47+s29+$0x0] =	vst.idx.msk $0xffff, v31;
	v31 =	vor.u32 s9, v0  }
0x451: {  	v52 =	vor.u32 s10, v8;
	[tilespmem:v49+s29+$0x0] =	vst.idx.msk $0xffff, v34;
	v32 =	vld.idx.msk [tilespmem:v48+s18+$0x0], $0xffff  }
0x452: {  	v53 =	vor.u32 s15, v8;
	[tilespmem:v51+s29+$0x0] =	vst.idx.msk $0xffff, v50;
	v40 =	vor.u32 s5, v9;
	v34 =	vld.idx.msk [tilespmem:v38+s18+$0x0], $0xffff  }
0x453: {  	s0 =	sshll.u32 s0, $0xB;
	v55 =	vor.u32 s3, v9;
	v54 =	vor.u32 s12, v2;
	v36 =	vld.idx.msk [tilespmem:v39+s18+$0x0], $0xffff  }
0x454: {  	s8 =	sadd.s32 $0x0, s0;
	v56 =	vor.u32 s6, v3  }
0x455: {  	v57 =	vor.u32 s8, v0;
	v31 =	vld.idx.msk [tilespmem:v31+s18+$0x0], $0xffff  }
0x456: {  	v58 =	vor.u32 s9, v1;
	[tilespmem:v52+s29+$0x0] =	vst.idx.msk $0xffff, v32  }
0x457: {  	v41 =	vor.u32 s10, v10;
	[tilespmem:v53+s29+$0x0] =	vst.idx.msk $0xffff, v34;
	v33 =	vld.idx.msk [tilespmem:v40+s18+$0x0], $0xffff  }
0x458: {  	v59 =	vor.u32 s15, v10;
	v42 =	vor.u32 s5, v11;
	[tilespmem:v54+s29+$0x0] =	vst.idx.msk $0xffff, v36;
	v34 =	vld.idx.msk [tilespmem:v55+s18+$0x0], $0xffff  }
0x459: {  	v61 =	vor.u32 s3, v11;
	v60 =	vor.u32 s12, v4;
	v37 =	vld.idx.msk [tilespmem:v56+s18+$0x0], $0xffff  }
0x45a: {  	[tilespmem:v57+s29+$0x0] =	vst.idx.msk $0xffff, v31;
	v31 =	vor.u32 s6, v5  }
0x45b: {  	s20 =	simm.s32 $0x4;
	v62 =	vor.u32 s8, v2;
	v32 =	vld.idx.msk [tilespmem:v58+s18+$0x0], $0xffff  }
0x45c: {  	s0 =	sand.u32 $0x6, s20;
	v46 =	vor.u32 s9, v3;
	[tilespmem:v41+s29+$0x0] =	vst.idx.msk $0xffff, v33  }
0x45d: {  	s22 =	sor.u32 $0x1, s0;
	v45 =	vor.u32 s10, v12;
	[tilespmem:v59+s29+$0x0] =	vst.idx.msk $0xffff, v34;
	v63 =	vld.idx.msk [tilespmem:v42+s18+$0x0], $0xffff  }
0x45e: {  	s24 =	simm.s32 $0x0;
	s7 =	sshll.u32 s22, $0x4;
	[tilespmem:v60+s29+$0x0] =	vst.idx.msk $0xffff, v37;
	v47 =	vor.u32 s5, v13;
	v48 =	vor.u32 s15, v12;
	v34 =	vld.idx.msk [tilespmem:v61+s18+$0x0], $0xffff  }
0x45f: {  	s13 =	sor.u32 s24, s7;
	v50 =	vor.u32 s3, v13;
	v49 =	vor.u32 s12, v6;
	v31 =	vld.idx.msk [tilespmem:v31+s18+$0x0], $0xffff  }
0x460: {  	v52 =	vor.u32 s13, v0;
	[tilespmem:v62+s29+$0x0] =	vst.idx.msk $0xffff, v32  }
0x461: {  	v51 =	vor.u32 s6, v7;
	v53 =	vor.u32 s8, v4;
	v33 =	vld.idx.msk [tilespmem:v46+s18+$0x0], $0xffff  }
0x462: {  	v55 =	vor.u32 s9, v5;
	[tilespmem:v45+s29+$0x0] =	vst.idx.msk $0xffff, v63  }
0x463: {  	s2 =	sshll.u32 s22, $0xB;
	v54 =	vor.u32 s10, v14;
	[tilespmem:v48+s29+$0x0] =	vst.idx.msk $0xffff, v34;
	v40 =	vld.idx.msk [tilespmem:v47+s18+$0x0], $0xffff  }
0x464: {  	s14 =	sadd.s32 $0x0, s2;
	v43 =	vor.u32 s5, v15;
	v56 =	vor.u32 s15, v14;
	[tilespmem:v49+s29+$0x0] =	vst.idx.msk $0xffff, v31;
	v31 =	vld.idx.msk [tilespmem:v50+s18+$0x0], $0xffff  }
0x465: {  	v60 =	vor.u32 s14, v0;
	v59 =	vor.u32 s3, v15;
	v32 =	vld.idx.msk [tilespmem:v52+s18+$0x0], $0xffff  }
0x466: {  	v58 =	vor.u32 s12, v8;
	v61 =	vor.u32 s13, v1;
	v57 =	vld.idx.msk [tilespmem:v51+s18+$0x0], $0xffff;
	[tilespmem:v53+s29+$0x0] =	vst.idx.msk $0xffff, v33  }
0x467: {  	s25 =	sshll.u32 s0, $0x4;
	v44 =	vor.u32 s6, v9;
	v62 =	vor.u32 s8, v6;
	v39 =	vld.idx.msk [tilespmem:v55+s18+$0x0], $0xffff  }
0x468: {  	s16 =	sor.u32 s25, s24;
	v48 =	vor.u32 s9, v7;
	[tilespmem:v54+s29+$0x0] =	vst.idx.msk $0xffff, v40  }
0x469: {  	v63 =	vor.u32 s10, v16;
	v41 =	vld.idx.msk [tilespmem:v43+s18+$0x0], $0xffff;
	[tilespmem:v56+s29+$0x0] =	vst.idx.msk $0xffff, v31;
	v31 =	vor.u32 s16, v0  }
0x46a: {  	v45 =	vor.u32 s5, v17;
	v49 =	vor.u32 s15, v16;
	[tilespmem:v60+s29+$0x0] =	vst.idx.msk $0xffff, v32;
	v34 =	vld.idx.msk [tilespmem:v59+s18+$0x0], $0xffff  }
0x46b: {  	v51 =	vor.u32 s3, v17;
	v33 =	vld.idx.msk [tilespmem:v61+s18+$0x0], $0xffff;
	v53 =	vor.u32 s14, v2;
	[tilespmem:v58+s29+$0x0] =	vst.idx.msk $0xffff, v57  }
0x46c: {  	s0 =	sshll.u32 s0, $0xB;
	v50 =	vor.u32 s12, v10;
	v54 =	vor.u32 s13, v3;
	v36 =	vld.idx.msk [tilespmem:v44+s18+$0x0], $0xffff;
	[tilespmem:v62+s29+$0x0] =	vst.idx.msk $0xffff, v39  }
0x46d: {  	s11 =	sadd.s32 $0x0, s0;
	v52 =	vor.u32 s6, v11;
	v55 =	vor.u32 s8, v8;
	v40 =	vld.idx.msk [tilespmem:v48+s18+$0x0], $0xffff  }
0x46e: {  	v46 =	vor.u32 s11, v0;
	v57 =	vor.u32 s9, v9;
	[tilespmem:v63+s29+$0x0] =	vst.idx.msk $0xffff, v41;
	v31 =	vld.idx.msk [tilespmem:v31+s18+$0x0], $0xffff  }
0x46f: {  	v58 =	vor.u32 s10, v18;
	v59 =	vor.u32 s16, v1;
	v56 =	vld.idx.msk [tilespmem:v45+s18+$0x0], $0xffff;
	[tilespmem:v49+s29+$0x0] =	vst.idx.msk $0xffff, v34  }
0x470: {  	v47 =	vor.u32 s5, v19;
	v61 =	vor.u32 s15, v18;
	[tilespmem:v53+s29+$0x0] =	vst.idx.msk $0xffff, v33;
	v60 =	vld.idx.msk [tilespmem:v51+s18+$0x0], $0xffff  }
0x471: {  	v62 =	vor.u32 s3, v19;
	v39 =	vld.idx.msk [tilespmem:v54+s18+$0x0], $0xffff;
	v49 =	vor.u32 s14, v4;
	[tilespmem:v50+s29+$0x0] =	vst.idx.msk $0xffff, v36  }
0x472: {  	s2 =	simm.s32 $0x6;
	v48 =	vor.u32 s12, v12;
	v63 =	vld.idx.msk [tilespmem:v52+s18+$0x0], $0xffff;
	v52 =	vor.u32 s13, v5;
	[tilespmem:v55+s29+$0x0] =	vst.idx.msk $0xffff, v40  }
0x473: {  	s26 =	sand.u32 $0x6, s2;
	v53 =	vor.u32 s8, v10;
	v50 =	vor.u32 s6, v13;
	v51 =	vld.idx.msk [tilespmem:v57+s18+$0x0], $0xffff;
	[tilespmem:v46+s29+$0x0] =	vst.idx.msk $0xffff, v31  }
0x474: {  	s30 =	sor.u32 $0x1, s26;
	v54 =	vor.u32 s9, v11;
	v57 =	vor.u32 s11, v2;
	[tilespmem:v58+s29+$0x0] =	vst.idx.msk $0xffff, v56;
	v34 =	vld.idx.msk [tilespmem:v59+s18+$0x0], $0xffff  }
0x475: {  	s31 =	simm.s32 $0x0;
	s17 =	sshll.u32 s30, $0x4;
	v55 =	vor.u32 s10, v20;
	v31 =	vld.idx.msk [tilespmem:v47+s18+$0x0], $0xffff;
	[tilespmem:v61+s29+$0x0] =	vst.idx.msk $0xffff, v60;
	v60 =	vor.u32 s16, v3  }
0x476: {  	s17 =	sor.u32 s31, s17;
	v56 =	vor.u32 s5, v21;
	[tilespmem:v49+s29+$0x0] =	vst.idx.msk $0xffff, v39;
	v58 =	vld.idx.msk [tilespmem:v62+s18+$0x0], $0xffff  }
0x477: {  	v59 =	vor.u32 s15, v20;
	[tilespmem:v48+s29+$0x0] =	vst.idx.msk $0xffff, v63;
	v62 =	vor.u32 s17, v0;
	v63 =	vld.idx.msk [tilespmem:v52+s18+$0x0], $0xffff  }
0x478: {  	s20 =	sshll.u32 s26, $0x4;
	v61 =	vor.u32 s3, v21;
	v48 =	vor.u32 s14, v6;
	v37 =	vld.idx.msk [tilespmem:v50+s18+$0x0], $0xffff;
	[tilespmem:v53+s29+$0x0] =	vst.idx.msk $0xffff, v51  }
0x479: {  	s7 =	sor.u32 s20, s31;
	v50 =	vor.u32 s13, v7;
	v51 =	vor.u32 s8, v12;
	v49 =	vld.idx.msk [tilespmem:v54+s18+$0x0], $0xffff;
	[tilespmem:v57+s29+$0x0] =	vst.idx.msk $0xffff, v34  }
0x47a: {  	v54 =	vor.u32 s7, v0;
	[tilespmem:v55+s29+$0x0] =	vst.idx.msk $0xffff, v31;
	v31 =	vor.u32 s12, v14;
	v36 =	vld.idx.msk [tilespmem:v60+s18+$0x0], $0xffff  }
0x47b: {  	v53 =	vor.u32 s9, v13;
	v55 =	vor.u32 s11, v4;
	v44 =	vld.idx.msk [tilespmem:v56+s18+$0x0], $0xffff  }
0x47c: {  	v52 =	vor.u32 s6, v15;
	[tilespmem:v59+s29+$0x0] =	vst.idx.msk $0xffff, v58;
	v56 =	vor.u32 s10, v22;
	v39 =	vld.idx.msk [tilespmem:v62+s18+$0x0], $0xffff  }
0x47d: {  	v57 =	vor.u32 s16, v5;
	[tilespmem:v48+s29+$0x0] =	vst.idx.msk $0xffff, v63;
	v59 =	vor.u32 s15, v22;
	v38 =	vld.idx.msk [tilespmem:v61+s18+$0x0], $0xffff  }
0x47e: {  	v60 =	vor.u32 s3, v23;
	v58 =	vld.idx.msk [tilespmem:v50+s18+$0x0], $0xffff;
	v61 =	vor.u32 s14, v8;
	[tilespmem:v51+s29+$0x0] =	vst.idx.msk $0xffff, v49  }
0x47f: {  	s0 =	sshll.u32 s30, $0xB;
	v62 =	vor.u32 s13, v9;
	v33 =	vld.idx.msk [tilespmem:v54+s18+$0x0], $0xffff;
	[tilespmem:v31+s29+$0x0] =	vst.idx.msk $0xffff, v37  }
0x480: {  	s0 =	sadd.s32 $0x0, s0;
	v42 =	vor.u32 s5, v25;
	v63 =	vor.u32 s8, v14;
	v31 =	vor.u32 s5, v23;
	v45 =	vld.idx.msk [tilespmem:v53+s18+$0x0], $0xffff;
	[tilespmem:v55+s29+$0x0] =	vst.idx.msk $0xffff, v36  }
0x481: {  	v49 =	vor.u32 s0, v0;
	v55 =	vor.u32 s9, v15;
	v34 =	vld.idx.msk [tilespmem:v52+s18+$0x0], $0xffff;
	[tilespmem:v56+s29+$0x0] =	vst.idx.msk $0xffff, v44  }
0x482: {  	v48 =	vor.u32 s12, v16;
	v40 =	vld.idx.msk [tilespmem:v57+s18+$0x0], $0xffff;
	v56 =	vor.u32 s17, v1;
	[tilespmem:v59+s29+$0x0] =	vst.idx.msk $0xffff, v38  }
0x483: {  	v50 =	vor.u32 s11, v6;
	v54 =	vor.u32 s6, v17;
	[tilespmem:v61+s29+$0x0] =	vst.idx.msk $0xffff, v58;
	v43 =	vld.idx.msk [tilespmem:v60+s18+$0x0], $0xffff  }
0x484: {  	v41 =	vor.u32 s6, v19;
	v57 =	vor.u32 s16, v7;
	v51 =	vld.idx.msk [tilespmem:v62+s18+$0x0], $0xffff;
	v60 =	vor.u32 s15, v24  }
0x485: {  	s4 =	sshll.u32 s26, $0xB;
	v47 =	vor.u32 s14, v12;
	v61 =	vor.u32 s14, v10;
	v62 =	vor.u32 s3, v25;
	v38 =	vld.idx.msk [tilespmem:v31+s18+$0x0], $0xffff;
	[tilespmem:v63+s29+$0x0] =	vst.idx.msk $0xffff, v45  }
0x486: {  	s4 =	sadd.s32 $0x0, s4;
	v58 =	vor.u32 s10, v24;
	[tilespmem:v49+s29+$0x0] =	vst.idx.msk $0xffff, v39;
	v63 =	vor.u32 s13, v11;
	v44 =	vld.idx.msk [tilespmem:v55+s18+$0x0], $0xffff  }
0x487: {  	v53 =	vor.u32 s0, v2;
	v59 =	vor.u32 s4, v0;
	[tilespmem:v48+s29+$0x0] =	vst.idx.msk $0xffff, v34;
	v46 =	vld.idx.msk [tilespmem:v56+s18+$0x0], $0xffff  }
0x488: {  	v52 =	vor.u32 s8, v16;
	v48 =	vor.u32 s7, v1;
	[tilespmem:v50+s29+$0x0] =	vst.idx.msk $0xffff, v40;
	v35 =	vld.idx.msk [tilespmem:v54+s18+$0x0], $0xffff  }
0x489: {  	v32 =	vor.u32 s9, v19;
	v36 =	vor.u32 s3, v27;
	v55 =	vor.u32 s9, v17;
	v54 =	vld.idx.msk [tilespmem:v57+s18+$0x0], $0xffff;
	[tilespmem:v60+s29+$0x0] =	vst.idx.msk $0xffff, v43  }
0x48a: {  	v56 =	vor.u32 s17, v3;
	v57 =	vor.u32 s11, v8;
	[tilespmem:v61+s29+$0x0] =	vst.idx.msk $0xffff, v51;
	v39 =	vld.idx.msk [tilespmem:v62+s18+$0x0], $0xffff  }
0x48b: {  	v49 =	vor.u32 s12, v18;
	v50 =	vor.u32 s16, v9;
	[tilespmem:v58+s29+$0x0] =	vst.idx.msk $0xffff, v38;
	v45 =	vld.idx.msk [tilespmem:v63+s18+$0x0], $0xffff  }
0x48c: {  	v31 =	vor.u32 s7, v19;
	v34 =	vor.u32 s0, v4;
	[tilespmem:v59+s29+$0x0] =	vst.idx.msk $0xffff, v33;
	v42 =	vld.idx.msk [tilespmem:v42+s18+$0x0], $0xffff  }
0x48d: {  	v40 =	vor.u32 s5, v27;
	v37 =	vld.idx.msk [tilespmem:v48+s18+$0x0], $0xffff;
	v48 =	vor.u32 s10, v26;
	[tilespmem:v52+s29+$0x0] =	vst.idx.msk $0xffff, v44  }
0x48e: {  	v33 =	vor.u32 s16, v19;
	v44 =	vor.u32 s15, v26;
	[tilespmem:v53+s29+$0x0] =	vst.idx.msk $0xffff, v46;
	v38 =	vld.idx.msk [tilespmem:v55+s18+$0x0], $0xffff  }
0x48f: {  	v43 =	vor.u32 s8, v18;
	v46 =	vor.u32 s13, v13;
	v51 =	vld.idx.msk [tilespmem:v56+s18+$0x0], $0xffff;
	[tilespmem:v57+s29+$0x0] =	vst.idx.msk $0xffff, v54  }
.LBB2_12:
0x490: {  	v50 =	vld.idx.msk [tilespmem:v50+s18+$0x0], $0xffff  }
0x491: {  	s2 =	sadd.s32 $0x2, s2;
	[tilespmem:v49+s29+$0x0] =	vst.idx.msk $0xffff, v35;
	v35 =	vor.u32 s17, v5;
	v49 =	vor.u32 s11, v10;
	v54 =	vor.u32 s4, v2  }
0x492: {  	s20 =	sshrl.u32 s2, $0x3;
	s22 =	sand.u32 $0x6, s2;
	p0 =	slt.u32 s2, $0x3E;
	v41 =	vld.idx.msk [tilespmem:v41+s18+$0x0], $0xffff;
	[tilespmem:v48+s29+$0x0] =	vst.idx.msk $0xffff, v42;
	v42 =	vor.u32 s16, v11;
	v48 =	vor.u32 s12, v20  }
0x493: {  	s24 =	sshll.u32 s22, $0x4;
	s25 =	sshll.u32 s20, $0xB;
	s26 =	sor.u32 $0x1, s22;
	[tilespmem:v44+s29+$0x0] =	vst.idx.msk $0xffff, v39;
	v39 =	vor.u32 s3, v29;
	v40 =	vld.idx.msk [tilespmem:v40+s18+$0x0], $0xffff;
	v44 =	vor.u32 s6, v21  }
0x494: {  	s24 =	sor.u32 s24, s25;
	s3 =	sshll.u32 s26, $0x4;
	s26 =	sshll.u32 s26, $0xB;
	[tilespmem:v47+s29+$0x0] =	vst.idx.msk $0xffff, v45;
	v36 =	vld.idx.msk [tilespmem:v36+s18+$0x0], $0xffff;
	v45 =	vor.u32 s10, v28;
	v47 =	vor.u32 s5, v29  }
0x495: {  	s5 =	sshll.u32 s20, $0x4;
	s20 =	sshll.u32 s22, $0xB;
	v52 =	vor.u32 s24, v0;
	v53 =	vor.u32 s24, v19;
	s25 =	sor.u32 s25, s3;
	v46 =	vld.idx.msk [tilespmem:v46+s18+$0x0], $0xffff;
	[tilespmem:v43+s29+$0x0] =	vst.idx.msk $0xffff, v38;
	v38 =	vor.u32 s15, v28  }
0x496: {  	v55 =	vor.u32 s8, v20;
	s20 =	sadd.s32 s5, s20;
	s22 =	sadd.s32 s5, s26;
	s3 =	smov.u32 s9;
	v43 =	vor.u32 s25, v0;
	[tilespmem:v34+s29+$0x0] =	vst.idx.msk $0xffff, v51;
	v51 =	vld.idx.msk [tilespmem:v32+s18+$0x0], $0xffff;
	v32 =	vmov v33  }
0x497: {  	v56 =	vor.u32 s7, v3;
	s9 =	smov.u32 s16;
	s16 =	smov.u32 s7;
	s7 =	smov.u32 s24;
	v34 =	vor.u32 s22, v4;
	v33 =	vmovc v31;
	v31 =	vmov v53;
	v35 =	vld.idx.msk [tilespmem:v35+s18+$0x0], $0xffff;
	[tilespmem:v49+s29+$0x0] =	vst.idx.msk $0xffff, v50  }
0x498: {  	s5 =	smov.u32 s6;
	s6 =	smov.u32 s13;
	s13 =	smov.u32 s17;
	v49 =	vor.u32 s0, v6;
	v50 =	vor.u32 s3, v21;
	v42 =	vld.idx.msk [tilespmem:v42+s18+$0x0], $0xffff;
	[tilespmem:v48+s29+$0x0] =	vst.idx.msk $0xffff, v41  }
0x499: {  	s17 =	smov.u32 s25;
	v41 =	vor.u32 s14, v14;
	v44 =	vld.idx.msk [tilespmem:v44+s18+$0x0], $0xffff;
	[tilespmem:v45+s29+$0x0] =	vst.idx.msk $0xffff, v40  }
0x49a: {  	v40 =	vor.u32 s13, v7;
	v45 =	vor.u32 s12, v22;
	[tilespmem:v38+s29+$0x0] =	vst.idx.msk $0xffff, v36;
	v36 =	vld.idx.msk [tilespmem:v47+s18+$0x0], $0xffff  }
0x49b: {  	v38 =	vor.u32 s6, v15;
	[tilespmem:v54+s29+$0x0] =	vst.idx.msk $0xffff, v37;
	v37 =	vor.u32 s11, v12;
	v39 =	vld.idx.msk [tilespmem:v39+s18+$0x0], $0xffff  }
0x49c: {  	v47 =	vld.idx.msk [tilespmem:v56+s18+$0x0], $0xffff;
	[tilespmem:v55+s29+$0x0] =	vst.idx.msk $0xffff, v51;
	v51 =	vor.u32 s15, v30;
	s15 =	smov.u32 s8;
	s8 =	smov.u32 s11;
	s11 =	smov.u32 s4  }
0x49d: {  	v48 =	vor.u32 s9, v13;
	v53 =	vor.u32 s11, v4  }
0x49e: {  	s4 =	smov.u32 s20;
	[tilespmem:v49+s29+$0x0] =	vst.idx.msk $0xffff, v35;
	v35 =	vld.idx.msk [tilespmem:v50+s18+$0x0], $0xffff;
	v49 =	vor.u32 s10, v30;
	s10 =	smov.u32 s12;
	s12 =	smov.u32 s14;
	v50 =	vor.u32 s16, v5  }
0x49f: {  	s14 =	smov.u32 s0;
	s0 =	smov.u32 s22;
	v43 =	vld.idx.msk [tilespmem:v43+s18+$0x0], $0xffff;
	[tilespmem:v41+s29+$0x0] =	vst.idx.msk $0xffff, v46;
	v41 =	vor.u32 s3, v23;
	v46 =	vor.u32 s5, v23  }
0x4a0: {  	v55 =	vor.u32 s15, v22;
	v54 =	vor.u32 s0, v0;
	v40 =	vld.idx.msk [tilespmem:v40+s18+$0x0], $0xffff;
	[tilespmem:v45+s29+$0x0] =	vst.idx.msk $0xffff, v44  }
0x4a1: {  	v44 =	vor.u32 s17, v1;
	v45 =	vor.u32 s14, v8;
	[tilespmem:v37+s29+$0x0] =	vst.idx.msk $0xffff, v42;
	v37 =	vld.idx.msk [tilespmem:v38+s18+$0x0], $0xffff  }
0x4a2: {  	v38 =	vor.u32 s13, v9;
	v42 =	vld.idx.msk [tilespmem:v48+s18+$0x0], $0xffff;
	v48 =	vor.u32 s12, v16;
	[tilespmem:v51+s29+$0x0] =	vst.idx.msk $0xffff, v39  }
0x4a3: {  	v51 =	vor.u32 s6, v17;
	v39 =	vld.idx.msk [tilespmem:v52+s18+$0x0], $0xffff;
	[tilespmem:v53+s29+$0x0] =	vst.idx.msk $0xffff, v47;
	v47 =	vor.u32 s8, v14  }
0x4a4: {  	v52 =	vor.u32 s9, v15;
	v50 =	vld.idx.msk [tilespmem:v50+s18+$0x0], $0xffff;
	[tilespmem:v49+s29+$0x0] =	vst.idx.msk $0xffff, v36  }
0x4a5: {  	v36 =	vor.u32 s11, v6;
	[tilespmem:v55+s29+$0x0] =	vst.idx.msk $0xffff, v35;
	v46 =	vld.idx.msk [tilespmem:v46+s18+$0x0], $0xffff  }
0x4a6: {  	v49 =	vor.u32 s16, v7;
	[tilespmem:v45+s29+$0x0] =	vst.idx.msk $0xffff, v40;
	v40 =	vld.idx.msk [tilespmem:v41+s18+$0x0], $0xffff;
	v41 =	vor.u32 s10, v24  }
0x4a7: {  	v45 =	vor.u32 s4, v0;
	v38 =	vld.idx.msk [tilespmem:v38+s18+$0x0], $0xffff;
	[tilespmem:v48+s29+$0x0] =	vst.idx.msk $0xffff, v37;
	v37 =	vor.u32 s5, v25  }
0x4a8: {  	v48 =	vor.u32 s7, v1;
	[tilespmem:v47+s29+$0x0] =	vst.idx.msk $0xffff, v42;
	v35 =	vld.idx.msk [tilespmem:v51+s18+$0x0], $0xffff;
	v47 =	vor.u32 s15, v24  }
0x4a9: {  	[tilespmem:v54+s29+$0x0] =	vst.idx.msk $0xffff, v43;
	v43 =	vor.u32 s14, v10;
	v51 =	vld.idx.msk [tilespmem:v52+s18+$0x0], $0xffff;
	v52 =	vor.u32 s3, v25  }
0x4aa: {  	v53 =	vld.idx.msk [tilespmem:v44+s18+$0x0], $0xffff;
	[tilespmem:v36+s29+$0x0] =	vst.idx.msk $0xffff, v50;
	v36 =	vor.u32 s13, v11;
	v44 =	vor.u32 s8, v16  }
0x4ab: {  	v56 =	vor.u32 s9, v17;
	v54 =	vor.u32 s0, v2;
	v55 =	vld.idx.msk [tilespmem:v49+s18+$0x0], $0xffff;
	[tilespmem:v41+s29+$0x0] =	vst.idx.msk $0xffff, v46  }
0x4ac: {  	v57 =	vor.u32 s11, v8;
	v46 =	vor.u32 s17, v3;
	[tilespmem:v45+s29+$0x0] =	vst.idx.msk $0xffff, v39;
	v42 =	vld.idx.msk [tilespmem:v37+s18+$0x0], $0xffff  }
.Ltmp5:
0x4ad: {  	v50 =	vor.u32 s16, v9;
	v49 =	vor.u32 s12, v18;
	v37 =	vld.idx.msk [tilespmem:v48+s18+$0x0], $0xffff;
	[tilespmem:v47+s29+$0x0] =	vst.idx.msk $0xffff, v40;
	(pc) =	sbr.rel @p0 .LBB2_12-.Ltmp5, $4  }
0x4ae: {  	v41 =	vor.u32 s6, v19;
	v48 =	vor.u32 s10, v26;
	[tilespmem:v43+s29+$0x0] =	vst.idx.msk $0xffff, v38;
	v39 =	vld.idx.msk [tilespmem:v52+s18+$0x0], $0xffff  }
0x4af: {  	v40 =	vor.u32 s5, v27;
	v45 =	vld.idx.msk [tilespmem:v36+s18+$0x0], $0xffff;
	[tilespmem:v44+s29+$0x0] =	vst.idx.msk $0xffff, v51;
	v44 =	vor.u32 s15, v26  }
0x4b0: {  	v47 =	vor.u32 s14, v12;
	v36 =	vor.u32 s3, v27;
	[tilespmem:v54+s29+$0x0] =	vst.idx.msk $0xffff, v53;
	v38 =	vld.idx.msk [tilespmem:v56+s18+$0x0], $0xffff  }
0x4b1: {  	v43 =	vor.u32 s8, v18;
	v51 =	vld.idx.msk [tilespmem:v46+s18+$0x0], $0xffff;
	[tilespmem:v57+s29+$0x0] =	vst.idx.msk $0xffff, v55;
	v46 =	vor.u32 s13, v13  }
0x4b2: {  	v52 =	vor.u32 s4, v2  }
0x4b3: {  	v53 =	vor.u32 s7, v3;
	_ =	sdelay $0x3  }
0x4b4: {  	[tilespmem:v52+s29+$0x0] =	vst.idx.msk $0xffff, v37  }
0x4b5: {  	v61 =	vor.u32 s4, v4;
	v37 =	vld.idx.msk [tilespmem:v53+s18+$0x0], $0xffff  }
0x4b6: {  	v62 =	vor.u32 s7, v5  }
0x4b7: {  	v54 =	vor.u32 s17, v5;
	_ =	sdelay $0x2  }
0x4b8: {  	[tilespmem:v61+s29+$0x0] =	vst.idx.msk $0xffff, v37  }
0x4b9: {  	v57 =	vor.u32 s4, v6;
	[tilespmem:v34+s29+$0x0] =	vst.idx.msk $0xffff, v51;
	v63 =	vld.idx.msk [tilespmem:v62+s18+$0x0], $0xffff  }
0x4ba: {  	v58 =	vor.u32 s0, v6;
	v59 =	vor.u32 s7, v7;
	v51 =	vld.idx.msk [tilespmem:v54+s18+$0x0], $0xffff  }
0x4bb: {  	v60 =	vor.u32 s17, v7;
	_ =	sdelay $0x2  }
0x4bc: {  	[tilespmem:v57+s29+$0x0] =	vst.idx.msk $0xffff, v63  }
0x4bd: {  	[tilespmem:v58+s29+$0x0] =	vst.idx.msk $0xffff, v51;
	v61 =	vor.u32 s4, v8;
	v34 =	vld.idx.msk [tilespmem:v59+s18+$0x0], $0xffff  }
0x4be: {  	v51 =	vld.idx.msk [tilespmem:v60+s18+$0x0], $0xffff;
	v62 =	vor.u32 s0, v8;
	v63 =	vor.u32 s7, v9  }
0x4bf: {  	v60 =	vor.u32 s17, v9;
	_ =	sdelay $0x1  }
0x4c0: {  	v50 =	vld.idx.msk [tilespmem:v50+s18+$0x0], $0xffff;
	v55 =	vor.u32 s11, v10  }
0x4c1: {  	v56 =	vor.u32 s16, v11;
	[tilespmem:v61+s29+$0x0] =	vst.idx.msk $0xffff, v34  }
0x4c2: {  	[tilespmem:v62+s29+$0x0] =	vst.idx.msk $0xffff, v51;
	v61 =	vor.u32 s4, v10;
	v34 =	vld.idx.msk [tilespmem:v63+s18+$0x0], $0xffff  }
0x4c3: {  	v62 =	vor.u32 s0, v10;
	v51 =	vld.idx.msk [tilespmem:v60+s18+$0x0], $0xffff;
	v63 =	vor.u32 s7, v11  }
0x4c4: {  	v57 =	vor.u32 s17, v11  }
0x4c5: {  	[tilespmem:v55+s29+$0x0] =	vst.idx.msk $0xffff, v50  }
0x4c6: {  	v50 =	vld.idx.msk [tilespmem:v56+s18+$0x0], $0xffff;
	v58 =	vor.u32 s11, v12  }
0x4c7: {  	v59 =	vor.u32 s16, v13;
	[tilespmem:v61+s29+$0x0] =	vst.idx.msk $0xffff, v34  }
0x4c8: {  	v60 =	vor.u32 s4, v12;
	[tilespmem:v62+s29+$0x0] =	vst.idx.msk $0xffff, v51;
	v37 =	vld.idx.msk [tilespmem:v63+s18+$0x0], $0xffff  }
0x4c9: {  	[tilespmem:v49+s29+$0x0] =	vst.idx.msk $0xffff, v35;
	v62 =	vor.u32 s0, v12;
	v61 =	vld.idx.msk [tilespmem:v57+s18+$0x0], $0xffff;
	v63 =	vor.u32 s7, v13  }
0x4ca: {  	[tilespmem:v48+s29+$0x0] =	vst.idx.msk $0xffff, v42;
	v56 =	vor.u32 s17, v13  }
0x4cb: {  	[tilespmem:v58+s29+$0x0] =	vst.idx.msk $0xffff, v50  }
0x4cc: {  	[tilespmem:v47+s29+$0x0] =	vst.idx.msk $0xffff, v45;
	v34 =	vld.idx.msk [tilespmem:v59+s18+$0x0], $0xffff;
	v57 =	vor.u32 s11, v14  }
0x4cd: {  	v46 =	vld.idx.msk [tilespmem:v46+s18+$0x0], $0xffff;
	v58 =	vor.u32 s14, v14;
	v59 =	vor.u32 s16, v15;
	[tilespmem:v60+s29+$0x0] =	vst.idx.msk $0xffff, v37  }
0x4ce: {  	[tilespmem:v62+s29+$0x0] =	vst.idx.msk $0xffff, v61;
	v62 =	vor.u32 s4, v14;
	v60 =	vor.u32 s13, v15;
	v61 =	vld.idx.msk [tilespmem:v63+s18+$0x0], $0xffff  }
0x4cf: {  	[tilespmem:v44+s29+$0x0] =	vst.idx.msk $0xffff, v39;
	v52 =	vor.u32 s0, v14;
	v53 =	vor.u32 s7, v15;
	v63 =	vld.idx.msk [tilespmem:v56+s18+$0x0], $0xffff  }
0x4d0: {  	v41 =	vld.idx.msk [tilespmem:v41+s18+$0x0], $0xffff;
	[tilespmem:v43+s29+$0x0] =	vst.idx.msk $0xffff, v38;
	v54 =	vor.u32 s12, v20;
	v55 =	vor.u32 s17, v15  }
0x4d1: {  	v40 =	vld.idx.msk [tilespmem:v40+s18+$0x0], $0xffff;
	[tilespmem:v57+s29+$0x0] =	vst.idx.msk $0xffff, v34;
	v56 =	vor.u32 s10, v28  }
0x4d2: {  	[tilespmem:v58+s29+$0x0] =	vst.idx.msk $0xffff, v46;
	v57 =	vor.u32 s11, v16;
	v34 =	vld.idx.msk [tilespmem:v59+s18+$0x0], $0xffff  }
0x4d3: {  	v58 =	vor.u32 s14, v16;
	v59 =	vor.u32 s16, v17;
	v37 =	vld.idx.msk [tilespmem:v60+s18+$0x0], $0xffff;
	[tilespmem:v62+s29+$0x0] =	vst.idx.msk $0xffff, v61  }
0x4d4: {  	v60 =	vor.u32 s13, v17;
	[tilespmem:v52+s29+$0x0] =	vst.idx.msk $0xffff, v63;
	v62 =	vor.u32 s4, v16;
	v61 =	vld.idx.msk [tilespmem:v53+s18+$0x0], $0xffff  }
0x4d5: {  	[tilespmem:v54+s29+$0x0] =	vst.idx.msk $0xffff, v41;
	v63 =	vor.u32 s0, v16;
	v52 =	vor.u32 s7, v17;
	v38 =	vld.idx.msk [tilespmem:v55+s18+$0x0], $0xffff  }
0x4d6: {  	v32 =	vld.idx.msk [tilespmem:v32+s18+$0x0], $0xffff;
	v54 =	vor.u32 s17, v17;
	[tilespmem:v56+s29+$0x0] =	vst.idx.msk $0xffff, v40;
	v56 =	vor.u32 s8, v20  }
0x4d7: {  	v36 =	vld.idx.msk [tilespmem:v36+s18+$0x0], $0xffff;
	[tilespmem:v57+s29+$0x0] =	vst.idx.msk $0xffff, v34;
	v53 =	vor.u32 s15, v28;
	v55 =	vor.u32 s6, v21  }
0x4d8: {  	v57 =	vor.u32 s3, v29;
	[tilespmem:v58+s29+$0x0] =	vst.idx.msk $0xffff, v37;
	v58 =	vld.idx.msk [tilespmem:v59+s18+$0x0], $0xffff;
	v59 =	vor.u32 s11, v18  }
0x4d9: {  	v35 =	vld.idx.msk [tilespmem:v60+s18+$0x0], $0xffff;
	v60 =	vor.u32 s14, v18;
	[tilespmem:v62+s29+$0x0] =	vst.idx.msk $0xffff, v61  }
0x4da: {  	v61 =	vor.u32 s13, v19;
	[tilespmem:v63+s29+$0x0] =	vst.idx.msk $0xffff, v38;
	v63 =	vor.u32 s4, v18;
	v62 =	vld.idx.msk [tilespmem:v52+s18+$0x0], $0xffff  }
0x4db: {  	v51 =	vor.u32 s0, v18;
	[tilespmem:v56+s29+$0x0] =	vst.idx.msk $0xffff, v32;
	v50 =	vld.idx.msk [tilespmem:v54+s18+$0x0], $0xffff  }
0x4dc: {  	[tilespmem:v53+s29+$0x0] =	vst.idx.msk $0xffff, v36;
	v53 =	vor.u32 s12, v22;
	v52 =	vld.idx.msk [tilespmem:v55+s18+$0x0], $0xffff;
	v54 =	vor.u32 s17, v19  }
0x4dd: {  	v56 =	vor.u32 s15, v30;
	v55 =	vor.u32 s9, v21;
	v34 =	vld.idx.msk [tilespmem:v57+s18+$0x0], $0xffff;
	[tilespmem:v59+s29+$0x0] =	vst.idx.msk $0xffff, v58  }
0x4de: {  	v57 =	vor.u32 s5, v29;
	v58 =	vor.u32 s11, v20;
	[tilespmem:v60+s29+$0x0] =	vst.idx.msk $0xffff, v35;
	v33 =	vld.idx.msk [tilespmem:v33+s18+$0x0], $0xffff  }
0x4df: {  	v59 =	vor.u32 s14, v20;
	v60 =	vor.u32 s16, v21;
	v39 =	vld.idx.msk [tilespmem:v61+s18+$0x0], $0xffff;
	[tilespmem:v63+s29+$0x0] =	vst.idx.msk $0xffff, v62  }
0x4e0: {  	v61 =	vor.u32 s13, v21;
	[tilespmem:v51+s29+$0x0] =	vst.idx.msk $0xffff, v50;
	v62 =	vor.u32 s4, v20;
	v31 =	vld.idx.msk [tilespmem:v31+s18+$0x0], $0xffff  }
0x4e1: {  	v48 =	vor.u32 s7, v21;
	[tilespmem:v53+s29+$0x0] =	vst.idx.msk $0xffff, v52;
	v63 =	vor.u32 s0, v20;
	v32 =	vld.idx.msk [tilespmem:v54+s18+$0x0], $0xffff  }
0x4e2: {  	v49 =	vld.idx.msk [tilespmem:v55+s18+$0x0], $0xffff;
	v50 =	vor.u32 s8, v22;
	[tilespmem:v56+s29+$0x0] =	vst.idx.msk $0xffff, v34;
	v51 =	vor.u32 s17, v21  }
0x4e3: {  	v37 =	vld.idx.msk [tilespmem:v57+s18+$0x0], $0xffff;
	v52 =	vor.u32 s10, v30;
	v53 =	vor.u32 s9, v23;
	[tilespmem:v58+s29+$0x0] =	vst.idx.msk $0xffff, v33  }
0x4e4: {  	v55 =	vor.u32 s11, v22;
	v54 =	vor.u32 s6, v23;
	[tilespmem:v59+s29+$0x0] =	vst.idx.msk $0xffff, v39;
	v35 =	vld.idx.msk [tilespmem:v60+s18+$0x0], $0xffff  }
0x4e5: {  	v56 =	vor.u32 s14, v22;
	v57 =	vor.u32 s16, v23;
	v38 =	vld.idx.msk [tilespmem:v61+s18+$0x0], $0xffff;
	[tilespmem:v62+s29+$0x0] =	vst.idx.msk $0xffff, v31  }
0x4e6: {  	v59 =	vor.u32 s4, v22;
	v31 =	vor.u32 s13, v23;
	[tilespmem:v63+s29+$0x0] =	vst.idx.msk $0xffff, v32;
	v58 =	vld.idx.msk [tilespmem:v48+s18+$0x0], $0xffff  }
0x4e7: {  	v60 =	vor.u32 s0, v22;
	[tilespmem:v50+s29+$0x0] =	vst.idx.msk $0xffff, v49;
	v61 =	vor.u32 s7, v23;
	v34 =	vld.idx.msk [tilespmem:v51+s18+$0x0], $0xffff  }
0x4e8: {  	[tilespmem:v52+s29+$0x0] =	vst.idx.msk $0xffff, v37;
	v62 =	vld.idx.msk [tilespmem:v53+s18+$0x0], $0xffff;
	v63 =	vor.u32 s8, v24;
	v48 =	vor.u32 s17, v23  }
0x4e9: {  	v49 =	vor.u32 s12, v24;
	v50 =	vor.u32 s9, v25;
	v33 =	vld.idx.msk [tilespmem:v54+s18+$0x0], $0xffff;
	[tilespmem:v55+s29+$0x0] =	vst.idx.msk $0xffff, v35  }
0x4ea: {  	v53 =	vor.u32 s11, v24;
	v51 =	vor.u32 s6, v25;
	[tilespmem:v56+s29+$0x0] =	vst.idx.msk $0xffff, v38;
	v52 =	vld.idx.msk [tilespmem:v57+s18+$0x0], $0xffff  }
0x4eb: {  	v54 =	vor.u32 s14, v24;
	v55 =	vor.u32 s16, v25;
	v31 =	vld.idx.msk [tilespmem:v31+s18+$0x0], $0xffff;
	[tilespmem:v59+s29+$0x0] =	vst.idx.msk $0xffff, v58  }
0x4ec: {  	v56 =	vor.u32 s13, v25;
	[tilespmem:v60+s29+$0x0] =	vst.idx.msk $0xffff, v34;
	v58 =	vor.u32 s4, v24;
	v57 =	vld.idx.msk [tilespmem:v61+s18+$0x0], $0xffff  }
0x4ed: {  	[tilespmem:v63+s29+$0x0] =	vst.idx.msk $0xffff, v62;
	v60 =	vor.u32 s0, v24;
	v59 =	vld.idx.msk [tilespmem:v48+s18+$0x0], $0xffff;
	v61 =	vor.u32 s7, v25  }
0x4ee: {  	[tilespmem:v49+s29+$0x0] =	vst.idx.msk $0xffff, v33;
	v63 =	vor.u32 s8, v26;
	v62 =	vld.idx.msk [tilespmem:v50+s18+$0x0], $0xffff;
	v48 =	vor.u32 s17, v25  }
0x4ef: {  	v49 =	vor.u32 s12, v26;
	v35 =	vld.idx.msk [tilespmem:v51+s18+$0x0], $0xffff;
	v50 =	vor.u32 s9, v27;
	[tilespmem:v53+s29+$0x0] =	vst.idx.msk $0xffff, v52  }
0x4f0: {  	v51 =	vor.u32 s6, v27;
	v52 =	vor.u32 s11, v26;
	[tilespmem:v54+s29+$0x0] =	vst.idx.msk $0xffff, v31;
	v31 =	vld.idx.msk [tilespmem:v55+s18+$0x0], $0xffff  }
0x4f1: {  	v53 =	vor.u32 s14, v26;
	v54 =	vor.u32 s16, v27;
	v32 =	vld.idx.msk [tilespmem:v56+s18+$0x0], $0xffff;
	[tilespmem:v58+s29+$0x0] =	vst.idx.msk $0xffff, v57  }
0x4f2: {  	v55 =	vor.u32 s13, v27;
	v56 =	vor.u32 s4, v26;
	[tilespmem:v60+s29+$0x0] =	vst.idx.msk $0xffff, v59;
	v36 =	vld.idx.msk [tilespmem:v61+s18+$0x0], $0xffff  }
0x4f3: {  	[tilespmem:v63+s29+$0x0] =	vst.idx.msk $0xffff, v62;
	v58 =	vor.u32 s0, v26;
	v59 =	vor.u32 s7, v27;
	v57 =	vld.idx.msk [tilespmem:v48+s18+$0x0], $0xffff  }
0x4f4: {  	[tilespmem:v49+s29+$0x0] =	vst.idx.msk $0xffff, v35;
	v62 =	vor.u32 s17, v27;
	v60 =	vld.idx.msk [tilespmem:v50+s18+$0x0], $0xffff;
	v61 =	vor.u32 s8, v28  }
0x4f5: {  	v63 =	vor.u32 s9, v29;
	v38 =	vld.idx.msk [tilespmem:v51+s18+$0x0], $0xffff;
	v48 =	vor.u32 s12, v28;
	[tilespmem:v52+s29+$0x0] =	vst.idx.msk $0xffff, v31  }
0x4f6: {  	v50 =	vor.u32 s11, v28;
	v31 =	vor.u32 s6, v29;
	[tilespmem:v53+s29+$0x0] =	vst.idx.msk $0xffff, v32;
	v49 =	vld.idx.msk [tilespmem:v54+s18+$0x0], $0xffff  }
0x4f7: {  	v51 =	vor.u32 s16, v29;
	v52 =	vor.u32 s14, v28;
	v34 =	vld.idx.msk [tilespmem:v55+s18+$0x0], $0xffff;
	[tilespmem:v56+s29+$0x0] =	vst.idx.msk $0xffff, v36  }
0x4f8: {  	v53 =	vor.u32 s13, v29;
	v55 =	vor.u32 s4, v28;
	[tilespmem:v58+s29+$0x0] =	vst.idx.msk $0xffff, v57;
	v54 =	vld.idx.msk [tilespmem:v59+s18+$0x0], $0xffff  }
0x4f9: {  	[tilespmem:v61+s29+$0x0] =	vst.idx.msk $0xffff, v60;
	v56 =	vor.u32 s7, v29;
	v57 =	vor.u32 s0, v28;
	v40 =	vld.idx.msk [tilespmem:v62+s18+$0x0], $0xffff  }
0x4fa: {  	[tilespmem:v48+s29+$0x0] =	vst.idx.msk $0xffff, v38;
	v60 =	vor.u32 s17, v29;
	v58 =	vld.idx.msk [tilespmem:v63+s18+$0x0], $0xffff;
	v59 =	vor.u32 s8, v30  }
0x4fb: {  	v61 =	vor.u32 s12, v30;
	v31 =	vld.idx.msk [tilespmem:v31+s18+$0x0], $0xffff;
	[tilespmem:v50+s29+$0x0] =	vst.idx.msk $0xffff, v49  }
0x4fc: {  	v62 =	vor.u32 s11, v30;
	[tilespmem:v52+s29+$0x0] =	vst.idx.msk $0xffff, v34;
	v32 =	vld.idx.msk [tilespmem:v51+s18+$0x0], $0xffff  }
0x4fd: {  	v63 =	vor.u32 s14, v30;
	v36 =	vld.idx.msk [tilespmem:v53+s18+$0x0], $0xffff;
	[tilespmem:v55+s29+$0x0] =	vst.idx.msk $0xffff, v54  }
0x4fe: {  	v41 =	vor.u32 s4, v30;
	[tilespmem:v57+s29+$0x0] =	vst.idx.msk $0xffff, v40;
	v33 =	vld.idx.msk [tilespmem:v56+s18+$0x0], $0xffff  }
0x4ff: {  	v46 =	vor.u32 s0, v30;
	[tilespmem:v59+s29+$0x0] =	vst.idx.msk $0xffff, v58;
	v45 =	vld.idx.msk [tilespmem:v60+s18+$0x0], $0xffff  }
0x500: {  	[tilespmem:v61+s29+$0x0] =	vst.idx.msk $0xffff, v31  }
0x501: {  	[tilespmem:v62+s29+$0x0] =	vst.idx.msk $0xffff, v32  }
0x502: {  	[tilespmem:v63+s29+$0x0] =	vst.idx.msk $0xffff, v36  }
0x503: {  	[tilespmem:v41+s29+$0x0] =	vst.idx.msk $0xffff, v33  }
0x504: {  	s2 =	simm.s32 $0x400;
	s22 =	simm.s32 $0x9;
	s17 =	simm.s32 $0x6;
	[tilespmem:v46+s29+$0x0] =	vst.idx.msk $0xffff, v45  }
0x505: {  	s25 =	simm.s32 $0x1BC00;
	s26 =	simm.s32 $0x0;
	_ =	swait.ge [sflag:s17], $0x2000  }
0x506: {  	s31 =	simm.s32 $0x0;
	s0 =	sand.u32 $0x6, s26;
	[sflag:s17] =	ssyncset.done $0x0  }
0x507: {  	s30 =	sor.u32 $0x1, s0;
	s20 =	rddreg [dreg:$0xb];
	[sflag:s17] =	ssyncadd.s32 $0xFFFFE000  }
0x508: {  	[hbm4b:s20+s2] =	stream.strided.scatter [tilespmem:s29], [sflag:$0x8], $0x6000, s28, s2, $0x38;
	[tilespmem:$0x1DC00] =	vst v63  }
0x509: {  	s7 =	simm.s32 $0x3;
	s5 =	sshll.u32 s30, $0x4;
	_ =	swait.ge [sflag:s22], $0x6000  }
0x50a: {  	s6 =	sshll.u32 s0, $0x4;
	s5 =	sor.u32 s31, s5;
	[sflag:s22] =	ssyncset.done $0x0  }
0x50b: {  	s3 =	sor.u32 s6, s31;
	v31 =	vor.u32 s5, v0;
	s24 =	rddreg [dreg:$0xc];
	[sflag:s22] =	ssyncadd.s32 $0xFFFFA000  }
0x50c: {  	v47 =	vor.u32 s3, v0;
	[tilespmem:s25], [sflag:$0x7] =	stream.strided.gather [hbm4b:s24+s2], $0x2000, s28, s2, $0x38;
	[tilespmem:$0x1DC00] =	vst v63  }
0x50d: {  	_ =	swait.ge [sflag:s7], $0x4000  }
0x50e: {  	s2 =	sshll.u32 s30, $0xB;
	[sflag:s7] =	ssyncset.done $0x0  }
0x50f: {  	s0 =	sshll.u32 s0, $0xB;
	s10 =	sadd.s32 $0x0, s2;
	[sflag:s7] =	ssyncadd.s32 $0xFFFFC000  }
0x510: {  	s15 =	sadd.s32 $0x0, s0;
	v48 =	vor.u32 s10, v0;
	v31 =	vld.idx.msk [tilespmem:v31+s19+$0x0], $0xffff  }
0x511: {  	v50 =	vor.u32 s15, v0;
	v49 =	vor.u32 s5, v1;
	v32 =	vld.idx.msk [tilespmem:v47+s19+$0x0], $0xffff  }
0x512: {  	v51 =	vor.u32 s3, v1;
	_ =	sdelay $0x2  }
0x513: {  	[tilespmem:v48+s1+$0x0] =	vst.idx.msk $0xffff, v31  }
0x514: {  	v52 =	vor.u32 s10, v2;
	[tilespmem:v50+s1+$0x0] =	vst.idx.msk $0xffff, v32;
	v31 =	vld.idx.msk [tilespmem:v49+s19+$0x0], $0xffff  }
0x515: {  	v53 =	vor.u32 s5, v3;
	v55 =	vor.u32 s15, v2;
	v54 =	vld.idx.msk [tilespmem:v51+s19+$0x0], $0xffff  }
0x516: {  	v56 =	vor.u32 s3, v3;
	_ =	sdelay $0x1  }
0x517: {  	s8 =	simm.s32 $0x2  }
0x518: {  	s0 =	sand.u32 $0x6, s8;
	[tilespmem:v52+s1+$0x0] =	vst.idx.msk $0xffff, v31  }
0x519: {  	s9 =	sor.u32 $0x1, s0;
	v31 =	vor.u32 s10, v4;
	[tilespmem:v55+s1+$0x0] =	vst.idx.msk $0xffff, v54;
	v32 =	vld.idx.msk [tilespmem:v53+s19+$0x0], $0xffff  }
0x51a: {  	s11 =	simm.s32 $0x0;
	s13 =	sshll.u32 s9, $0x4;
	v57 =	vor.u32 s5, v5;
	v58 =	vor.u32 s15, v4;
	v34 =	vld.idx.msk [tilespmem:v56+s19+$0x0], $0xffff  }
0x51b: {  	s6 =	sor.u32 s11, s13;
	v59 =	vor.u32 s3, v5  }
0x51c: {  	v60 =	vor.u32 s6, v0;
	_ =	sdelay $0x1  }
0x51d: {  	[tilespmem:v31+s1+$0x0] =	vst.idx.msk $0xffff, v32  }
0x51e: {  	s2 =	sshll.u32 s9, $0xB;
	v61 =	vor.u32 s10, v6;
	[tilespmem:v58+s1+$0x0] =	vst.idx.msk $0xffff, v34;
	v31 =	vld.idx.msk [tilespmem:v57+s19+$0x0], $0xffff  }
0x51f: {  	v62 =	vor.u32 s5, v7;
	v63 =	vor.u32 s15, v6;
	s12 =	sadd.s32 $0x0, s2;
	v34 =	vld.idx.msk [tilespmem:v59+s19+$0x0], $0xffff  }
0x520: {  	v46 =	vor.u32 s3, v7;
	v45 =	vor.u32 s12, v0;
	v44 =	vld.idx.msk [tilespmem:v60+s19+$0x0], $0xffff  }
0x521: {  	s14 =	sshll.u32 s0, $0x4;
	v47 =	vor.u32 s6, v1  }
0x522: {  	s9 =	sor.u32 s14, s11  }
0x523: {  	[tilespmem:v61+s1+$0x0] =	vst.idx.msk $0xffff, v31;
	v31 =	vor.u32 s9, v0  }
0x524: {  	v48 =	vor.u32 s10, v8;
	[tilespmem:v63+s1+$0x0] =	vst.idx.msk $0xffff, v34;
	v32 =	vld.idx.msk [tilespmem:v62+s19+$0x0], $0xffff  }
0x525: {  	[tilespmem:v45+s1+$0x0] =	vst.idx.msk $0xffff, v44;
	v50 =	vor.u32 s15, v8;
	v49 =	vor.u32 s5, v9;
	v34 =	vld.idx.msk [tilespmem:v46+s19+$0x0], $0xffff  }
0x526: {  	s0 =	sshll.u32 s0, $0xB;
	v36 =	vld.idx.msk [tilespmem:v47+s19+$0x0], $0xffff;
	v51 =	vor.u32 s12, v2;
	v52 =	vor.u32 s3, v9  }
0x527: {  	s8 =	sadd.s32 $0x0, s0;
	v53 =	vor.u32 s6, v3  }
0x528: {  	v54 =	vor.u32 s8, v0;
	v31 =	vld.idx.msk [tilespmem:v31+s19+$0x0], $0xffff  }
0x529: {  	v55 =	vor.u32 s9, v1;
	[tilespmem:v48+s1+$0x0] =	vst.idx.msk $0xffff, v32  }
0x52a: {  	v56 =	vor.u32 s10, v10;
	[tilespmem:v50+s1+$0x0] =	vst.idx.msk $0xffff, v34;
	v33 =	vld.idx.msk [tilespmem:v49+s19+$0x0], $0xffff  }
0x52b: {  	[tilespmem:v51+s1+$0x0] =	vst.idx.msk $0xffff, v36;
	v58 =	vor.u32 s15, v10;
	v57 =	vor.u32 s5, v11;
	v34 =	vld.idx.msk [tilespmem:v52+s19+$0x0], $0xffff  }
0x52c: {  	v60 =	vor.u32 s3, v11;
	v37 =	vld.idx.msk [tilespmem:v53+s19+$0x0], $0xffff;
	v59 =	vor.u32 s12, v4  }
0x52d: {  	[tilespmem:v54+s1+$0x0] =	vst.idx.msk $0xffff, v31;
	v31 =	vor.u32 s6, v5  }
0x52e: {  	s16 =	simm.s32 $0x4;
	v61 =	vor.u32 s8, v2;
	v32 =	vld.idx.msk [tilespmem:v55+s19+$0x0], $0xffff  }
0x52f: {  	s0 =	sand.u32 $0x6, s16;
	v45 =	vor.u32 s9, v3;
	[tilespmem:v56+s1+$0x0] =	vst.idx.msk $0xffff, v33  }
0x530: {  	s17 =	sor.u32 $0x1, s0;
	v63 =	vor.u32 s10, v12;
	[tilespmem:v58+s1+$0x0] =	vst.idx.msk $0xffff, v34;
	v62 =	vld.idx.msk [tilespmem:v57+s19+$0x0], $0xffff  }
0x531: {  	s20 =	simm.s32 $0x0;
	s22 =	sshll.u32 s17, $0x4;
	v47 =	vor.u32 s15, v12;
	[tilespmem:v59+s1+$0x0] =	vst.idx.msk $0xffff, v37;
	v46 =	vor.u32 s5, v13;
	v34 =	vld.idx.msk [tilespmem:v60+s19+$0x0], $0xffff  }
0x532: {  	s13 =	sor.u32 s20, s22;
	v48 =	vor.u32 s12, v6;
	v49 =	vor.u32 s3, v13;
	v31 =	vld.idx.msk [tilespmem:v31+s19+$0x0], $0xffff  }
0x533: {  	v51 =	vor.u32 s13, v0;
	[tilespmem:v61+s1+$0x0] =	vst.idx.msk $0xffff, v32  }
0x534: {  	v50 =	vor.u32 s6, v7;
	v52 =	vor.u32 s8, v4;
	v33 =	vld.idx.msk [tilespmem:v45+s19+$0x0], $0xffff  }
0x535: {  	v54 =	vor.u32 s9, v5;
	[tilespmem:v63+s1+$0x0] =	vst.idx.msk $0xffff, v62  }
0x536: {  	s2 =	sshll.u32 s17, $0xB;
	v53 =	vor.u32 s10, v14;
	[tilespmem:v47+s1+$0x0] =	vst.idx.msk $0xffff, v34;
	v40 =	vld.idx.msk [tilespmem:v46+s19+$0x0], $0xffff  }
0x537: {  	s14 =	sadd.s32 $0x0, s2;
	v55 =	vor.u32 s5, v15;
	v56 =	vor.u32 s15, v14;
	[tilespmem:v48+s1+$0x0] =	vst.idx.msk $0xffff, v31;
	v31 =	vld.idx.msk [tilespmem:v49+s19+$0x0], $0xffff  }
0x538: {  	v59 =	vor.u32 s3, v15;
	v60 =	vor.u32 s14, v0;
	v32 =	vld.idx.msk [tilespmem:v51+s19+$0x0], $0xffff  }
0x539: {  	v58 =	vor.u32 s12, v8;
	v62 =	vor.u32 s13, v1;
	v57 =	vld.idx.msk [tilespmem:v50+s19+$0x0], $0xffff;
	[tilespmem:v52+s1+$0x0] =	vst.idx.msk $0xffff, v33  }
0x53a: {  	s24 =	sshll.u32 s0, $0x4;
	v61 =	vor.u32 s6, v9;
	v63 =	vor.u32 s8, v6;
	v39 =	vld.idx.msk [tilespmem:v54+s19+$0x0], $0xffff  }
0x53b: {  	s16 =	sor.u32 s24, s20;
	v49 =	vor.u32 s9, v7;
	[tilespmem:v53+s1+$0x0] =	vst.idx.msk $0xffff, v40  }
0x53c: {  	v48 =	vor.u32 s10, v16;
	v41 =	vld.idx.msk [tilespmem:v55+s19+$0x0], $0xffff;
	[tilespmem:v56+s1+$0x0] =	vst.idx.msk $0xffff, v31;
	v31 =	vor.u32 s16, v0  }
0x53d: {  	v51 =	vor.u32 s15, v16;
	v50 =	vor.u32 s5, v17;
	[tilespmem:v60+s1+$0x0] =	vst.idx.msk $0xffff, v32;
	v34 =	vld.idx.msk [tilespmem:v59+s19+$0x0], $0xffff  }
0x53e: {  	v33 =	vld.idx.msk [tilespmem:v62+s19+$0x0], $0xffff;
	v53 =	vor.u32 s3, v17;
	v55 =	vor.u32 s14, v2;
	[tilespmem:v58+s1+$0x0] =	vst.idx.msk $0xffff, v57  }
0x53f: {  	s0 =	sshll.u32 s0, $0xB;
	v52 =	vor.u32 s12, v10;
	v56 =	vor.u32 s13, v3;
	v36 =	vld.idx.msk [tilespmem:v61+s19+$0x0], $0xffff;
	[tilespmem:v63+s1+$0x0] =	vst.idx.msk $0xffff, v39  }
0x540: {  	s11 =	sadd.s32 $0x0, s0;
	v54 =	vor.u32 s6, v11;
	v57 =	vor.u32 s8, v8;
	v40 =	vld.idx.msk [tilespmem:v49+s19+$0x0], $0xffff  }
0x541: {  	v59 =	vor.u32 s9, v9;
	v61 =	vor.u32 s11, v0;
	[tilespmem:v48+s1+$0x0] =	vst.idx.msk $0xffff, v41;
	v31 =	vld.idx.msk [tilespmem:v31+s19+$0x0], $0xffff  }
0x542: {  	v60 =	vor.u32 s10, v18;
	v63 =	vor.u32 s16, v1;
	v58 =	vld.idx.msk [tilespmem:v50+s19+$0x0], $0xffff;
	[tilespmem:v51+s1+$0x0] =	vst.idx.msk $0xffff, v34  }
0x543: {  	v62 =	vor.u32 s5, v19;
	v49 =	vor.u32 s15, v18;
	[tilespmem:v55+s1+$0x0] =	vst.idx.msk $0xffff, v33;
	v48 =	vld.idx.msk [tilespmem:v53+s19+$0x0], $0xffff  }
0x544: {  	v50 =	vor.u32 s3, v19;
	v39 =	vld.idx.msk [tilespmem:v56+s19+$0x0], $0xffff;
	[tilespmem:v52+s1+$0x0] =	vst.idx.msk $0xffff, v36;
	v53 =	vor.u32 s14, v4  }
0x545: {  	s2 =	simm.s32 $0x6;
	v56 =	vor.u32 s13, v5;
	v52 =	vor.u32 s12, v12;
	v51 =	vld.idx.msk [tilespmem:v54+s19+$0x0], $0xffff;
	[tilespmem:v57+s1+$0x0] =	vst.idx.msk $0xffff, v40  }
0x546: {  	s25 =	sand.u32 $0x6, s2;
	v54 =	vor.u32 s6, v13;
	v57 =	vor.u32 s8, v10;
	v55 =	vld.idx.msk [tilespmem:v59+s19+$0x0], $0xffff;
	[tilespmem:v61+s1+$0x0] =	vst.idx.msk $0xffff, v31  }
0x547: {  	s26 =	sor.u32 $0x1, s25;
	v61 =	vor.u32 s11, v2;
	[tilespmem:v60+s1+$0x0] =	vst.idx.msk $0xffff, v58;
	v58 =	vor.u32 s9, v11;
	v34 =	vld.idx.msk [tilespmem:v63+s19+$0x0], $0xffff  }
0x548: {  	s30 =	simm.s32 $0x0;
	s31 =	sshll.u32 s26, $0x4;
	v59 =	vor.u32 s10, v20;
	v31 =	vld.idx.msk [tilespmem:v62+s19+$0x0], $0xffff;
	[tilespmem:v49+s1+$0x0] =	vst.idx.msk $0xffff, v48;
	v48 =	vor.u32 s16, v3  }
0x549: {  	s17 =	sor.u32 s30, s31;
	v60 =	vor.u32 s5, v21;
	[tilespmem:v53+s1+$0x0] =	vst.idx.msk $0xffff, v39;
	v62 =	vld.idx.msk [tilespmem:v50+s19+$0x0], $0xffff  }
0x54a: {  	s20 =	sshll.u32 s25, $0x4;
	v63 =	vor.u32 s15, v20;
	[tilespmem:v52+s1+$0x0] =	vst.idx.msk $0xffff, v51;
	v50 =	vor.u32 s17, v0;
	v51 =	vld.idx.msk [tilespmem:v56+s19+$0x0], $0xffff  }
0x54b: {  	s7 =	sor.u32 s20, s30;
	v49 =	vor.u32 s3, v21;
	v37 =	vld.idx.msk [tilespmem:v54+s19+$0x0], $0xffff;
	[tilespmem:v57+s1+$0x0] =	vst.idx.msk $0xffff, v55  }
0x54c: {  	v52 =	vor.u32 s14, v6;
	v53 =	vld.idx.msk [tilespmem:v58+s19+$0x0], $0xffff;
	[tilespmem:v61+s1+$0x0] =	vst.idx.msk $0xffff, v34;
	v61 =	vor.u32 s7, v0  }
0x54d: {  	v54 =	vor.u32 s13, v7;
	[tilespmem:v59+s1+$0x0] =	vst.idx.msk $0xffff, v31;
	v31 =	vor.u32 s12, v14;
	v36 =	vld.idx.msk [tilespmem:v48+s19+$0x0], $0xffff  }
0x54e: {  	v56 =	vor.u32 s6, v15;
	v55 =	vor.u32 s8, v12;
	v44 =	vld.idx.msk [tilespmem:v60+s19+$0x0], $0xffff  }
0x54f: {  	v60 =	vor.u32 s9, v13;
	[tilespmem:v63+s1+$0x0] =	vst.idx.msk $0xffff, v62;
	v62 =	vor.u32 s11, v4;
	v39 =	vld.idx.msk [tilespmem:v50+s19+$0x0], $0xffff  }
0x550: {  	v57 =	vor.u32 s16, v5;
	v58 =	vor.u32 s15, v22;
	v38 =	vld.idx.msk [tilespmem:v49+s19+$0x0], $0xffff  }
0x551: {  	v59 =	vor.u32 s3, v23;
	v63 =	vor.u32 s10, v22;
	[tilespmem:v52+s1+$0x0] =	vst.idx.msk $0xffff, v51;
	v33 =	vld.idx.msk [tilespmem:v61+s19+$0x0], $0xffff  }
0x552: {  	v42 =	vor.u32 s5, v25;
	v52 =	vor.u32 s14, v8;
	[tilespmem:v31+s1+$0x0] =	vst.idx.msk $0xffff, v37;
	v31 =	vor.u32 s5, v23;
	v37 =	vld.idx.msk [tilespmem:v54+s19+$0x0], $0xffff  }
0x553: {  	s0 =	sshll.u32 s26, $0xB;
	v48 =	vor.u32 s12, v16;
	[tilespmem:v55+s1+$0x0] =	vst.idx.msk $0xffff, v53;
	v53 =	vor.u32 s13, v9;
	v34 =	vld.idx.msk [tilespmem:v56+s19+$0x0], $0xffff  }
0x554: {  	s0 =	sadd.s32 $0x0, s0;
	v41 =	vor.u32 s6, v19;
	v55 =	vor.u32 s6, v17;
	v54 =	vor.u32 s8, v14;
	v45 =	vld.idx.msk [tilespmem:v60+s19+$0x0], $0xffff;
	[tilespmem:v62+s1+$0x0] =	vst.idx.msk $0xffff, v36  }
0x555: {  	v56 =	vor.u32 s0, v0;
	v60 =	vor.u32 s9, v15;
	v40 =	vld.idx.msk [tilespmem:v57+s19+$0x0], $0xffff;
	[tilespmem:v58+s1+$0x0] =	vst.idx.msk $0xffff, v38  }
0x556: {  	s4 =	sshll.u32 s25, $0xB;
	v61 =	vor.u32 s17, v1;
	[tilespmem:v63+s1+$0x0] =	vst.idx.msk $0xffff, v44;
	v62 =	vor.u32 s11, v6;
	v43 =	vld.idx.msk [tilespmem:v59+s19+$0x0], $0xffff  }
0x557: {  	s4 =	sadd.s32 $0x0, s4;
	v57 =	vor.u32 s16, v7;
	v58 =	vor.u32 s10, v24;
	v63 =	vld.idx.msk [tilespmem:v31+s19+$0x0], $0xffff;
	[tilespmem:v52+s1+$0x0] =	vst.idx.msk $0xffff, v37  }
0x558: {  	v50 =	vor.u32 s16, v9;
	v59 =	vor.u32 s4, v0;
	v51 =	vld.idx.msk [tilespmem:v53+s19+$0x0], $0xffff;
	[tilespmem:v48+s1+$0x0] =	vst.idx.msk $0xffff, v34  }
0x559: {  	v36 =	vor.u32 s15, v24;
	v48 =	vor.u32 s7, v1;
	[tilespmem:v54+s1+$0x0] =	vst.idx.msk $0xffff, v45;
	v35 =	vld.idx.msk [tilespmem:v55+s19+$0x0], $0xffff  }
0x55a: {  	v47 =	vor.u32 s14, v12;
	[tilespmem:v56+s1+$0x0] =	vst.idx.msk $0xffff, v39;
	v39 =	vor.u32 s14, v10;
	v45 =	vor.u32 s3, v25;
	v44 =	vld.idx.msk [tilespmem:v60+s19+$0x0], $0xffff  }
0x55b: {  	v52 =	vor.u32 s8, v16;
	v46 =	vld.idx.msk [tilespmem:v61+s19+$0x0], $0xffff;
	[tilespmem:v62+s1+$0x0] =	vst.idx.msk $0xffff, v40;
	v40 =	vor.u32 s13, v11  }
0x55c: {  	v32 =	vor.u32 s9, v19;
	v60 =	vor.u32 s0, v2;
	v62 =	vor.u32 s9, v17;
	v61 =	vld.idx.msk [tilespmem:v57+s19+$0x0], $0xffff;
	[tilespmem:v58+s1+$0x0] =	vst.idx.msk $0xffff, v63  }
0x55d: {  	[tilespmem:v59+s1+$0x0] =	vst.idx.msk $0xffff, v33;
	v57 =	vor.u32 s11, v8;
	v63 =	vor.u32 s17, v3;
	v42 =	vld.idx.msk [tilespmem:v42+s19+$0x0], $0xffff  }
0x55e: {  	v49 =	vor.u32 s12, v18;
	v31 =	vor.u32 s7, v19;
	[tilespmem:v36+s1+$0x0] =	vst.idx.msk $0xffff, v43;
	v37 =	vld.idx.msk [tilespmem:v48+s19+$0x0], $0xffff  }
0x55f: {  	v34 =	vor.u32 s0, v4;
	v33 =	vor.u32 s16, v19;
	[tilespmem:v39+s1+$0x0] =	vst.idx.msk $0xffff, v51;
	v39 =	vld.idx.msk [tilespmem:v45+s19+$0x0], $0xffff  }
0x560: {  	v36 =	vor.u32 s3, v27;
	v48 =	vor.u32 s10, v26;
	v45 =	vld.idx.msk [tilespmem:v40+s19+$0x0], $0xffff;
	[tilespmem:v52+s1+$0x0] =	vst.idx.msk $0xffff, v44  }
0x561: {  	v44 =	vor.u32 s15, v26;
	v40 =	vor.u32 s5, v27;
	[tilespmem:v60+s1+$0x0] =	vst.idx.msk $0xffff, v46;
	v38 =	vld.idx.msk [tilespmem:v62+s19+$0x0], $0xffff  }
0x562: {  	v43 =	vor.u32 s8, v18;
	v46 =	vor.u32 s13, v13;
	[tilespmem:v57+s1+$0x0] =	vst.idx.msk $0xffff, v61;
	v51 =	vld.idx.msk [tilespmem:v63+s19+$0x0], $0xffff  }
.LBB2_14:
0x563: {  	v50 =	vld.idx.msk [tilespmem:v50+s19+$0x0], $0xffff  }
0x564: {  	s2 =	sadd.s32 $0x2, s2;
	[tilespmem:v49+s1+$0x0] =	vst.idx.msk $0xffff, v35;
	v35 =	vor.u32 s17, v5;
	v49 =	vor.u32 s11, v10;
	v54 =	vor.u32 s4, v2  }
0x565: {  	s20 =	sshrl.u32 s2, $0x3;
	s22 =	sand.u32 $0x6, s2;
	p0 =	slt.u32 s2, $0x3E;
	v41 =	vld.idx.msk [tilespmem:v41+s19+$0x0], $0xffff;
	[tilespmem:v48+s1+$0x0] =	vst.idx.msk $0xffff, v42;
	v42 =	vor.u32 s16, v11;
	v48 =	vor.u32 s12, v20  }
0x566: {  	s24 =	sshll.u32 s22, $0x4;
	s25 =	sshll.u32 s20, $0xB;
	s26 =	sor.u32 $0x1, s22;
	[tilespmem:v44+s1+$0x0] =	vst.idx.msk $0xffff, v39;
	v39 =	vor.u32 s3, v29;
	v40 =	vld.idx.msk [tilespmem:v40+s19+$0x0], $0xffff;
	v44 =	vor.u32 s6, v21  }
0x567: {  	s24 =	sor.u32 s24, s25;
	s3 =	sshll.u32 s26, $0x4;
	s26 =	sshll.u32 s26, $0xB;
	[tilespmem:v47+s1+$0x0] =	vst.idx.msk $0xffff, v45;
	v36 =	vld.idx.msk [tilespmem:v36+s19+$0x0], $0xffff;
	v45 =	vor.u32 s10, v28;
	v47 =	vor.u32 s5, v29  }
0x568: {  	s5 =	sshll.u32 s20, $0x4;
	s20 =	sshll.u32 s22, $0xB;
	v52 =	vor.u32 s24, v0;
	v53 =	vor.u32 s24, v19;
	s25 =	sor.u32 s25, s3;
	v46 =	vld.idx.msk [tilespmem:v46+s19+$0x0], $0xffff;
	[tilespmem:v43+s1+$0x0] =	vst.idx.msk $0xffff, v38;
	v38 =	vor.u32 s15, v28  }
0x569: {  	v55 =	vor.u32 s8, v20;
	s20 =	sadd.s32 s5, s20;
	s22 =	sadd.s32 s5, s26;
	s3 =	smov.u32 s9;
	v43 =	vor.u32 s25, v0;
	[tilespmem:v34+s1+$0x0] =	vst.idx.msk $0xffff, v51;
	v51 =	vld.idx.msk [tilespmem:v32+s19+$0x0], $0xffff;
	v32 =	vmov v33  }
0x56a: {  	v56 =	vor.u32 s7, v3;
	s9 =	smov.u32 s16;
	s16 =	smov.u32 s7;
	s7 =	smov.u32 s24;
	v34 =	vor.u32 s22, v4;
	v33 =	vmovc v31;
	v31 =	vmov v53;
	v35 =	vld.idx.msk [tilespmem:v35+s19+$0x0], $0xffff;
	[tilespmem:v49+s1+$0x0] =	vst.idx.msk $0xffff, v50  }
0x56b: {  	s5 =	smov.u32 s6;
	s6 =	smov.u32 s13;
	s13 =	smov.u32 s17;
	v49 =	vor.u32 s0, v6;
	v50 =	vor.u32 s3, v21;
	v42 =	vld.idx.msk [tilespmem:v42+s19+$0x0], $0xffff;
	[tilespmem:v48+s1+$0x0] =	vst.idx.msk $0xffff, v41  }
0x56c: {  	s17 =	smov.u32 s25;
	v41 =	vor.u32 s14, v14;
	v44 =	vld.idx.msk [tilespmem:v44+s19+$0x0], $0xffff;
	[tilespmem:v45+s1+$0x0] =	vst.idx.msk $0xffff, v40  }
0x56d: {  	v40 =	vor.u32 s13, v7;
	v45 =	vor.u32 s12, v22;
	[tilespmem:v38+s1+$0x0] =	vst.idx.msk $0xffff, v36;
	v36 =	vld.idx.msk [tilespmem:v47+s19+$0x0], $0xffff  }
0x56e: {  	v38 =	vor.u32 s6, v15;
	[tilespmem:v54+s1+$0x0] =	vst.idx.msk $0xffff, v37;
	v37 =	vor.u32 s11, v12;
	v39 =	vld.idx.msk [tilespmem:v39+s19+$0x0], $0xffff  }
0x56f: {  	v47 =	vld.idx.msk [tilespmem:v56+s19+$0x0], $0xffff;
	[tilespmem:v55+s1+$0x0] =	vst.idx.msk $0xffff, v51;
	v51 =	vor.u32 s15, v30;
	s15 =	smov.u32 s8;
	s8 =	smov.u32 s11;
	s11 =	smov.u32 s4  }
0x570: {  	v48 =	vor.u32 s9, v13;
	v53 =	vor.u32 s11, v4  }
0x571: {  	s4 =	smov.u32 s20;
	[tilespmem:v49+s1+$0x0] =	vst.idx.msk $0xffff, v35;
	v35 =	vld.idx.msk [tilespmem:v50+s19+$0x0], $0xffff;
	v49 =	vor.u32 s10, v30;
	s10 =	smov.u32 s12;
	s12 =	smov.u32 s14;
	v50 =	vor.u32 s16, v5  }
0x572: {  	s14 =	smov.u32 s0;
	s0 =	smov.u32 s22;
	v43 =	vld.idx.msk [tilespmem:v43+s19+$0x0], $0xffff;
	[tilespmem:v41+s1+$0x0] =	vst.idx.msk $0xffff, v46;
	v41 =	vor.u32 s3, v23;
	v46 =	vor.u32 s5, v23  }
0x573: {  	v55 =	vor.u32 s15, v22;
	v54 =	vor.u32 s0, v0;
	v40 =	vld.idx.msk [tilespmem:v40+s19+$0x0], $0xffff;
	[tilespmem:v45+s1+$0x0] =	vst.idx.msk $0xffff, v44  }
0x574: {  	v44 =	vor.u32 s17, v1;
	v45 =	vor.u32 s14, v8;
	[tilespmem:v37+s1+$0x0] =	vst.idx.msk $0xffff, v42;
	v37 =	vld.idx.msk [tilespmem:v38+s19+$0x0], $0xffff  }
0x575: {  	v38 =	vor.u32 s13, v9;
	v42 =	vld.idx.msk [tilespmem:v48+s19+$0x0], $0xffff;
	v48 =	vor.u32 s12, v16;
	[tilespmem:v51+s1+$0x0] =	vst.idx.msk $0xffff, v39  }
0x576: {  	v51 =	vor.u32 s6, v17;
	v39 =	vld.idx.msk [tilespmem:v52+s19+$0x0], $0xffff;
	[tilespmem:v53+s1+$0x0] =	vst.idx.msk $0xffff, v47;
	v47 =	vor.u32 s8, v14  }
0x577: {  	v52 =	vor.u32 s9, v15;
	v50 =	vld.idx.msk [tilespmem:v50+s19+$0x0], $0xffff;
	[tilespmem:v49+s1+$0x0] =	vst.idx.msk $0xffff, v36  }
0x578: {  	v36 =	vor.u32 s11, v6;
	[tilespmem:v55+s1+$0x0] =	vst.idx.msk $0xffff, v35;
	v46 =	vld.idx.msk [tilespmem:v46+s19+$0x0], $0xffff  }
0x579: {  	v49 =	vor.u32 s16, v7;
	[tilespmem:v45+s1+$0x0] =	vst.idx.msk $0xffff, v40;
	v40 =	vld.idx.msk [tilespmem:v41+s19+$0x0], $0xffff;
	v41 =	vor.u32 s10, v24  }
0x57a: {  	v45 =	vor.u32 s4, v0;
	v38 =	vld.idx.msk [tilespmem:v38+s19+$0x0], $0xffff;
	[tilespmem:v48+s1+$0x0] =	vst.idx.msk $0xffff, v37;
	v37 =	vor.u32 s5, v25  }
0x57b: {  	v48 =	vor.u32 s7, v1;
	[tilespmem:v47+s1+$0x0] =	vst.idx.msk $0xffff, v42;
	v35 =	vld.idx.msk [tilespmem:v51+s19+$0x0], $0xffff;
	v47 =	vor.u32 s15, v24  }
0x57c: {  	[tilespmem:v54+s1+$0x0] =	vst.idx.msk $0xffff, v43;
	v43 =	vor.u32 s14, v10;
	v51 =	vld.idx.msk [tilespmem:v52+s19+$0x0], $0xffff;
	v52 =	vor.u32 s3, v25  }
0x57d: {  	v53 =	vld.idx.msk [tilespmem:v44+s19+$0x0], $0xffff;
	[tilespmem:v36+s1+$0x0] =	vst.idx.msk $0xffff, v50;
	v36 =	vor.u32 s13, v11;
	v44 =	vor.u32 s8, v16  }
0x57e: {  	v56 =	vor.u32 s9, v17;
	v54 =	vor.u32 s0, v2;
	v55 =	vld.idx.msk [tilespmem:v49+s19+$0x0], $0xffff;
	[tilespmem:v41+s1+$0x0] =	vst.idx.msk $0xffff, v46  }
0x57f: {  	v57 =	vor.u32 s11, v8;
	v46 =	vor.u32 s17, v3;
	[tilespmem:v45+s1+$0x0] =	vst.idx.msk $0xffff, v39;
	v42 =	vld.idx.msk [tilespmem:v37+s19+$0x0], $0xffff  }
.Ltmp6:
0x580: {  	v50 =	vor.u32 s16, v9;
	v49 =	vor.u32 s12, v18;
	v37 =	vld.idx.msk [tilespmem:v48+s19+$0x0], $0xffff;
	[tilespmem:v47+s1+$0x0] =	vst.idx.msk $0xffff, v40;
	(pc) =	sbr.rel @p0 .LBB2_14-.Ltmp6, $4  }
0x581: {  	v41 =	vor.u32 s6, v19;
	v48 =	vor.u32 s10, v26;
	[tilespmem:v43+s1+$0x0] =	vst.idx.msk $0xffff, v38;
	v39 =	vld.idx.msk [tilespmem:v52+s19+$0x0], $0xffff  }
0x582: {  	v40 =	vor.u32 s5, v27;
	v45 =	vld.idx.msk [tilespmem:v36+s19+$0x0], $0xffff;
	[tilespmem:v44+s1+$0x0] =	vst.idx.msk $0xffff, v51;
	v44 =	vor.u32 s15, v26  }
0x583: {  	v47 =	vor.u32 s14, v12;
	v36 =	vor.u32 s3, v27;
	[tilespmem:v54+s1+$0x0] =	vst.idx.msk $0xffff, v53;
	v38 =	vld.idx.msk [tilespmem:v56+s19+$0x0], $0xffff  }
0x584: {  	v43 =	vor.u32 s8, v18;
	v51 =	vld.idx.msk [tilespmem:v46+s19+$0x0], $0xffff;
	[tilespmem:v57+s1+$0x0] =	vst.idx.msk $0xffff, v55;
	v46 =	vor.u32 s13, v13  }
0x585: {  	v52 =	vor.u32 s4, v2  }
0x586: {  	v53 =	vor.u32 s7, v3;
	_ =	sdelay $0x3  }
0x587: {  	[tilespmem:v52+s1+$0x0] =	vst.idx.msk $0xffff, v37  }
0x588: {  	v61 =	vor.u32 s4, v4;
	v37 =	vld.idx.msk [tilespmem:v53+s19+$0x0], $0xffff  }
0x589: {  	v62 =	vor.u32 s7, v5  }
0x58a: {  	v54 =	vor.u32 s17, v5;
	_ =	sdelay $0x2  }
0x58b: {  	[tilespmem:v61+s1+$0x0] =	vst.idx.msk $0xffff, v37  }
0x58c: {  	v57 =	vor.u32 s4, v6;
	[tilespmem:v34+s1+$0x0] =	vst.idx.msk $0xffff, v51;
	v63 =	vld.idx.msk [tilespmem:v62+s19+$0x0], $0xffff  }
0x58d: {  	v58 =	vor.u32 s0, v6;
	v59 =	vor.u32 s7, v7;
	v51 =	vld.idx.msk [tilespmem:v54+s19+$0x0], $0xffff  }
0x58e: {  	v60 =	vor.u32 s17, v7;
	_ =	sdelay $0x2  }
0x58f: {  	[tilespmem:v57+s1+$0x0] =	vst.idx.msk $0xffff, v63  }
0x590: {  	[tilespmem:v58+s1+$0x0] =	vst.idx.msk $0xffff, v51;
	v61 =	vor.u32 s4, v8;
	v34 =	vld.idx.msk [tilespmem:v59+s19+$0x0], $0xffff  }
0x591: {  	v51 =	vld.idx.msk [tilespmem:v60+s19+$0x0], $0xffff;
	v62 =	vor.u32 s0, v8;
	v63 =	vor.u32 s7, v9  }
0x592: {  	v60 =	vor.u32 s17, v9;
	_ =	sdelay $0x1  }
0x593: {  	v50 =	vld.idx.msk [tilespmem:v50+s19+$0x0], $0xffff;
	v55 =	vor.u32 s11, v10  }
0x594: {  	v56 =	vor.u32 s16, v11;
	[tilespmem:v61+s1+$0x0] =	vst.idx.msk $0xffff, v34  }
0x595: {  	[tilespmem:v62+s1+$0x0] =	vst.idx.msk $0xffff, v51;
	v61 =	vor.u32 s4, v10;
	v34 =	vld.idx.msk [tilespmem:v63+s19+$0x0], $0xffff  }
0x596: {  	v62 =	vor.u32 s0, v10;
	v51 =	vld.idx.msk [tilespmem:v60+s19+$0x0], $0xffff;
	v63 =	vor.u32 s7, v11  }
0x597: {  	v57 =	vor.u32 s17, v11  }
0x598: {  	[tilespmem:v55+s1+$0x0] =	vst.idx.msk $0xffff, v50  }
0x599: {  	v50 =	vld.idx.msk [tilespmem:v56+s19+$0x0], $0xffff;
	v58 =	vor.u32 s11, v12  }
0x59a: {  	v59 =	vor.u32 s16, v13;
	[tilespmem:v61+s1+$0x0] =	vst.idx.msk $0xffff, v34  }
0x59b: {  	v60 =	vor.u32 s4, v12;
	[tilespmem:v62+s1+$0x0] =	vst.idx.msk $0xffff, v51;
	v37 =	vld.idx.msk [tilespmem:v63+s19+$0x0], $0xffff  }
0x59c: {  	[tilespmem:v49+s1+$0x0] =	vst.idx.msk $0xffff, v35;
	v62 =	vor.u32 s0, v12;
	v61 =	vld.idx.msk [tilespmem:v57+s19+$0x0], $0xffff;
	v63 =	vor.u32 s7, v13  }
0x59d: {  	[tilespmem:v48+s1+$0x0] =	vst.idx.msk $0xffff, v42;
	v54 =	vor.u32 s17, v13  }
0x59e: {  	[tilespmem:v58+s1+$0x0] =	vst.idx.msk $0xffff, v50  }
0x59f: {  	[tilespmem:v47+s1+$0x0] =	vst.idx.msk $0xffff, v45;
	v55 =	vor.u32 s11, v14;
	v34 =	vld.idx.msk [tilespmem:v59+s19+$0x0], $0xffff  }
0x5a0: {  	v46 =	vld.idx.msk [tilespmem:v46+s19+$0x0], $0xffff;
	v56 =	vor.u32 s14, v14;
	v57 =	vor.u32 s16, v15;
	[tilespmem:v60+s1+$0x0] =	vst.idx.msk $0xffff, v37  }
0x5a1: {  	v58 =	vor.u32 s13, v15;
	[tilespmem:v62+s1+$0x0] =	vst.idx.msk $0xffff, v61;
	v60 =	vor.u32 s4, v14;
	v59 =	vld.idx.msk [tilespmem:v63+s19+$0x0], $0xffff  }
0x5a2: {  	[tilespmem:v44+s1+$0x0] =	vst.idx.msk $0xffff, v39;
	v62 =	vor.u32 s0, v14;
	v61 =	vld.idx.msk [tilespmem:v54+s19+$0x0], $0xffff;
	v63 =	vor.u32 s7, v15  }
0x5a3: {  	v41 =	vld.idx.msk [tilespmem:v41+s19+$0x0], $0xffff;
	[tilespmem:v43+s1+$0x0] =	vst.idx.msk $0xffff, v38;
	v52 =	vor.u32 s12, v20;
	v53 =	vor.u32 s17, v15  }
0x5a4: {  	v40 =	vld.idx.msk [tilespmem:v40+s19+$0x0], $0xffff;
	[tilespmem:v55+s1+$0x0] =	vst.idx.msk $0xffff, v34;
	v54 =	vor.u32 s10, v28  }
0x5a5: {  	[tilespmem:v56+s1+$0x0] =	vst.idx.msk $0xffff, v46;
	v55 =	vor.u32 s11, v16;
	v34 =	vld.idx.msk [tilespmem:v57+s19+$0x0], $0xffff  }
0x5a6: {  	v56 =	vor.u32 s14, v16;
	v37 =	vld.idx.msk [tilespmem:v58+s19+$0x0], $0xffff;
	v57 =	vor.u32 s16, v17;
	[tilespmem:v60+s1+$0x0] =	vst.idx.msk $0xffff, v59  }
0x5a7: {  	v58 =	vor.u32 s13, v17;
	[tilespmem:v62+s1+$0x0] =	vst.idx.msk $0xffff, v61;
	v60 =	vor.u32 s4, v16;
	v59 =	vld.idx.msk [tilespmem:v63+s19+$0x0], $0xffff  }
0x5a8: {  	[tilespmem:v52+s1+$0x0] =	vst.idx.msk $0xffff, v41;
	v61 =	vor.u32 s0, v16;
	v62 =	vor.u32 s7, v17;
	v38 =	vld.idx.msk [tilespmem:v53+s19+$0x0], $0xffff  }
0x5a9: {  	v36 =	vld.idx.msk [tilespmem:v36+s19+$0x0], $0xffff;
	v52 =	vor.u32 s17, v17;
	[tilespmem:v54+s1+$0x0] =	vst.idx.msk $0xffff, v40;
	v63 =	vor.u32 s15, v28  }
0x5aa: {  	v32 =	vld.idx.msk [tilespmem:v32+s19+$0x0], $0xffff;
	v54 =	vor.u32 s8, v20;
	[tilespmem:v55+s1+$0x0] =	vst.idx.msk $0xffff, v34;
	v53 =	vor.u32 s6, v21  }
0x5ab: {  	v55 =	vor.u32 s3, v29;
	[tilespmem:v56+s1+$0x0] =	vst.idx.msk $0xffff, v37;
	v56 =	vld.idx.msk [tilespmem:v57+s19+$0x0], $0xffff;
	v57 =	vor.u32 s11, v18  }
0x5ac: {  	v35 =	vld.idx.msk [tilespmem:v58+s19+$0x0], $0xffff;
	v58 =	vor.u32 s14, v18;
	[tilespmem:v60+s1+$0x0] =	vst.idx.msk $0xffff, v59  }
0x5ad: {  	[tilespmem:v61+s1+$0x0] =	vst.idx.msk $0xffff, v38;
	v61 =	vor.u32 s4, v18;
	v59 =	vor.u32 s13, v19;
	v60 =	vld.idx.msk [tilespmem:v62+s19+$0x0], $0xffff  }
0x5ae: {  	[tilespmem:v63+s1+$0x0] =	vst.idx.msk $0xffff, v36;
	v63 =	vor.u32 s0, v18;
	v62 =	vld.idx.msk [tilespmem:v52+s19+$0x0], $0xffff  }
0x5af: {  	v50 =	vor.u32 s12, v22;
	v51 =	vor.u32 s17, v19;
	[tilespmem:v54+s1+$0x0] =	vst.idx.msk $0xffff, v32;
	v48 =	vld.idx.msk [tilespmem:v53+s19+$0x0], $0xffff  }
0x5b0: {  	v53 =	vor.u32 s15, v30;
	[tilespmem:v57+s1+$0x0] =	vst.idx.msk $0xffff, v56;
	v52 =	vor.u32 s9, v21;
	v34 =	vld.idx.msk [tilespmem:v55+s19+$0x0], $0xffff  }
0x5b1: {  	v54 =	vor.u32 s5, v29;
	[tilespmem:v58+s1+$0x0] =	vst.idx.msk $0xffff, v35;
	v33 =	vld.idx.msk [tilespmem:v33+s19+$0x0], $0xffff;
	v55 =	vor.u32 s11, v20  }
0x5b2: {  	v56 =	vor.u32 s14, v20;
	v57 =	vor.u32 s16, v21;
	v39 =	vld.idx.msk [tilespmem:v59+s19+$0x0], $0xffff;
	[tilespmem:v61+s1+$0x0] =	vst.idx.msk $0xffff, v60  }
0x5b3: {  	v58 =	vor.u32 s13, v21;
	v59 =	vor.u32 s4, v20;
	[tilespmem:v63+s1+$0x0] =	vst.idx.msk $0xffff, v62;
	v31 =	vld.idx.msk [tilespmem:v31+s19+$0x0], $0xffff  }
0x5b4: {  	[tilespmem:v50+s1+$0x0] =	vst.idx.msk $0xffff, v48;
	v60 =	vor.u32 s0, v20;
	v61 =	vor.u32 s7, v21;
	v32 =	vld.idx.msk [tilespmem:v51+s19+$0x0], $0xffff  }
0x5b5: {  	v48 =	vor.u32 s17, v21;
	v62 =	vld.idx.msk [tilespmem:v52+s19+$0x0], $0xffff;
	v63 =	vor.u32 s8, v22;
	[tilespmem:v53+s1+$0x0] =	vst.idx.msk $0xffff, v34  }
0x5b6: {  	v49 =	vor.u32 s10, v30;
	v37 =	vld.idx.msk [tilespmem:v54+s19+$0x0], $0xffff;
	v50 =	vor.u32 s9, v23;
	[tilespmem:v55+s1+$0x0] =	vst.idx.msk $0xffff, v33  }
0x5b7: {  	v52 =	vor.u32 s11, v22;
	v51 =	vor.u32 s6, v23;
	v35 =	vld.idx.msk [tilespmem:v57+s19+$0x0], $0xffff;
	[tilespmem:v56+s1+$0x0] =	vst.idx.msk $0xffff, v39  }
0x5b8: {  	v54 =	vor.u32 s16, v23;
	v53 =	vor.u32 s14, v22;
	v38 =	vld.idx.msk [tilespmem:v58+s19+$0x0], $0xffff;
	[tilespmem:v59+s1+$0x0] =	vst.idx.msk $0xffff, v31  }
0x5b9: {  	v56 =	vor.u32 s4, v22;
	v31 =	vor.u32 s13, v23;
	[tilespmem:v60+s1+$0x0] =	vst.idx.msk $0xffff, v32;
	v55 =	vld.idx.msk [tilespmem:v61+s19+$0x0], $0xffff  }
0x5ba: {  	v57 =	vor.u32 s0, v22;
	[tilespmem:v63+s1+$0x0] =	vst.idx.msk $0xffff, v62;
	v58 =	vor.u32 s7, v23;
	v34 =	vld.idx.msk [tilespmem:v48+s19+$0x0], $0xffff  }
0x5bb: {  	[tilespmem:v49+s1+$0x0] =	vst.idx.msk $0xffff, v37;
	v59 =	vld.idx.msk [tilespmem:v50+s19+$0x0], $0xffff;
	v60 =	vor.u32 s8, v24;
	v61 =	vor.u32 s17, v23  }
0x5bc: {  	v62 =	vor.u32 s12, v24;
	v63 =	vor.u32 s9, v25;
	v33 =	vld.idx.msk [tilespmem:v51+s19+$0x0], $0xffff;
	[tilespmem:v52+s1+$0x0] =	vst.idx.msk $0xffff, v35  }
0x5bd: {  	v50 =	vor.u32 s11, v24;
	v48 =	vor.u32 s6, v25;
	v49 =	vld.idx.msk [tilespmem:v54+s19+$0x0], $0xffff;
	[tilespmem:v53+s1+$0x0] =	vst.idx.msk $0xffff, v38  }
0x5be: {  	v51 =	vor.u32 s14, v24;
	v52 =	vor.u32 s16, v25;
	v31 =	vld.idx.msk [tilespmem:v31+s19+$0x0], $0xffff;
	[tilespmem:v56+s1+$0x0] =	vst.idx.msk $0xffff, v55  }
0x5bf: {  	v53 =	vor.u32 s13, v25;
	[tilespmem:v57+s1+$0x0] =	vst.idx.msk $0xffff, v34;
	v55 =	vor.u32 s4, v24;
	v54 =	vld.idx.msk [tilespmem:v58+s19+$0x0], $0xffff  }
0x5c0: {  	[tilespmem:v60+s1+$0x0] =	vst.idx.msk $0xffff, v59;
	v57 =	vor.u32 s0, v24;
	v56 =	vld.idx.msk [tilespmem:v61+s19+$0x0], $0xffff;
	v58 =	vor.u32 s7, v25  }
0x5c1: {  	[tilespmem:v62+s1+$0x0] =	vst.idx.msk $0xffff, v33;
	v60 =	vor.u32 s8, v26;
	v59 =	vld.idx.msk [tilespmem:v63+s19+$0x0], $0xffff;
	v61 =	vor.u32 s17, v25  }
0x5c2: {  	v62 =	vor.u32 s12, v26;
	v35 =	vld.idx.msk [tilespmem:v48+s19+$0x0], $0xffff;
	v63 =	vor.u32 s9, v27;
	[tilespmem:v50+s1+$0x0] =	vst.idx.msk $0xffff, v49  }
0x5c3: {  	v48 =	vor.u32 s6, v27;
	v49 =	vor.u32 s11, v26;
	[tilespmem:v51+s1+$0x0] =	vst.idx.msk $0xffff, v31;
	v31 =	vld.idx.msk [tilespmem:v52+s19+$0x0], $0xffff  }
0x5c4: {  	v50 =	vor.u32 s14, v26;
	v51 =	vor.u32 s16, v27;
	v32 =	vld.idx.msk [tilespmem:v53+s19+$0x0], $0xffff;
	[tilespmem:v55+s1+$0x0] =	vst.idx.msk $0xffff, v54  }
0x5c5: {  	v52 =	vor.u32 s13, v27;
	v53 =	vor.u32 s4, v26;
	[tilespmem:v57+s1+$0x0] =	vst.idx.msk $0xffff, v56;
	v36 =	vld.idx.msk [tilespmem:v58+s19+$0x0], $0xffff  }
0x5c6: {  	[tilespmem:v60+s1+$0x0] =	vst.idx.msk $0xffff, v59;
	v55 =	vor.u32 s0, v26;
	v56 =	vor.u32 s7, v27;
	v54 =	vld.idx.msk [tilespmem:v61+s19+$0x0], $0xffff  }
0x5c7: {  	[tilespmem:v62+s1+$0x0] =	vst.idx.msk $0xffff, v35;
	v59 =	vor.u32 s17, v27;
	v57 =	vld.idx.msk [tilespmem:v63+s19+$0x0], $0xffff;
	v58 =	vor.u32 s8, v28  }
0x5c8: {  	v60 =	vor.u32 s9, v29;
	v38 =	vld.idx.msk [tilespmem:v48+s19+$0x0], $0xffff;
	v61 =	vor.u32 s12, v28;
	[tilespmem:v49+s1+$0x0] =	vst.idx.msk $0xffff, v31  }
0x5c9: {  	v63 =	vor.u32 s11, v28;
	v31 =	vor.u32 s6, v29;
	[tilespmem:v50+s1+$0x0] =	vst.idx.msk $0xffff, v32;
	v62 =	vld.idx.msk [tilespmem:v51+s19+$0x0], $0xffff  }
0x5ca: {  	v48 =	vor.u32 s16, v29;
	v49 =	vor.u32 s14, v28;
	v34 =	vld.idx.msk [tilespmem:v52+s19+$0x0], $0xffff;
	[tilespmem:v53+s1+$0x0] =	vst.idx.msk $0xffff, v36  }
0x5cb: {  	v50 =	vor.u32 s13, v29;
	v52 =	vor.u32 s4, v28;
	[tilespmem:v55+s1+$0x0] =	vst.idx.msk $0xffff, v54;
	v51 =	vld.idx.msk [tilespmem:v56+s19+$0x0], $0xffff  }
0x5cc: {  	[tilespmem:v58+s1+$0x0] =	vst.idx.msk $0xffff, v57;
	v53 =	vor.u32 s7, v29;
	v54 =	vor.u32 s0, v28;
	v40 =	vld.idx.msk [tilespmem:v59+s19+$0x0], $0xffff  }
0x5cd: {  	[tilespmem:v61+s1+$0x0] =	vst.idx.msk $0xffff, v38;
	v57 =	vor.u32 s17, v29;
	v55 =	vld.idx.msk [tilespmem:v60+s19+$0x0], $0xffff;
	v56 =	vor.u32 s8, v30  }
0x5ce: {  	v58 =	vor.u32 s12, v30;
	v31 =	vld.idx.msk [tilespmem:v31+s19+$0x0], $0xffff;
	[tilespmem:v63+s1+$0x0] =	vst.idx.msk $0xffff, v62  }
0x5cf: {  	v59 =	vor.u32 s11, v30;
	[tilespmem:v49+s1+$0x0] =	vst.idx.msk $0xffff, v34;
	v32 =	vld.idx.msk [tilespmem:v48+s19+$0x0], $0xffff  }
0x5d0: {  	v60 =	vor.u32 s14, v30;
	v36 =	vld.idx.msk [tilespmem:v50+s19+$0x0], $0xffff;
	[tilespmem:v52+s1+$0x0] =	vst.idx.msk $0xffff, v51  }
0x5d1: {  	v61 =	vor.u32 s4, v30;
	[tilespmem:v54+s1+$0x0] =	vst.idx.msk $0xffff, v40;
	v33 =	vld.idx.msk [tilespmem:v53+s19+$0x0], $0xffff  }
0x5d2: {  	v63 =	vor.u32 s0, v30;
	[tilespmem:v56+s1+$0x0] =	vst.idx.msk $0xffff, v55;
	v62 =	vld.idx.msk [tilespmem:v57+s19+$0x0], $0xffff  }
0x5d3: {  	[tilespmem:v58+s1+$0x0] =	vst.idx.msk $0xffff, v31  }
0x5d4: {  	[tilespmem:v59+s1+$0x0] =	vst.idx.msk $0xffff, v32  }
0x5d5: {  	[tilespmem:v60+s1+$0x0] =	vst.idx.msk $0xffff, v36  }
0x5d6: {  	[tilespmem:v61+s1+$0x0] =	vst.idx.msk $0xffff, v33  }
0x5d7: {  	s24 =	simm.s32 $0x7;
	[tilespmem:v63+s1+$0x0] =	vst.idx.msk $0xffff, v62  }
0x5d8: {  	_ =	swait.ge [sflag:s24], $0x2000  }
0x5d9: {  	s26 =	simm.s32 $0x8;
	[sflag:s24] =	ssyncset.done $0x0  }
0x5da: {  	s14 =	simm.s32 $0x400;
	s25 =	rddreg [dreg:$0xd];
	[sflag:s24] =	ssyncadd.s32 $0xFFFFE000  }
0x5db: {  	[hbm4b:s25+s14] =	stream.strided.scatter [tilespmem:s1], [sflag:$0x9], $0x6000, s28, s14, $0x38;
	[tilespmem:$0x1DC00] =	vst v63  }
0x5dc: {  	_ =	swait.ge [sflag:s26], $0x6000  }
0x5dd: {  	[sflag:s26] =	ssyncset.done $0x0  }
0x5de: {  	s2 =	simm.s32 $0x9;
	[sflag:s26] =	ssyncadd.s32 $0xFFFFA000  }
0x5df: {  	_ =	swait.ge [sflag:s2], $0x6000  }
0x5e0: {  	s30 =	rddreg [dreg:$0xf]  }
0x5e1: {  	s31 =	rddreg [dreg:$0xe];
	s3 =	sadd.s32 $0x1, s30  }
0x5e2: {  	p0 =	sne.s32 s3, s31  }
.Ltmp7:
0x5e3: {  	_ = 	snop;
	(pc) =	sbr.rel @p0 .LBB2_1-.Ltmp7, $3  }
0x5e4: {  	_ =	sdelay $0x1  }
0x5e5: {  	[sflag:s2] =	ssyncset.done $0x0  }
0x5e6: {  	[sflag:s2] =	ssyncadd.s32 $0xFFFFA000  }
0x5e7: {  	_ =	sfence.sel $0x180000  }
0x5e8: {  	[bflag:$0x0] =	sbarrier.arrive $0xFFFF  }
0x5e9: {  	_ =	strace $0x90000047  }
0x5ea: {  	s0 =	stileid.u32;
	[bflag:$0x2] =	sbarrier.arrive $0xFFFF  }
0x5eb: {  	p0 =	sne.s32 s0, $0x0;
	s0 =	rddreg [dreg:$0x4]  }
0x5ec: {  	s0 =	sadd.s32 @!p0 $0x100000, s0  }
0x5ed: {  	[sflag:s0] =	ssyncadd.tile.s32 @!p0 $0x1;
	_ =	shalt  }
.Lfunc_end2:
_tile_overlayer_lowered:
.L_overlay_start_2:
0x5ee: {  	(tag) =	ssettag $0x2  }
0x5ef: {  	s0 =	rddreg [dreg:$0x0];
	s2 =	stileid.u32  }
0x5f0: {  	s1 =	rddreg [dreg:$0x1];
	p0 =	sne.s32 s2, $0x0  }
0x5f1: {  	s3 =	rddreg [dreg:$0x2];
	[bflag:$0x3] =	sbarrier.arrive $0xFFFF;
	s2 =	simm.s32 @!p0 $0x1C0A  }
0x5f2: {  	[timem:s3], [sflag:s2] =	dma.local @!p0 [hbm:s0], s1  }
0x5f3: {  	s0 =	simm.s32 @!p0 $0xA  }
0x5f4: {  	_ =	swait.ge @!p0 [sflag:s0], s1  }
0x5f5: {  	s1 =	ssub.s32 @!p0 $0x0, s1;
	[sflag:s0] =	ssyncset.done @!p0 $0x0  }
0x5f6: {  	[sflag:s0] =	ssyncadd.s32 @!p0 s1  }
0x5f7: {  	[bflag:$0x3] =	sbarrier.arrive $0xFFFF  }
0x5f8: {  	_ =	shalt  }

</sc_bundles>
